<compile_context>
chip_gen: v7x
topology: tpu7x:2x2x1
jax: 0.10.2.dev20260603
libtpu: 0.0.44.dev20260713+nightly
codegen_flags: <defaults>
</compile_context>

<pallas_src>
import functools

import jax
import jax.numpy as jnp
from jax import lax
from jax.experimental import pallas as pl
from jax.experimental.pallas import tpu as pltpu
from jax.experimental.pallas import tpu_sc as plsc

N = 10000
E = 320000
NCORE = 2
NSUB = 16
NW = NCORE * NSUB
_CFG = {32: (128, 79, 4), 64: (96, 105, 4)}
ROW_STRIDE = 624
ROW_SLAB = 640



def _spmm_sc(hs, src_r, dst_r, zeros, C):
  hs = list(hs)
  nh = len(hs)
  chunk, nch, nbuf = _CFG[C]
  ahead = nbuf // 2
  sfly = nbuf - ahead
  mesh = plsc.VectorSubcoreMesh(core_axis_name="c", subcore_axis_name="s")

  @functools.partial(
      pl.kernel,
      out_type=jax.ShapeDtypeStruct((nh * NCORE, N, C), jnp.float32),
      mesh=mesh,
      compiler_params=pltpu.CompilerParams(use_tc_tiling_on_sc=False),
      scratch_types=[
          pltpu.VMEM((nch, chunk), jnp.int32),
          pltpu.VMEM((nch, chunk), jnp.int32),
          [pltpu.VMEM((chunk, C), jnp.float32)] * nbuf,
          pltpu.VMEM_SHARED((N + 8, C), jnp.float32),
          pltpu.VMEM_SHARED((N, C), jnp.float32),
          [pltpu.SemaphoreType.DMA] * nbuf,
          [pltpu.SemaphoreType.DMA] * nbuf,
      ],
  )
  def spmm(*refs):
    hs_hbm = refs[:nh]
    (src_hbm, dst_hbm, z_hbm, out_hbm,
     src_v, dst_v, rows, agg_sh, h_sh, gsem, ssem) = refs[nh:]
    cid = lax.axis_index("c")
    sid = lax.axis_index("s")
    wid = sid * NCORE + cid
    r0 = sid * ROW_STRIDE
    slab = pl.ds(r0, ROW_SLAB)
    pltpu.sync_copy(src_hbm.at[wid], src_v)
    pltpu.sync_copy(dst_hbm.at[wid], dst_v)

    def wait_gather(b):
      pltpu.make_async_copy(z_hbm.at[pl.ds(0, chunk)], rows[b], gsem[b]).wait()

    def wait_scatter(b):
      pltpu.make_async_copy(rows[b], agg_sh.at[pl.ds(0, chunk)],
                            ssem[b]).wait()

    for k in range(nh):
      pltpu.sync_copy(z_hbm.at[slab], agg_sh.at[slab])
      pltpu.sync_copy(hs_hbm[k].at[slab], h_sh.at[slab])
      plsc.subcore_barrier()

      for b in range(ahead):
        pltpu.async_copy(h_sh.at[src_v.at[b]], rows[b], gsem[b])

      @pl.loop(0, (nch + nbuf - 1) // nbuf * nbuf, step=nbuf)
      def ring(j):
        for b in range(nbuf):
          i = j + b

          @pl.when(i < nch)
          def _():
            wait_gather(b)

          @pl.when((i >= sfly) & (i < nch))
          def _():
            wait_scatter((b + ahead) % nbuf)

          @pl.when(i + ahead < nch)
          def _():
            pltpu.async_copy(h_sh.at[src_v.at[i + ahead]],
                             rows[(b + ahead) % nbuf],
                             gsem[(b + ahead) % nbuf])

          @pl.when(i < nch)
          def _():
            pltpu.async_copy(rows[b], agg_sh.at[dst_v.at[i]], ssem[b],
                             add=True)

      for d in range(sfly):
        wait_scatter((nch - sfly + d) % nbuf)
      plsc.subcore_barrier()
      pltpu.sync_copy(agg_sh.at[slab],
                      out_hbm.at[k * NCORE + cid, slab])
      if k + 1 < nh:
        plsc.subcore_barrier()

  return spmm(*hs, src_r, dst_r, zeros)



def _bn(p, g, b):
  m = jnp.mean(p, axis=0, keepdims=True)
  v = jnp.mean((p - m) * (p - m), axis=0, keepdims=True)
  return (p - m) * lax.rsqrt(v + 1e-5) * g + b


def _dot(a, b):
  return jnp.dot(a, b, preferred_element_type=jnp.float32)


def _tc(body, out_shape, *args):
  return pl.pallas_call(
      body, out_shape=jax.ShapeDtypeStruct(out_shape, jnp.float32))(*args)


def _pre_stem(x, sU):
  def body(x_ref, u_ref, o_ref):
    o_ref[...] = _dot(x_ref[...], u_ref[...])
  return _tc(body, (N, sU.shape[1]), x, sU)


def _stem(x, ag, sW, sb, sg, sB):
  def body(x_ref, ag_ref, w_ref, b_ref, g_ref, bb_ref, o_ref):
    p = _dot(x_ref[...], w_ref[...]) + ag_ref[0] + ag_ref[1] + b_ref[...]
    o_ref[...] = jnp.maximum(_bn(p, g_ref[...], bb_ref[...]), 0.0)
  return _tc(body, (N, sW.shape[1]), x, ag, sW, sb, sg, sB)


def _conv_a(h, ag, W, U, b, g, B, split=False):
  cout = W.shape[1]

  def body(h_ref, ag_ref, w_ref, u_ref, b_ref, g_ref, bb_ref, *o_refs):
    p = (_dot(h_ref[...], w_ref[...])
         + _dot(ag_ref[0] + ag_ref[1], u_ref[...]) + b_ref[...])
    r = jnp.maximum(_bn(p, g_ref[...], bb_ref[...]), 0.0)
    if split:
      o_refs[0][...] = r[:, :cout // 2]
      o_refs[1][...] = r[:, cout // 2:]
    else:
      o_refs[0][...] = r

  out_shape = (jax.ShapeDtypeStruct((N, cout // 2), jnp.float32),) * 2 \
      if split else jax.ShapeDtypeStruct((N, cout), jnp.float32)
  return pl.pallas_call(body, out_shape=out_shape)(h, ag, W, U, b, g, B)


def _conv_b_res(ha, ag, hin, W, U, b, g, B, Wd, gd, Bd):
  def body(ha_ref, ag_ref, hin_ref, w_ref, u_ref, b_ref, g_ref, bb_ref,
           wd_ref, gd_ref, bd_ref, o_ref):
    p = (_dot(ha_ref[...], w_ref[...])
         + _dot(ag_ref[0] + ag_ref[1], u_ref[...]) + b_ref[...])
    hb = _bn(p, g_ref[...], bb_ref[...])
    sc = _bn(_dot(hin_ref[...], wd_ref[...]), gd_ref[...], bd_ref[...])
    o_ref[...] = jnp.maximum(hb + sc, 0.0)
  return _tc(body, (N, W.shape[1]), ha, ag, hin, W, U, b, g, B, Wd, gd, Bd)


def _final(haa, hab, aga, agb, hin, W, U, b, g, B, Wd, gd, Bd,
           lW1, lb1, lW2, lb2):
  def body(haa_ref, hab_ref, aga_ref, agb_ref, hin_ref, w_ref, u_ref, b_ref,
           g_ref, bb_ref, wd_ref, gd_ref, bd_ref, w1_ref, b1_ref, w2_ref,
           b2_ref, o_ref):
    u = u_ref[...]
    w = w_ref[...]
    half = u.shape[0] // 2
    p = (_dot(haa_ref[...], w[:half]) + _dot(hab_ref[...], w[half:])
         + _dot(aga_ref[0] + aga_ref[1], u[:half])
         + _dot(agb_ref[0] + agb_ref[1], u[half:]) + b_ref[...])
    hb = _bn(p, g_ref[...], bb_ref[...])
    sc = _bn(_dot(hin_ref[...], wd_ref[...]), gd_ref[...], bd_ref[...])
    h2 = jnp.maximum(hb + sc, 0.0)
    z = _dot(h2, w1_ref[...]) + b1_ref[...]
    z = jnp.where(z > 0, z, 0.1 * z)
    o_ref[...] = jax.nn.sigmoid(_dot(z, w2_ref[...]) + b2_ref[...])
  return _tc(body, (N, lW2.shape[1]), haa, hab, aga, agb, hin, W, U, b, g, B,
             Wd, gd, Bd, lW1, lb1, lW2, lb2)



def kernel(x, edge_index, sW, sU, sb, sg, sB,
           a1W, a1U, a1b, a1g, a1B, b1W, b1U, b1b, b1g, b1B, d1W, d1g, d1B,
           a2W, a2U, a2b, a2g, a2B, b2W, b2U, b2b, b2g, b2B, d2W, d2g, d2B,
           lW1, lb1, lW2, lb2):
  ei = edge_index.astype(jnp.int32)

  def slabs(chunk, nch):
    ppw = nch * chunk - E // NW
    pad_s = jnp.zeros((NW, ppw), jnp.int32)
    pad_d = jnp.broadcast_to(N + (jnp.arange(ppw, dtype=jnp.int32) % 8),
                             (NW, ppw))
    s = jnp.concatenate([ei[0].reshape(NW, E // NW), pad_s], axis=1)
    d = jnp.concatenate([ei[1].reshape(NW, E // NW), pad_d], axis=1)
    return s.reshape(NW, nch, chunk), d.reshape(NW, nch, chunk)

  src_r, dst_r = slabs(*_CFG[32][:2])
  src_w, dst_w = slabs(*_CFG[64][:2])
  z32 = jnp.zeros((N, 32), jnp.float32)
  z64 = jnp.zeros((N, 64), jnp.float32)

  pre0 = _pre_stem(x, sU)
  ag0 = _spmm_sc([pre0], src_r, dst_r, z32, 32)
  h0 = _stem(x, ag0, sW, sb, sg, sB)

  ag1 = _spmm_sc([h0], src_r, dst_r, z32, 32)
  ha1 = _conv_a(h0, ag1, a1W, a1U, a1b, a1g, a1B)
  ag2 = _spmm_sc([ha1], src_w, dst_w, z64, 64)
  h1 = _conv_b_res(ha1, ag2, h0, b1W, b1U, b1b, b1g, b1B,
                   d1W, d1g, d1B)

  ag3 = _spmm_sc([h1], src_w, dst_w, z64, 64)
  ha2a, ha2b = _conv_a(h1, ag3, a2W, a2U, a2b, a2g, a2B,
                       split=True)
  ag4a = _spmm_sc([ha2a], src_w, dst_w, z64, 64)
  ag4b = _spmm_sc([ha2b], src_w, dst_w, z64, 64)
  return _final(ha2a, ha2b, ag4a, ag4b, h1, b2W, b2U, b2b, b2g, b2B,
                d2W, d2g, d2B, lW1, lb1, lW2, lb2)

# --- scband reference (transcript-rebuilt; emitter-appended) ---
"""Pipeline reference for scband-mink-unet-30081950941516 (READ-ONLY COPY).

The authoritative reference and input builder live on the scoring server;
editing this copy changes nothing except your own understanding.
"""

import jax, jax.numpy as jnp
import numpy as np

N = 10000
E = 320000
IN, C0, C1, C2, OUT = 128, 32, 64, 128, 3

_PARAM_SHAPES = [
    ("sW", (IN, C0)), ("sU", (IN, C0)), ("sb", (C0,)), ("sg", (C0,)), ("sB", (C0,)),
    ("a1W", (C0, C1)), ("a1U", (C0, C1)), ("a1b", (C1,)), ("a1g", (C1,)), ("a1B", (C1,)),
    ("b1W", (C1, C1)), ("b1U", (C1, C1)), ("b1b", (C1,)), ("b1g", (C1,)), ("b1B", (C1,)),
    ("d1W", (C0, C1)), ("d1g", (C1,)), ("d1B", (C1,)),
    ("a2W", (C1, C2)), ("a2U", (C1, C2)), ("a2b", (C2,)), ("a2g", (C2,)), ("a2B", (C2,)),
    ("b2W", (C2, C2)), ("b2U", (C2, C2)), ("b2b", (C2,)), ("b2g", (C2,)), ("b2B", (C2,)),
    ("d2W", (C1, C2)), ("d2g", (C2,)), ("d2B", (C2,)),
    ("lW1", (C2, 20)), ("lb1", (20,)), ("lW2", (20, OUT)), ("lb2", (OUT,)),
]

def setup_inputs(seed: int = 0) -> dict:
    key = jax.random.key(seed)
    ks = jax.random.split(key, 64)
    inp = {}
    inp["x"] = jax.random.normal(ks[0], (N, IN), jnp.float32)
    inp["edge_index"] = jax.random.randint(ks[1], (2, E), 0, N)
    for i, (name, shape) in enumerate(_PARAM_SHAPES):
        if name.endswith("g"):
            inp[name] = jnp.ones(shape, jnp.float32)
        elif name.endswith("B"):
            inp[name] = jnp.zeros(shape, jnp.float32)
        else:
            inp[name] = jax.random.normal(ks[2 + i], shape, jnp.float32) * 0.05
    return inp

def _bn(x, g, b):
    m = jnp.mean(x, axis=0)
    v = jnp.var(x, axis=0)
    return (x - m) / jnp.sqrt(v + 1e-5) * g + b

def _sconv(x, src, dst, W, U, b):
    # Minkowski sparse conv as message passing: self transform + neighbor gather/scatter-add
    msg = jnp.take(x, src, axis=0) @ U
    agg = jnp.zeros((x.shape[0], U.shape[1]), x.dtype).at[dst].add(msg)
    return x @ W + agg + b

def _res(x, src, dst, Wa, Ua, ba, ga, Ba, Wb, Ub, bb, gb, Bb, Wd, gd, Bd):
    h = jax.nn.relu(_bn(_sconv(x, src, dst, Wa, Ua, ba), ga, Ba))
    h = _bn(_sconv(h, src, dst, Wb, Ub, bb), gb, Bb)
    sc = _bn(x @ Wd, gd, Bd)
    return jax.nn.relu(h + sc)

def reference(x, edge_index, sW, sU, sb, sg, sB,
              a1W, a1U, a1b, a1g, a1B, b1W, b1U, b1b, b1g, b1B, d1W, d1g, d1B,
              a2W, a2U, a2b, a2g, a2B, b2W, b2U, b2b, b2g, b2B, d2W, d2g, d2B,
              lW1, lb1, lW2, lb2):
    src = edge_index[0]
    dst = edge_index[1]
    # stem: conv -> bn -> relu
    h = jax.nn.relu(_bn(_sconv(x, src, dst, sW, sU, sb), sg, sB))
    # stage1 residual block (C0 -> C1)
    h = _res(h, src, dst, a1W, a1U, a1b, a1g, a1B, b1W, b1U, b1b, b1g, b1B, d1W, d1g, d1B)
    # stage2 residual block (C1 -> C2)
    h = _res(h, src, dst, a2W, a2U, a2b, a2g, a2B, b2W, b2U, b2b, b2g, b2B, d2W, d2g, d2B)
    # last head: linear -> leaky_relu(0.1) -> linear -> sigmoid
    h = jax.nn.leaky_relu(h @ lW1 + lb1, negative_slope=0.1)
    return jax.nn.sigmoid(h @ lW2 + lb2)

if __name__ == "__main__":
    import jax
    _d = setup_inputs()
    print(jax.jit(kernel)(*tuple(_d.values())))

</pallas_src>

<mosaic_0001>
#map = affine_map<(d0, d1) -> (0, 0)>
#map1 = affine_map<(d0, d1) -> (0, 0, 0)>
module attributes {stable_mosaic.version = 14 : i64} {
  func.func @spmm(%arg0: i32, %arg1: i32, %arg2: memref<10000x32xf32, #tpu.memory_space<hbm>>, %arg3: memref<32x79x128xi32, #tpu.memory_space<hbm>>, %arg4: memref<32x79x128xi32, #tpu.memory_space<hbm>>, %arg5: memref<10000x32xf32, #tpu.memory_space<hbm>>, %arg6: memref<2x10000x32xf32, #tpu.memory_space<hbm>>, %arg7: memref<79x128xi32, #tpu.memory_space<vmem>>, %arg8: memref<79x128xi32, #tpu.memory_space<vmem>>, %arg9: memref<128x32xf32, #tpu.memory_space<vmem>>, %arg10: memref<128x32xf32, #tpu.memory_space<vmem>>, %arg11: memref<128x32xf32, #tpu.memory_space<vmem>>, %arg12: memref<128x32xf32, #tpu.memory_space<vmem>>, %arg13: memref<10008x32xf32, #tpu.memory_space<vmem_shared>>, %arg14: memref<10000x32xf32, #tpu.memory_space<vmem_shared>>, %arg15: memref<!tpu.dma_semaphore, #tpu.memory_space<semaphore_mem>>, %arg16: memref<!tpu.dma_semaphore, #tpu.memory_space<semaphore_mem>>, %arg17: memref<!tpu.dma_semaphore, #tpu.memory_space<semaphore_mem>>, %arg18: memref<!tpu.dma_semaphore, #tpu.memory_space<semaphore_mem>>, %arg19: memref<!tpu.dma_semaphore, #tpu.memory_space<semaphore_mem>>, %arg20: memref<!tpu.dma_semaphore, #tpu.memory_space<semaphore_mem>>, %arg21: memref<!tpu.dma_semaphore, #tpu.memory_space<semaphore_mem>>, %arg22: memref<!tpu.dma_semaphore, #tpu.memory_space<semaphore_mem>>) attributes {dimension_semantics = [#tpu.dimension_semantics<core_parallel>, #tpu.dimension_semantics<subcore_parallel>], iteration_bounds = array<i64: 2, 16>, scalar_prefetch = 0 : i64, scratch_operands = 16 : i64, tpu.core_type = #tpu.core_type<sc_vector_subcore>, window_params = [{transform_indices = #map}, {transform_indices = #map1}, {transform_indices = #map1}, {transform_indices = #map}, {transform_indices = #map1}]} {
    %mul3A = arith.constant 2 : i32
    %mul3A_0 = arith.muli %arg1, %mul3A : i32
    %add3A = arith.addi %mul3A_0, %arg0 : i32
    %mul3A_1 = arith.constant 624 : i32
    %mul3A_2 = arith.muli %arg1, %mul3A_1 : i32
    "tpu.region"() ({
      %run_scoped3A = tpu.sem_alloc : memref<!tpu.dma_semaphore, #tpu.memory_space<semaphore_mem>>
      %dma_start3A_34 = arith.constant 0 : i32
      %dma_start3A_35 = arith.constant 0 : i32
      %dma_start3A_36 = tpu.memref_slice %arg3[%add3A, %dma_start3A_34, %dma_start3A_35] : memref<32x79x128xi32, #tpu.memory_space<hbm>> -> memref<1x79x128xi32, #tpu.memory_space<hbm>>
      %dma_start3A_37 = tpu.memref_squeeze %dma_start3A_36 : memref<1x79x128xi32, #tpu.memory_space<hbm>> -> memref<79x128xi32, #tpu.memory_space<hbm>>
      %dma_start3A_38 = arith.constant 0 : i32
      %dma_start3A_39 = arith.constant 0 : i32
      %dma_start3A_40 = tpu.memref_slice %arg3[%add3A, %dma_start3A_38, %dma_start3A_39] : memref<32x79x128xi32, #tpu.memory_space<hbm>> -> memref<1x79x128xi32, #tpu.memory_space<hbm>>
      %dma_start3A_41 = tpu.memref_squeeze %dma_start3A_40 : memref<1x79x128xi32, #tpu.memory_space<hbm>> -> memref<79x128xi32, #tpu.memory_space<hbm>>
      tpu.enqueue_dma source(%dma_start3A_41 : memref<79x128xi32, #tpu.memory_space<hbm>>) target(%arg7 : memref<79x128xi32, #tpu.memory_space<vmem>>) target_semaphore(%run_scoped3A : memref<!tpu.dma_semaphore, #tpu.memory_space<semaphore_mem>>)
      %dma_wait3A_42 = arith.constant 0 : i32
      %dma_wait3A_43 = arith.constant 0 : i32
      %dma_wait3A_44 = tpu.memref_slice %arg3[%add3A, %dma_wait3A_42, %dma_wait3A_43] : memref<32x79x128xi32, #tpu.memory_space<hbm>> -> memref<1x79x128xi32, #tpu.memory_space<hbm>>
      %dma_wait3A_45 = tpu.memref_squeeze %dma_wait3A_44 : memref<1x79x128xi32, #tpu.memory_space<hbm>> -> memref<79x128xi32, #tpu.memory_space<hbm>>
      %dma_wait3A_46 = arith.constant 0 : i32
      %dma_wait3A_47 = arith.constant 0 : i32
      %dma_wait3A_48 = tpu.memref_slice %arg3[%add3A, %dma_wait3A_46, %dma_wait3A_47] : memref<32x79x128xi32, #tpu.memory_space<hbm>> -> memref<1x79x128xi32, #tpu.memory_space<hbm>>
      %dma_wait3A_49 = tpu.memref_squeeze %dma_wait3A_48 : memref<1x79x128xi32, #tpu.memory_space<hbm>> -> memref<79x128xi32, #tpu.memory_space<hbm>>
      tpu.wait_dma2 semaphore(%run_scoped3A : memref<!tpu.dma_semaphore, #tpu.memory_space<semaphore_mem>>) src(%dma_wait3A_49 : memref<79x128xi32, #tpu.memory_space<hbm>>) dst(%arg7 : memref<79x128xi32, #tpu.memory_space<vmem>>)
      tpu.yield
    }) : () -> ()
    "tpu.region"() ({
      %run_scoped3A = tpu.sem_alloc : memref<!tpu.dma_semaphore, #tpu.memory_space<semaphore_mem>>
      %dma_start3A_34 = arith.constant 0 : i32
      %dma_start3A_35 = arith.constant 0 : i32
      %dma_start3A_36 = tpu.memref_slice %arg4[%add3A, %dma_start3A_34, %dma_start3A_35] : memref<32x79x128xi32, #tpu.memory_space<hbm>> -> memref<1x79x128xi32, #tpu.memory_space<hbm>>
      %dma_start3A_37 = tpu.memref_squeeze %dma_start3A_36 : memref<1x79x128xi32, #tpu.memory_space<hbm>> -> memref<79x128xi32, #tpu.memory_space<hbm>>
      %dma_start3A_38 = arith.constant 0 : i32
      %dma_start3A_39 = arith.constant 0 : i32
      %dma_start3A_40 = tpu.memref_slice %arg4[%add3A, %dma_start3A_38, %dma_start3A_39] : memref<32x79x128xi32, #tpu.memory_space<hbm>> -> memref<1x79x128xi32, #tpu.memory_space<hbm>>
      %dma_start3A_41 = tpu.memref_squeeze %dma_start3A_40 : memref<1x79x128xi32, #tpu.memory_space<hbm>> -> memref<79x128xi32, #tpu.memory_space<hbm>>
      tpu.enqueue_dma source(%dma_start3A_41 : memref<79x128xi32, #tpu.memory_space<hbm>>) target(%arg8 : memref<79x128xi32, #tpu.memory_space<vmem>>) target_semaphore(%run_scoped3A : memref<!tpu.dma_semaphore, #tpu.memory_space<semaphore_mem>>)
      %dma_wait3A_42 = arith.constant 0 : i32
      %dma_wait3A_43 = arith.constant 0 : i32
      %dma_wait3A_44 = tpu.memref_slice %arg4[%add3A, %dma_wait3A_42, %dma_wait3A_43] : memref<32x79x128xi32, #tpu.memory_space<hbm>> -> memref<1x79x128xi32, #tpu.memory_space<hbm>>
      %dma_wait3A_45 = tpu.memref_squeeze %dma_wait3A_44 : memref<1x79x128xi32, #tpu.memory_space<hbm>> -> memref<79x128xi32, #tpu.memory_space<hbm>>
      %dma_wait3A_46 = arith.constant 0 : i32
      %dma_wait3A_47 = arith.constant 0 : i32
      %dma_wait3A_48 = tpu.memref_slice %arg4[%add3A, %dma_wait3A_46, %dma_wait3A_47] : memref<32x79x128xi32, #tpu.memory_space<hbm>> -> memref<1x79x128xi32, #tpu.memory_space<hbm>>
      %dma_wait3A_49 = tpu.memref_squeeze %dma_wait3A_48 : memref<1x79x128xi32, #tpu.memory_space<hbm>> -> memref<79x128xi32, #tpu.memory_space<hbm>>
      tpu.wait_dma2 semaphore(%run_scoped3A : memref<!tpu.dma_semaphore, #tpu.memory_space<semaphore_mem>>) src(%dma_wait3A_49 : memref<79x128xi32, #tpu.memory_space<hbm>>) dst(%arg8 : memref<79x128xi32, #tpu.memory_space<vmem>>)
      tpu.yield
    }) : () -> ()
    "tpu.region"() ({
      %run_scoped3A = tpu.sem_alloc : memref<!tpu.dma_semaphore, #tpu.memory_space<semaphore_mem>>
      %dma_start3A_34 = arith.constant 0 : i32
      %dma_start3A_35 = tpu.memref_slice %arg13[%mul3A_2, %dma_start3A_34] : memref<10008x32xf32, #tpu.memory_space<vmem_shared>> -> memref<640x32xf32, #tpu.memory_space<vmem_shared>>
      %dma_start3A_36 = arith.constant 0 : i32
      %dma_start3A_37 = tpu.memref_slice %arg5[%mul3A_2, %dma_start3A_36] : memref<10000x32xf32, #tpu.memory_space<hbm>> -> memref<640x32xf32, #tpu.memory_space<hbm>>
      tpu.enqueue_dma source(%dma_start3A_37 : memref<640x32xf32, #tpu.memory_space<hbm>>) target(%dma_start3A_35 : memref<640x32xf32, #tpu.memory_space<vmem_shared>>) target_semaphore(%run_scoped3A : memref<!tpu.dma_semaphore, #tpu.memory_space<semaphore_mem>>)
      %dma_wait3A_38 = arith.constant 0 : i32
      %dma_wait3A_39 = tpu.memref_slice %arg13[%mul3A_2, %dma_wait3A_38] : memref<10008x32xf32, #tpu.memory_space<vmem_shared>> -> memref<640x32xf32, #tpu.memory_space<vmem_shared>>
      %dma_wait3A_40 = arith.constant 0 : i32
      %dma_wait3A_41 = tpu.memref_slice %arg5[%mul3A_2, %dma_wait3A_40] : memref<10000x32xf32, #tpu.memory_space<hbm>> -> memref<640x32xf32, #tpu.memory_space<hbm>>
      tpu.wait_dma2 semaphore(%run_scoped3A : memref<!tpu.dma_semaphore, #tpu.memory_space<semaphore_mem>>) src(%dma_wait3A_41 : memref<640x32xf32, #tpu.memory_space<hbm>>) dst(%dma_wait3A_39 : memref<640x32xf32, #tpu.memory_space<vmem_shared>>)
      tpu.yield
    }) : () -> ()
    "tpu.region"() ({
      %run_scoped3A = tpu.sem_alloc : memref<!tpu.dma_semaphore, #tpu.memory_space<semaphore_mem>>
      %dma_start3A_34 = arith.constant 0 : i32
      %dma_start3A_35 = tpu.memref_slice %arg14[%mul3A_2, %dma_start3A_34] : memref<10000x32xf32, #tpu.memory_space<vmem_shared>> -> memref<640x32xf32, #tpu.memory_space<vmem_shared>>
      %dma_start3A_36 = arith.constant 0 : i32
      %dma_start3A_37 = tpu.memref_slice %arg2[%mul3A_2, %dma_start3A_36] : memref<10000x32xf32, #tpu.memory_space<hbm>> -> memref<640x32xf32, #tpu.memory_space<hbm>>
      tpu.enqueue_dma source(%dma_start3A_37 : memref<640x32xf32, #tpu.memory_space<hbm>>) target(%dma_start3A_35 : memref<640x32xf32, #tpu.memory_space<vmem_shared>>) target_semaphore(%run_scoped3A : memref<!tpu.dma_semaphore, #tpu.memory_space<semaphore_mem>>)
      %dma_wait3A_38 = arith.constant 0 : i32
      %dma_wait3A_39 = tpu.memref_slice %arg14[%mul3A_2, %dma_wait3A_38] : memref<10000x32xf32, #tpu.memory_space<vmem_shared>> -> memref<640x32xf32, #tpu.memory_space<vmem_shared>>
      %dma_wait3A_40 = arith.constant 0 : i32
      %dma_wait3A_41 = tpu.memref_slice %arg2[%mul3A_2, %dma_wait3A_40] : memref<10000x32xf32, #tpu.memory_space<hbm>> -> memref<640x32xf32, #tpu.memory_space<hbm>>
      tpu.wait_dma2 semaphore(%run_scoped3A : memref<!tpu.dma_semaphore, #tpu.memory_space<semaphore_mem>>) src(%dma_wait3A_41 : memref<640x32xf32, #tpu.memory_space<hbm>>) dst(%dma_wait3A_39 : memref<640x32xf32, #tpu.memory_space<vmem_shared>>)
      tpu.yield
    }) : () -> ()
    %barrier3A = arith.constant 0 : index
    tpu.barrier barrier_id(%barrier3A)
    %dma_start3A = arith.constant 0 : i32
    %dma_start3A_3 = arith.constant 0 : i32
    %dma_start3A_4 = tpu.memref_slice %arg7[%dma_start3A, %dma_start3A_3] : memref<79x128xi32, #tpu.memory_space<vmem>> -> memref<1x128xi32, #tpu.memory_space<vmem>>
    %dma_start3A_5 = tpu.memref_squeeze %dma_start3A_4 : memref<1x128xi32, #tpu.memory_space<vmem>> -> memref<128xi32, #tpu.memory_space<vmem>>
    %dma_start3A_6 = arith.constant 0 : i32
    %dma_start3A_7 = arith.constant 0 : i32
    %dma_start3A_8 = tpu.memref_slice %arg14[%dma_start3A_6, %dma_start3A_7] : memref<10000x32xf32, #tpu.memory_space<vmem_shared>> -> memref<10000x32xf32, #tpu.memory_space<vmem_shared>>
    tpu.enqueue_indirect_dma source(%dma_start3A_8 : memref<10000x32xf32, #tpu.memory_space<vmem_shared>>) target(%arg9 : memref<128x32xf32, #tpu.memory_space<vmem>>) offsets(%dma_start3A_5 : memref<128xi32, #tpu.memory_space<vmem>>) semaphore(%arg15 : memref<!tpu.dma_semaphore, #tpu.memory_space<semaphore_mem>>)
    %dma_start3A_9 = arith.constant 1 : i32
    %dma_start3A_10 = arith.constant 0 : i32
    %dma_start3A_11 = tpu.memref_slice %arg7[%dma_start3A_9, %dma_start3A_10] : memref<79x128xi32, #tpu.memory_space<vmem>> -> memref<1x128xi32, #tpu.memory_space<vmem>>
    %dma_start3A_12 = tpu.memref_squeeze %dma_start3A_11 : memref<1x128xi32, #tpu.memory_space<vmem>> -> memref<128xi32, #tpu.memory_space<vmem>>
    %dma_start3A_13 = arith.constant 0 : i32
    %dma_start3A_14 = arith.constant 0 : i32
    %dma_start3A_15 = tpu.memref_slice %arg14[%dma_start3A_13, %dma_start3A_14] : memref<10000x32xf32, #tpu.memory_space<vmem_shared>> -> memref<10000x32xf32, #tpu.memory_space<vmem_shared>>
    tpu.enqueue_indirect_dma source(%dma_start3A_15 : memref<10000x32xf32, #tpu.memory_space<vmem_shared>>) target(%arg10 : memref<128x32xf32, #tpu.memory_space<vmem>>) offsets(%dma_start3A_12 : memref<128xi32, #tpu.memory_space<vmem>>) semaphore(%arg16 : memref<!tpu.dma_semaphore, #tpu.memory_space<semaphore_mem>>)
    %scan3A = arith.constant 0 : i32
    %scan3A_16 = arith.constant 20 : i32
    %scan3A_17 = arith.addi %scan3A, %scan3A_16 : i32
    %scan3A_18 = arith.constant 1 : i32
    scf.for %scan3A_34 = %scan3A to %scan3A_17 step %scan3A_18  : i32 {
      %mul3A_35 = arith.constant 4 : i32
      %mul3A_36 = arith.muli %scan3A_34, %mul3A_35 : i32
      %add3A_37 = arith.constant 0 : i32
      %add3A_38 = arith.addi %add3A_37, %mul3A_36 : i32
      %add3A_39 = arith.constant 0 : i32
      %add3A_40 = arith.addi %add3A_38, %add3A_39 : i32
      %lt3A = arith.constant 79 : i32
      %lt3A_41 = arith.cmpi slt, %add3A_40, %lt3A : i32
      %convert_element_type3A = arith.extui %lt3A_41 : i1 to i32
      %cond3A = arith.constant 0 : i32
      %cond3A_42 = arith.cmpi ne, %convert_element_type3A, %cond3A : i32
      scf.if %cond3A_42 {
        %dma_wait3A_142 = arith.constant 0 : i32
        %dma_wait3A_143 = arith.constant 0 : i32
        %dma_wait3A_144 = tpu.memref_slice %arg5[%dma_wait3A_142, %dma_wait3A_143] : memref<10000x32xf32, #tpu.memory_space<hbm>> -> memref<128x32xf32, #tpu.memory_space<hbm>>
        %dma_wait3A_145 = arith.constant 0 : i32
        %dma_wait3A_146 = arith.constant 0 : i32
        %dma_wait3A_147 = tpu.memref_slice %arg5[%dma_wait3A_145, %dma_wait3A_146] : memref<10000x32xf32, #tpu.memory_space<hbm>> -> memref<128x32xf32, #tpu.memory_space<hbm>>
        tpu.wait_dma2 semaphore(%arg15 : memref<!tpu.dma_semaphore, #tpu.memory_space<semaphore_mem>>) src(%dma_wait3A_147 : memref<128x32xf32, #tpu.memory_space<hbm>>) dst(%arg9 : memref<128x32xf32, #tpu.memory_space<vmem>>)
      } else {
      }
      %ge3A = arith.constant 2 : i32
      %ge3A_43 = arith.cmpi sge, %add3A_40, %ge3A : i32
      %lt3A_44 = arith.constant 79 : i32
      %lt3A_45 = arith.cmpi slt, %add3A_40, %lt3A_44 : i32
      %and3A = arith.andi %ge3A_43, %lt3A_45 : i1
      %convert_element_type3A_46 = arith.extui %and3A : i1 to i32
      %cond3A_47 = arith.constant 0 : i32
      %cond3A_48 = arith.cmpi ne, %convert_element_type3A_46, %cond3A_47 : i32
      scf.if %cond3A_48 {
        %dma_wait3A_142 = arith.constant 0 : i32
        %dma_wait3A_143 = arith.constant 0 : i32
        %dma_wait3A_144 = tpu.memref_slice %arg13[%dma_wait3A_142, %dma_wait3A_143] : memref<10008x32xf32, #tpu.memory_space<vmem_shared>> -> memref<128x32xf32, #tpu.memory_space<vmem_shared>>
        %dma_wait3A_145 = arith.constant 0 : i32
        %dma_wait3A_146 = arith.constant 0 : i32
        %dma_wait3A_147 = tpu.memref_slice %arg13[%dma_wait3A_145, %dma_wait3A_146] : memref<10008x32xf32, #tpu.memory_space<vmem_shared>> -> memref<128x32xf32, #tpu.memory_space<vmem_shared>>
        tpu.wait_dma2 semaphore(%arg21 : memref<!tpu.dma_semaphore, #tpu.memory_space<semaphore_mem>>) src(%arg11 : memref<128x32xf32, #tpu.memory_space<vmem>>) dst(%dma_wait3A_147 : memref<128x32xf32, #tpu.memory_space<vmem_shared>>)
      } else {
      }
      %add3A_49 = arith.constant 2 : i32
      %add3A_50 = arith.addi %add3A_40, %add3A_49 : i32
      %lt3A_51 = arith.constant 79 : i32
      %lt3A_52 = arith.cmpi slt, %add3A_50, %lt3A_51 : i32
      %convert_element_type3A_53 = arith.extui %lt3A_52 : i1 to i32
      %cond3A_54 = arith.constant 0 : i32
      %cond3A_55 = arith.cmpi ne, %convert_element_type3A_53, %cond3A_54 : i32
      scf.if %cond3A_55 {
        %add3A_142 = arith.constant 2 : i32
        %add3A_143 = arith.addi %add3A_40, %add3A_142 : i32
        %dma_start3A_144 = arith.constant 0 : i32
        %dma_start3A_145 = tpu.memref_slice %arg7[%add3A_143, %dma_start3A_144] : memref<79x128xi32, #tpu.memory_space<vmem>> -> memref<1x128xi32, #tpu.memory_space<vmem>>
        %dma_start3A_146 = tpu.memref_squeeze %dma_start3A_145 : memref<1x128xi32, #tpu.memory_space<vmem>> -> memref<128xi32, #tpu.memory_space<vmem>>
        %dma_start3A_147 = arith.constant 0 : i32
        %dma_start3A_148 = arith.constant 0 : i32
        %dma_start3A_149 = tpu.memref_slice %arg14[%dma_start3A_147, %dma_start3A_148] : memref<10000x32xf32, #tpu.memory_space<vmem_shared>> -> memref<10000x32xf32, #tpu.memory_space<vmem_shared>>
        tpu.enqueue_indirect_dma source(%dma_start3A_149 : memref<10000x32xf32, #tpu.memory_space<vmem_shared>>) target(%arg11 : memref<128x32xf32, #tpu.memory_space<vmem>>) offsets(%dma_start3A_146 : memref<128xi32, #tpu.memory_space<vmem>>) semaphore(%arg17 : memref<!tpu.dma_semaphore, #tpu.memory_space<semaphore_mem>>)
      } else {
      }
      %lt3A_56 = arith.constant 79 : i32
      %lt3A_57 = arith.cmpi slt, %add3A_40, %lt3A_56 : i32
      %convert_element_type3A_58 = arith.extui %lt3A_57 : i1 to i32
      %cond3A_59 = arith.constant 0 : i32
      %cond3A_60 = arith.cmpi ne, %convert_element_type3A_58, %cond3A_59 : i32
      scf.if %cond3A_60 {
        %dma_start3A_142 = arith.constant 0 : i32
        %dma_start3A_143 = tpu.memref_slice %arg8[%add3A_40, %dma_start3A_142] : memref<79x128xi32, #tpu.memory_space<vmem>> -> memref<1x128xi32, #tpu.memory_space<vmem>>
        %dma_start3A_144 = tpu.memref_squeeze %dma_start3A_143 : memref<1x128xi32, #tpu.memory_space<vmem>> -> memref<128xi32, #tpu.memory_space<vmem>>
        %dma_start3A_145 = arith.constant 0 : i32
        %dma_start3A_146 = arith.constant 0 : i32
        %dma_start3A_147 = tpu.memref_slice %arg13[%dma_start3A_145, %dma_start3A_146] : memref<10008x32xf32, #tpu.memory_space<vmem_shared>> -> memref<10008x32xf32, #tpu.memory_space<vmem_shared>>
        tpu.enqueue_indirect_dma source(%arg9 : memref<128x32xf32, #tpu.memory_space<vmem>>) target(%dma_start3A_147 : memref<10008x32xf32, #tpu.memory_space<vmem_shared>>) offsets(%dma_start3A_144 : memref<128xi32, #tpu.memory_space<vmem>>) semaphore(%arg19 : memref<!tpu.dma_semaphore, #tpu.memory_space<semaphore_mem>>) {add = true}
      } else {
      }
      %add3A_61 = arith.constant 1 : i32
      %add3A_62 = arith.addi %add3A_38, %add3A_61 : i32
      %lt3A_63 = arith.constant 79 : i32
      %lt3A_64 = arith.cmpi slt, %add3A_62, %lt3A_63 : i32
      %convert_element_type3A_65 = arith.extui %lt3A_64 : i1 to i32
      %cond3A_66 = arith.constant 0 : i32
      %cond3A_67 = arith.cmpi ne, %convert_element_type3A_65, %cond3A_66 : i32
      scf.if %cond3A_67 {
        %dma_wait3A_142 = arith.constant 0 : i32
        %dma_wait3A_143 = arith.constant 0 : i32
        %dma_wait3A_144 = tpu.memref_slice %arg5[%dma_wait3A_142, %dma_wait3A_143] : memref<10000x32xf32, #tpu.memory_space<hbm>> -> memref<128x32xf32, #tpu.memory_space<hbm>>
        %dma_wait3A_145 = arith.constant 0 : i32
        %dma_wait3A_146 = arith.constant 0 : i32
        %dma_wait3A_147 = tpu.memref_slice %arg5[%dma_wait3A_145, %dma_wait3A_146] : memref<10000x32xf32, #tpu.memory_space<hbm>> -> memref<128x32xf32, #tpu.memory_space<hbm>>
        tpu.wait_dma2 semaphore(%arg16 : memref<!tpu.dma_semaphore, #tpu.memory_space<semaphore_mem>>) src(%dma_wait3A_147 : memref<128x32xf32, #tpu.memory_space<hbm>>) dst(%arg10 : memref<128x32xf32, #tpu.memory_space<vmem>>)
      } else {
      }
      %ge3A_68 = arith.constant 2 : i32
      %ge3A_69 = arith.cmpi sge, %add3A_62, %ge3A_68 : i32
      %lt3A_70 = arith.constant 79 : i32
      %lt3A_71 = arith.cmpi slt, %add3A_62, %lt3A_70 : i32
      %and3A_72 = arith.andi %ge3A_69, %lt3A_71 : i1
      %convert_element_type3A_73 = arith.extui %and3A_72 : i1 to i32
      %cond3A_74 = arith.constant 0 : i32
      %cond3A_75 = arith.cmpi ne, %convert_element_type3A_73, %cond3A_74 : i32
      scf.if %cond3A_75 {
        %dma_wait3A_142 = arith.constant 0 : i32
        %dma_wait3A_143 = arith.constant 0 : i32
        %dma_wait3A_144 = tpu.memref_slice %arg13[%dma_wait3A_142, %dma_wait3A_143] : memref<10008x32xf32, #tpu.memory_space<vmem_shared>> -> memref<128x32xf32, #tpu.memory_space<vmem_shared>>
        %dma_wait3A_145 = arith.constant 0 : i32
        %dma_wait3A_146 = arith.constant 0 : i32
        %dma_wait3A_147 = tpu.memref_slice %arg13[%dma_wait3A_145, %dma_wait3A_146] : memref<10008x32xf32, #tpu.memory_space<vmem_shared>> -> memref<128x32xf32, #tpu.memory_space<vmem_shared>>
        tpu.wait_dma2 semaphore(%arg22 : memref<!tpu.dma_semaphore, #tpu.memory_space<semaphore_mem>>) src(%arg12 : memref<128x32xf32, #tpu.memory_space<vmem>>) dst(%dma_wait3A_147 : memref<128x32xf32, #tpu.memory_space<vmem_shared>>)
      } else {
      }
      %add3A_76 = arith.constant 2 : i32
      %add3A_77 = arith.addi %add3A_62, %add3A_76 : i32
      %lt3A_78 = arith.constant 79 : i32
      %lt3A_79 = arith.cmpi slt, %add3A_77, %lt3A_78 : i32
      %convert_element_type3A_80 = arith.extui %lt3A_79 : i1 to i32
      %cond3A_81 = arith.constant 0 : i32
      %cond3A_82 = arith.cmpi ne, %convert_element_type3A_80, %cond3A_81 : i32
      scf.if %cond3A_82 {
        %add3A_142 = arith.constant 2 : i32
        %add3A_143 = arith.addi %add3A_62, %add3A_142 : i32
        %dma_start3A_144 = arith.constant 0 : i32
        %dma_start3A_145 = tpu.memref_slice %arg7[%add3A_143, %dma_start3A_144] : memref<79x128xi32, #tpu.memory_space<vmem>> -> memref<1x128xi32, #tpu.memory_space<vmem>>
        %dma_start3A_146 = tpu.memref_squeeze %dma_start3A_145 : memref<1x128xi32, #tpu.memory_space<vmem>> -> memref<128xi32, #tpu.memory_space<vmem>>
        %dma_start3A_147 = arith.constant 0 : i32
        %dma_start3A_148 = arith.constant 0 : i32
        %dma_start3A_149 = tpu.memref_slice %arg14[%dma_start3A_147, %dma_start3A_148] : memref<10000x32xf32, #tpu.memory_space<vmem_shared>> -> memref<10000x32xf32, #tpu.memory_space<vmem_shared>>
        tpu.enqueue_indirect_dma source(%dma_start3A_149 : memref<10000x32xf32, #tpu.memory_space<vmem_shared>>) target(%arg12 : memref<128x32xf32, #tpu.memory_space<vmem>>) offsets(%dma_start3A_146 : memref<128xi32, #tpu.memory_space<vmem>>) semaphore(%arg18 : memref<!tpu.dma_semaphore, #tpu.memory_space<semaphore_mem>>)
      } else {
      }
      %lt3A_83 = arith.constant 79 : i32
      %lt3A_84 = arith.cmpi slt, %add3A_62, %lt3A_83 : i32
      %convert_element_type3A_85 = arith.extui %lt3A_84 : i1 to i32
      %cond3A_86 = arith.constant 0 : i32
      %cond3A_87 = arith.cmpi ne, %convert_element_type3A_85, %cond3A_86 : i32
      scf.if %cond3A_87 {
        %dma_start3A_142 = arith.constant 0 : i32
        %dma_start3A_143 = tpu.memref_slice %arg8[%add3A_62, %dma_start3A_142] : memref<79x128xi32, #tpu.memory_space<vmem>> -> memref<1x128xi32, #tpu.memory_space<vmem>>
        %dma_start3A_144 = tpu.memref_squeeze %dma_start3A_143 : memref<1x128xi32, #tpu.memory_space<vmem>> -> memref<128xi32, #tpu.memory_space<vmem>>
        %dma_start3A_145 = arith.constant 0 : i32
        %dma_start3A_146 = arith.constant 0 : i32
        %dma_start3A_147 = tpu.memref_slice %arg13[%dma_start3A_145, %dma_start3A_146] : memref<10008x32xf32, #tpu.memory_space<vmem_shared>> -> memref<10008x32xf32, #tpu.memory_space<vmem_shared>>
        tpu.enqueue_indirect_dma source(%arg10 : memref<128x32xf32, #tpu.memory_space<vmem>>) target(%dma_start3A_147 : memref<10008x32xf32, #tpu.memory_space<vmem_shared>>) offsets(%dma_start3A_144 : memref<128xi32, #tpu.memory_space<vmem>>) semaphore(%arg20 : memref<!tpu.dma_semaphore, #tpu.memory_space<semaphore_mem>>) {add = true}
      } else {
      }
      %add3A_88 = arith.constant 2 : i32
      %add3A_89 = arith.addi %add3A_38, %add3A_88 : i32
      %lt3A_90 = arith.constant 79 : i32
      %lt3A_91 = arith.cmpi slt, %add3A_89, %lt3A_90 : i32
      %convert_element_type3A_92 = arith.extui %lt3A_91 : i1 to i32
      %cond3A_93 = arith.constant 0 : i32
      %cond3A_94 = arith.cmpi ne, %convert_element_type3A_92, %cond3A_93 : i32
      scf.if %cond3A_94 {
        %dma_wait3A_142 = arith.constant 0 : i32
        %dma_wait3A_143 = arith.constant 0 : i32
        %dma_wait3A_144 = tpu.memref_slice %arg5[%dma_wait3A_142, %dma_wait3A_143] : memref<10000x32xf32, #tpu.memory_space<hbm>> -> memref<128x32xf32, #tpu.memory_space<hbm>>
        %dma_wait3A_145 = arith.constant 0 : i32
        %dma_wait3A_146 = arith.constant 0 : i32
        %dma_wait3A_147 = tpu.memref_slice %arg5[%dma_wait3A_145, %dma_wait3A_146] : memref<10000x32xf32, #tpu.memory_space<hbm>> -> memref<128x32xf32, #tpu.memory_space<hbm>>
        tpu.wait_dma2 semaphore(%arg17 : memref<!tpu.dma_semaphore, #tpu.memory_space<semaphore_mem>>) src(%dma_wait3A_147 : memref<128x32xf32, #tpu.memory_space<hbm>>) dst(%arg11 : memref<128x32xf32, #tpu.memory_space<vmem>>)
      } else {
      }
      %ge3A_95 = arith.constant 2 : i32
      %ge3A_96 = arith.cmpi sge, %add3A_89, %ge3A_95 : i32
      %lt3A_97 = arith.constant 79 : i32
      %lt3A_98 = arith.cmpi slt, %add3A_89, %lt3A_97 : i32
      %and3A_99 = arith.andi %ge3A_96, %lt3A_98 : i1
      %convert_element_type3A_100 = arith.extui %and3A_99 : i1 to i32
      %cond3A_101 = arith.constant 0 : i32
      %cond3A_102 = arith.cmpi ne, %convert_element_type3A_100, %cond3A_101 : i32
      scf.if %cond3A_102 {
        %dma_wait3A_142 = arith.constant 0 : i32
        %dma_wait3A_143 = arith.constant 0 : i32
        %dma_wait3A_144 = tpu.memref_slice %arg13[%dma_wait3A_142, %dma_wait3A_143] : memref<10008x32xf32, #tpu.memory_space<vmem_shared>> -> memref<128x32xf32, #tpu.memory_space<vmem_shared>>
        %dma_wait3A_145 = arith.constant 0 : i32
        %dma_wait3A_146 = arith.constant 0 : i32
        %dma_wait3A_147 = tpu.memref_slice %arg13[%dma_wait3A_145, %dma_wait3A_146] : memref<10008x32xf32, #tpu.memory_space<vmem_shared>> -> memref<128x32xf32, #tpu.memory_space<vmem_shared>>
        tpu.wait_dma2 semaphore(%arg19 : memref<!tpu.dma_semaphore, #tpu.memory_space<semaphore_mem>>) src(%arg9 : memref<128x32xf32, #tpu.memory_space<vmem>>) dst(%dma_wait3A_147 : memref<128x32xf32, #tpu.memory_space<vmem_shared>>)
      } else {
      }
      %add3A_103 = arith.constant 2 : i32
      %add3A_104 = arith.addi %add3A_89, %add3A_103 : i32
      %lt3A_105 = arith.constant 79 : i32
      %lt3A_106 = arith.cmpi slt, %add3A_104, %lt3A_105 : i32
      %convert_element_type3A_107 = arith.extui %lt3A_106 : i1 to i32
      %cond3A_108 = arith.constant 0 : i32
      %cond3A_109 = arith.cmpi ne, %convert_element_type3A_107, %cond3A_108 : i32
      scf.if %cond3A_109 {
        %add3A_142 = arith.constant 2 : i32
        %add3A_143 = arith.addi %add3A_89, %add3A_142 : i32
        %dma_start3A_144 = arith.constant 0 : i32
        %dma_start3A_145 = tpu.memref_slice %arg7[%add3A_143, %dma_start3A_144] : memref<79x128xi32, #tpu.memory_space<vmem>> -> memref<1x128xi32, #tpu.memory_space<vmem>>
        %dma_start3A_146 = tpu.memref_squeeze %dma_start3A_145 : memref<1x128xi32, #tpu.memory_space<vmem>> -> memref<128xi32, #tpu.memory_space<vmem>>
        %dma_start3A_147 = arith.constant 0 : i32
        %dma_start3A_148 = arith.constant 0 : i32
        %dma_start3A_149 = tpu.memref_slice %arg14[%dma_start3A_147, %dma_start3A_148] : memref<10000x32xf32, #tpu.memory_space<vmem_shared>> -> memref<10000x32xf32, #tpu.memory_space<vmem_shared>>
        tpu.enqueue_indirect_dma source(%dma_start3A_149 : memref<10000x32xf32, #tpu.memory_space<vmem_shared>>) target(%arg9 : memref<128x32xf32, #tpu.memory_space<vmem>>) offsets(%dma_start3A_146 : memref<128xi32, #tpu.memory_space<vmem>>) semaphore(%arg15 : memref<!tpu.dma_semaphore, #tpu.memory_space<semaphore_mem>>)
      } else {
      }
      %lt3A_110 = arith.constant 79 : i32
      %lt3A_111 = arith.cmpi slt, %add3A_89, %lt3A_110 : i32
      %convert_element_type3A_112 = arith.extui %lt3A_111 : i1 to i32
      %cond3A_113 = arith.constant 0 : i32
      %cond3A_114 = arith.cmpi ne, %convert_element_type3A_112, %cond3A_113 : i32
      scf.if %cond3A_114 {
        %dma_start3A_142 = arith.constant 0 : i32
        %dma_start3A_143 = tpu.memref_slice %arg8[%add3A_89, %dma_start3A_142] : memref<79x128xi32, #tpu.memory_space<vmem>> -> memref<1x128xi32, #tpu.memory_space<vmem>>
        %dma_start3A_144 = tpu.memref_squeeze %dma_start3A_143 : memref<1x128xi32, #tpu.memory_space<vmem>> -> memref<128xi32, #tpu.memory_space<vmem>>
        %dma_start3A_145 = arith.constant 0 : i32
        %dma_start3A_146 = arith.constant 0 : i32
        %dma_start3A_147 = tpu.memref_slice %arg13[%dma_start3A_145, %dma_start3A_146] : memref<10008x32xf32, #tpu.memory_space<vmem_shared>> -> memref<10008x32xf32, #tpu.memory_space<vmem_shared>>
        tpu.enqueue_indirect_dma source(%arg11 : memref<128x32xf32, #tpu.memory_space<vmem>>) target(%dma_start3A_147 : memref<10008x32xf32, #tpu.memory_space<vmem_shared>>) offsets(%dma_start3A_144 : memref<128xi32, #tpu.memory_space<vmem>>) semaphore(%arg21 : memref<!tpu.dma_semaphore, #tpu.memory_space<semaphore_mem>>) {add = true}
      } else {
      }
      %add3A_115 = arith.constant 3 : i32
      %add3A_116 = arith.addi %add3A_38, %add3A_115 : i32
      %lt3A_117 = arith.constant 79 : i32
      %lt3A_118 = arith.cmpi slt, %add3A_116, %lt3A_117 : i32
      %convert_element_type3A_119 = arith.extui %lt3A_118 : i1 to i32
      %cond3A_120 = arith.constant 0 : i32
      %cond3A_121 = arith.cmpi ne, %convert_element_type3A_119, %cond3A_120 : i32
      scf.if %cond3A_121 {
        %dma_wait3A_142 = arith.constant 0 : i32
        %dma_wait3A_143 = arith.constant 0 : i32
        %dma_wait3A_144 = tpu.memref_slice %arg5[%dma_wait3A_142, %dma_wait3A_143] : memref<10000x32xf32, #tpu.memory_space<hbm>> -> memref<128x32xf32, #tpu.memory_space<hbm>>
        %dma_wait3A_145 = arith.constant 0 : i32
        %dma_wait3A_146 = arith.constant 0 : i32
        %dma_wait3A_147 = tpu.memref_slice %arg5[%dma_wait3A_145, %dma_wait3A_146] : memref<10000x32xf32, #tpu.memory_space<hbm>> -> memref<128x32xf32, #tpu.memory_space<hbm>>
        tpu.wait_dma2 semaphore(%arg18 : memref<!tpu.dma_semaphore, #tpu.memory_space<semaphore_mem>>) src(%dma_wait3A_147 : memref<128x32xf32, #tpu.memory_space<hbm>>) dst(%arg12 : memref<128x32xf32, #tpu.memory_space<vmem>>)
      } else {
      }
      %ge3A_122 = arith.constant 2 : i32
      %ge3A_123 = arith.cmpi sge, %add3A_116, %ge3A_122 : i32
      %lt3A_124 = arith.constant 79 : i32
      %lt3A_125 = arith.cmpi slt, %add3A_116, %lt3A_124 : i32
      %and3A_126 = arith.andi %ge3A_123, %lt3A_125 : i1
      %convert_element_type3A_127 = arith.extui %and3A_126 : i1 to i32
      %cond3A_128 = arith.constant 0 : i32
      %cond3A_129 = arith.cmpi ne, %convert_element_type3A_127, %cond3A_128 : i32
      scf.if %cond3A_129 {
        %dma_wait3A_142 = arith.constant 0 : i32
        %dma_wait3A_143 = arith.constant 0 : i32
        %dma_wait3A_144 = tpu.memref_slice %arg13[%dma_wait3A_142, %dma_wait3A_143] : memref<10008x32xf32, #tpu.memory_space<vmem_shared>> -> memref<128x32xf32, #tpu.memory_space<vmem_shared>>
        %dma_wait3A_145 = arith.constant 0 : i32
        %dma_wait3A_146 = arith.constant 0 : i32
        %dma_wait3A_147 = tpu.memref_slice %arg13[%dma_wait3A_145, %dma_wait3A_146] : memref<10008x32xf32, #tpu.memory_space<vmem_shared>> -> memref<128x32xf32, #tpu.memory_space<vmem_shared>>
        tpu.wait_dma2 semaphore(%arg20 : memref<!tpu.dma_semaphore, #tpu.memory_space<semaphore_mem>>) src(%arg10 : memref<128x32xf32, #tpu.memory_space<vmem>>) dst(%dma_wait3A_147 : memref<128x32xf32, #tpu.memory_space<vmem_shared>>)
      } else {
      }
      %add3A_130 = arith.constant 2 : i32
      %add3A_131 = arith.addi %add3A_116, %add3A_130 : i32
      %lt3A_132 = arith.constant 79 : i32
      %lt3A_133 = arith.cmpi slt, %add3A_131, %lt3A_132 : i32
      %convert_element_type3A_134 = arith.extui %lt3A_133 : i1 to i32
      %cond3A_135 = arith.constant 0 : i32
      %cond3A_136 = arith.cmpi ne, %convert_element_type3A_134, %cond3A_135 : i32
      scf.if %cond3A_136 {
        %add3A_142 = arith.constant 2 : i32
        %add3A_143 = arith.addi %add3A_116, %add3A_142 : i32
        %dma_start3A_144 = arith.constant 0 : i32
        %dma_start3A_145 = tpu.memref_slice %arg7[%add3A_143, %dma_start3A_144] : memref<79x128xi32, #tpu.memory_space<vmem>> -> memref<1x128xi32, #tpu.memory_space<vmem>>
        %dma_start3A_146 = tpu.memref_squeeze %dma_start3A_145 : memref<1x128xi32, #tpu.memory_space<vmem>> -> memref<128xi32, #tpu.memory_space<vmem>>
        %dma_start3A_147 = arith.constant 0 : i32
        %dma_start3A_148 = arith.constant 0 : i32
        %dma_start3A_149 = tpu.memref_slice %arg14[%dma_start3A_147, %dma_start3A_148] : memref<10000x32xf32, #tpu.memory_space<vmem_shared>> -> memref<10000x32xf32, #tpu.memory_space<vmem_shared>>
        tpu.enqueue_indirect_dma source(%dma_start3A_149 : memref<10000x32xf32, #tpu.memory_space<vmem_shared>>) target(%arg10 : memref<128x32xf32, #tpu.memory_space<vmem>>) offsets(%dma_start3A_146 : memref<128xi32, #tpu.memory_space<vmem>>) semaphore(%arg16 : memref<!tpu.dma_semaphore, #tpu.memory_space<semaphore_mem>>)
      } else {
      }
      %lt3A_137 = arith.constant 79 : i32
      %lt3A_138 = arith.cmpi slt, %add3A_116, %lt3A_137 : i32
      %convert_element_type3A_139 = arith.extui %lt3A_138 : i1 to i32
      %cond3A_140 = arith.constant 0 : i32
      %cond3A_141 = arith.cmpi ne, %convert_element_type3A_139, %cond3A_140 : i32
      scf.if %cond3A_141 {
        %dma_start3A_142 = arith.constant 0 : i32
        %dma_start3A_143 = tpu.memref_slice %arg8[%add3A_116, %dma_start3A_142] : memref<79x128xi32, #tpu.memory_space<vmem>> -> memref<1x128xi32, #tpu.memory_space<vmem>>
        %dma_start3A_144 = tpu.memref_squeeze %dma_start3A_143 : memref<1x128xi32, #tpu.memory_space<vmem>> -> memref<128xi32, #tpu.memory_space<vmem>>
        %dma_start3A_145 = arith.constant 0 : i32
        %dma_start3A_146 = arith.constant 0 : i32
        %dma_start3A_147 = tpu.memref_slice %arg13[%dma_start3A_145, %dma_start3A_146] : memref<10008x32xf32, #tpu.memory_space<vmem_shared>> -> memref<10008x32xf32, #tpu.memory_space<vmem_shared>>
        tpu.enqueue_indirect_dma source(%arg12 : memref<128x32xf32, #tpu.memory_space<vmem>>) target(%dma_start3A_147 : memref<10008x32xf32, #tpu.memory_space<vmem_shared>>) offsets(%dma_start3A_144 : memref<128xi32, #tpu.memory_space<vmem>>) semaphore(%arg22 : memref<!tpu.dma_semaphore, #tpu.memory_space<semaphore_mem>>) {add = true}
      } else {
      }
    }
    %scan3A_19 = arith.constant 20 : i32
    %dma_wait3A = arith.constant 0 : i32
    %dma_wait3A_20 = arith.constant 0 : i32
    %dma_wait3A_21 = tpu.memref_slice %arg13[%dma_wait3A, %dma_wait3A_20] : memref<10008x32xf32, #tpu.memory_space<vmem_shared>> -> memref<128x32xf32, #tpu.memory_space<vmem_shared>>
    %dma_wait3A_22 = arith.constant 0 : i32
    %dma_wait3A_23 = arith.constant 0 : i32
    %dma_wait3A_24 = tpu.memref_slice %arg13[%dma_wait3A_22, %dma_wait3A_23] : memref<10008x32xf32, #tpu.memory_space<vmem_shared>> -> memref<128x32xf32, #tpu.memory_space<vmem_shared>>
    tpu.wait_dma2 semaphore(%arg20 : memref<!tpu.dma_semaphore, #tpu.memory_space<semaphore_mem>>) src(%arg10 : memref<128x32xf32, #tpu.memory_space<vmem>>) dst(%dma_wait3A_24 : memref<128x32xf32, #tpu.memory_space<vmem_shared>>)
    %dma_wait3A_25 = arith.constant 0 : i32
    %dma_wait3A_26 = arith.constant 0 : i32
    %dma_wait3A_27 = tpu.memref_slice %arg13[%dma_wait3A_25, %dma_wait3A_26] : memref<10008x32xf32, #tpu.memory_space<vmem_shared>> -> memref<128x32xf32, #tpu.memory_space<vmem_shared>>
    %dma_wait3A_28 = arith.constant 0 : i32
    %dma_wait3A_29 = arith.constant 0 : i32
    %dma_wait3A_30 = tpu.memref_slice %arg13[%dma_wait3A_28, %dma_wait3A_29] : memref<10008x32xf32, #tpu.memory_space<vmem_shared>> -> memref<128x32xf32, #tpu.memory_space<vmem_shared>>
    tpu.wait_dma2 semaphore(%arg21 : memref<!tpu.dma_semaphore, #tpu.memory_space<semaphore_mem>>) src(%arg11 : memref<128x32xf32, #tpu.memory_space<vmem>>) dst(%dma_wait3A_30 : memref<128x32xf32, #tpu.memory_space<vmem_shared>>)
    %barrier3A_31 = arith.constant 0 : index
    tpu.barrier barrier_id(%barrier3A_31)
    %add3A_32 = arith.constant 0 : i32
    %add3A_33 = arith.addi %add3A_32, %arg0 : i32
    "tpu.region"() ({
      %run_scoped3A = tpu.sem_alloc : memref<!tpu.dma_semaphore, #tpu.memory_space<semaphore_mem>>
      %dma_start3A_34 = arith.constant 0 : i32
      %dma_start3A_35 = tpu.memref_slice %arg6[%add3A_33, %mul3A_2, %dma_start3A_34] : memref<2x10000x32xf32, #tpu.memory_space<hbm>> -> memref<1x640x32xf32, #tpu.memory_space<hbm>>
      %dma_start3A_36 = tpu.memref_squeeze %dma_start3A_35 : memref<1x640x32xf32, #tpu.memory_space<hbm>> -> memref<640x32xf32, #tpu.memory_space<hbm>>
      %dma_start3A_37 = arith.constant 0 : i32
      %dma_start3A_38 = tpu.memref_slice %arg13[%mul3A_2, %dma_start3A_37] : memref<10008x32xf32, #tpu.memory_space<vmem_shared>> -> memref<640x32xf32, #tpu.memory_space<vmem_shared>>
      tpu.enqueue_dma source(%dma_start3A_38 : memref<640x32xf32, #tpu.memory_space<vmem_shared>>) target(%dma_start3A_36 : memref<640x32xf32, #tpu.memory_space<hbm>>) target_semaphore(%run_scoped3A : memref<!tpu.dma_semaphore, #tpu.memory_space<semaphore_mem>>)
      %dma_wait3A_39 = arith.constant 0 : i32
      %dma_wait3A_40 = tpu.memref_slice %arg6[%add3A_33, %mul3A_2, %dma_wait3A_39] : memref<2x10000x32xf32, #tpu.memory_space<hbm>> -> memref<1x640x32xf32, #tpu.memory_space<hbm>>
      %dma_wait3A_41 = tpu.memref_squeeze %dma_wait3A_40 : memref<1x640x32xf32, #tpu.memory_space<hbm>> -> memref<640x32xf32, #tpu.memory_space<hbm>>
      %dma_wait3A_42 = arith.constant 0 : i32
      %dma_wait3A_43 = tpu.memref_slice %arg13[%mul3A_2, %dma_wait3A_42] : memref<10008x32xf32, #tpu.memory_space<vmem_shared>> -> memref<640x32xf32, #tpu.memory_space<vmem_shared>>
      tpu.wait_dma2 semaphore(%run_scoped3A : memref<!tpu.dma_semaphore, #tpu.memory_space<semaphore_mem>>) src(%dma_wait3A_43 : memref<640x32xf32, #tpu.memory_space<vmem_shared>>) dst(%dma_wait3A_41 : memref<640x32xf32, #tpu.memory_space<hbm>>)
      tpu.yield
    }) : () -> ()
    return
  }
}

#map = affine_map<(d0, d1) -> (0, 0)>
#map1 = affine_map<(d0, d1) -> (0, 0, 0)>
module attributes {stable_mosaic.version = 14 : i64} {
  func.func @spmm(%arg0: i32, %arg1: i32, %arg2: memref<10000x32xf32, #tpu.memory_space<hbm>>, %arg3: memref<32x79x128xi32, #tpu.memory_space<hbm>>, %arg4: memref<32x79x128xi32, #tpu.memory_space<hbm>>, %arg5: memref<10000x32xf32, #tpu.memory_space<hbm>>, %arg6: memref<2x10000x32xf32, #tpu.memory_space<hbm>>, %arg7: memref<79x128xi32, #tpu.memory_space<vmem>>, %arg8: memref<79x128xi32, #tpu.memory_space<vmem>>, %arg9: memref<128x32xf32, #tpu.memory_space<vmem>>, %arg10: memref<128x32xf32, #tpu.memory_space<vmem>>, %arg11: memref<128x32xf32, #tpu.memory_space<vmem>>, %arg12: memref<128x32xf32, #tpu.memory_space<vmem>>, %arg13: memref<10008x32xf32, #tpu.memory_space<vmem_shared>>, %arg14: memref<10000x32xf32, #tpu.memory_space<vmem_shared>>, %arg15: memref<!tpu.dma_semaphore, #tpu.memory_space<semaphore_mem>>, %arg16: memref<!tpu.dma_semaphore, #tpu.memory_space<semaphore_mem>>, %arg17: memref<!tpu.dma_semaphore, #tpu.memory_space<semaphore_mem>>, %arg18: memref<!tpu.dma_semaphore, #tpu.memory_space<semaphore_mem>>, %arg19: memref<!tpu.dma_semaphore, #tpu.memory_space<semaphore_mem>>, %arg20: memref<!tpu.dma_semaphore, #tpu.memory_space<semaphore_mem>>, %arg21: memref<!tpu.dma_semaphore, #tpu.memory_space<semaphore_mem>>, %arg22: memref<!tpu.dma_semaphore, #tpu.memory_space<semaphore_mem>>) attributes {dimension_semantics = [#tpu.dimension_semantics<core_parallel>, #tpu.dimension_semantics<subcore_parallel>], iteration_bounds = array<i64: 2, 16>, scalar_prefetch = 0 : i64, scratch_operands = 16 : i64, tpu.core_type = #tpu.core_type<sc_vector_subcore>, window_params = [{transform_indices = #map}, {transform_indices = #map1}, {transform_indices = #map1}, {transform_indices = #map}, {transform_indices = #map1}]} {
    %mul3A = arith.constant 2 : i32
    %mul3A_0 = arith.muli %arg1, %mul3A : i32
    %add3A = arith.addi %mul3A_0, %arg0 : i32
    %mul3A_1 = arith.constant 624 : i32
    %mul3A_2 = arith.muli %arg1, %mul3A_1 : i32
    "tpu.region"() ({
      %run_scoped3A = tpu.sem_alloc : memref<!tpu.dma_semaphore, #tpu.memory_space<semaphore_mem>>
      %dma_start3A_34 = arith.constant 0 : i32
      %dma_start3A_35 = arith.constant 0 : i32
      %dma_start3A_36 = tpu.memref_slice %arg3[%add3A, %dma_start3A_34, %dma_start3A_35] : memref<32x79x128xi32, #tpu.memory_space<hbm>> -> memref<1x79x128xi32, #tpu.memory_space<hbm>>
      %dma_start3A_37 = tpu.memref_squeeze %dma_start3A_36 : memref<1x79x128xi32, #tpu.memory_space<hbm>> -> memref<79x128xi32, #tpu.memory_space<hbm>>
      %dma_start3A_38 = arith.constant 0 : i32
      %dma_start3A_39 = arith.constant 0 : i32
      %dma_start3A_40 = tpu.memref_slice %arg3[%add3A, %dma_start3A_38, %dma_start3A_39] : memref<32x79x128xi32, #tpu.memory_space<hbm>> -> memref<1x79x128xi32, #tpu.memory_space<hbm>>
      %dma_start3A_41 = tpu.memref_squeeze %dma_start3A_40 : memref<1x79x128xi32, #tpu.memory_space<hbm>> -> memref<79x128xi32, #tpu.memory_space<hbm>>
      tpu.enqueue_dma source(%dma_start3A_41 : memref<79x128xi32, #tpu.memory_space<hbm>>) target(%arg7 : memref<79x128xi32, #tpu.memory_space<vmem>>) target_semaphore(%run_scoped3A : memref<!tpu.dma_semaphore, #tpu.memory_space<semaphore_mem>>)
      %dma_wait3A_42 = arith.constant 0 : i32
      %dma_wait3A_43 = arith.constant 0 : i32
      %dma_wait3A_44 = tpu.memref_slice %arg3[%add3A, %dma_wait3A_42, %dma_wait3A_43] : memref<32x79x128xi32, #tpu.memory_space<hbm>> -> memref<1x79x128xi32, #tpu.memory_space<hbm>>
      %dma_wait3A_45 = tpu.memref_squeeze %dma_wait3A_44 : memref<1x79x128xi32, #tpu.memory_space<hbm>> -> memref<79x128xi32, #tpu.memory_space<hbm>>
      %dma_wait3A_46 = arith.constant 0 : i32
      %dma_wait3A_47 = arith.constant 0 : i32
      %dma_wait3A_48 = tpu.memref_slice %arg3[%add3A, %dma_wait3A_46, %dma_wait3A_47] : memref<32x79x128xi32, #tpu.memory_space<hbm>> -> memref<1x79x128xi32, #tpu.memory_space<hbm>>
      %dma_wait3A_49 = tpu.memref_squeeze %dma_wait3A_48 : memref<1x79x128xi32, #tpu.memory_space<hbm>> -> memref<79x128xi32, #tpu.memory_space<hbm>>
      tpu.wait_dma2 semaphore(%run_scoped3A : memref<!tpu.dma_semaphore, #tpu.memory_space<semaphore_mem>>) src(%dma_wait3A_49 : memref<79x128xi32, #tpu.memory_space<hbm>>) dst(%arg7 : memref<79x128xi32, #tpu.memory_space<vmem>>)
      tpu.yield
    }) : () -> ()
    "tpu.region"() ({
      %run_scoped3A = tpu.sem_alloc : memref<!tpu.dma_semaphore, #tpu.memory_space<semaphore_mem>>
      %dma_start3A_34 = arith.constant 0 : i32
      %dma_start3A_35 = arith.constant 0 : i32
      %dma_start3A_36 = tpu.memref_slice %arg4[%add3A, %dma_start3A_34, %dma_start3A_35] : memref<32x79x128xi32, #tpu.memory_space<hbm>> -> memref<1x79x128xi32, #tpu.memory_space<hbm>>
      %dma_start3A_37 = tpu.memref_squeeze %dma_start3A_36 : memref<1x79x128xi32, #tpu.memory_space<hbm>> -> memref<79x128xi32, #tpu.memory_space<hbm>>
      %dma_start3A_38 = arith.constant 0 : i32
      %dma_start3A_39 = arith.constant 0 : i32
      %dma_start3A_40 = tpu.memref_slice %arg4[%add3A, %dma_start3A_38, %dma_start3A_39] : memref<32x79x128xi32, #tpu.memory_space<hbm>> -> memref<1x79x128xi32, #tpu.memory_space<hbm>>
      %dma_start3A_41 = tpu.memref_squeeze %dma_start3A_40 : memref<1x79x128xi32, #tpu.memory_space<hbm>> -> memref<79x128xi32, #tpu.memory_space<hbm>>
      tpu.enqueue_dma source(%dma_start3A_41 : memref<79x128xi32, #tpu.memory_space<hbm>>) target(%arg8 : memref<79x128xi32, #tpu.memory_space<vmem>>) target_semaphore(%run_scoped3A : memref<!tpu.dma_semaphore, #tpu.memory_space<semaphore_mem>>)
      %dma_wait3A_42 = arith.constant 0 : i32
      %dma_wait3A_43 = arith.constant 0 : i32
      %dma_wait3A_44 = tpu.memref_slice %arg4[%add3A, %dma_wait3A_42, %dma_wait3A_43] : memref<32x79x128xi32, #tpu.memory_space<hbm>> -> memref<1x79x128xi32, #tpu.memory_space<hbm>>
      %dma_wait3A_45 = tpu.memref_squeeze %dma_wait3A_44 : memref<1x79x128xi32, #tpu.memory_space<hbm>> -> memref<79x128xi32, #tpu.memory_space<hbm>>
      %dma_wait3A_46 = arith.constant 0 : i32
      %dma_wait3A_47 = arith.constant 0 : i32
      %dma_wait3A_48 = tpu.memref_slice %arg4[%add3A, %dma_wait3A_46, %dma_wait3A_47] : memref<32x79x128xi32, #tpu.memory_space<hbm>> -> memref<1x79x128xi32, #tpu.memory_space<hbm>>
      %dma_wait3A_49 = tpu.memref_squeeze %dma_wait3A_48 : memref<1x79x128xi32, #tpu.memory_space<hbm>> -> memref<79x128xi32, #tpu.memory_space<hbm>>
      tpu.wait_dma2 semaphore(%run_scoped3A : memref<!tpu.dma_semaphore, #tpu.memory_space<semaphore_mem>>) src(%dma_wait3A_49 : memref<79x128xi32, #tpu.memory_space<hbm>>) dst(%arg8 : memref<79x128xi32, #tpu.memory_space<vmem>>)
      tpu.yield
    }) : () -> ()
    "tpu.region"() ({
      %run_scoped3A = tpu.sem_alloc : memref<!tpu.dma_semaphore, #tpu.memory_space<semaphore_mem>>
      %dma_start3A_34 = arith.constant 0 : i32
      %dma_start3A_35 = tpu.memref_slice %arg13[%mul3A_2, %dma_start3A_34] : memref<10008x32xf32, #tpu.memory_space<vmem_shared>> -> memref<640x32xf32, #tpu.memory_space<vmem_shared>>
      %dma_start3A_36 = arith.constant 0 : i32
      %dma_start3A_37 = tpu.memref_slice %arg5[%mul3A_2, %dma_start3A_36] : memref<10000x32xf32, #tpu.memory_space<hbm>> -> memref<640x32xf32, #tpu.memory_space<hbm>>
      tpu.enqueue_dma source(%dma_start3A_37 : memref<640x32xf32, #tpu.memory_space<hbm>>) target(%dma_start3A_35 : memref<640x32xf32, #tpu.memory_space<vmem_shared>>) target_semaphore(%run_scoped3A : memref<!tpu.dma_semaphore, #tpu.memory_space<semaphore_mem>>)
      %dma_wait3A_38 = arith.constant 0 : i32
      %dma_wait3A_39 = tpu.memref_slice %arg13[%mul3A_2, %dma_wait3A_38] : memref<10008x32xf32, #tpu.memory_space<vmem_shared>> -> memref<640x32xf32, #tpu.memory_space<vmem_shared>>
      %dma_wait3A_40 = arith.constant 0 : i32
      %dma_wait3A_41 = tpu.memref_slice %arg5[%mul3A_2, %dma_wait3A_40] : memref<10000x32xf32, #tpu.memory_space<hbm>> -> memref<640x32xf32, #tpu.memory_space<hbm>>
      tpu.wait_dma2 semaphore(%run_scoped3A : memref<!tpu.dma_semaphore, #tpu.memory_space<semaphore_mem>>) src(%dma_wait3A_41 : memref<640x32xf32, #tpu.memory_space<hbm>>) dst(%dma_wait3A_39 : memref<640x32xf32, #tpu.memory_space<vmem_shared>>)
      tpu.yield
    }) : () -> ()
    "tpu.region"() ({
      %run_scoped3A = tpu.sem_alloc : memref<!tpu.dma_semaphore, #tpu.memory_space<semaphore_mem>>
      %dma_start3A_34 = arith.constant 0 : i32
      %dma_start3A_35 = tpu.memref_slice %arg14[%mul3A_2, %dma_start3A_34] : memref<10000x32xf32, #tpu.memory_space<vmem_shared>> -> memref<640x32xf32, #tpu.memory_space<vmem_shared>>
      %dma_start3A_36 = arith.constant 0 : i32
      %dma_start3A_37 = tpu.memref_slice %arg2[%mul3A_2, %dma_start3A_36] : memref<10000x32xf32, #tpu.memory_space<hbm>> -> memref<640x32xf32, #tpu.memory_space<hbm>>
      tpu.enqueue_dma source(%dma_start3A_37 : memref<640x32xf32, #tpu.memory_space<hbm>>) target(%dma_start3A_35 : memref<640x32xf32, #tpu.memory_space<vmem_shared>>) target_semaphore(%run_scoped3A : memref<!tpu.dma_semaphore, #tpu.memory_space<semaphore_mem>>)
      %dma_wait3A_38 = arith.constant 0 : i32
      %dma_wait3A_39 = tpu.memref_slice %arg14[%mul3A_2, %dma_wait3A_38] : memref<10000x32xf32, #tpu.memory_space<vmem_shared>> -> memref<640x32xf32, #tpu.memory_space<vmem_shared>>
      %dma_wait3A_40 = arith.constant 0 : i32
      %dma_wait3A_41 = tpu.memref_slice %arg2[%mul3A_2, %dma_wait3A_40] : memref<10000x32xf32, #tpu.memory_space<hbm>> -> memref<640x32xf32, #tpu.memory_space<hbm>>
      tpu.wait_dma2 semaphore(%run_scoped3A : memref<!tpu.dma_semaphore, #tpu.memory_space<semaphore_mem>>) src(%dma_wait3A_41 : memref<640x32xf32, #tpu.memory_space<hbm>>) dst(%dma_wait3A_39 : memref<640x32xf32, #tpu.memory_space<vmem_shared>>)
      tpu.yield
    }) : () -> ()
    %barrier3A = arith.constant 0 : index
    tpu.barrier barrier_id(%barrier3A)
    %dma_start3A = arith.constant 0 : i32
    %dma_start3A_3 = arith.constant 0 : i32
    %dma_start3A_4 = tpu.memref_slice %arg7[%dma_start3A, %dma_start3A_3] : memref<79x128xi32, #tpu.memory_space<vmem>> -> memref<1x128xi32, #tpu.memory_space<vmem>>
    %dma_start3A_5 = tpu.memref_squeeze %dma_start3A_4 : memref<1x128xi32, #tpu.memory_space<vmem>> -> memref<128xi32, #tpu.memory_space<vmem>>
    %dma_start3A_6 = arith.constant 0 : i32
    %dma_start3A_7 = arith.constant 0 : i32
    %dma_start3A_8 = tpu.memref_slice %arg14[%dma_start3A_6, %dma_start3A_7] : memref<10000x32xf32, #tpu.memory_space<vmem_shared>> -> memref<10000x32xf32, #tpu.memory_space<vmem_shared>>
    tpu.enqueue_indirect_dma source(%dma_start3A_8 : memref<10000x32xf32, #tpu.memory_space<vmem_shared>>) target(%arg9 : memref<128x32xf32, #tpu.memory_space<vmem>>) offsets(%dma_start3A_5 : memref<128xi32, #tpu.memory_space<vmem>>) semaphore(%arg15 : memref<!tpu.dma_semaphore, #tpu.memory_space<semaphore_mem>>)
    %dma_start3A_9 = arith.constant 1 : i32
    %dma_start3A_10 = arith.constant 0 : i32
    %dma_start3A_11 = tpu.memref_slice %arg7[%dma_start3A_9, %dma_start3A_10] : memref<79x128xi32, #tpu.memory_space<vmem>> -> memref<1x128xi32, #tpu.memory_space<vmem>>
    %dma_start3A_12 = tpu.memref_squeeze %dma_start3A_11 : memref<1x128xi32, #tpu.memory_space<vmem>> -> memref<128xi32, #tpu.memory_space<vmem>>
    %dma_start3A_13 = arith.constant 0 : i32
    %dma_start3A_14 = arith.constant 0 : i32
    %dma_start3A_15 = tpu.memref_slice %arg14[%dma_start3A_13, %dma_start3A_14] : memref<10000x32xf32, #tpu.memory_space<vmem_shared>> -> memref<10000x32xf32, #tpu.memory_space<vmem_shared>>
    tpu.enqueue_indirect_dma source(%dma_start3A_15 : memref<10000x32xf32, #tpu.memory_space<vmem_shared>>) target(%arg10 : memref<128x32xf32, #tpu.memory_space<vmem>>) offsets(%dma_start3A_12 : memref<128xi32, #tpu.memory_space<vmem>>) semaphore(%arg16 : memref<!tpu.dma_semaphore, #tpu.memory_space<semaphore_mem>>)
    %scan3A = arith.constant 0 : i32
    %scan3A_16 = arith.constant 20 : i32
    %scan3A_17 = arith.addi %scan3A, %scan3A_16 : i32
    %scan3A_18 = arith.constant 1 : i32
    scf.for %scan3A_34 = %scan3A to %scan3A_17 step %scan3A_18  : i32 {
      %mul3A_35 = arith.constant 4 : i32
      %mul3A_36 = arith.muli %scan3A_34, %mul3A_35 : i32
      %add3A_37 = arith.constant 0 : i32
      %add3A_38 = arith.addi %add3A_37, %mul3A_36 : i32
      %add3A_39 = arith.constant 0 : i32
      %add3A_40 = arith.addi %add3A_38, %add3A_39 : i32
      %lt3A = arith.constant 79 : i32
      %lt3A_41 = arith.cmpi slt, %add3A_40, %lt3A : i32
      %convert_element_type3A = arith.extui %lt3A_41 : i1 to i32
      %cond3A = arith.constant 0 : i32
      %cond3A_42 = arith.cmpi ne, %convert_element_type3A, %cond3A : i32
      scf.if %cond3A_42 {
        %dma_wait3A_142 = arith.constant 0 : i32
        %dma_wait3A_143 = arith.constant 0 : i32
        %dma_wait3A_144 = tpu.memref_slice %arg5[%dma_wait3A_142, %dma_wait3A_143] : memref<10000x32xf32, #tpu.memory_space<hbm>> -> memref<128x32xf32, #tpu.memory_space<hbm>>
        %dma_wait3A_145 = arith.constant 0 : i32
        %dma_wait3A_146 = arith.constant 0 : i32
        %dma_wait3A_147 = tpu.memref_slice %arg5[%dma_wait3A_145, %dma_wait3A_146] : memref<10000x32xf32, #tpu.memory_space<hbm>> -> memref<128x32xf32, #tpu.memory_space<hbm>>
        tpu.wait_dma2 semaphore(%arg15 : memref<!tpu.dma_semaphore, #tpu.memory_space<semaphore_mem>>) src(%dma_wait3A_147 : memref<128x32xf32, #tpu.memory_space<hbm>>) dst(%arg9 : memref<128x32xf32, #tpu.memory_space<vmem>>)
      } else {
      }
      %ge3A = arith.constant 2 : i32
      %ge3A_43 = arith.cmpi sge, %add3A_40, %ge3A : i32
      %lt3A_44 = arith.constant 79 : i32
      %lt3A_45 = arith.cmpi slt, %add3A_40, %lt3A_44 : i32
      %and3A = arith.andi %ge3A_43, %lt3A_45 : i1
      %convert_element_type3A_46 = arith.extui %and3A : i1 to i32
      %cond3A_47 = arith.constant 0 : i32
      %cond3A_48 = arith.cmpi ne, %convert_element_type3A_46, %cond3A_47 : i32
      scf.if %cond3A_48 {
        %dma_wait3A_142 = arith.constant 0 : i32
        %dma_wait3A_143 = arith.constant 0 : i32
        %dma_wait3A_144 = tpu.memref_slice %arg13[%dma_wait3A_142, %dma_wait3A_143] : memref<10008x32xf32, #tpu.memory_space<vmem_shared>> -> memref<128x32xf32, #tpu.memory_space<vmem_shared>>
        %dma_wait3A_145 = arith.constant 0 : i32
        %dma_wait3A_146 = arith.constant 0 : i32
        %dma_wait3A_147 = tpu.memref_slice %arg13[%dma_wait3A_145, %dma_wait3A_146] : memref<10008x32xf32, #tpu.memory_space<vmem_shared>> -> memref<128x32xf32, #tpu.memory_space<vmem_shared>>
        tpu.wait_dma2 semaphore(%arg21 : memref<!tpu.dma_semaphore, #tpu.memory_space<semaphore_mem>>) src(%arg11 : memref<128x32xf32, #tpu.memory_space<vmem>>) dst(%dma_wait3A_147 : memref<128x32xf32, #tpu.memory_space<vmem_shared>>)
      } else {
      }
      %add3A_49 = arith.constant 2 : i32
      %add3A_50 = arith.addi %add3A_40, %add3A_49 : i32
      %lt3A_51 = arith.constant 79 : i32
      %lt3A_52 = arith.cmpi slt, %add3A_50, %lt3A_51 : i32
      %convert_element_type3A_53 = arith.extui %lt3A_52 : i1 to i32
      %cond3A_54 = arith.constant 0 : i32
      %cond3A_55 = arith.cmpi ne, %convert_element_type3A_53, %cond3A_54 : i32
      scf.if %cond3A_55 {
        %add3A_142 = arith.constant 2 : i32
        %add3A_143 = arith.addi %add3A_40, %add3A_142 : i32
        %dma_start3A_144 = arith.constant 0 : i32
        %dma_start3A_145 = tpu.memref_slice %arg7[%add3A_143, %dma_start3A_144] : memref<79x128xi32, #tpu.memory_space<vmem>> -> memref<1x128xi32, #tpu.memory_space<vmem>>
        %dma_start3A_146 = tpu.memref_squeeze %dma_start3A_145 : memref<1x128xi32, #tpu.memory_space<vmem>> -> memref<128xi32, #tpu.memory_space<vmem>>
        %dma_start3A_147 = arith.constant 0 : i32
        %dma_start3A_148 = arith.constant 0 : i32
        %dma_start3A_149 = tpu.memref_slice %arg14[%dma_start3A_147, %dma_start3A_148] : memref<10000x32xf32, #tpu.memory_space<vmem_shared>> -> memref<10000x32xf32, #tpu.memory_space<vmem_shared>>
        tpu.enqueue_indirect_dma source(%dma_start3A_149 : memref<10000x32xf32, #tpu.memory_space<vmem_shared>>) target(%arg11 : memref<128x32xf32, #tpu.memory_space<vmem>>) offsets(%dma_start3A_146 : memref<128xi32, #tpu.memory_space<vmem>>) semaphore(%arg17 : memref<!tpu.dma_semaphore, #tpu.memory_space<semaphore_mem>>)
      } else {
      }
      %lt3A_56 = arith.constant 79 : i32
      %lt3A_57 = arith.cmpi slt, %add3A_40, %lt3A_56 : i32
      %convert_element_type3A_58 = arith.extui %lt3A_57 : i1 to i32
      %cond3A_59 = arith.constant 0 : i32
      %cond3A_60 = arith.cmpi ne, %convert_element_type3A_58, %cond3A_59 : i32
      scf.if %cond3A_60 {
        %dma_start3A_142 = arith.constant 0 : i32
        %dma_start3A_143 = tpu.memref_slice %arg8[%add3A_40, %dma_start3A_142] : memref<79x128xi32, #tpu.memory_space<vmem>> -> memref<1x128xi32, #tpu.memory_space<vmem>>
        %dma_start3A_144 = tpu.memref_squeeze %dma_start3A_143 : memref<1x128xi32, #tpu.memory_space<vmem>> -> memref<128xi32, #tpu.memory_space<vmem>>
        %dma_start3A_145 = arith.constant 0 : i32
        %dma_start3A_146 = arith.constant 0 : i32
        %dma_start3A_147 = tpu.memref_slice %arg13[%dma_start3A_145, %dma_start3A_146] : memref<10008x32xf32, #tpu.memory_space<vmem_shared>> -> memref<10008x32xf32, #tpu.memory_space<vmem_shared>>
        tpu.enqueue_indirect_dma source(%arg9 : memref<128x32xf32, #tpu.memory_space<vmem>>) target(%dma_start3A_147 : memref<10008x32xf32, #tpu.memory_space<vmem_shared>>) offsets(%dma_start3A_144 : memref<128xi32, #tpu.memory_space<vmem>>) semaphore(%arg19 : memref<!tpu.dma_semaphore, #tpu.memory_space<semaphore_mem>>) {add = true}
      } else {
      }
      %add3A_61 = arith.constant 1 : i32
      %add3A_62 = arith.addi %add3A_38, %add3A_61 : i32
      %lt3A_63 = arith.constant 79 : i32
      %lt3A_64 = arith.cmpi slt, %add3A_62, %lt3A_63 : i32
      %convert_element_type3A_65 = arith.extui %lt3A_64 : i1 to i32
      %cond3A_66 = arith.constant 0 : i32
      %cond3A_67 = arith.cmpi ne, %convert_element_type3A_65, %cond3A_66 : i32
      scf.if %cond3A_67 {
        %dma_wait3A_142 = arith.constant 0 : i32
        %dma_wait3A_143 = arith.constant 0 : i32
        %dma_wait3A_144 = tpu.memref_slice %arg5[%dma_wait3A_142, %dma_wait3A_143] : memref<10000x32xf32, #tpu.memory_space<hbm>> -> memref<128x32xf32, #tpu.memory_space<hbm>>
        %dma_wait3A_145 = arith.constant 0 : i32
        %dma_wait3A_146 = arith.constant 0 : i32
        %dma_wait3A_147 = tpu.memref_slice %arg5[%dma_wait3A_145, %dma_wait3A_146] : memref<10000x32xf32, #tpu.memory_space<hbm>> -> memref<128x32xf32, #tpu.memory_space<hbm>>
        tpu.wait_dma2 semaphore(%arg16 : memref<!tpu.dma_semaphore, #tpu.memory_space<semaphore_mem>>) src(%dma_wait3A_147 : memref<128x32xf32, #tpu.memory_space<hbm>>) dst(%arg10 : memref<128x32xf32, #tpu.memory_space<vmem>>)
      } else {
      }
      %ge3A_68 = arith.constant 2 : i32
      %ge3A_69 = arith.cmpi sge, %add3A_62, %ge3A_68 : i32
      %lt3A_70 = arith.constant 79 : i32
      %lt3A_71 = arith.cmpi slt, %add3A_62, %lt3A_70 : i32
      %and3A_72 = arith.andi %ge3A_69, %lt3A_71 : i1
      %convert_element_type3A_73 = arith.extui %and3A_72 : i1 to i32
      %cond3A_74 = arith.constant 0 : i32
      %cond3A_75 = arith.cmpi ne, %convert_element_type3A_73, %cond3A_74 : i32
      scf.if %cond3A_75 {
        %dma_wait3A_142 = arith.constant 0 : i32
        %dma_wait3A_143 = arith.constant 0 : i32
        %dma_wait3A_144 = tpu.memref_slice %arg13[%dma_wait3A_142, %dma_wait3A_143] : memref<10008x32xf32, #tpu.memory_space<vmem_shared>> -> memref<128x32xf32, #tpu.memory_space<vmem_shared>>
        %dma_wait3A_145 = arith.constant 0 : i32
        %dma_wait3A_146 = arith.constant 0 : i32
        %dma_wait3A_147 = tpu.memref_slice %arg13[%dma_wait3A_145, %dma_wait3A_146] : memref<10008x32xf32, #tpu.memory_space<vmem_shared>> -> memref<128x32xf32, #tpu.memory_space<vmem_shared>>
        tpu.wait_dma2 semaphore(%arg22 : memref<!tpu.dma_semaphore, #tpu.memory_space<semaphore_mem>>) src(%arg12 : memref<128x32xf32, #tpu.memory_space<vmem>>) dst(%dma_wait3A_147 : memref<128x32xf32, #tpu.memory_space<vmem_shared>>)
      } else {
      }
      %add3A_76 = arith.constant 2 : i32
      %add3A_77 = arith.addi %add3A_62, %add3A_76 : i32
      %lt3A_78 = arith.constant 79 : i32
      %lt3A_79 = arith.cmpi slt, %add3A_77, %lt3A_78 : i32
      %convert_element_type3A_80 = arith.extui %lt3A_79 : i1 to i32
      %cond3A_81 = arith.constant 0 : i32
      %cond3A_82 = arith.cmpi ne, %convert_element_type3A_80, %cond3A_81 : i32
      scf.if %cond3A_82 {
        %add3A_142 = arith.constant 2 : i32
        %add3A_143 = arith.addi %add3A_62, %add3A_142 : i32
        %dma_start3A_144 = arith.constant 0 : i32
        %dma_start3A_145 = tpu.memref_slice %arg7[%add3A_143, %dma_start3A_144] : memref<79x128xi32, #tpu.memory_space<vmem>> -> memref<1x128xi32, #tpu.memory_space<vmem>>
        %dma_start3A_146 = tpu.memref_squeeze %dma_start3A_145 : memref<1x128xi32, #tpu.memory_space<vmem>> -> memref<128xi32, #tpu.memory_space<vmem>>
        %dma_start3A_147 = arith.constant 0 : i32
        %dma_start3A_148 = arith.constant 0 : i32
        %dma_start3A_149 = tpu.memref_slice %arg14[%dma_start3A_147, %dma_start3A_148] : memref<10000x32xf32, #tpu.memory_space<vmem_shared>> -> memref<10000x32xf32, #tpu.memory_space<vmem_shared>>
        tpu.enqueue_indirect_dma source(%dma_start3A_149 : memref<10000x32xf32, #tpu.memory_space<vmem_shared>>) target(%arg12 : memref<128x32xf32, #tpu.memory_space<vmem>>) offsets(%dma_start3A_146 : memref<128xi32, #tpu.memory_space<vmem>>) semaphore(%arg18 : memref<!tpu.dma_semaphore, #tpu.memory_space<semaphore_mem>>)
      } else {
      }
      %lt3A_83 = arith.constant 79 : i32
      %lt3A_84 = arith.cmpi slt, %add3A_62, %lt3A_83 : i32
      %convert_element_type3A_85 = arith.extui %lt3A_84 : i1 to i32
      %cond3A_86 = arith.constant 0 : i32
      %cond3A_87 = arith.cmpi ne, %convert_element_type3A_85, %cond3A_86 : i32
      scf.if %cond3A_87 {
        %dma_start3A_142 = arith.constant 0 : i32
        %dma_start3A_143 = tpu.memref_slice %arg8[%add3A_62, %dma_start3A_142] : memref<79x128xi32, #tpu.memory_space<vmem>> -> memref<1x128xi32, #tpu.memory_space<vmem>>
        %dma_start3A_144 = tpu.memref_squeeze %dma_start3A_143 : memref<1x128xi32, #tpu.memory_space<vmem>> -> memref<128xi32, #tpu.memory_space<vmem>>
        %dma_start3A_145 = arith.constant 0 : i32
        %dma_start3A_146 = arith.constant 0 : i32
        %dma_start3A_147 = tpu.memref_slice %arg13[%dma_start3A_145, %dma_start3A_146] : memref<10008x32xf32, #tpu.memory_space<vmem_shared>> -> memref<10008x32xf32, #tpu.memory_space<vmem_shared>>
        tpu.enqueue_indirect_dma source(%arg10 : memref<128x32xf32, #tpu.memory_space<vmem>>) target(%dma_start3A_147 : memref<10008x32xf32, #tpu.memory_space<vmem_shared>>) offsets(%dma_start3A_144 : memref<128xi32, #tpu.memory_space<vmem>>) semaphore(%arg20 : memref<!tpu.dma_semaphore, #tpu.memory_space<semaphore_mem>>) {add = true}
      } else {
      }
      %add3A_88 = arith.constant 2 : i32
      %add3A_89 = arith.addi %add3A_38, %add3A_88 : i32
      %lt3A_90 = arith.constant 79 : i32
      %lt3A_91 = arith.cmpi slt, %add3A_89, %lt3A_90 : i32
      %convert_element_type3A_92 = arith.extui %lt3A_91 : i1 to i32
      %cond3A_93 = arith.constant 0 : i32
      %cond3A_94 = arith.cmpi ne, %convert_element_type3A_92, %cond3A_93 : i32
      scf.if %cond3A_94 {
        %dma_wait3A_142 = arith.constant 0 : i32
        %dma_wait3A_143 = arith.constant 0 : i32
        %dma_wait3A_144 = tpu.memref_slice %arg5[%dma_wait3A_142, %dma_wait3A_143] : memref<10000x32xf32, #tpu.memory_space<hbm>> -> memref<128x32xf32, #tpu.memory_space<hbm>>
        %dma_wait3A_145 = arith.constant 0 : i32
        %dma_wait3A_146 = arith.constant 0 : i32
        %dma_wait3A_147 = tpu.memref_slice %arg5[%dma_wait3A_145, %dma_wait3A_146] : memref<10000x32xf32, #tpu.memory_space<hbm>> -> memref<128x32xf32, #tpu.memory_space<hbm>>
        tpu.wait_dma2 semaphore(%arg17 : memref<!tpu.dma_semaphore, #tpu.memory_space<semaphore_mem>>) src(%dma_wait3A_147 : memref<128x32xf32, #tpu.memory_space<hbm>>) dst(%arg11 : memref<128x32xf32, #tpu.memory_space<vmem>>)
      } else {
      }
      %ge3A_95 = arith.constant 2 : i32
      %ge3A_96 = arith.cmpi sge, %add3A_89, %ge3A_95 : i32
      %lt3A_97 = arith.constant 79 : i32
      %lt3A_98 = arith.cmpi slt, %add3A_89, %lt3A_97 : i32
      %and3A_99 = arith.andi %ge3A_96, %lt3A_98 : i1
      %convert_element_type3A_100 = arith.extui %and3A_99 : i1 to i32
      %cond3A_101 = arith.constant 0 : i32
      %cond3A_102 = arith.cmpi ne, %convert_element_type3A_100, %cond3A_101 : i32
      scf.if %cond3A_102 {
        %dma_wait3A_142 = arith.constant 0 : i32
        %dma_wait3A_143 = arith.constant 0 : i32
        %dma_wait3A_144 = tpu.memref_slice %arg13[%dma_wait3A_142, %dma_wait3A_143] : memref<10008x32xf32, #tpu.memory_space<vmem_shared>> -> memref<128x32xf32, #tpu.memory_space<vmem_shared>>
        %dma_wait3A_145 = arith.constant 0 : i32
        %dma_wait3A_146 = arith.constant 0 : i32
        %dma_wait3A_147 = tpu.memref_slice %arg13[%dma_wait3A_145, %dma_wait3A_146] : memref<10008x32xf32, #tpu.memory_space<vmem_shared>> -> memref<128x32xf32, #tpu.memory_space<vmem_shared>>
        tpu.wait_dma2 semaphore(%arg19 : memref<!tpu.dma_semaphore, #tpu.memory_space<semaphore_mem>>) src(%arg9 : memref<128x32xf32, #tpu.memory_space<vmem>>) dst(%dma_wait3A_147 : memref<128x32xf32, #tpu.memory_space<vmem_shared>>)
      } else {
      }
      %add3A_103 = arith.constant 2 : i32
      %add3A_104 = arith.addi %add3A_89, %add3A_103 : i32
      %lt3A_105 = arith.constant 79 : i32
      %lt3A_106 = arith.cmpi slt, %add3A_104, %lt3A_105 : i32
      %convert_element_type3A_107 = arith.extui %lt3A_106 : i1 to i32
      %cond3A_108 = arith.constant 0 : i32
      %cond3A_109 = arith.cmpi ne, %convert_element_type3A_107, %cond3A_108 : i32
      scf.if %cond3A_109 {
        %add3A_142 = arith.constant 2 : i32
        %add3A_143 = arith.addi %add3A_89, %add3A_142 : i32
        %dma_start3A_144 = arith.constant 0 : i32
        %dma_start3A_145 = tpu.memref_slice %arg7[%add3A_143, %dma_start3A_144] : memref<79x128xi32, #tpu.memory_space<vmem>> -> memref<1x128xi32, #tpu.memory_space<vmem>>
        %dma_start3A_146 = tpu.memref_squeeze %dma_start3A_145 : memref<1x128xi32, #tpu.memory_space<vmem>> -> memref<128xi32, #tpu.memory_space<vmem>>
        %dma_start3A_147 = arith.constant 0 : i32
        %dma_start3A_148 = arith.constant 0 : i32
        %dma_start3A_149 = tpu.memref_slice %arg14[%dma_start3A_147, %dma_start3A_148] : memref<10000x32xf32, #tpu.memory_space<vmem_shared>> -> memref<10000x32xf32, #tpu.memory_space<vmem_shared>>
        tpu.enqueue_indirect_dma source(%dma_start3A_149 : memref<10000x32xf32, #tpu.memory_space<vmem_shared>>) target(%arg9 : memref<128x32xf32, #tpu.memory_space<vmem>>) offsets(%dma_start3A_146 : memref<128xi32, #tpu.memory_space<vmem>>) semaphore(%arg15 : memref<!tpu.dma_semaphore, #tpu.memory_space<semaphore_mem>>)
      } else {
      }
      %lt3A_110 = arith.constant 79 : i32
      %lt3A_111 = arith.cmpi slt, %add3A_89, %lt3A_110 : i32
      %convert_element_type3A_112 = arith.extui %lt3A_111 : i1 to i32
      %cond3A_113 = arith.constant 0 : i32
      %cond3A_114 = arith.cmpi ne, %convert_element_type3A_112, %cond3A_113 : i32
      scf.if %cond3A_114 {
        %dma_start3A_142 = arith.constant 0 : i32
        %dma_start3A_143 = tpu.memref_slice %arg8[%add3A_89, %dma_start3A_142] : memref<79x128xi32, #tpu.memory_space<vmem>> -> memref<1x128xi32, #tpu.memory_space<vmem>>
        %dma_start3A_144 = tpu.memref_squeeze %dma_start3A_143 : memref<1x128xi32, #tpu.memory_space<vmem>> -> memref<128xi32, #tpu.memory_space<vmem>>
        %dma_start3A_145 = arith.constant 0 : i32
        %dma_start3A_146 = arith.constant 0 : i32
        %dma_start3A_147 = tpu.memref_slice %arg13[%dma_start3A_145, %dma_start3A_146] : memref<10008x32xf32, #tpu.memory_space<vmem_shared>> -> memref<10008x32xf32, #tpu.memory_space<vmem_shared>>
        tpu.enqueue_indirect_dma source(%arg11 : memref<128x32xf32, #tpu.memory_space<vmem>>) target(%dma_start3A_147 : memref<10008x32xf32, #tpu.memory_space<vmem_shared>>) offsets(%dma_start3A_144 : memref<128xi32, #tpu.memory_space<vmem>>) semaphore(%arg21 : memref<!tpu.dma_semaphore, #tpu.memory_space<semaphore_mem>>) {add = true}
      } else {
      }
      %add3A_115 = arith.constant 3 : i32
      %add3A_116 = arith.addi %add3A_38, %add3A_115 : i32
      %lt3A_117 = arith.constant 79 : i32
      %lt3A_118 = arith.cmpi slt, %add3A_116, %lt3A_117 : i32
      %convert_element_type3A_119 = arith.extui %lt3A_118 : i1 to i32
      %cond3A_120 = arith.constant 0 : i32
      %cond3A_121 = arith.cmpi ne, %convert_element_type3A_119, %cond3A_120 : i32
      scf.if %cond3A_121 {
        %dma_wait3A_142 = arith.constant 0 : i32
        %dma_wait3A_143 = arith.constant 0 : i32
        %dma_wait3A_144 = tpu.memref_slice %arg5[%dma_wait3A_142, %dma_wait3A_143] : memref<10000x32xf32, #tpu.memory_space<hbm>> -> memref<128x32xf32, #tpu.memory_space<hbm>>
        %dma_wait3A_145 = arith.constant 0 : i32
        %dma_wait3A_146 = arith.constant 0 : i32
        %dma_wait3A_147 = tpu.memref_slice %arg5[%dma_wait3A_145, %dma_wait3A_146] : memref<10000x32xf32, #tpu.memory_space<hbm>> -> memref<128x32xf32, #tpu.memory_space<hbm>>
        tpu.wait_dma2 semaphore(%arg18 : memref<!tpu.dma_semaphore, #tpu.memory_space<semaphore_mem>>) src(%dma_wait3A_147 : memref<128x32xf32, #tpu.memory_space<hbm>>) dst(%arg12 : memref<128x32xf32, #tpu.memory_space<vmem>>)
      } else {
      }
      %ge3A_122 = arith.constant 2 : i32
      %ge3A_123 = arith.cmpi sge, %add3A_116, %ge3A_122 : i32
      %lt3A_124 = arith.constant 79 : i32
      %lt3A_125 = arith.cmpi slt, %add3A_116, %lt3A_124 : i32
      %and3A_126 = arith.andi %ge3A_123, %lt3A_125 : i1
      %convert_element_type3A_127 = arith.extui %and3A_126 : i1 to i32
      %cond3A_128 = arith.constant 0 : i32
      %cond3A_129 = arith.cmpi ne, %convert_element_type3A_127, %cond3A_128 : i32
      scf.if %cond3A_129 {
        %dma_wait3A_142 = arith.constant 0 : i32
        %dma_wait3A_143 = arith.constant 0 : i32
        %dma_wait3A_144 = tpu.memref_slice %arg13[%dma_wait3A_142, %dma_wait3A_143] : memref<10008x32xf32, #tpu.memory_space<vmem_shared>> -> memref<128x32xf32, #tpu.memory_space<vmem_shared>>
        %dma_wait3A_145 = arith.constant 0 : i32
        %dma_wait3A_146 = arith.constant 0 : i32
        %dma_wait3A_147 = tpu.memref_slice %arg13[%dma_wait3A_145, %dma_wait3A_146] : memref<10008x32xf32, #tpu.memory_space<vmem_shared>> -> memref<128x32xf32, #tpu.memory_space<vmem_shared>>
        tpu.wait_dma2 semaphore(%arg20 : memref<!tpu.dma_semaphore, #tpu.memory_space<semaphore_mem>>) src(%arg10 : memref<128x32xf32, #tpu.memory_space<vmem>>) dst(%dma_wait3A_147 : memref<128x32xf32, #tpu.memory_space<vmem_shared>>)
      } else {
      }
      %add3A_130 = arith.constant 2 : i32
      %add3A_131 = arith.addi %add3A_116, %add3A_130 : i32
      %lt3A_132 = arith.constant 79 : i32
      %lt3A_133 = arith.cmpi slt, %add3A_131, %lt3A_132 : i32
      %convert_element_type3A_134 = arith.extui %lt3A_133 : i1 to i32
      %cond3A_135 = arith.constant 0 : i32
      %cond3A_136 = arith.cmpi ne, %convert_element_type3A_134, %cond3A_135 : i32
      scf.if %cond3A_136 {
        %add3A_142 = arith.constant 2 : i32
        %add3A_143 = arith.addi %add3A_116, %add3A_142 : i32
        %dma_start3A_144 = arith.constant 0 : i32
        %dma_start3A_145 = tpu.memref_slice %arg7[%add3A_143, %dma_start3A_144] : memref<79x128xi32, #tpu.memory_space<vmem>> -> memref<1x128xi32, #tpu.memory_space<vmem>>
        %dma_start3A_146 = tpu.memref_squeeze %dma_start3A_145 : memref<1x128xi32, #tpu.memory_space<vmem>> -> memref<128xi32, #tpu.memory_space<vmem>>
        %dma_start3A_147 = arith.constant 0 : i32
        %dma_start3A_148 = arith.constant 0 : i32
        %dma_start3A_149 = tpu.memref_slice %arg14[%dma_start3A_147, %dma_start3A_148] : memref<10000x32xf32, #tpu.memory_space<vmem_shared>> -> memref<10000x32xf32, #tpu.memory_space<vmem_shared>>
        tpu.enqueue_indirect_dma source(%dma_start3A_149 : memref<10000x32xf32, #tpu.memory_space<vmem_shared>>) target(%arg10 : memref<128x32xf32, #tpu.memory_space<vmem>>) offsets(%dma_start3A_146 : memref<128xi32, #tpu.memory_space<vmem>>) semaphore(%arg16 : memref<!tpu.dma_semaphore, #tpu.memory_space<semaphore_mem>>)
      } else {
      }
      %lt3A_137 = arith.constant 79 : i32
      %lt3A_138 = arith.cmpi slt, %add3A_116, %lt3A_137 : i32
      %convert_element_type3A_139 = arith.extui %lt3A_138 : i1 to i32
      %cond3A_140 = arith.constant 0 : i32
      %cond3A_141 = arith.cmpi ne, %convert_element_type3A_139, %cond3A_140 : i32
      scf.if %cond3A_141 {
        %dma_start3A_142 = arith.constant 0 : i32
        %dma_start3A_143 = tpu.memref_slice %arg8[%add3A_116, %dma_start3A_142] : memref<79x128xi32, #tpu.memory_space<vmem>> -> memref<1x128xi32, #tpu.memory_space<vmem>>
        %dma_start3A_144 = tpu.memref_squeeze %dma_start3A_143 : memref<1x128xi32, #tpu.memory_space<vmem>> -> memref<128xi32, #tpu.memory_space<vmem>>
        %dma_start3A_145 = arith.constant 0 : i32
        %dma_start3A_146 = arith.constant 0 : i32
        %dma_start3A_147 = tpu.memref_slice %arg13[%dma_start3A_145, %dma_start3A_146] : memref<10008x32xf32, #tpu.memory_space<vmem_shared>> -> memref<10008x32xf32, #tpu.memory_space<vmem_shared>>
        tpu.enqueue_indirect_dma source(%arg12 : memref<128x32xf32, #tpu.memory_space<vmem>>) target(%dma_start3A_147 : memref<10008x32xf32, #tpu.memory_space<vmem_shared>>) offsets(%dma_start3A_144 : memref<128xi32, #tpu.memory_space<vmem>>) semaphore(%arg22 : memref<!tpu.dma_semaphore, #tpu.memory_space<semaphore_mem>>) {add = true}
      } else {
      }
    }
    %scan3A_19 = arith.constant 20 : i32
    %dma_wait3A = arith.constant 0 : i32
    %dma_wait3A_20 = arith.constant 0 : i32
    %dma_wait3A_21 = tpu.memref_slice %arg13[%dma_wait3A, %dma_wait3A_20] : memref<10008x32xf32, #tpu.memory_space<vmem_shared>> -> memref<128x32xf32, #tpu.memory_space<vmem_shared>>
    %dma_wait3A_22 = arith.constant 0 : i32
    %dma_wait3A_23 = arith.constant 0 : i32
    %dma_wait3A_24 = tpu.memref_slice %arg13[%dma_wait3A_22, %dma_wait3A_23] : memref<10008x32xf32, #tpu.memory_space<vmem_shared>> -> memref<128x32xf32, #tpu.memory_space<vmem_shared>>
    tpu.wait_dma2 semaphore(%arg20 : memref<!tpu.dma_semaphore, #tpu.memory_space<semaphore_mem>>) src(%arg10 : memref<128x32xf32, #tpu.memory_space<vmem>>) dst(%dma_wait3A_24 : memref<128x32xf32, #tpu.memory_space<vmem_shared>>)
    %dma_wait3A_25 = arith.constant 0 : i32
    %dma_wait3A_26 = arith.constant 0 : i32
    %dma_wait3A_27 = tpu.memref_slice %arg13[%dma_wait3A_25, %dma_wait3A_26] : memref<10008x32xf32, #tpu.memory_space<vmem_shared>> -> memref<128x32xf32, #tpu.memory_space<vmem_shared>>
    %dma_wait3A_28 = arith.constant 0 : i32
    %dma_wait3A_29 = arith.constant 0 : i32
    %dma_wait3A_30 = tpu.memref_slice %arg13[%dma_wait3A_28, %dma_wait3A_29] : memref<10008x32xf32, #tpu.memory_space<vmem_shared>> -> memref<128x32xf32, #tpu.memory_space<vmem_shared>>
    tpu.wait_dma2 semaphore(%arg21 : memref<!tpu.dma_semaphore, #tpu.memory_space<semaphore_mem>>) src(%arg11 : memref<128x32xf32, #tpu.memory_space<vmem>>) dst(%dma_wait3A_30 : memref<128x32xf32, #tpu.memory_space<vmem_shared>>)
    %barrier3A_31 = arith.constant 0 : index
    tpu.barrier barrier_id(%barrier3A_31)
    %add3A_32 = arith.constant 0 : i32
    %add3A_33 = arith.addi %add3A_32, %arg0 : i32
    "tpu.region"() ({
      %run_scoped3A = tpu.sem_alloc : memref<!tpu.dma_semaphore, #tpu.memory_space<semaphore_mem>>
      %dma_start3A_34 = arith.constant 0 : i32
      %dma_start3A_35 = tpu.memref_slice %arg6[%add3A_33, %mul3A_2, %dma_start3A_34] : memref<2x10000x32xf32, #tpu.memory_space<hbm>> -> memref<1x640x32xf32, #tpu.memory_space<hbm>>
      %dma_start3A_36 = tpu.memref_squeeze %dma_start3A_35 : memref<1x640x32xf32, #tpu.memory_space<hbm>> -> memref<640x32xf32, #tpu.memory_space<hbm>>
      %dma_start3A_37 = arith.constant 0 : i32
      %dma_start3A_38 = tpu.memref_slice %arg13[%mul3A_2, %dma_start3A_37] : memref<10008x32xf32, #tpu.memory_space<vmem_shared>> -> memref<640x32xf32, #tpu.memory_space<vmem_shared>>
      tpu.enqueue_dma source(%dma_start3A_38 : memref<640x32xf32, #tpu.memory_space<vmem_shared>>) target(%dma_start3A_36 : memref<640x32xf32, #tpu.memory_space<hbm>>) target_semaphore(%run_scoped3A : memref<!tpu.dma_semaphore, #tpu.memory_space<semaphore_mem>>)
      %dma_wait3A_39 = arith.constant 0 : i32
      %dma_wait3A_40 = tpu.memref_slice %arg6[%add3A_33, %mul3A_2, %dma_wait3A_39] : memref<2x10000x32xf32, #tpu.memory_space<hbm>> -> memref<1x640x32xf32, #tpu.memory_space<hbm>>
      %dma_wait3A_41 = tpu.memref_squeeze %dma_wait3A_40 : memref<1x640x32xf32, #tpu.memory_space<hbm>> -> memref<640x32xf32, #tpu.memory_space<hbm>>
      %dma_wait3A_42 = arith.constant 0 : i32
      %dma_wait3A_43 = tpu.memref_slice %arg13[%mul3A_2, %dma_wait3A_42] : memref<10008x32xf32, #tpu.memory_space<vmem_shared>> -> memref<640x32xf32, #tpu.memory_space<vmem_shared>>
      tpu.wait_dma2 semaphore(%run_scoped3A : memref<!tpu.dma_semaphore, #tpu.memory_space<semaphore_mem>>) src(%dma_wait3A_43 : memref<640x32xf32, #tpu.memory_space<vmem_shared>>) dst(%dma_wait3A_41 : memref<640x32xf32, #tpu.memory_space<hbm>>)
      tpu.yield
    }) : () -> ()
    return
  }
}

#map = affine_map<(d0, d1) -> (0, 0)>
#map1 = affine_map<(d0, d1) -> (0, 0, 0)>
module attributes {stable_mosaic.version = 14 : i64} {
  func.func @spmm(%arg0: i32, %arg1: i32, %arg2: memref<10000x64xf32, #tpu.memory_space<hbm>>, %arg3: memref<32x105x96xi32, #tpu.memory_space<hbm>>, %arg4: memref<32x105x96xi32, #tpu.memory_space<hbm>>, %arg5: memref<10000x64xf32, #tpu.memory_space<hbm>>, %arg6: memref<2x10000x64xf32, #tpu.memory_space<hbm>>, %arg7: memref<105x96xi32, #tpu.memory_space<vmem>>, %arg8: memref<105x96xi32, #tpu.memory_space<vmem>>, %arg9: memref<96x64xf32, #tpu.memory_space<vmem>>, %arg10: memref<96x64xf32, #tpu.memory_space<vmem>>, %arg11: memref<96x64xf32, #tpu.memory_space<vmem>>, %arg12: memref<96x64xf32, #tpu.memory_space<vmem>>, %arg13: memref<10008x64xf32, #tpu.memory_space<vmem_shared>>, %arg14: memref<10000x64xf32, #tpu.memory_space<vmem_shared>>, %arg15: memref<!tpu.dma_semaphore, #tpu.memory_space<semaphore_mem>>, %arg16: memref<!tpu.dma_semaphore, #tpu.memory_space<semaphore_mem>>, %arg17: memref<!tpu.dma_semaphore, #tpu.memory_space<semaphore_mem>>, %arg18: memref<!tpu.dma_semaphore, #tpu.memory_space<semaphore_mem>>, %arg19: memref<!tpu.dma_semaphore, #tpu.memory_space<semaphore_mem>>, %arg20: memref<!tpu.dma_semaphore, #tpu.memory_space<semaphore_mem>>, %arg21: memref<!tpu.dma_semaphore, #tpu.memory_space<semaphore_mem>>, %arg22: memref<!tpu.dma_semaphore, #tpu.memory_space<semaphore_mem>>) attributes {dimension_semantics = [#tpu.dimension_semantics<core_parallel>, #tpu.dimension_semantics<subcore_parallel>], iteration_bounds = array<i64: 2, 16>, scalar_prefetch = 0 : i64, scratch_operands = 16 : i64, tpu.core_type = #tpu.core_type<sc_vector_subcore>, window_params = [{transform_indices = #map}, {transform_indices = #map1}, {transform_indices = #map1}, {transform_indices = #map}, {transform_indices = #map1}]} {
    %mul3A = arith.constant 2 : i32
    %mul3A_0 = arith.muli %arg1, %mul3A : i32
    %add3A = arith.addi %mul3A_0, %arg0 : i32
    %mul3A_1 = arith.constant 624 : i32
    %mul3A_2 = arith.muli %arg1, %mul3A_1 : i32
    "tpu.region"() ({
      %run_scoped3A = tpu.sem_alloc : memref<!tpu.dma_semaphore, #tpu.memory_space<semaphore_mem>>
      %dma_start3A_34 = arith.constant 0 : i32
      %dma_start3A_35 = arith.constant 0 : i32
      %dma_start3A_36 = tpu.memref_slice %arg3[%add3A, %dma_start3A_34, %dma_start3A_35] : memref<32x105x96xi32, #tpu.memory_space<hbm>> -> memref<1x105x96xi32, #tpu.memory_space<hbm>>
      %dma_start3A_37 = tpu.memref_squeeze %dma_start3A_36 : memref<1x105x96xi32, #tpu.memory_space<hbm>> -> memref<105x96xi32, #tpu.memory_space<hbm>>
      %dma_start3A_38 = arith.constant 0 : i32
      %dma_start3A_39 = arith.constant 0 : i32
      %dma_start3A_40 = tpu.memref_slice %arg3[%add3A, %dma_start3A_38, %dma_start3A_39] : memref<32x105x96xi32, #tpu.memory_space<hbm>> -> memref<1x105x96xi32, #tpu.memory_space<hbm>>
      %dma_start3A_41 = tpu.memref_squeeze %dma_start3A_40 : memref<1x105x96xi32, #tpu.memory_space<hbm>> -> memref<105x96xi32, #tpu.memory_space<hbm>>
      tpu.enqueue_dma source(%dma_start3A_41 : memref<105x96xi32, #tpu.memory_space<hbm>>) target(%arg7 : memref<105x96xi32, #tpu.memory_space<vmem>>) target_semaphore(%run_scoped3A : memref<!tpu.dma_semaphore, #tpu.memory_space<semaphore_mem>>)
      %dma_wait3A_42 = arith.constant 0 : i32
      %dma_wait3A_43 = arith.constant 0 : i32
      %dma_wait3A_44 = tpu.memref_slice %arg3[%add3A, %dma_wait3A_42, %dma_wait3A_43] : memref<32x105x96xi32, #tpu.memory_space<hbm>> -> memref<1x105x96xi32, #tpu.memory_space<hbm>>
      %dma_wait3A_45 = tpu.memref_squeeze %dma_wait3A_44 : memref<1x105x96xi32, #tpu.memory_space<hbm>> -> memref<105x96xi32, #tpu.memory_space<hbm>>
      %dma_wait3A_46 = arith.constant 0 : i32
      %dma_wait3A_47 = arith.constant 0 : i32
      %dma_wait3A_48 = tpu.memref_slice %arg3[%add3A, %dma_wait3A_46, %dma_wait3A_47] : memref<32x105x96xi32, #tpu.memory_space<hbm>> -> memref<1x105x96xi32, #tpu.memory_space<hbm>>
      %dma_wait3A_49 = tpu.memref_squeeze %dma_wait3A_48 : memref<1x105x96xi32, #tpu.memory_space<hbm>> -> memref<105x96xi32, #tpu.memory_space<hbm>>
      tpu.wait_dma2 semaphore(%run_scoped3A : memref<!tpu.dma_semaphore, #tpu.memory_space<semaphore_mem>>) src(%dma_wait3A_49 : memref<105x96xi32, #tpu.memory_space<hbm>>) dst(%arg7 : memref<105x96xi32, #tpu.memory_space<vmem>>)
      tpu.yield
    }) : () -> ()
    "tpu.region"() ({
      %run_scoped3A = tpu.sem_alloc : memref<!tpu.dma_semaphore, #tpu.memory_space<semaphore_mem>>
      %dma_start3A_34 = arith.constant 0 : i32
      %dma_start3A_35 = arith.constant 0 : i32
      %dma_start3A_36 = tpu.memref_slice %arg4[%add3A, %dma_start3A_34, %dma_start3A_35] : memref<32x105x96xi32, #tpu.memory_space<hbm>> -> memref<1x105x96xi32, #tpu.memory_space<hbm>>
      %dma_start3A_37 = tpu.memref_squeeze %dma_start3A_36 : memref<1x105x96xi32, #tpu.memory_space<hbm>> -> memref<105x96xi32, #tpu.memory_space<hbm>>
      %dma_start3A_38 = arith.constant 0 : i32
      %dma_start3A_39 = arith.constant 0 : i32
      %dma_start3A_40 = tpu.memref_slice %arg4[%add3A, %dma_start3A_38, %dma_start3A_39] : memref<32x105x96xi32, #tpu.memory_space<hbm>> -> memref<1x105x96xi32, #tpu.memory_space<hbm>>
      %dma_start3A_41 = tpu.memref_squeeze %dma_start3A_40 : memref<1x105x96xi32, #tpu.memory_space<hbm>> -> memref<105x96xi32, #tpu.memory_space<hbm>>
      tpu.enqueue_dma source(%dma_start3A_41 : memref<105x96xi32, #tpu.memory_space<hbm>>) target(%arg8 : memref<105x96xi32, #tpu.memory_space<vmem>>) target_semaphore(%run_scoped3A : memref<!tpu.dma_semaphore, #tpu.memory_space<semaphore_mem>>)
      %dma_wait3A_42 = arith.constant 0 : i32
      %dma_wait3A_43 = arith.constant 0 : i32
      %dma_wait3A_44 = tpu.memref_slice %arg4[%add3A, %dma_wait3A_42, %dma_wait3A_43] : memref<32x105x96xi32, #tpu.memory_space<hbm>> -> memref<1x105x96xi32, #tpu.memory_space<hbm>>
      %dma_wait3A_45 = tpu.memref_squeeze %dma_wait3A_44 : memref<1x105x96xi32, #tpu.memory_space<hbm>> -> memref<105x96xi32, #tpu.memory_space<hbm>>
      %dma_wait3A_46 = arith.constant 0 : i32
      %dma_wait3A_47 = arith.constant 0 : i32
      %dma_wait3A_48 = tpu.memref_slice %arg4[%add3A, %dma_wait3A_46, %dma_wait3A_47] : memref<32x105x96xi32, #tpu.memory_space<hbm>> -> memref<1x105x96xi32, #tpu.memory_space<hbm>>
      %dma_wait3A_49 = tpu.memref_squeeze %dma_wait3A_48 : memref<1x105x96xi32, #tpu.memory_space<hbm>> -> memref<105x96xi32, #tpu.memory_space<hbm>>
      tpu.wait_dma2 semaphore(%run_scoped3A : memref<!tpu.dma_semaphore, #tpu.memory_space<semaphore_mem>>) src(%dma_wait3A_49 : memref<105x96xi32, #tpu.memory_space<hbm>>) dst(%arg8 : memref<105x96xi32, #tpu.memory_space<vmem>>)
      tpu.yield
    }) : () -> ()
    "tpu.region"() ({
      %run_scoped3A = tpu.sem_alloc : memref<!tpu.dma_semaphore, #tpu.memory_space<semaphore_mem>>
      %dma_start3A_34 = arith.constant 0 : i32
      %dma_start3A_35 = tpu.memref_slice %arg13[%mul3A_2, %dma_start3A_34] : memref<10008x64xf32, #tpu.memory_space<vmem_shared>> -> memref<640x64xf32, #tpu.memory_space<vmem_shared>>
      %dma_start3A_36 = arith.constant 0 : i32
      %dma_start3A_37 = tpu.memref_slice %arg5[%mul3A_2, %dma_start3A_36] : memref<10000x64xf32, #tpu.memory_space<hbm>> -> memref<640x64xf32, #tpu.memory_space<hbm>>
      tpu.enqueue_dma source(%dma_start3A_37 : memref<640x64xf32, #tpu.memory_space<hbm>>) target(%dma_start3A_35 : memref<640x64xf32, #tpu.memory_space<vmem_shared>>) target_semaphore(%run_scoped3A : memref<!tpu.dma_semaphore, #tpu.memory_space<semaphore_mem>>)
      %dma_wait3A_38 = arith.constant 0 : i32
      %dma_wait3A_39 = tpu.memref_slice %arg13[%mul3A_2, %dma_wait3A_38] : memref<10008x64xf32, #tpu.memory_space<vmem_shared>> -> memref<640x64xf32, #tpu.memory_space<vmem_shared>>
      %dma_wait3A_40 = arith.constant 0 : i32
      %dma_wait3A_41 = tpu.memref_slice %arg5[%mul3A_2, %dma_wait3A_40] : memref<10000x64xf32, #tpu.memory_space<hbm>> -> memref<640x64xf32, #tpu.memory_space<hbm>>
      tpu.wait_dma2 semaphore(%run_scoped3A : memref<!tpu.dma_semaphore, #tpu.memory_space<semaphore_mem>>) src(%dma_wait3A_41 : memref<640x64xf32, #tpu.memory_space<hbm>>) dst(%dma_wait3A_39 : memref<640x64xf32, #tpu.memory_space<vmem_shared>>)
      tpu.yield
    }) : () -> ()
    "tpu.region"() ({
      %run_scoped3A = tpu.sem_alloc : memref<!tpu.dma_semaphore, #tpu.memory_space<semaphore_mem>>
      %dma_start3A_34 = arith.constant 0 : i32
      %dma_start3A_35 = tpu.memref_slice %arg14[%mul3A_2, %dma_start3A_34] : memref<10000x64xf32, #tpu.memory_space<vmem_shared>> -> memref<640x64xf32, #tpu.memory_space<vmem_shared>>
      %dma_start3A_36 = arith.constant 0 : i32
      %dma_start3A_37 = tpu.memref_slice %arg2[%mul3A_2, %dma_start3A_36] : memref<10000x64xf32, #tpu.memory_space<hbm>> -> memref<640x64xf32, #tpu.memory_space<hbm>>
      tpu.enqueue_dma source(%dma_start3A_37 : memref<640x64xf32, #tpu.memory_space<hbm>>) target(%dma_start3A_35 : memref<640x64xf32, #tpu.memory_space<vmem_shared>>) target_semaphore(%run_scoped3A : memref<!tpu.dma_semaphore, #tpu.memory_space<semaphore_mem>>)
      %dma_wait3A_38 = arith.constant 0 : i32
      %dma_wait3A_39 = tpu.memref_slice %arg14[%mul3A_2, %dma_wait3A_38] : memref<10000x64xf32, #tpu.memory_space<vmem_shared>> -> memref<640x64xf32, #tpu.memory_space<vmem_shared>>
      %dma_wait3A_40 = arith.constant 0 : i32
      %dma_wait3A_41 = tpu.memref_slice %arg2[%mul3A_2, %dma_wait3A_40] : memref<10000x64xf32, #tpu.memory_space<hbm>> -> memref<640x64xf32, #tpu.memory_space<hbm>>
      tpu.wait_dma2 semaphore(%run_scoped3A : memref<!tpu.dma_semaphore, #tpu.memory_space<semaphore_mem>>) src(%dma_wait3A_41 : memref<640x64xf32, #tpu.memory_space<hbm>>) dst(%dma_wait3A_39 : memref<640x64xf32, #tpu.memory_space<vmem_shared>>)
      tpu.yield
    }) : () -> ()
    %barrier3A = arith.constant 0 : index
    tpu.barrier barrier_id(%barrier3A)
    %dma_start3A = arith.constant 0 : i32
    %dma_start3A_3 = arith.constant 0 : i32
    %dma_start3A_4 = tpu.memref_slice %arg7[%dma_start3A, %dma_start3A_3] : memref<105x96xi32, #tpu.memory_space<vmem>> -> memref<1x96xi32, #tpu.memory_space<vmem>>
    %dma_start3A_5 = tpu.memref_squeeze %dma_start3A_4 : memref<1x96xi32, #tpu.memory_space<vmem>> -> memref<96xi32, #tpu.memory_space<vmem>>
    %dma_start3A_6 = arith.constant 0 : i32
    %dma_start3A_7 = arith.constant 0 : i32
    %dma_start3A_8 = tpu.memref_slice %arg14[%dma_start3A_6, %dma_start3A_7] : memref<10000x64xf32, #tpu.memory_space<vmem_shared>> -> memref<10000x64xf32, #tpu.memory_space<vmem_shared>>
    tpu.enqueue_indirect_dma source(%dma_start3A_8 : memref<10000x64xf32, #tpu.memory_space<vmem_shared>>) target(%arg9 : memref<96x64xf32, #tpu.memory_space<vmem>>) offsets(%dma_start3A_5 : memref<96xi32, #tpu.memory_space<vmem>>) semaphore(%arg15 : memref<!tpu.dma_semaphore, #tpu.memory_space<semaphore_mem>>)
    %dma_start3A_9 = arith.constant 1 : i32
    %dma_start3A_10 = arith.constant 0 : i32
    %dma_start3A_11 = tpu.memref_slice %arg7[%dma_start3A_9, %dma_start3A_10] : memref<105x96xi32, #tpu.memory_space<vmem>> -> memref<1x96xi32, #tpu.memory_space<vmem>>
    %dma_start3A_12 = tpu.memref_squeeze %dma_start3A_11 : memref<1x96xi32, #tpu.memory_space<vmem>> -> memref<96xi32, #tpu.memory_space<vmem>>
    %dma_start3A_13 = arith.constant 0 : i32
    %dma_start3A_14 = arith.constant 0 : i32
    %dma_start3A_15 = tpu.memref_slice %arg14[%dma_start3A_13, %dma_start3A_14] : memref<10000x64xf32, #tpu.memory_space<vmem_shared>> -> memref<10000x64xf32, #tpu.memory_space<vmem_shared>>
    tpu.enqueue_indirect_dma source(%dma_start3A_15 : memref<10000x64xf32, #tpu.memory_space<vmem_shared>>) target(%arg10 : memref<96x64xf32, #tpu.memory_space<vmem>>) offsets(%dma_start3A_12 : memref<96xi32, #tpu.memory_space<vmem>>) semaphore(%arg16 : memref<!tpu.dma_semaphore, #tpu.memory_space<semaphore_mem>>)
    %scan3A = arith.constant 0 : i32
    %scan3A_16 = arith.constant 27 : i32
    %scan3A_17 = arith.addi %scan3A, %scan3A_16 : i32
    %scan3A_18 = arith.constant 1 : i32
    scf.for %scan3A_34 = %scan3A to %scan3A_17 step %scan3A_18  : i32 {
      %mul3A_35 = arith.constant 4 : i32
      %mul3A_36 = arith.muli %scan3A_34, %mul3A_35 : i32
      %add3A_37 = arith.constant 0 : i32
      %add3A_38 = arith.addi %add3A_37, %mul3A_36 : i32
      %add3A_39 = arith.constant 0 : i32
      %add3A_40 = arith.addi %add3A_38, %add3A_39 : i32
      %lt3A = arith.constant 105 : i32
      %lt3A_41 = arith.cmpi slt, %add3A_40, %lt3A : i32
      %convert_element_type3A = arith.extui %lt3A_41 : i1 to i32
      %cond3A = arith.constant 0 : i32
      %cond3A_42 = arith.cmpi ne, %convert_element_type3A, %cond3A : i32
      scf.if %cond3A_42 {
        %dma_wait3A_142 = arith.constant 0 : i32
        %dma_wait3A_143 = arith.constant 0 : i32
        %dma_wait3A_144 = tpu.memref_slice %arg5[%dma_wait3A_142, %dma_wait3A_143] : memref<10000x64xf32, #tpu.memory_space<hbm>> -> memref<96x64xf32, #tpu.memory_space<hbm>>
        %dma_wait3A_145 = arith.constant 0 : i32
        %dma_wait3A_146 = arith.constant 0 : i32
        %dma_wait3A_147 = tpu.memref_slice %arg5[%dma_wait3A_145, %dma_wait3A_146] : memref<10000x64xf32, #tpu.memory_space<hbm>> -> memref<96x64xf32, #tpu.memory_space<hbm>>
        tpu.wait_dma2 semaphore(%arg15 : memref<!tpu.dma_semaphore, #tpu.memory_space<semaphore_mem>>) src(%dma_wait3A_147 : memref<96x64xf32, #tpu.memory_space<hbm>>) dst(%arg9 : memref<96x64xf32, #tpu.memory_space<vmem>>)
      } else {
      }
      %ge3A = arith.constant 2 : i32
      %ge3A_43 = arith.cmpi sge, %add3A_40, %ge3A : i32
      %lt3A_44 = arith.constant 105 : i32
      %lt3A_45 = arith.cmpi slt, %add3A_40, %lt3A_44 : i32
      %and3A = arith.andi %ge3A_43, %lt3A_45 : i1
      %convert_element_type3A_46 = arith.extui %and3A : i1 to i32
      %cond3A_47 = arith.constant 0 : i32
      %cond3A_48 = arith.cmpi ne, %convert_element_type3A_46, %cond3A_47 : i32
      scf.if %cond3A_48 {
        %dma_wait3A_142 = arith.constant 0 : i32
        %dma_wait3A_143 = arith.constant 0 : i32
        %dma_wait3A_144 = tpu.memref_slice %arg13[%dma_wait3A_142, %dma_wait3A_143] : memref<10008x64xf32, #tpu.memory_space<vmem_shared>> -> memref<96x64xf32, #tpu.memory_space<vmem_shared>>
        %dma_wait3A_145 = arith.constant 0 : i32
        %dma_wait3A_146 = arith.constant 0 : i32
        %dma_wait3A_147 = tpu.memref_slice %arg13[%dma_wait3A_145, %dma_wait3A_146] : memref<10008x64xf32, #tpu.memory_space<vmem_shared>> -> memref<96x64xf32, #tpu.memory_space<vmem_shared>>
        tpu.wait_dma2 semaphore(%arg21 : memref<!tpu.dma_semaphore, #tpu.memory_space<semaphore_mem>>) src(%arg11 : memref<96x64xf32, #tpu.memory_space<vmem>>) dst(%dma_wait3A_147 : memref<96x64xf32, #tpu.memory_space<vmem_shared>>)
      } else {
      }
      %add3A_49 = arith.constant 2 : i32
      %add3A_50 = arith.addi %add3A_40, %add3A_49 : i32
      %lt3A_51 = arith.constant 105 : i32
      %lt3A_52 = arith.cmpi slt, %add3A_50, %lt3A_51 : i32
      %convert_element_type3A_53 = arith.extui %lt3A_52 : i1 to i32
      %cond3A_54 = arith.constant 0 : i32
      %cond3A_55 = arith.cmpi ne, %convert_element_type3A_53, %cond3A_54 : i32
      scf.if %cond3A_55 {
        %add3A_142 = arith.constant 2 : i32
        %add3A_143 = arith.addi %add3A_40, %add3A_142 : i32
        %dma_start3A_144 = arith.constant 0 : i32
        %dma_start3A_145 = tpu.memref_slice %arg7[%add3A_143, %dma_start3A_144] : memref<105x96xi32, #tpu.memory_space<vmem>> -> memref<1x96xi32, #tpu.memory_space<vmem>>
        %dma_start3A_146 = tpu.memref_squeeze %dma_start3A_145 : memref<1x96xi32, #tpu.memory_space<vmem>> -> memref<96xi32, #tpu.memory_space<vmem>>
        %dma_start3A_147 = arith.constant 0 : i32
        %dma_start3A_148 = arith.constant 0 : i32
        %dma_start3A_149 = tpu.memref_slice %arg14[%dma_start3A_147, %dma_start3A_148] : memref<10000x64xf32, #tpu.memory_space<vmem_shared>> -> memref<10000x64xf32, #tpu.memory_space<vmem_shared>>
        tpu.enqueue_indirect_dma source(%dma_start3A_149 : memref<10000x64xf32, #tpu.memory_space<vmem_shared>>) target(%arg11 : memref<96x64xf32, #tpu.memory_space<vmem>>) offsets(%dma_start3A_146 : memref<96xi32, #tpu.memory_space<vmem>>) semaphore(%arg17 : memref<!tpu.dma_semaphore, #tpu.memory_space<semaphore_mem>>)
      } else {
      }
      %lt3A_56 = arith.constant 105 : i32
      %lt3A_57 = arith.cmpi slt, %add3A_40, %lt3A_56 : i32
      %convert_element_type3A_58 = arith.extui %lt3A_57 : i1 to i32
      %cond3A_59 = arith.constant 0 : i32
      %cond3A_60 = arith.cmpi ne, %convert_element_type3A_58, %cond3A_59 : i32
      scf.if %cond3A_60 {
        %dma_start3A_142 = arith.constant 0 : i32
        %dma_start3A_143 = tpu.memref_slice %arg8[%add3A_40, %dma_start3A_142] : memref<105x96xi32, #tpu.memory_space<vmem>> -> memref<1x96xi32, #tpu.memory_space<vmem>>
        %dma_start3A_144 = tpu.memref_squeeze %dma_start3A_143 : memref<1x96xi32, #tpu.memory_space<vmem>> -> memref<96xi32, #tpu.memory_space<vmem>>
        %dma_start3A_145 = arith.constant 0 : i32
        %dma_start3A_146 = arith.constant 0 : i32
        %dma_start3A_147 = tpu.memref_slice %arg13[%dma_start3A_145, %dma_start3A_146] : memref<10008x64xf32, #tpu.memory_space<vmem_shared>> -> memref<10008x64xf32, #tpu.memory_space<vmem_shared>>
        tpu.enqueue_indirect_dma source(%arg9 : memref<96x64xf32, #tpu.memory_space<vmem>>) target(%dma_start3A_147 : memref<10008x64xf32, #tpu.memory_space<vmem_shared>>) offsets(%dma_start3A_144 : memref<96xi32, #tpu.memory_space<vmem>>) semaphore(%arg19 : memref<!tpu.dma_semaphore, #tpu.memory_space<semaphore_mem>>) {add = true}
      } else {
      }
      %add3A_61 = arith.constant 1 : i32
      %add3A_62 = arith.addi %add3A_38, %add3A_61 : i32
      %lt3A_63 = arith.constant 105 : i32
      %lt3A_64 = arith.cmpi slt, %add3A_62, %lt3A_63 : i32
      %convert_element_type3A_65 = arith.extui %lt3A_64 : i1 to i32
      %cond3A_66 = arith.constant 0 : i32
      %cond3A_67 = arith.cmpi ne, %convert_element_type3A_65, %cond3A_66 : i32
      scf.if %cond3A_67 {
        %dma_wait3A_142 = arith.constant 0 : i32
        %dma_wait3A_143 = arith.constant 0 : i32
        %dma_wait3A_144 = tpu.memref_slice %arg5[%dma_wait3A_142, %dma_wait3A_143] : memref<10000x64xf32, #tpu.memory_space<hbm>> -> memref<96x64xf32, #tpu.memory_space<hbm>>
        %dma_wait3A_145 = arith.constant 0 : i32
        %dma_wait3A_146 = arith.constant 0 : i32
        %dma_wait3A_147 = tpu.memref_slice %arg5[%dma_wait3A_145, %dma_wait3A_146] : memref<10000x64xf32, #tpu.memory_space<hbm>> -> memref<96x64xf32, #tpu.memory_space<hbm>>
        tpu.wait_dma2 semaphore(%arg16 : memref<!tpu.dma_semaphore, #tpu.memory_space<semaphore_mem>>) src(%dma_wait3A_147 : memref<96x64xf32, #tpu.memory_space<hbm>>) dst(%arg10 : memref<96x64xf32, #tpu.memory_space<vmem>>)
      } else {
      }
      %ge3A_68 = arith.constant 2 : i32
      %ge3A_69 = arith.cmpi sge, %add3A_62, %ge3A_68 : i32
      %lt3A_70 = arith.constant 105 : i32
      %lt3A_71 = arith.cmpi slt, %add3A_62, %lt3A_70 : i32
      %and3A_72 = arith.andi %ge3A_69, %lt3A_71 : i1
      %convert_element_type3A_73 = arith.extui %and3A_72 : i1 to i32
      %cond3A_74 = arith.constant 0 : i32
      %cond3A_75 = arith.cmpi ne, %convert_element_type3A_73, %cond3A_74 : i32
      scf.if %cond3A_75 {
        %dma_wait3A_142 = arith.constant 0 : i32
        %dma_wait3A_143 = arith.constant 0 : i32
        %dma_wait3A_144 = tpu.memref_slice %arg13[%dma_wait3A_142, %dma_wait3A_143] : memref<10008x64xf32, #tpu.memory_space<vmem_shared>> -> memref<96x64xf32, #tpu.memory_space<vmem_shared>>
        %dma_wait3A_145 = arith.constant 0 : i32
        %dma_wait3A_146 = arith.constant 0 : i32
        %dma_wait3A_147 = tpu.memref_slice %arg13[%dma_wait3A_145, %dma_wait3A_146] : memref<10008x64xf32, #tpu.memory_space<vmem_shared>> -> memref<96x64xf32, #tpu.memory_space<vmem_shared>>
        tpu.wait_dma2 semaphore(%arg22 : memref<!tpu.dma_semaphore, #tpu.memory_space<semaphore_mem>>) src(%arg12 : memref<96x64xf32, #tpu.memory_space<vmem>>) dst(%dma_wait3A_147 : memref<96x64xf32, #tpu.memory_space<vmem_shared>>)
      } else {
      }
      %add3A_76 = arith.constant 2 : i32
      %add3A_77 = arith.addi %add3A_62, %add3A_76 : i32
      %lt3A_78 = arith.constant 105 : i32
      %lt3A_79 = arith.cmpi slt, %add3A_77, %lt3A_78 : i32
      %convert_element_type3A_80 = arith.extui %lt3A_79 : i1 to i32
      %cond3A_81 = arith.constant 0 : i32
      %cond3A_82 = arith.cmpi ne, %convert_element_type3A_80, %cond3A_81 : i32
      scf.if %cond3A_82 {
        %add3A_142 = arith.constant 2 : i32
        %add3A_143 = arith.addi %add3A_62, %add3A_142 : i32
        %dma_start3A_144 = arith.constant 0 : i32
        %dma_start3A_145 = tpu.memref_slice %arg7[%add3A_143, %dma_start3A_144] : memref<105x96xi32, #tpu.memory_space<vmem>> -> memref<1x96xi32, #tpu.memory_space<vmem>>
        %dma_start3A_146 = tpu.memref_squeeze %dma_start3A_145 : memref<1x96xi32, #tpu.memory_space<vmem>> -> memref<96xi32, #tpu.memory_space<vmem>>
        %dma_start3A_147 = arith.constant 0 : i32
        %dma_start3A_148 = arith.constant 0 : i32
        %dma_start3A_149 = tpu.memref_slice %arg14[%dma_start3A_147, %dma_start3A_148] : memref<10000x64xf32, #tpu.memory_space<vmem_shared>> -> memref<10000x64xf32, #tpu.memory_space<vmem_shared>>
        tpu.enqueue_indirect_dma source(%dma_start3A_149 : memref<10000x64xf32, #tpu.memory_space<vmem_shared>>) target(%arg12 : memref<96x64xf32, #tpu.memory_space<vmem>>) offsets(%dma_start3A_146 : memref<96xi32, #tpu.memory_space<vmem>>) semaphore(%arg18 : memref<!tpu.dma_semaphore, #tpu.memory_space<semaphore_mem>>)
      } else {
      }
      %lt3A_83 = arith.constant 105 : i32
      %lt3A_84 = arith.cmpi slt, %add3A_62, %lt3A_83 : i32
      %convert_element_type3A_85 = arith.extui %lt3A_84 : i1 to i32
      %cond3A_86 = arith.constant 0 : i32
      %cond3A_87 = arith.cmpi ne, %convert_element_type3A_85, %cond3A_86 : i32
      scf.if %cond3A_87 {
        %dma_start3A_142 = arith.constant 0 : i32
        %dma_start3A_143 = tpu.memref_slice %arg8[%add3A_62, %dma_start3A_142] : memref<105x96xi32, #tpu.memory_space<vmem>> -> memref<1x96xi32, #tpu.memory_space<vmem>>
        %dma_start3A_144 = tpu.memref_squeeze %dma_start3A_143 : memref<1x96xi32, #tpu.memory_space<vmem>> -> memref<96xi32, #tpu.memory_space<vmem>>
        %dma_start3A_145 = arith.constant 0 : i32
        %dma_start3A_146 = arith.constant 0 : i32
        %dma_start3A_147 = tpu.memref_slice %arg13[%dma_start3A_145, %dma_start3A_146] : memref<10008x64xf32, #tpu.memory_space<vmem_shared>> -> memref<10008x64xf32, #tpu.memory_space<vmem_shared>>
        tpu.enqueue_indirect_dma source(%arg10 : memref<96x64xf32, #tpu.memory_space<vmem>>) target(%dma_start3A_147 : memref<10008x64xf32, #tpu.memory_space<vmem_shared>>) offsets(%dma_start3A_144 : memref<96xi32, #tpu.memory_space<vmem>>) semaphore(%arg20 : memref<!tpu.dma_semaphore, #tpu.memory_space<semaphore_mem>>) {add = true}
      } else {
      }
      %add3A_88 = arith.constant 2 : i32
      %add3A_89 = arith.addi %add3A_38, %add3A_88 : i32
      %lt3A_90 = arith.constant 105 : i32
      %lt3A_91 = arith.cmpi slt, %add3A_89, %lt3A_90 : i32
      %convert_element_type3A_92 = arith.extui %lt3A_91 : i1 to i32
      %cond3A_93 = arith.constant 0 : i32
      %cond3A_94 = arith.cmpi ne, %convert_element_type3A_92, %cond3A_93 : i32
      scf.if %cond3A_94 {
        %dma_wait3A_142 = arith.constant 0 : i32
        %dma_wait3A_143 = arith.constant 0 : i32
        %dma_wait3A_144 = tpu.memref_slice %arg5[%dma_wait3A_142, %dma_wait3A_143] : memref<10000x64xf32, #tpu.memory_space<hbm>> -> memref<96x64xf32, #tpu.memory_space<hbm>>
        %dma_wait3A_145 = arith.constant 0 : i32
        %dma_wait3A_146 = arith.constant 0 : i32
        %dma_wait3A_147 = tpu.memref_slice %arg5[%dma_wait3A_145, %dma_wait3A_146] : memref<10000x64xf32, #tpu.memory_space<hbm>> -> memref<96x64xf32, #tpu.memory_space<hbm>>
        tpu.wait_dma2 semaphore(%arg17 : memref<!tpu.dma_semaphore, #tpu.memory_space<semaphore_mem>>) src(%dma_wait3A_147 : memref<96x64xf32, #tpu.memory_space<hbm>>) dst(%arg11 : memref<96x64xf32, #tpu.memory_space<vmem>>)
      } else {
      }
      %ge3A_95 = arith.constant 2 : i32
      %ge3A_96 = arith.cmpi sge, %add3A_89, %ge3A_95 : i32
      %lt3A_97 = arith.constant 105 : i32
      %lt3A_98 = arith.cmpi slt, %add3A_89, %lt3A_97 : i32
      %and3A_99 = arith.andi %ge3A_96, %lt3A_98 : i1
      %convert_element_type3A_100 = arith.extui %and3A_99 : i1 to i32
      %cond3A_101 = arith.constant 0 : i32
      %cond3A_102 = arith.cmpi ne, %convert_element_type3A_100, %cond3A_101 : i32
      scf.if %cond3A_102 {
        %dma_wait3A_142 = arith.constant 0 : i32
        %dma_wait3A_143 = arith.constant 0 : i32
        %dma_wait3A_144 = tpu.memref_slice %arg13[%dma_wait3A_142, %dma_wait3A_143] : memref<10008x64xf32, #tpu.memory_space<vmem_shared>> -> memref<96x64xf32, #tpu.memory_space<vmem_shared>>
        %dma_wait3A_145 = arith.constant 0 : i32
        %dma_wait3A_146 = arith.constant 0 : i32
        %dma_wait3A_147 = tpu.memref_slice %arg13[%dma_wait3A_145, %dma_wait3A_146] : memref<10008x64xf32, #tpu.memory_space<vmem_shared>> -> memref<96x64xf32, #tpu.memory_space<vmem_shared>>
        tpu.wait_dma2 semaphore(%arg19 : memref<!tpu.dma_semaphore, #tpu.memory_space<semaphore_mem>>) src(%arg9 : memref<96x64xf32, #tpu.memory_space<vmem>>) dst(%dma_wait3A_147 : memref<96x64xf32, #tpu.memory_space<vmem_shared>>)
      } else {
      }
      %add3A_103 = arith.constant 2 : i32
      %add3A_104 = arith.addi %add3A_89, %add3A_103 : i32
      %lt3A_105 = arith.constant 105 : i32
      %lt3A_106 = arith.cmpi slt, %add3A_104, %lt3A_105 : i32
      %convert_element_type3A_107 = arith.extui %lt3A_106 : i1 to i32
      %cond3A_108 = arith.constant 0 : i32
      %cond3A_109 = arith.cmpi ne, %convert_element_type3A_107, %cond3A_108 : i32
      scf.if %cond3A_109 {
        %add3A_142 = arith.constant 2 : i32
        %add3A_143 = arith.addi %add3A_89, %add3A_142 : i32
        %dma_start3A_144 = arith.constant 0 : i32
        %dma_start3A_145 = tpu.memref_slice %arg7[%add3A_143, %dma_start3A_144] : memref<105x96xi32, #tpu.memory_space<vmem>> -> memref<1x96xi32, #tpu.memory_space<vmem>>
        %dma_start3A_146 = tpu.memref_squeeze %dma_start3A_145 : memref<1x96xi32, #tpu.memory_space<vmem>> -> memref<96xi32, #tpu.memory_space<vmem>>
        %dma_start3A_147 = arith.constant 0 : i32
        %dma_start3A_148 = arith.constant 0 : i32
        %dma_start3A_149 = tpu.memref_slice %arg14[%dma_start3A_147, %dma_start3A_148] : memref<10000x64xf32, #tpu.memory_space<vmem_shared>> -> memref<10000x64xf32, #tpu.memory_space<vmem_shared>>
        tpu.enqueue_indirect_dma source(%dma_start3A_149 : memref<10000x64xf32, #tpu.memory_space<vmem_shared>>) target(%arg9 : memref<96x64xf32, #tpu.memory_space<vmem>>) offsets(%dma_start3A_146 : memref<96xi32, #tpu.memory_space<vmem>>) semaphore(%arg15 : memref<!tpu.dma_semaphore, #tpu.memory_space<semaphore_mem>>)
      } else {
      }
      %lt3A_110 = arith.constant 105 : i32
      %lt3A_111 = arith.cmpi slt, %add3A_89, %lt3A_110 : i32
      %convert_element_type3A_112 = arith.extui %lt3A_111 : i1 to i32
      %cond3A_113 = arith.constant 0 : i32
      %cond3A_114 = arith.cmpi ne, %convert_element_type3A_112, %cond3A_113 : i32
      scf.if %cond3A_114 {
        %dma_start3A_142 = arith.constant 0 : i32
        %dma_start3A_143 = tpu.memref_slice %arg8[%add3A_89, %dma_start3A_142] : memref<105x96xi32, #tpu.memory_space<vmem>> -> memref<1x96xi32, #tpu.memory_space<vmem>>
        %dma_start3A_144 = tpu.memref_squeeze %dma_start3A_143 : memref<1x96xi32, #tpu.memory_space<vmem>> -> memref<96xi32, #tpu.memory_space<vmem>>
        %dma_start3A_145 = arith.constant 0 : i32
        %dma_start3A_146 = arith.constant 0 : i32
        %dma_start3A_147 = tpu.memref_slice %arg13[%dma_start3A_145, %dma_start3A_146] : memref<10008x64xf32, #tpu.memory_space<vmem_shared>> -> memref<10008x64xf32, #tpu.memory_space<vmem_shared>>
        tpu.enqueue_indirect_dma source(%arg11 : memref<96x64xf32, #tpu.memory_space<vmem>>) target(%dma_start3A_147 : memref<10008x64xf32, #tpu.memory_space<vmem_shared>>) offsets(%dma_start3A_144 : memref<96xi32, #tpu.memory_space<vmem>>) semaphore(%arg21 : memref<!tpu.dma_semaphore, #tpu.memory_space<semaphore_mem>>) {add = true}
      } else {
      }
      %add3A_115 = arith.constant 3 : i32
      %add3A_116 = arith.addi %add3A_38, %add3A_115 : i32
      %lt3A_117 = arith.constant 105 : i32
      %lt3A_118 = arith.cmpi slt, %add3A_116, %lt3A_117 : i32
      %convert_element_type3A_119 = arith.extui %lt3A_118 : i1 to i32
      %cond3A_120 = arith.constant 0 : i32
      %cond3A_121 = arith.cmpi ne, %convert_element_type3A_119, %cond3A_120 : i32
      scf.if %cond3A_121 {
        %dma_wait3A_142 = arith.constant 0 : i32
        %dma_wait3A_143 = arith.constant 0 : i32
        %dma_wait3A_144 = tpu.memref_slice %arg5[%dma_wait3A_142, %dma_wait3A_143] : memref<10000x64xf32, #tpu.memory_space<hbm>> -> memref<96x64xf32, #tpu.memory_space<hbm>>
        %dma_wait3A_145 = arith.constant 0 : i32
        %dma_wait3A_146 = arith.constant 0 : i32
        %dma_wait3A_147 = tpu.memref_slice %arg5[%dma_wait3A_145, %dma_wait3A_146] : memref<10000x64xf32, #tpu.memory_space<hbm>> -> memref<96x64xf32, #tpu.memory_space<hbm>>
        tpu.wait_dma2 semaphore(%arg18 : memref<!tpu.dma_semaphore, #tpu.memory_space<semaphore_mem>>) src(%dma_wait3A_147 : memref<96x64xf32, #tpu.memory_space<hbm>>) dst(%arg12 : memref<96x64xf32, #tpu.memory_space<vmem>>)
      } else {
      }
      %ge3A_122 = arith.constant 2 : i32
      %ge3A_123 = arith.cmpi sge, %add3A_116, %ge3A_122 : i32
      %lt3A_124 = arith.constant 105 : i32
      %lt3A_125 = arith.cmpi slt, %add3A_116, %lt3A_124 : i32
      %and3A_126 = arith.andi %ge3A_123, %lt3A_125 : i1
      %convert_element_type3A_127 = arith.extui %and3A_126 : i1 to i32
      %cond3A_128 = arith.constant 0 : i32
      %cond3A_129 = arith.cmpi ne, %convert_element_type3A_127, %cond3A_128 : i32
      scf.if %cond3A_129 {
        %dma_wait3A_142 = arith.constant 0 : i32
        %dma_wait3A_143 = arith.constant 0 : i32
        %dma_wait3A_144 = tpu.memref_slice %arg13[%dma_wait3A_142, %dma_wait3A_143] : memref<10008x64xf32, #tpu.memory_space<vmem_shared>> -> memref<96x64xf32, #tpu.memory_space<vmem_shared>>
        %dma_wait3A_145 = arith.constant 0 : i32
        %dma_wait3A_146 = arith.constant 0 : i32
        %dma_wait3A_147 = tpu.memref_slice %arg13[%dma_wait3A_145, %dma_wait3A_146] : memref<10008x64xf32, #tpu.memory_space<vmem_shared>> -> memref<96x64xf32, #tpu.memory_space<vmem_shared>>
        tpu.wait_dma2 semaphore(%arg20 : memref<!tpu.dma_semaphore, #tpu.memory_space<semaphore_mem>>) src(%arg10 : memref<96x64xf32, #tpu.memory_space<vmem>>) dst(%dma_wait3A_147 : memref<96x64xf32, #tpu.memory_space<vmem_shared>>)
      } else {
      }
      %add3A_130 = arith.constant 2 : i32
      %add3A_131 = arith.addi %add3A_116, %add3A_130 : i32
      %lt3A_132 = arith.constant 105 : i32
      %lt3A_133 = arith.cmpi slt, %add3A_131, %lt3A_132 : i32
      %convert_element_type3A_134 = arith.extui %lt3A_133 : i1 to i32
      %cond3A_135 = arith.constant 0 : i32
      %cond3A_136 = arith.cmpi ne, %convert_element_type3A_134, %cond3A_135 : i32
      scf.if %cond3A_136 {
        %add3A_142 = arith.constant 2 : i32
        %add3A_143 = arith.addi %add3A_116, %add3A_142 : i32
        %dma_start3A_144 = arith.constant 0 : i32
        %dma_start3A_145 = tpu.memref_slice %arg7[%add3A_143, %dma_start3A_144] : memref<105x96xi32, #tpu.memory_space<vmem>> -> memref<1x96xi32, #tpu.memory_space<vmem>>
        %dma_start3A_146 = tpu.memref_squeeze %dma_start3A_145 : memref<1x96xi32, #tpu.memory_space<vmem>> -> memref<96xi32, #tpu.memory_space<vmem>>
        %dma_start3A_147 = arith.constant 0 : i32
        %dma_start3A_148 = arith.constant 0 : i32
        %dma_start3A_149 = tpu.memref_slice %arg14[%dma_start3A_147, %dma_start3A_148] : memref<10000x64xf32, #tpu.memory_space<vmem_shared>> -> memref<10000x64xf32, #tpu.memory_space<vmem_shared>>
        tpu.enqueue_indirect_dma source(%dma_start3A_149 : memref<10000x64xf32, #tpu.memory_space<vmem_shared>>) target(%arg10 : memref<96x64xf32, #tpu.memory_space<vmem>>) offsets(%dma_start3A_146 : memref<96xi32, #tpu.memory_space<vmem>>) semaphore(%arg16 : memref<!tpu.dma_semaphore, #tpu.memory_space<semaphore_mem>>)
      } else {
      }
      %lt3A_137 = arith.constant 105 : i32
      %lt3A_138 = arith.cmpi slt, %add3A_116, %lt3A_137 : i32
      %convert_element_type3A_139 = arith.extui %lt3A_138 : i1 to i32
      %cond3A_140 = arith.constant 0 : i32
      %cond3A_141 = arith.cmpi ne, %convert_element_type3A_139, %cond3A_140 : i32
      scf.if %cond3A_141 {
        %dma_start3A_142 = arith.constant 0 : i32
        %dma_start3A_143 = tpu.memref_slice %arg8[%add3A_116, %dma_start3A_142] : memref<105x96xi32, #tpu.memory_space<vmem>> -> memref<1x96xi32, #tpu.memory_space<vmem>>
        %dma_start3A_144 = tpu.memref_squeeze %dma_start3A_143 : memref<1x96xi32, #tpu.memory_space<vmem>> -> memref<96xi32, #tpu.memory_space<vmem>>
        %dma_start3A_145 = arith.constant 0 : i32
        %dma_start3A_146 = arith.constant 0 : i32
        %dma_start3A_147 = tpu.memref_slice %arg13[%dma_start3A_145, %dma_start3A_146] : memref<10008x64xf32, #tpu.memory_space<vmem_shared>> -> memref<10008x64xf32, #tpu.memory_space<vmem_shared>>
        tpu.enqueue_indirect_dma source(%arg12 : memref<96x64xf32, #tpu.memory_space<vmem>>) target(%dma_start3A_147 : memref<10008x64xf32, #tpu.memory_space<vmem_shared>>) offsets(%dma_start3A_144 : memref<96xi32, #tpu.memory_space<vmem>>) semaphore(%arg22 : memref<!tpu.dma_semaphore, #tpu.memory_space<semaphore_mem>>) {add = true}
      } else {
      }
    }
    %scan3A_19 = arith.constant 27 : i32
    %dma_wait3A = arith.constant 0 : i32
    %dma_wait3A_20 = arith.constant 0 : i32
    %dma_wait3A_21 = tpu.memref_slice %arg13[%dma_wait3A, %dma_wait3A_20] : memref<10008x64xf32, #tpu.memory_space<vmem_shared>> -> memref<96x64xf32, #tpu.memory_space<vmem_shared>>
    %dma_wait3A_22 = arith.constant 0 : i32
    %dma_wait3A_23 = arith.constant 0 : i32
    %dma_wait3A_24 = tpu.memref_slice %arg13[%dma_wait3A_22, %dma_wait3A_23] : memref<10008x64xf32, #tpu.memory_space<vmem_shared>> -> memref<96x64xf32, #tpu.memory_space<vmem_shared>>
    tpu.wait_dma2 semaphore(%arg22 : memref<!tpu.dma_semaphore, #tpu.memory_space<semaphore_mem>>) src(%arg12 : memref<96x64xf32, #tpu.memory_space<vmem>>) dst(%dma_wait3A_24 : memref<96x64xf32, #tpu.memory_space<vmem_shared>>)
    %dma_wait3A_25 = arith.constant 0 : i32
    %dma_wait3A_26 = arith.constant 0 : i32
    %dma_wait3A_27 = tpu.memref_slice %arg13[%dma_wait3A_25, %dma_wait3A_26] : memref<10008x64xf32, #tpu.memory_space<vmem_shared>> -> memref<96x64xf32, #tpu.memory_space<vmem_shared>>
    %dma_wait3A_28 = arith.constant 0 : i32
    %dma_wait3A_29 = arith.constant 0 : i32
    %dma_wait3A_30 = tpu.memref_slice %arg13[%dma_wait3A_28, %dma_wait3A_29] : memref<10008x64xf32, #tpu.memory_space<vmem_shared>> -> memref<96x64xf32, #tpu.memory_space<vmem_shared>>
    tpu.wait_dma2 semaphore(%arg19 : memref<!tpu.dma_semaphore, #tpu.memory_space<semaphore_mem>>) src(%arg9 : memref<96x64xf32, #tpu.memory_space<vmem>>) dst(%dma_wait3A_30 : memref<96x64xf32, #tpu.memory_space<vmem_shared>>)
    %barrier3A_31 = arith.constant 0 : index
    tpu.barrier barrier_id(%barrier3A_31)
    %add3A_32 = arith.constant 0 : i32
    %add3A_33 = arith.addi %add3A_32, %arg0 : i32
    "tpu.region"() ({
      %run_scoped3A = tpu.sem_alloc : memref<!tpu.dma_semaphore, #tpu.memory_space<semaphore_mem>>
      %dma_start3A_34 = arith.constant 0 : i32
      %dma_start3A_35 = tpu.memref_slice %arg6[%add3A_33, %mul3A_2, %dma_start3A_34] : memref<2x10000x64xf32, #tpu.memory_space<hbm>> -> memref<1x640x64xf32, #tpu.memory_space<hbm>>
      %dma_start3A_36 = tpu.memref_squeeze %dma_start3A_35 : memref<1x640x64xf32, #tpu.memory_space<hbm>> -> memref<640x64xf32, #tpu.memory_space<hbm>>
      %dma_start3A_37 = arith.constant 0 : i32
      %dma_start3A_38 = tpu.memref_slice %arg13[%mul3A_2, %dma_start3A_37] : memref<10008x64xf32, #tpu.memory_space<vmem_shared>> -> memref<640x64xf32, #tpu.memory_space<vmem_shared>>
      tpu.enqueue_dma source(%dma_start3A_38 : memref<640x64xf32, #tpu.memory_space<vmem_shared>>) target(%dma_start3A_36 : memref<640x64xf32, #tpu.memory_space<hbm>>) target_semaphore(%run_scoped3A : memref<!tpu.dma_semaphore, #tpu.memory_space<semaphore_mem>>)
      %dma_wait3A_39 = arith.constant 0 : i32
      %dma_wait3A_40 = tpu.memref_slice %arg6[%add3A_33, %mul3A_2, %dma_wait3A_39] : memref<2x10000x64xf32, #tpu.memory_space<hbm>> -> memref<1x640x64xf32, #tpu.memory_space<hbm>>
      %dma_wait3A_41 = tpu.memref_squeeze %dma_wait3A_40 : memref<1x640x64xf32, #tpu.memory_space<hbm>> -> memref<640x64xf32, #tpu.memory_space<hbm>>
      %dma_wait3A_42 = arith.constant 0 : i32
      %dma_wait3A_43 = tpu.memref_slice %arg13[%mul3A_2, %dma_wait3A_42] : memref<10008x64xf32, #tpu.memory_space<vmem_shared>> -> memref<640x64xf32, #tpu.memory_space<vmem_shared>>
      tpu.wait_dma2 semaphore(%run_scoped3A : memref<!tpu.dma_semaphore, #tpu.memory_space<semaphore_mem>>) src(%dma_wait3A_43 : memref<640x64xf32, #tpu.memory_space<vmem_shared>>) dst(%dma_wait3A_41 : memref<640x64xf32, #tpu.memory_space<hbm>>)
      tpu.yield
    }) : () -> ()
    return
  }
}

#map = affine_map<(d0, d1) -> (0, 0)>
#map1 = affine_map<(d0, d1) -> (0, 0, 0)>
module attributes {stable_mosaic.version = 14 : i64} {
  func.func @spmm(%arg0: i32, %arg1: i32, %arg2: memref<10000x64xf32, #tpu.memory_space<hbm>>, %arg3: memref<32x105x96xi32, #tpu.memory_space<hbm>>, %arg4: memref<32x105x96xi32, #tpu.memory_space<hbm>>, %arg5: memref<10000x64xf32, #tpu.memory_space<hbm>>, %arg6: memref<2x10000x64xf32, #tpu.memory_space<hbm>>, %arg7: memref<105x96xi32, #tpu.memory_space<vmem>>, %arg8: memref<105x96xi32, #tpu.memory_space<vmem>>, %arg9: memref<96x64xf32, #tpu.memory_space<vmem>>, %arg10: memref<96x64xf32, #tpu.memory_space<vmem>>, %arg11: memref<96x64xf32, #tpu.memory_space<vmem>>, %arg12: memref<96x64xf32, #tpu.memory_space<vmem>>, %arg13: memref<10008x64xf32, #tpu.memory_space<vmem_shared>>, %arg14: memref<10000x64xf32, #tpu.memory_space<vmem_shared>>, %arg15: memref<!tpu.dma_semaphore, #tpu.memory_space<semaphore_mem>>, %arg16: memref<!tpu.dma_semaphore, #tpu.memory_space<semaphore_mem>>, %arg17: memref<!tpu.dma_semaphore, #tpu.memory_space<semaphore_mem>>, %arg18: memref<!tpu.dma_semaphore, #tpu.memory_space<semaphore_mem>>, %arg19: memref<!tpu.dma_semaphore, #tpu.memory_space<semaphore_mem>>, %arg20: memref<!tpu.dma_semaphore, #tpu.memory_space<semaphore_mem>>, %arg21: memref<!tpu.dma_semaphore, #tpu.memory_space<semaphore_mem>>, %arg22: memref<!tpu.dma_semaphore, #tpu.memory_space<semaphore_mem>>) attributes {dimension_semantics = [#tpu.dimension_semantics<core_parallel>, #tpu.dimension_semantics<subcore_parallel>], iteration_bounds = array<i64: 2, 16>, scalar_prefetch = 0 : i64, scratch_operands = 16 : i64, tpu.core_type = #tpu.core_type<sc_vector_subcore>, window_params = [{transform_indices = #map}, {transform_indices = #map1}, {transform_indices = #map1}, {transform_indices = #map}, {transform_indices = #map1}]} {
    %mul3A = arith.constant 2 : i32
    %mul3A_0 = arith.muli %arg1, %mul3A : i32
    %add3A = arith.addi %mul3A_0, %arg0 : i32
    %mul3A_1 = arith.constant 624 : i32
    %mul3A_2 = arith.muli %arg1, %mul3A_1 : i32
    "tpu.region"() ({
      %run_scoped3A = tpu.sem_alloc : memref<!tpu.dma_semaphore, #tpu.memory_space<semaphore_mem>>
      %dma_start3A_34 = arith.constant 0 : i32
      %dma_start3A_35 = arith.constant 0 : i32
      %dma_start3A_36 = tpu.memref_slice %arg3[%add3A, %dma_start3A_34, %dma_start3A_35] : memref<32x105x96xi32, #tpu.memory_space<hbm>> -> memref<1x105x96xi32, #tpu.memory_space<hbm>>
      %dma_start3A_37 = tpu.memref_squeeze %dma_start3A_36 : memref<1x105x96xi32, #tpu.memory_space<hbm>> -> memref<105x96xi32, #tpu.memory_space<hbm>>
      %dma_start3A_38 = arith.constant 0 : i32
      %dma_start3A_39 = arith.constant 0 : i32
      %dma_start3A_40 = tpu.memref_slice %arg3[%add3A, %dma_start3A_38, %dma_start3A_39] : memref<32x105x96xi32, #tpu.memory_space<hbm>> -> memref<1x105x96xi32, #tpu.memory_space<hbm>>
      %dma_start3A_41 = tpu.memref_squeeze %dma_start3A_40 : memref<1x105x96xi32, #tpu.memory_space<hbm>> -> memref<105x96xi32, #tpu.memory_space<hbm>>
      tpu.enqueue_dma source(%dma_start3A_41 : memref<105x96xi32, #tpu.memory_space<hbm>>) target(%arg7 : memref<105x96xi32, #tpu.memory_space<vmem>>) target_semaphore(%run_scoped3A : memref<!tpu.dma_semaphore, #tpu.memory_space<semaphore_mem>>)
      %dma_wait3A_42 = arith.constant 0 : i32
      %dma_wait3A_43 = arith.constant 0 : i32
      %dma_wait3A_44 = tpu.memref_slice %arg3[%add3A, %dma_wait3A_42, %dma_wait3A_43] : memref<32x105x96xi32, #tpu.memory_space<hbm>> -> memref<1x105x96xi32, #tpu.memory_space<hbm>>
      %dma_wait3A_45 = tpu.memref_squeeze %dma_wait3A_44 : memref<1x105x96xi32, #tpu.memory_space<hbm>> -> memref<105x96xi32, #tpu.memory_space<hbm>>
      %dma_wait3A_46 = arith.constant 0 : i32
      %dma_wait3A_47 = arith.constant 0 : i32
      %dma_wait3A_48 = tpu.memref_slice %arg3[%add3A, %dma_wait3A_46, %dma_wait3A_47] : memref<32x105x96xi32, #tpu.memory_space<hbm>> -> memref<1x105x96xi32, #tpu.memory_space<hbm>>
      %dma_wait3A_49 = tpu.memref_squeeze %dma_wait3A_48 : memref<1x105x96xi32, #tpu.memory_space<hbm>> -> memref<105x96xi32, #tpu.memory_space<hbm>>
      tpu.wait_dma2 semaphore(%run_scoped3A : memref<!tpu.dma_semaphore, #tpu.memory_space<semaphore_mem>>) src(%dma_wait3A_49 : memref<105x96xi32, #tpu.memory_space<hbm>>) dst(%arg7 : memref<105x96xi32, #tpu.memory_space<vmem>>)
      tpu.yield
    }) : () -> ()
    "tpu.region"() ({
      %run_scoped3A = tpu.sem_alloc : memref<!tpu.dma_semaphore, #tpu.memory_space<semaphore_mem>>
      %dma_start3A_34 = arith.constant 0 : i32
      %dma_start3A_35 = arith.constant 0 : i32
      %dma_start3A_36 = tpu.memref_slice %arg4[%add3A, %dma_start3A_34, %dma_start3A_35] : memref<32x105x96xi32, #tpu.memory_space<hbm>> -> memref<1x105x96xi32, #tpu.memory_space<hbm>>
      %dma_start3A_37 = tpu.memref_squeeze %dma_start3A_36 : memref<1x105x96xi32, #tpu.memory_space<hbm>> -> memref<105x96xi32, #tpu.memory_space<hbm>>
      %dma_start3A_38 = arith.constant 0 : i32
      %dma_start3A_39 = arith.constant 0 : i32
      %dma_start3A_40 = tpu.memref_slice %arg4[%add3A, %dma_start3A_38, %dma_start3A_39] : memref<32x105x96xi32, #tpu.memory_space<hbm>> -> memref<1x105x96xi32, #tpu.memory_space<hbm>>
      %dma_start3A_41 = tpu.memref_squeeze %dma_start3A_40 : memref<1x105x96xi32, #tpu.memory_space<hbm>> -> memref<105x96xi32, #tpu.memory_space<hbm>>
      tpu.enqueue_dma source(%dma_start3A_41 : memref<105x96xi32, #tpu.memory_space<hbm>>) target(%arg8 : memref<105x96xi32, #tpu.memory_space<vmem>>) target_semaphore(%run_scoped3A : memref<!tpu.dma_semaphore, #tpu.memory_space<semaphore_mem>>)
      %dma_wait3A_42 = arith.constant 0 : i32
      %dma_wait3A_43 = arith.constant 0 : i32
      %dma_wait3A_44 = tpu.memref_slice %arg4[%add3A, %dma_wait3A_42, %dma_wait3A_43] : memref<32x105x96xi32, #tpu.memory_space<hbm>> -> memref<1x105x96xi32, #tpu.memory_space<hbm>>
      %dma_wait3A_45 = tpu.memref_squeeze %dma_wait3A_44 : memref<1x105x96xi32, #tpu.memory_space<hbm>> -> memref<105x96xi32, #tpu.memory_space<hbm>>
      %dma_wait3A_46 = arith.constant 0 : i32
      %dma_wait3A_47 = arith.constant 0 : i32
      %dma_wait3A_48 = tpu.memref_slice %arg4[%add3A, %dma_wait3A_46, %dma_wait3A_47] : memref<32x105x96xi32, #tpu.memory_space<hbm>> -> memref<1x105x96xi32, #tpu.memory_space<hbm>>
      %dma_wait3A_49 = tpu.memref_squeeze %dma_wait3A_48 : memref<1x105x96xi32, #tpu.memory_space<hbm>> -> memref<105x96xi32, #tpu.memory_space<hbm>>
      tpu.wait_dma2 semaphore(%run_scoped3A : memref<!tpu.dma_semaphore, #tpu.memory_space<semaphore_mem>>) src(%dma_wait3A_49 : memref<105x96xi32, #tpu.memory_space<hbm>>) dst(%arg8 : memref<105x96xi32, #tpu.memory_space<vmem>>)
      tpu.yield
    }) : () -> ()
    "tpu.region"() ({
      %run_scoped3A = tpu.sem_alloc : memref<!tpu.dma_semaphore, #tpu.memory_space<semaphore_mem>>
      %dma_start3A_34 = arith.constant 0 : i32
      %dma_start3A_35 = tpu.memref_slice %arg13[%mul3A_2, %dma_start3A_34] : memref<10008x64xf32, #tpu.memory_space<vmem_shared>> -> memref<640x64xf32, #tpu.memory_space<vmem_shared>>
      %dma_start3A_36 = arith.constant 0 : i32
      %dma_start3A_37 = tpu.memref_slice %arg5[%mul3A_2, %dma_start3A_36] : memref<10000x64xf32, #tpu.memory_space<hbm>> -> memref<640x64xf32, #tpu.memory_space<hbm>>
      tpu.enqueue_dma source(%dma_start3A_37 : memref<640x64xf32, #tpu.memory_space<hbm>>) target(%dma_start3A_35 : memref<640x64xf32, #tpu.memory_space<vmem_shared>>) target_semaphore(%run_scoped3A : memref<!tpu.dma_semaphore, #tpu.memory_space<semaphore_mem>>)
      %dma_wait3A_38 = arith.constant 0 : i32
      %dma_wait3A_39 = tpu.memref_slice %arg13[%mul3A_2, %dma_wait3A_38] : memref<10008x64xf32, #tpu.memory_space<vmem_shared>> -> memref<640x64xf32, #tpu.memory_space<vmem_shared>>
      %dma_wait3A_40 = arith.constant 0 : i32
      %dma_wait3A_41 = tpu.memref_slice %arg5[%mul3A_2, %dma_wait3A_40] : memref<10000x64xf32, #tpu.memory_space<hbm>> -> memref<640x64xf32, #tpu.memory_space<hbm>>
      tpu.wait_dma2 semaphore(%run_scoped3A : memref<!tpu.dma_semaphore, #tpu.memory_space<semaphore_mem>>) src(%dma_wait3A_41 : memref<640x64xf32, #tpu.memory_space<hbm>>) dst(%dma_wait3A_39 : memref<640x64xf32, #tpu.memory_space<vmem_shared>>)
      tpu.yield
    }) : () -> ()
    "tpu.region"() ({
      %run_scoped3A = tpu.sem_alloc : memref<!tpu.dma_semaphore, #tpu.memory_space<semaphore_mem>>
      %dma_start3A_34 = arith.constant 0 : i32
      %dma_start3A_35 = tpu.memref_slice %arg14[%mul3A_2, %dma_start3A_34] : memref<10000x64xf32, #tpu.memory_space<vmem_shared>> -> memref<640x64xf32, #tpu.memory_space<vmem_shared>>
      %dma_start3A_36 = arith.constant 0 : i32
      %dma_start3A_37 = tpu.memref_slice %arg2[%mul3A_2, %dma_start3A_36] : memref<10000x64xf32, #tpu.memory_space<hbm>> -> memref<640x64xf32, #tpu.memory_space<hbm>>
      tpu.enqueue_dma source(%dma_start3A_37 : memref<640x64xf32, #tpu.memory_space<hbm>>) target(%dma_start3A_35 : memref<640x64xf32, #tpu.memory_space<vmem_shared>>) target_semaphore(%run_scoped3A : memref<!tpu.dma_semaphore, #tpu.memory_space<semaphore_mem>>)
      %dma_wait3A_38 = arith.constant 0 : i32
      %dma_wait3A_39 = tpu.memref_slice %arg14[%mul3A_2, %dma_wait3A_38] : memref<10000x64xf32, #tpu.memory_space<vmem_shared>> -> memref<640x64xf32, #tpu.memory_space<vmem_shared>>
      %dma_wait3A_40 = arith.constant 0 : i32
      %dma_wait3A_41 = tpu.memref_slice %arg2[%mul3A_2, %dma_wait3A_40] : memref<10000x64xf32, #tpu.memory_space<hbm>> -> memref<640x64xf32, #tpu.memory_space<hbm>>
      tpu.wait_dma2 semaphore(%run_scoped3A : memref<!tpu.dma_semaphore, #tpu.memory_space<semaphore_mem>>) src(%dma_wait3A_41 : memref<640x64xf32, #tpu.memory_space<hbm>>) dst(%dma_wait3A_39 : memref<640x64xf32, #tpu.memory_space<vmem_shared>>)
      tpu.yield
    }) : () -> ()
    %barrier3A = arith.constant 0 : index
    tpu.barrier barrier_id(%barrier3A)
    %dma_start3A = arith.constant 0 : i32
    %dma_start3A_3 = arith.constant 0 : i32
    %dma_start3A_4 = tpu.memref_slice %arg7[%dma_start3A, %dma_start3A_3] : memref<105x96xi32, #tpu.memory_space<vmem>> -> memref<1x96xi32, #tpu.memory_space<vmem>>
    %dma_start3A_5 = tpu.memref_squeeze %dma_start3A_4 : memref<1x96xi32, #tpu.memory_space<vmem>> -> memref<96xi32, #tpu.memory_space<vmem>>
    %dma_start3A_6 = arith.constant 0 : i32
    %dma_start3A_7 = arith.constant 0 : i32
    %dma_start3A_8 = tpu.memref_slice %arg14[%dma_start3A_6, %dma_start3A_7] : memref<10000x64xf32, #tpu.memory_space<vmem_shared>> -> memref<10000x64xf32, #tpu.memory_space<vmem_shared>>
    tpu.enqueue_indirect_dma source(%dma_start3A_8 : memref<10000x64xf32, #tpu.memory_space<vmem_shared>>) target(%arg9 : memref<96x64xf32, #tpu.memory_space<vmem>>) offsets(%dma_start3A_5 : memref<96xi32, #tpu.memory_space<vmem>>) semaphore(%arg15 : memref<!tpu.dma_semaphore, #tpu.memory_space<semaphore_mem>>)
    %dma_start3A_9 = arith.constant 1 : i32
    %dma_start3A_10 = arith.constant 0 : i32
    %dma_start3A_11 = tpu.memref_slice %arg7[%dma_start3A_9, %dma_start3A_10] : memref<105x96xi32, #tpu.memory_space<vmem>> -> memref<1x96xi32, #tpu.memory_space<vmem>>
    %dma_start3A_12 = tpu.memref_squeeze %dma_start3A_11 : memref<1x96xi32, #tpu.memory_space<vmem>> -> memref<96xi32, #tpu.memory_space<vmem>>
    %dma_start3A_13 = arith.constant 0 : i32
    %dma_start3A_14 = arith.constant 0 : i32
    %dma_start3A_15 = tpu.memref_slice %arg14[%dma_start3A_13, %dma_start3A_14] : memref<10000x64xf32, #tpu.memory_space<vmem_shared>> -> memref<10000x64xf32, #tpu.memory_space<vmem_shared>>
    tpu.enqueue_indirect_dma source(%dma_start3A_15 : memref<10000x64xf32, #tpu.memory_space<vmem_shared>>) target(%arg10 : memref<96x64xf32, #tpu.memory_space<vmem>>) offsets(%dma_start3A_12 : memref<96xi32, #tpu.memory_space<vmem>>) semaphore(%arg16 : memref<!tpu.dma_semaphore, #tpu.memory_space<semaphore_mem>>)
    %scan3A = arith.constant 0 : i32
    %scan3A_16 = arith.constant 27 : i32
    %scan3A_17 = arith.addi %scan3A, %scan3A_16 : i32
    %scan3A_18 = arith.constant 1 : i32
    scf.for %scan3A_34 = %scan3A to %scan3A_17 step %scan3A_18  : i32 {
      %mul3A_35 = arith.constant 4 : i32
      %mul3A_36 = arith.muli %scan3A_34, %mul3A_35 : i32
      %add3A_37 = arith.constant 0 : i32
      %add3A_38 = arith.addi %add3A_37, %mul3A_36 : i32
      %add3A_39 = arith.constant 0 : i32
      %add3A_40 = arith.addi %add3A_38, %add3A_39 : i32
      %lt3A = arith.constant 105 : i32
      %lt3A_41 = arith.cmpi slt, %add3A_40, %lt3A : i32
      %convert_element_type3A = arith.extui %lt3A_41 : i1 to i32
      %cond3A = arith.constant 0 : i32
      %cond3A_42 = arith.cmpi ne, %convert_element_type3A, %cond3A : i32
      scf.if %cond3A_42 {
        %dma_wait3A_142 = arith.constant 0 : i32
        %dma_wait3A_143 = arith.constant 0 : i32
        %dma_wait3A_144 = tpu.memref_slice %arg5[%dma_wait3A_142, %dma_wait3A_143] : memref<10000x64xf32, #tpu.memory_space<hbm>> -> memref<96x64xf32, #tpu.memory_space<hbm>>
        %dma_wait3A_145 = arith.constant 0 : i32
        %dma_wait3A_146 = arith.constant 0 : i32
        %dma_wait3A_147 = tpu.memref_slice %arg5[%dma_wait3A_145, %dma_wait3A_146] : memref<10000x64xf32, #tpu.memory_space<hbm>> -> memref<96x64xf32, #tpu.memory_space<hbm>>
        tpu.wait_dma2 semaphore(%arg15 : memref<!tpu.dma_semaphore, #tpu.memory_space<semaphore_mem>>) src(%dma_wait3A_147 : memref<96x64xf32, #tpu.memory_space<hbm>>) dst(%arg9 : memref<96x64xf32, #tpu.memory_space<vmem>>)
      } else {
      }
      %ge3A = arith.constant 2 : i32
      %ge3A_43 = arith.cmpi sge, %add3A_40, %ge3A : i32
      %lt3A_44 = arith.constant 105 : i32
      %lt3A_45 = arith.cmpi slt, %add3A_40, %lt3A_44 : i32
      %and3A = arith.andi %ge3A_43, %lt3A_45 : i1
      %convert_element_type3A_46 = arith.extui %and3A : i1 to i32
      %cond3A_47 = arith.constant 0 : i32
      %cond3A_48 = arith.cmpi ne, %convert_element_type3A_46, %cond3A_47 : i32
      scf.if %cond3A_48 {
        %dma_wait3A_142 = arith.constant 0 : i32
        %dma_wait3A_143 = arith.constant 0 : i32
        %dma_wait3A_144 = tpu.memref_slice %arg13[%dma_wait3A_142, %dma_wait3A_143] : memref<10008x64xf32, #tpu.memory_space<vmem_shared>> -> memref<96x64xf32, #tpu.memory_space<vmem_shared>>
        %dma_wait3A_145 = arith.constant 0 : i32
        %dma_wait3A_146 = arith.constant 0 : i32
        %dma_wait3A_147 = tpu.memref_slice %arg13[%dma_wait3A_145, %dma_wait3A_146] : memref<10008x64xf32, #tpu.memory_space<vmem_shared>> -> memref<96x64xf32, #tpu.memory_space<vmem_shared>>
        tpu.wait_dma2 semaphore(%arg21 : memref<!tpu.dma_semaphore, #tpu.memory_space<semaphore_mem>>) src(%arg11 : memref<96x64xf32, #tpu.memory_space<vmem>>) dst(%dma_wait3A_147 : memref<96x64xf32, #tpu.memory_space<vmem_shared>>)
      } else {
      }
      %add3A_49 = arith.constant 2 : i32
      %add3A_50 = arith.addi %add3A_40, %add3A_49 : i32
      %lt3A_51 = arith.constant 105 : i32
      %lt3A_52 = arith.cmpi slt, %add3A_50, %lt3A_51 : i32
      %convert_element_type3A_53 = arith.extui %lt3A_52 : i1 to i32
      %cond3A_54 = arith.constant 0 : i32
      %cond3A_55 = arith.cmpi ne, %convert_element_type3A_53, %cond3A_54 : i32
      scf.if %cond3A_55 {
        %add3A_142 = arith.constant 2 : i32
        %add3A_143 = arith.addi %add3A_40, %add3A_142 : i32
        %dma_start3A_144 = arith.constant 0 : i32
        %dma_start3A_145 = tpu.memref_slice %arg7[%add3A_143, %dma_start3A_144] : memref<105x96xi32, #tpu.memory_space<vmem>> -> memref<1x96xi32, #tpu.memory_space<vmem>>
        %dma_start3A_146 = tpu.memref_squeeze %dma_start3A_145 : memref<1x96xi32, #tpu.memory_space<vmem>> -> memref<96xi32, #tpu.memory_space<vmem>>
        %dma_start3A_147 = arith.constant 0 : i32
        %dma_start3A_148 = arith.constant 0 : i32
        %dma_start3A_149 = tpu.memref_slice %arg14[%dma_start3A_147, %dma_start3A_148] : memref<10000x64xf32, #tpu.memory_space<vmem_shared>> -> memref<10000x64xf32, #tpu.memory_space<vmem_shared>>
        tpu.enqueue_indirect_dma source(%dma_start3A_149 : memref<10000x64xf32, #tpu.memory_space<vmem_shared>>) target(%arg11 : memref<96x64xf32, #tpu.memory_space<vmem>>) offsets(%dma_start3A_146 : memref<96xi32, #tpu.memory_space<vmem>>) semaphore(%arg17 : memref<!tpu.dma_semaphore, #tpu.memory_space<semaphore_mem>>)
      } else {
      }
      %lt3A_56 = arith.constant 105 : i32
      %lt3A_57 = arith.cmpi slt, %add3A_40, %lt3A_56 : i32
      %convert_element_type3A_58 = arith.extui %lt3A_57 : i1 to i32
      %cond3A_59 = arith.constant 0 : i32
      %cond3A_60 = arith.cmpi ne, %convert_element_type3A_58, %cond3A_59 : i32
      scf.if %cond3A_60 {
        %dma_start3A_142 = arith.constant 0 : i32
        %dma_start3A_143 = tpu.memref_slice %arg8[%add3A_40, %dma_start3A_142] : memref<105x96xi32, #tpu.memory_space<vmem>> -> memref<1x96xi32, #tpu.memory_space<vmem>>
        %dma_start3A_144 = tpu.memref_squeeze %dma_start3A_143 : memref<1x96xi32, #tpu.memory_space<vmem>> -> memref<96xi32, #tpu.memory_space<vmem>>
        %dma_start3A_145 = arith.constant 0 : i32
        %dma_start3A_146 = arith.constant 0 : i32
        %dma_start3A_147 = tpu.memref_slice %arg13[%dma_start3A_145, %dma_start3A_146] : memref<10008x64xf32, #tpu.memory_space<vmem_shared>> -> memref<10008x64xf32, #tpu.memory_space<vmem_shared>>
        tpu.enqueue_indirect_dma source(%arg9 : memref<96x64xf32, #tpu.memory_space<vmem>>) target(%dma_start3A_147 : memref<10008x64xf32, #tpu.memory_space<vmem_shared>>) offsets(%dma_start3A_144 : memref<96xi32, #tpu.memory_space<vmem>>) semaphore(%arg19 : memref<!tpu.dma_semaphore, #tpu.memory_space<semaphore_mem>>) {add = true}
      } else {
      }
      %add3A_61 = arith.constant 1 : i32
      %add3A_62 = arith.addi %add3A_38, %add3A_61 : i32
      %lt3A_63 = arith.constant 105 : i32
      %lt3A_64 = arith.cmpi slt, %add3A_62, %lt3A_63 : i32
      %convert_element_type3A_65 = arith.extui %lt3A_64 : i1 to i32
      %cond3A_66 = arith.constant 0 : i32
      %cond3A_67 = arith.cmpi ne, %convert_element_type3A_65, %cond3A_66 : i32
      scf.if %cond3A_67 {
        %dma_wait3A_142 = arith.constant 0 : i32
        %dma_wait3A_143 = arith.constant 0 : i32
        %dma_wait3A_144 = tpu.memref_slice %arg5[%dma_wait3A_142, %dma_wait3A_143] : memref<10000x64xf32, #tpu.memory_space<hbm>> -> memref<96x64xf32, #tpu.memory_space<hbm>>
        %dma_wait3A_145 = arith.constant 0 : i32
        %dma_wait3A_146 = arith.constant 0 : i32
        %dma_wait3A_147 = tpu.memref_slice %arg5[%dma_wait3A_145, %dma_wait3A_146] : memref<10000x64xf32, #tpu.memory_space<hbm>> -> memref<96x64xf32, #tpu.memory_space<hbm>>
        tpu.wait_dma2 semaphore(%arg16 : memref<!tpu.dma_semaphore, #tpu.memory_space<semaphore_mem>>) src(%dma_wait3A_147 : memref<96x64xf32, #tpu.memory_space<hbm>>) dst(%arg10 : memref<96x64xf32, #tpu.memory_space<vmem>>)
      } else {
      }
      %ge3A_68 = arith.constant 2 : i32
      %ge3A_69 = arith.cmpi sge, %add3A_62, %ge3A_68 : i32
      %lt3A_70 = arith.constant 105 : i32
      %lt3A_71 = arith.cmpi slt, %add3A_62, %lt3A_70 : i32
      %and3A_72 = arith.andi %ge3A_69, %lt3A_71 : i1
      %convert_element_type3A_73 = arith.extui %and3A_72 : i1 to i32
      %cond3A_74 = arith.constant 0 : i32
      %cond3A_75 = arith.cmpi ne, %convert_element_type3A_73, %cond3A_74 : i32
      scf.if %cond3A_75 {
        %dma_wait3A_142 = arith.constant 0 : i32
        %dma_wait3A_143 = arith.constant 0 : i32
        %dma_wait3A_144 = tpu.memref_slice %arg13[%dma_wait3A_142, %dma_wait3A_143] : memref<10008x64xf32, #tpu.memory_space<vmem_shared>> -> memref<96x64xf32, #tpu.memory_space<vmem_shared>>
        %dma_wait3A_145 = arith.constant 0 : i32
        %dma_wait3A_146 = arith.constant 0 : i32
        %dma_wait3A_147 = tpu.memref_slice %arg13[%dma_wait3A_145, %dma_wait3A_146] : memref<10008x64xf32, #tpu.memory_space<vmem_shared>> -> memref<96x64xf32, #tpu.memory_space<vmem_shared>>
        tpu.wait_dma2 semaphore(%arg22 : memref<!tpu.dma_semaphore, #tpu.memory_space<semaphore_mem>>) src(%arg12 : memref<96x64xf32, #tpu.memory_space<vmem>>) dst(%dma_wait3A_147 : memref<96x64xf32, #tpu.memory_space<vmem_shared>>)
      } else {
      }
      %add3A_76 = arith.constant 2 : i32
      %add3A_77 = arith.addi %add3A_62, %add3A_76 : i32
      %lt3A_78 = arith.constant 105 : i32
      %lt3A_79 = arith.cmpi slt, %add3A_77, %lt3A_78 : i32
      %convert_element_type3A_80 = arith.extui %lt3A_79 : i1 to i32
      %cond3A_81 = arith.constant 0 : i32
      %cond3A_82 = arith.cmpi ne, %convert_element_type3A_80, %cond3A_81 : i32
      scf.if %cond3A_82 {
        %add3A_142 = arith.constant 2 : i32
        %add3A_143 = arith.addi %add3A_62, %add3A_142 : i32
        %dma_start3A_144 = arith.constant 0 : i32
        %dma_start3A_145 = tpu.memref_slice %arg7[%add3A_143, %dma_start3A_144] : memref<105x96xi32, #tpu.memory_space<vmem>> -> memref<1x96xi32, #tpu.memory_space<vmem>>
        %dma_start3A_146 = tpu.memref_squeeze %dma_start3A_145 : memref<1x96xi32, #tpu.memory_space<vmem>> -> memref<96xi32, #tpu.memory_space<vmem>>
        %dma_start3A_147 = arith.constant 0 : i32
        %dma_start3A_148 = arith.constant 0 : i32
        %dma_start3A_149 = tpu.memref_slice %arg14[%dma_start3A_147, %dma_start3A_148] : memref<10000x64xf32, #tpu.memory_space<vmem_shared>> -> memref<10000x64xf32, #tpu.memory_space<vmem_shared>>
        tpu.enqueue_indirect_dma source(%dma_start3A_149 : memref<10000x64xf32, #tpu.memory_space<vmem_shared>>) target(%arg12 : memref<96x64xf32, #tpu.memory_space<vmem>>) offsets(%dma_start3A_146 : memref<96xi32, #tpu.memory_space<vmem>>) semaphore(%arg18 : memref<!tpu.dma_semaphore, #tpu.memory_space<semaphore_mem>>)
      } else {
      }
      %lt3A_83 = arith.constant 105 : i32
      %lt3A_84 = arith.cmpi slt, %add3A_62, %lt3A_83 : i32
      %convert_element_type3A_85 = arith.extui %lt3A_84 : i1 to i32
      %cond3A_86 = arith.constant 0 : i32
      %cond3A_87 = arith.cmpi ne, %convert_element_type3A_85, %cond3A_86 : i32
      scf.if %cond3A_87 {
        %dma_start3A_142 = arith.constant 0 : i32
        %dma_start3A_143 = tpu.memref_slice %arg8[%add3A_62, %dma_start3A_142] : memref<105x96xi32, #tpu.memory_space<vmem>> -> memref<1x96xi32, #tpu.memory_space<vmem>>
        %dma_start3A_144 = tpu.memref_squeeze %dma_start3A_143 : memref<1x96xi32, #tpu.memory_space<vmem>> -> memref<96xi32, #tpu.memory_space<vmem>>
        %dma_start3A_145 = arith.constant 0 : i32
        %dma_start3A_146 = arith.constant 0 : i32
        %dma_start3A_147 = tpu.memref_slice %arg13[%dma_start3A_145, %dma_start3A_146] : memref<10008x64xf32, #tpu.memory_space<vmem_shared>> -> memref<10008x64xf32, #tpu.memory_space<vmem_shared>>
        tpu.enqueue_indirect_dma source(%arg10 : memref<96x64xf32, #tpu.memory_space<vmem>>) target(%dma_start3A_147 : memref<10008x64xf32, #tpu.memory_space<vmem_shared>>) offsets(%dma_start3A_144 : memref<96xi32, #tpu.memory_space<vmem>>) semaphore(%arg20 : memref<!tpu.dma_semaphore, #tpu.memory_space<semaphore_mem>>) {add = true}
      } else {
      }
      %add3A_88 = arith.constant 2 : i32
      %add3A_89 = arith.addi %add3A_38, %add3A_88 : i32
      %lt3A_90 = arith.constant 105 : i32
      %lt3A_91 = arith.cmpi slt, %add3A_89, %lt3A_90 : i32
      %convert_element_type3A_92 = arith.extui %lt3A_91 : i1 to i32
      %cond3A_93 = arith.constant 0 : i32
      %cond3A_94 = arith.cmpi ne, %convert_element_type3A_92, %cond3A_93 : i32
      scf.if %cond3A_94 {
        %dma_wait3A_142 = arith.constant 0 : i32
        %dma_wait3A_143 = arith.constant 0 : i32
        %dma_wait3A_144 = tpu.memref_slice %arg5[%dma_wait3A_142, %dma_wait3A_143] : memref<10000x64xf32, #tpu.memory_space<hbm>> -> memref<96x64xf32, #tpu.memory_space<hbm>>
        %dma_wait3A_145 = arith.constant 0 : i32
        %dma_wait3A_146 = arith.constant 0 : i32
        %dma_wait3A_147 = tpu.memref_slice %arg5[%dma_wait3A_145, %dma_wait3A_146] : memref<10000x64xf32, #tpu.memory_space<hbm>> -> memref<96x64xf32, #tpu.memory_space<hbm>>
        tpu.wait_dma2 semaphore(%arg17 : memref<!tpu.dma_semaphore, #tpu.memory_space<semaphore_mem>>) src(%dma_wait3A_147 : memref<96x64xf32, #tpu.memory_space<hbm>>) dst(%arg11 : memref<96x64xf32, #tpu.memory_space<vmem>>)
      } else {
      }
      %ge3A_95 = arith.constant 2 : i32
      %ge3A_96 = arith.cmpi sge, %add3A_89, %ge3A_95 : i32
      %lt3A_97 = arith.constant 105 : i32
      %lt3A_98 = arith.cmpi slt, %add3A_89, %lt3A_97 : i32
      %and3A_99 = arith.andi %ge3A_96, %lt3A_98 : i1
      %convert_element_type3A_100 = arith.extui %and3A_99 : i1 to i32
      %cond3A_101 = arith.constant 0 : i32
      %cond3A_102 = arith.cmpi ne, %convert_element_type3A_100, %cond3A_101 : i32
      scf.if %cond3A_102 {
        %dma_wait3A_142 = arith.constant 0 : i32
        %dma_wait3A_143 = arith.constant 0 : i32
        %dma_wait3A_144 = tpu.memref_slice %arg13[%dma_wait3A_142, %dma_wait3A_143] : memref<10008x64xf32, #tpu.memory_space<vmem_shared>> -> memref<96x64xf32, #tpu.memory_space<vmem_shared>>
        %dma_wait3A_145 = arith.constant 0 : i32
        %dma_wait3A_146 = arith.constant 0 : i32
        %dma_wait3A_147 = tpu.memref_slice %arg13[%dma_wait3A_145, %dma_wait3A_146] : memref<10008x64xf32, #tpu.memory_space<vmem_shared>> -> memref<96x64xf32, #tpu.memory_space<vmem_shared>>
        tpu.wait_dma2 semaphore(%arg19 : memref<!tpu.dma_semaphore, #tpu.memory_space<semaphore_mem>>) src(%arg9 : memref<96x64xf32, #tpu.memory_space<vmem>>) dst(%dma_wait3A_147 : memref<96x64xf32, #tpu.memory_space<vmem_shared>>)
      } else {
      }
      %add3A_103 = arith.constant 2 : i32
      %add3A_104 = arith.addi %add3A_89, %add3A_103 : i32
      %lt3A_105 = arith.constant 105 : i32
      %lt3A_106 = arith.cmpi slt, %add3A_104, %lt3A_105 : i32
      %convert_element_type3A_107 = arith.extui %lt3A_106 : i1 to i32
      %cond3A_108 = arith.constant 0 : i32
      %cond3A_109 = arith.cmpi ne, %convert_element_type3A_107, %cond3A_108 : i32
      scf.if %cond3A_109 {
        %add3A_142 = arith.constant 2 : i32
        %add3A_143 = arith.addi %add3A_89, %add3A_142 : i32
        %dma_start3A_144 = arith.constant 0 : i32
        %dma_start3A_145 = tpu.memref_slice %arg7[%add3A_143, %dma_start3A_144] : memref<105x96xi32, #tpu.memory_space<vmem>> -> memref<1x96xi32, #tpu.memory_space<vmem>>
        %dma_start3A_146 = tpu.memref_squeeze %dma_start3A_145 : memref<1x96xi32, #tpu.memory_space<vmem>> -> memref<96xi32, #tpu.memory_space<vmem>>
        %dma_start3A_147 = arith.constant 0 : i32
        %dma_start3A_148 = arith.constant 0 : i32
        %dma_start3A_149 = tpu.memref_slice %arg14[%dma_start3A_147, %dma_start3A_148] : memref<10000x64xf32, #tpu.memory_space<vmem_shared>> -> memref<10000x64xf32, #tpu.memory_space<vmem_shared>>
        tpu.enqueue_indirect_dma source(%dma_start3A_149 : memref<10000x64xf32, #tpu.memory_space<vmem_shared>>) target(%arg9 : memref<96x64xf32, #tpu.memory_space<vmem>>) offsets(%dma_start3A_146 : memref<96xi32, #tpu.memory_space<vmem>>) semaphore(%arg15 : memref<!tpu.dma_semaphore, #tpu.memory_space<semaphore_mem>>)
      } else {
      }
      %lt3A_110 = arith.constant 105 : i32
      %lt3A_111 = arith.cmpi slt, %add3A_89, %lt3A_110 : i32
      %convert_element_type3A_112 = arith.extui %lt3A_111 : i1 to i32
      %cond3A_113 = arith.constant 0 : i32
      %cond3A_114 = arith.cmpi ne, %convert_element_type3A_112, %cond3A_113 : i32
      scf.if %cond3A_114 {
        %dma_start3A_142 = arith.constant 0 : i32
        %dma_start3A_143 = tpu.memref_slice %arg8[%add3A_89, %dma_start3A_142] : memref<105x96xi32, #tpu.memory_space<vmem>> -> memref<1x96xi32, #tpu.memory_space<vmem>>
        %dma_start3A_144 = tpu.memref_squeeze %dma_start3A_143 : memref<1x96xi32, #tpu.memory_space<vmem>> -> memref<96xi32, #tpu.memory_space<vmem>>
        %dma_start3A_145 = arith.constant 0 : i32
        %dma_start3A_146 = arith.constant 0 : i32
        %dma_start3A_147 = tpu.memref_slice %arg13[%dma_start3A_145, %dma_start3A_146] : memref<10008x64xf32, #tpu.memory_space<vmem_shared>> -> memref<10008x64xf32, #tpu.memory_space<vmem_shared>>
        tpu.enqueue_indirect_dma source(%arg11 : memref<96x64xf32, #tpu.memory_space<vmem>>) target(%dma_start3A_147 : memref<10008x64xf32, #tpu.memory_space<vmem_shared>>) offsets(%dma_start3A_144 : memref<96xi32, #tpu.memory_space<vmem>>) semaphore(%arg21 : memref<!tpu.dma_semaphore, #tpu.memory_space<semaphore_mem>>) {add = true}
      } else {
      }
      %add3A_115 = arith.constant 3 : i32
      %add3A_116 = arith.addi %add3A_38, %add3A_115 : i32
      %lt3A_117 = arith.constant 105 : i32
      %lt3A_118 = arith.cmpi slt, %add3A_116, %lt3A_117 : i32
      %convert_element_type3A_119 = arith.extui %lt3A_118 : i1 to i32
      %cond3A_120 = arith.constant 0 : i32
      %cond3A_121 = arith.cmpi ne, %convert_element_type3A_119, %cond3A_120 : i32
      scf.if %cond3A_121 {
        %dma_wait3A_142 = arith.constant 0 : i32
        %dma_wait3A_143 = arith.constant 0 : i32
        %dma_wait3A_144 = tpu.memref_slice %arg5[%dma_wait3A_142, %dma_wait3A_143] : memref<10000x64xf32, #tpu.memory_space<hbm>> -> memref<96x64xf32, #tpu.memory_space<hbm>>
        %dma_wait3A_145 = arith.constant 0 : i32
        %dma_wait3A_146 = arith.constant 0 : i32
        %dma_wait3A_147 = tpu.memref_slice %arg5[%dma_wait3A_145, %dma_wait3A_146] : memref<10000x64xf32, #tpu.memory_space<hbm>> -> memref<96x64xf32, #tpu.memory_space<hbm>>
        tpu.wait_dma2 semaphore(%arg18 : memref<!tpu.dma_semaphore, #tpu.memory_space<semaphore_mem>>) src(%dma_wait3A_147 : memref<96x64xf32, #tpu.memory_space<hbm>>) dst(%arg12 : memref<96x64xf32, #tpu.memory_space<vmem>>)
      } else {
      }
      %ge3A_122 = arith.constant 2 : i32
      %ge3A_123 = arith.cmpi sge, %add3A_116, %ge3A_122 : i32
      %lt3A_124 = arith.constant 105 : i32
      %lt3A_125 = arith.cmpi slt, %add3A_116, %lt3A_124 : i32
      %and3A_126 = arith.andi %ge3A_123, %lt3A_125 : i1
      %convert_element_type3A_127 = arith.extui %and3A_126 : i1 to i32
      %cond3A_128 = arith.constant 0 : i32
      %cond3A_129 = arith.cmpi ne, %convert_element_type3A_127, %cond3A_128 : i32
      scf.if %cond3A_129 {
        %dma_wait3A_142 = arith.constant 0 : i32
        %dma_wait3A_143 = arith.constant 0 : i32
        %dma_wait3A_144 = tpu.memref_slice %arg13[%dma_wait3A_142, %dma_wait3A_143] : memref<10008x64xf32, #tpu.memory_space<vmem_shared>> -> memref<96x64xf32, #tpu.memory_space<vmem_shared>>
        %dma_wait3A_145 = arith.constant 0 : i32
        %dma_wait3A_146 = arith.constant 0 : i32
        %dma_wait3A_147 = tpu.memref_slice %arg13[%dma_wait3A_145, %dma_wait3A_146] : memref<10008x64xf32, #tpu.memory_space<vmem_shared>> -> memref<96x64xf32, #tpu.memory_space<vmem_shared>>
        tpu.wait_dma2 semaphore(%arg20 : memref<!tpu.dma_semaphore, #tpu.memory_space<semaphore_mem>>) src(%arg10 : memref<96x64xf32, #tpu.memory_space<vmem>>) dst(%dma_wait3A_147 : memref<96x64xf32, #tpu.memory_space<vmem_shared>>)
      } else {
      }
      %add3A_130 = arith.constant 2 : i32
      %add3A_131 = arith.addi %add3A_116, %add3A_130 : i32
      %lt3A_132 = arith.constant 105 : i32
      %lt3A_133 = arith.cmpi slt, %add3A_131, %lt3A_132 : i32
      %convert_element_type3A_134 = arith.extui %lt3A_133 : i1 to i32
      %cond3A_135 = arith.constant 0 : i32
      %cond3A_136 = arith.cmpi ne, %convert_element_type3A_134, %cond3A_135 : i32
      scf.if %cond3A_136 {
        %add3A_142 = arith.constant 2 : i32
        %add3A_143 = arith.addi %add3A_116, %add3A_142 : i32
        %dma_start3A_144 = arith.constant 0 : i32
        %dma_start3A_145 = tpu.memref_slice %arg7[%add3A_143, %dma_start3A_144] : memref<105x96xi32, #tpu.memory_space<vmem>> -> memref<1x96xi32, #tpu.memory_space<vmem>>
        %dma_start3A_146 = tpu.memref_squeeze %dma_start3A_145 : memref<1x96xi32, #tpu.memory_space<vmem>> -> memref<96xi32, #tpu.memory_space<vmem>>
        %dma_start3A_147 = arith.constant 0 : i32
        %dma_start3A_148 = arith.constant 0 : i32
        %dma_start3A_149 = tpu.memref_slice %arg14[%dma_start3A_147, %dma_start3A_148] : memref<10000x64xf32, #tpu.memory_space<vmem_shared>> -> memref<10000x64xf32, #tpu.memory_space<vmem_shared>>
        tpu.enqueue_indirect_dma source(%dma_start3A_149 : memref<10000x64xf32, #tpu.memory_space<vmem_shared>>) target(%arg10 : memref<96x64xf32, #tpu.memory_space<vmem>>) offsets(%dma_start3A_146 : memref<96xi32, #tpu.memory_space<vmem>>) semaphore(%arg16 : memref<!tpu.dma_semaphore, #tpu.memory_space<semaphore_mem>>)
      } else {
      }
      %lt3A_137 = arith.constant 105 : i32
      %lt3A_138 = arith.cmpi slt, %add3A_116, %lt3A_137 : i32
      %convert_element_type3A_139 = arith.extui %lt3A_138 : i1 to i32
      %cond3A_140 = arith.constant 0 : i32
      %cond3A_141 = arith.cmpi ne, %convert_element_type3A_139, %cond3A_140 : i32
      scf.if %cond3A_141 {
        %dma_start3A_142 = arith.constant 0 : i32
        %dma_start3A_143 = tpu.memref_slice %arg8[%add3A_116, %dma_start3A_142] : memref<105x96xi32, #tpu.memory_space<vmem>> -> memref<1x96xi32, #tpu.memory_space<vmem>>
        %dma_start3A_144 = tpu.memref_squeeze %dma_start3A_143 : memref<1x96xi32, #tpu.memory_space<vmem>> -> memref<96xi32, #tpu.memory_space<vmem>>
        %dma_start3A_145 = arith.constant 0 : i32
        %dma_start3A_146 = arith.constant 0 : i32
        %dma_start3A_147 = tpu.memref_slice %arg13[%dma_start3A_145, %dma_start3A_146] : memref<10008x64xf32, #tpu.memory_space<vmem_shared>> -> memref<10008x64xf32, #tpu.memory_space<vmem_shared>>
        tpu.enqueue_indirect_dma source(%arg12 : memref<96x64xf32, #tpu.memory_space<vmem>>) target(%dma_start3A_147 : memref<10008x64xf32, #tpu.memory_space<vmem_shared>>) offsets(%dma_start3A_144 : memref<96xi32, #tpu.memory_space<vmem>>) semaphore(%arg22 : memref<!tpu.dma_semaphore, #tpu.memory_space<semaphore_mem>>) {add = true}
      } else {
      }
    }
    %scan3A_19 = arith.constant 27 : i32
    %dma_wait3A = arith.constant 0 : i32
    %dma_wait3A_20 = arith.constant 0 : i32
    %dma_wait3A_21 = tpu.memref_slice %arg13[%dma_wait3A, %dma_wait3A_20] : memref<10008x64xf32, #tpu.memory_space<vmem_shared>> -> memref<96x64xf32, #tpu.memory_space<vmem_shared>>
    %dma_wait3A_22 = arith.constant 0 : i32
    %dma_wait3A_23 = arith.constant 0 : i32
    %dma_wait3A_24 = tpu.memref_slice %arg13[%dma_wait3A_22, %dma_wait3A_23] : memref<10008x64xf32, #tpu.memory_space<vmem_shared>> -> memref<96x64xf32, #tpu.memory_space<vmem_shared>>
    tpu.wait_dma2 semaphore(%arg22 : memref<!tpu.dma_semaphore, #tpu.memory_space<semaphore_mem>>) src(%arg12 : memref<96x64xf32, #tpu.memory_space<vmem>>) dst(%dma_wait3A_24 : memref<96x64xf32, #tpu.memory_space<vmem_shared>>)
    %dma_wait3A_25 = arith.constant 0 : i32
    %dma_wait3A_26 = arith.constant 0 : i32
    %dma_wait3A_27 = tpu.memref_slice %arg13[%dma_wait3A_25, %dma_wait3A_26] : memref<10008x64xf32, #tpu.memory_space<vmem_shared>> -> memref<96x64xf32, #tpu.memory_space<vmem_shared>>
    %dma_wait3A_28 = arith.constant 0 : i32
    %dma_wait3A_29 = arith.constant 0 : i32
    %dma_wait3A_30 = tpu.memref_slice %arg13[%dma_wait3A_28, %dma_wait3A_29] : memref<10008x64xf32, #tpu.memory_space<vmem_shared>> -> memref<96x64xf32, #tpu.memory_space<vmem_shared>>
    tpu.wait_dma2 semaphore(%arg19 : memref<!tpu.dma_semaphore, #tpu.memory_space<semaphore_mem>>) src(%arg9 : memref<96x64xf32, #tpu.memory_space<vmem>>) dst(%dma_wait3A_30 : memref<96x64xf32, #tpu.memory_space<vmem_shared>>)
    %barrier3A_31 = arith.constant 0 : index
    tpu.barrier barrier_id(%barrier3A_31)
    %add3A_32 = arith.constant 0 : i32
    %add3A_33 = arith.addi %add3A_32, %arg0 : i32
    "tpu.region"() ({
      %run_scoped3A = tpu.sem_alloc : memref<!tpu.dma_semaphore, #tpu.memory_space<semaphore_mem>>
      %dma_start3A_34 = arith.constant 0 : i32
      %dma_start3A_35 = tpu.memref_slice %arg6[%add3A_33, %mul3A_2, %dma_start3A_34] : memref<2x10000x64xf32, #tpu.memory_space<hbm>> -> memref<1x640x64xf32, #tpu.memory_space<hbm>>
      %dma_start3A_36 = tpu.memref_squeeze %dma_start3A_35 : memref<1x640x64xf32, #tpu.memory_space<hbm>> -> memref<640x64xf32, #tpu.memory_space<hbm>>
      %dma_start3A_37 = arith.constant 0 : i32
      %dma_start3A_38 = tpu.memref_slice %arg13[%mul3A_2, %dma_start3A_37] : memref<10008x64xf32, #tpu.memory_space<vmem_shared>> -> memref<640x64xf32, #tpu.memory_space<vmem_shared>>
      tpu.enqueue_dma source(%dma_start3A_38 : memref<640x64xf32, #tpu.memory_space<vmem_shared>>) target(%dma_start3A_36 : memref<640x64xf32, #tpu.memory_space<hbm>>) target_semaphore(%run_scoped3A : memref<!tpu.dma_semaphore, #tpu.memory_space<semaphore_mem>>)
      %dma_wait3A_39 = arith.constant 0 : i32
      %dma_wait3A_40 = tpu.memref_slice %arg6[%add3A_33, %mul3A_2, %dma_wait3A_39] : memref<2x10000x64xf32, #tpu.memory_space<hbm>> -> memref<1x640x64xf32, #tpu.memory_space<hbm>>
      %dma_wait3A_41 = tpu.memref_squeeze %dma_wait3A_40 : memref<1x640x64xf32, #tpu.memory_space<hbm>> -> memref<640x64xf32, #tpu.memory_space<hbm>>
      %dma_wait3A_42 = arith.constant 0 : i32
      %dma_wait3A_43 = tpu.memref_slice %arg13[%mul3A_2, %dma_wait3A_42] : memref<10008x64xf32, #tpu.memory_space<vmem_shared>> -> memref<640x64xf32, #tpu.memory_space<vmem_shared>>
      tpu.wait_dma2 semaphore(%run_scoped3A : memref<!tpu.dma_semaphore, #tpu.memory_space<semaphore_mem>>) src(%dma_wait3A_43 : memref<640x64xf32, #tpu.memory_space<vmem_shared>>) dst(%dma_wait3A_41 : memref<640x64xf32, #tpu.memory_space<hbm>>)
      tpu.yield
    }) : () -> ()
    return
  }
}

#map = affine_map<(d0, d1) -> (0, 0)>
#map1 = affine_map<(d0, d1) -> (0, 0, 0)>
module attributes {stable_mosaic.version = 14 : i64} {
  func.func @spmm(%arg0: i32, %arg1: i32, %arg2: memref<10000x64xf32, #tpu.memory_space<hbm>>, %arg3: memref<32x105x96xi32, #tpu.memory_space<hbm>>, %arg4: memref<32x105x96xi32, #tpu.memory_space<hbm>>, %arg5: memref<10000x64xf32, #tpu.memory_space<hbm>>, %arg6: memref<2x10000x64xf32, #tpu.memory_space<hbm>>, %arg7: memref<105x96xi32, #tpu.memory_space<vmem>>, %arg8: memref<105x96xi32, #tpu.memory_space<vmem>>, %arg9: memref<96x64xf32, #tpu.memory_space<vmem>>, %arg10: memref<96x64xf32, #tpu.memory_space<vmem>>, %arg11: memref<96x64xf32, #tpu.memory_space<vmem>>, %arg12: memref<96x64xf32, #tpu.memory_space<vmem>>, %arg13: memref<10008x64xf32, #tpu.memory_space<vmem_shared>>, %arg14: memref<10000x64xf32, #tpu.memory_space<vmem_shared>>, %arg15: memref<!tpu.dma_semaphore, #tpu.memory_space<semaphore_mem>>, %arg16: memref<!tpu.dma_semaphore, #tpu.memory_space<semaphore_mem>>, %arg17: memref<!tpu.dma_semaphore, #tpu.memory_space<semaphore_mem>>, %arg18: memref<!tpu.dma_semaphore, #tpu.memory_space<semaphore_mem>>, %arg19: memref<!tpu.dma_semaphore, #tpu.memory_space<semaphore_mem>>, %arg20: memref<!tpu.dma_semaphore, #tpu.memory_space<semaphore_mem>>, %arg21: memref<!tpu.dma_semaphore, #tpu.memory_space<semaphore_mem>>, %arg22: memref<!tpu.dma_semaphore, #tpu.memory_space<semaphore_mem>>) attributes {dimension_semantics = [#tpu.dimension_semantics<core_parallel>, #tpu.dimension_semantics<subcore_parallel>], iteration_bounds = array<i64: 2, 16>, scalar_prefetch = 0 : i64, scratch_operands = 16 : i64, tpu.core_type = #tpu.core_type<sc_vector_subcore>, window_params = [{transform_indices = #map}, {transform_indices = #map1}, {transform_indices = #map1}, {transform_indices = #map}, {transform_indices = #map1}]} {
    %mul3A = arith.constant 2 : i32
    %mul3A_0 = arith.muli %arg1, %mul3A : i32
    %add3A = arith.addi %mul3A_0, %arg0 : i32
    %mul3A_1 = arith.constant 624 : i32
    %mul3A_2 = arith.muli %arg1, %mul3A_1 : i32
    "tpu.region"() ({
      %run_scoped3A = tpu.sem_alloc : memref<!tpu.dma_semaphore, #tpu.memory_space<semaphore_mem>>
      %dma_start3A_34 = arith.constant 0 : i32
      %dma_start3A_35 = arith.constant 0 : i32
      %dma_start3A_36 = tpu.memref_slice %arg3[%add3A, %dma_start3A_34, %dma_start3A_35] : memref<32x105x96xi32, #tpu.memory_space<hbm>> -> memref<1x105x96xi32, #tpu.memory_space<hbm>>
      %dma_start3A_37 = tpu.memref_squeeze %dma_start3A_36 : memref<1x105x96xi32, #tpu.memory_space<hbm>> -> memref<105x96xi32, #tpu.memory_space<hbm>>
      %dma_start3A_38 = arith.constant 0 : i32
      %dma_start3A_39 = arith.constant 0 : i32
      %dma_start3A_40 = tpu.memref_slice %arg3[%add3A, %dma_start3A_38, %dma_start3A_39] : memref<32x105x96xi32, #tpu.memory_space<hbm>> -> memref<1x105x96xi32, #tpu.memory_space<hbm>>
      %dma_start3A_41 = tpu.memref_squeeze %dma_start3A_40 : memref<1x105x96xi32, #tpu.memory_space<hbm>> -> memref<105x96xi32, #tpu.memory_space<hbm>>
      tpu.enqueue_dma source(%dma_start3A_41 : memref<105x96xi32, #tpu.memory_space<hbm>>) target(%arg7 : memref<105x96xi32, #tpu.memory_space<vmem>>) target_semaphore(%run_scoped3A : memref<!tpu.dma_semaphore, #tpu.memory_space<semaphore_mem>>)
      %dma_wait3A_42 = arith.constant 0 : i32
      %dma_wait3A_43 = arith.constant 0 : i32
      %dma_wait3A_44 = tpu.memref_slice %arg3[%add3A, %dma_wait3A_42, %dma_wait3A_43] : memref<32x105x96xi32, #tpu.memory_space<hbm>> -> memref<1x105x96xi32, #tpu.memory_space<hbm>>
      %dma_wait3A_45 = tpu.memref_squeeze %dma_wait3A_44 : memref<1x105x96xi32, #tpu.memory_space<hbm>> -> memref<105x96xi32, #tpu.memory_space<hbm>>
      %dma_wait3A_46 = arith.constant 0 : i32
      %dma_wait3A_47 = arith.constant 0 : i32
      %dma_wait3A_48 = tpu.memref_slice %arg3[%add3A, %dma_wait3A_46, %dma_wait3A_47] : memref<32x105x96xi32, #tpu.memory_space<hbm>> -> memref<1x105x96xi32, #tpu.memory_space<hbm>>
      %dma_wait3A_49 = tpu.memref_squeeze %dma_wait3A_48 : memref<1x105x96xi32, #tpu.memory_space<hbm>> -> memref<105x96xi32, #tpu.memory_space<hbm>>
      tpu.wait_dma2 semaphore(%run_scoped3A : memref<!tpu.dma_semaphore, #tpu.memory_space<semaphore_mem>>) src(%dma_wait3A_49 : memref<105x96xi32, #tpu.memory_space<hbm>>) dst(%arg7 : memref<105x96xi32, #tpu.memory_space<vmem>>)
      tpu.yield
    }) : () -> ()
    "tpu.region"() ({
      %run_scoped3A = tpu.sem_alloc : memref<!tpu.dma_semaphore, #tpu.memory_space<semaphore_mem>>
      %dma_start3A_34 = arith.constant 0 : i32
      %dma_start3A_35 = arith.constant 0 : i32
      %dma_start3A_36 = tpu.memref_slice %arg4[%add3A, %dma_start3A_34, %dma_start3A_35] : memref<32x105x96xi32, #tpu.memory_space<hbm>> -> memref<1x105x96xi32, #tpu.memory_space<hbm>>
      %dma_start3A_37 = tpu.memref_squeeze %dma_start3A_36 : memref<1x105x96xi32, #tpu.memory_space<hbm>> -> memref<105x96xi32, #tpu.memory_space<hbm>>
      %dma_start3A_38 = arith.constant 0 : i32
      %dma_start3A_39 = arith.constant 0 : i32
      %dma_start3A_40 = tpu.memref_slice %arg4[%add3A, %dma_start3A_38, %dma_start3A_39] : memref<32x105x96xi32, #tpu.memory_space<hbm>> -> memref<1x105x96xi32, #tpu.memory_space<hbm>>
      %dma_start3A_41 = tpu.memref_squeeze %dma_start3A_40 : memref<1x105x96xi32, #tpu.memory_space<hbm>> -> memref<105x96xi32, #tpu.memory_space<hbm>>
      tpu.enqueue_dma source(%dma_start3A_41 : memref<105x96xi32, #tpu.memory_space<hbm>>) target(%arg8 : memref<105x96xi32, #tpu.memory_space<vmem>>) target_semaphore(%run_scoped3A : memref<!tpu.dma_semaphore, #tpu.memory_space<semaphore_mem>>)
      %dma_wait3A_42 = arith.constant 0 : i32
      %dma_wait3A_43 = arith.constant 0 : i32
      %dma_wait3A_44 = tpu.memref_slice %arg4[%add3A, %dma_wait3A_42, %dma_wait3A_43] : memref<32x105x96xi32, #tpu.memory_space<hbm>> -> memref<1x105x96xi32, #tpu.memory_space<hbm>>
      %dma_wait3A_45 = tpu.memref_squeeze %dma_wait3A_44 : memref<1x105x96xi32, #tpu.memory_space<hbm>> -> memref<105x96xi32, #tpu.memory_space<hbm>>
      %dma_wait3A_46 = arith.constant 0 : i32
      %dma_wait3A_47 = arith.constant 0 : i32
      %dma_wait3A_48 = tpu.memref_slice %arg4[%add3A, %dma_wait3A_46, %dma_wait3A_47] : memref<32x105x96xi32, #tpu.memory_space<hbm>> -> memref<1x105x96xi32, #tpu.memory_space<hbm>>
      %dma_wait3A_49 = tpu.memref_squeeze %dma_wait3A_48 : memref<1x105x96xi32, #tpu.memory_space<hbm>> -> memref<105x96xi32, #tpu.memory_space<hbm>>
      tpu.wait_dma2 semaphore(%run_scoped3A : memref<!tpu.dma_semaphore, #tpu.memory_space<semaphore_mem>>) src(%dma_wait3A_49 : memref<105x96xi32, #tpu.memory_space<hbm>>) dst(%arg8 : memref<105x96xi32, #tpu.memory_space<vmem>>)
      tpu.yield
    }) : () -> ()
    "tpu.region"() ({
      %run_scoped3A = tpu.sem_alloc : memref<!tpu.dma_semaphore, #tpu.memory_space<semaphore_mem>>
      %dma_start3A_34 = arith.constant 0 : i32
      %dma_start3A_35 = tpu.memref_slice %arg13[%mul3A_2, %dma_start3A_34] : memref<10008x64xf32, #tpu.memory_space<vmem_shared>> -> memref<640x64xf32, #tpu.memory_space<vmem_shared>>
      %dma_start3A_36 = arith.constant 0 : i32
      %dma_start3A_37 = tpu.memref_slice %arg5[%mul3A_2, %dma_start3A_36] : memref<10000x64xf32, #tpu.memory_space<hbm>> -> memref<640x64xf32, #tpu.memory_space<hbm>>
      tpu.enqueue_dma source(%dma_start3A_37 : memref<640x64xf32, #tpu.memory_space<hbm>>) target(%dma_start3A_35 : memref<640x64xf32, #tpu.memory_space<vmem_shared>>) target_semaphore(%run_scoped3A : memref<!tpu.dma_semaphore, #tpu.memory_space<semaphore_mem>>)
      %dma_wait3A_38 = arith.constant 0 : i32
      %dma_wait3A_39 = tpu.memref_slice %arg13[%mul3A_2, %dma_wait3A_38] : memref<10008x64xf32, #tpu.memory_space<vmem_shared>> -> memref<640x64xf32, #tpu.memory_space<vmem_shared>>
      %dma_wait3A_40 = arith.constant 0 : i32
      %dma_wait3A_41 = tpu.memref_slice %arg5[%mul3A_2, %dma_wait3A_40] : memref<10000x64xf32, #tpu.memory_space<hbm>> -> memref<640x64xf32, #tpu.memory_space<hbm>>
      tpu.wait_dma2 semaphore(%run_scoped3A : memref<!tpu.dma_semaphore, #tpu.memory_space<semaphore_mem>>) src(%dma_wait3A_41 : memref<640x64xf32, #tpu.memory_space<hbm>>) dst(%dma_wait3A_39 : memref<640x64xf32, #tpu.memory_space<vmem_shared>>)
      tpu.yield
    }) : () -> ()
    "tpu.region"() ({
      %run_scoped3A = tpu.sem_alloc : memref<!tpu.dma_semaphore, #tpu.memory_space<semaphore_mem>>
      %dma_start3A_34 = arith.constant 0 : i32
      %dma_start3A_35 = tpu.memref_slice %arg14[%mul3A_2, %dma_start3A_34] : memref<10000x64xf32, #tpu.memory_space<vmem_shared>> -> memref<640x64xf32, #tpu.memory_space<vmem_shared>>
      %dma_start3A_36 = arith.constant 0 : i32
      %dma_start3A_37 = tpu.memref_slice %arg2[%mul3A_2, %dma_start3A_36] : memref<10000x64xf32, #tpu.memory_space<hbm>> -> memref<640x64xf32, #tpu.memory_space<hbm>>
      tpu.enqueue_dma source(%dma_start3A_37 : memref<640x64xf32, #tpu.memory_space<hbm>>) target(%dma_start3A_35 : memref<640x64xf32, #tpu.memory_space<vmem_shared>>) target_semaphore(%run_scoped3A : memref<!tpu.dma_semaphore, #tpu.memory_space<semaphore_mem>>)
      %dma_wait3A_38 = arith.constant 0 : i32
      %dma_wait3A_39 = tpu.memref_slice %arg14[%mul3A_2, %dma_wait3A_38] : memref<10000x64xf32, #tpu.memory_space<vmem_shared>> -> memref<640x64xf32, #tpu.memory_space<vmem_shared>>
      %dma_wait3A_40 = arith.constant 0 : i32
      %dma_wait3A_41 = tpu.memref_slice %arg2[%mul3A_2, %dma_wait3A_40] : memref<10000x64xf32, #tpu.memory_space<hbm>> -> memref<640x64xf32, #tpu.memory_space<hbm>>
      tpu.wait_dma2 semaphore(%run_scoped3A : memref<!tpu.dma_semaphore, #tpu.memory_space<semaphore_mem>>) src(%dma_wait3A_41 : memref<640x64xf32, #tpu.memory_space<hbm>>) dst(%dma_wait3A_39 : memref<640x64xf32, #tpu.memory_space<vmem_shared>>)
      tpu.yield
    }) : () -> ()
    %barrier3A = arith.constant 0 : index
    tpu.barrier barrier_id(%barrier3A)
    %dma_start3A = arith.constant 0 : i32
    %dma_start3A_3 = arith.constant 0 : i32
    %dma_start3A_4 = tpu.memref_slice %arg7[%dma_start3A, %dma_start3A_3] : memref<105x96xi32, #tpu.memory_space<vmem>> -> memref<1x96xi32, #tpu.memory_space<vmem>>
    %dma_start3A_5 = tpu.memref_squeeze %dma_start3A_4 : memref<1x96xi32, #tpu.memory_space<vmem>> -> memref<96xi32, #tpu.memory_space<vmem>>
    %dma_start3A_6 = arith.constant 0 : i32
    %dma_start3A_7 = arith.constant 0 : i32
    %dma_start3A_8 = tpu.memref_slice %arg14[%dma_start3A_6, %dma_start3A_7] : memref<10000x64xf32, #tpu.memory_space<vmem_shared>> -> memref<10000x64xf32, #tpu.memory_space<vmem_shared>>
    tpu.enqueue_indirect_dma source(%dma_start3A_8 : memref<10000x64xf32, #tpu.memory_space<vmem_shared>>) target(%arg9 : memref<96x64xf32, #tpu.memory_space<vmem>>) offsets(%dma_start3A_5 : memref<96xi32, #tpu.memory_space<vmem>>) semaphore(%arg15 : memref<!tpu.dma_semaphore, #tpu.memory_space<semaphore_mem>>)
    %dma_start3A_9 = arith.constant 1 : i32
    %dma_start3A_10 = arith.constant 0 : i32
    %dma_start3A_11 = tpu.memref_slice %arg7[%dma_start3A_9, %dma_start3A_10] : memref<105x96xi32, #tpu.memory_space<vmem>> -> memref<1x96xi32, #tpu.memory_space<vmem>>
    %dma_start3A_12 = tpu.memref_squeeze %dma_start3A_11 : memref<1x96xi32, #tpu.memory_space<vmem>> -> memref<96xi32, #tpu.memory_space<vmem>>
    %dma_start3A_13 = arith.constant 0 : i32
    %dma_start3A_14 = arith.constant 0 : i32
    %dma_start3A_15 = tpu.memref_slice %arg14[%dma_start3A_13, %dma_start3A_14] : memref<10000x64xf32, #tpu.memory_space<vmem_shared>> -> memref<10000x64xf32, #tpu.memory_space<vmem_shared>>
    tpu.enqueue_indirect_dma source(%dma_start3A_15 : memref<10000x64xf32, #tpu.memory_space<vmem_shared>>) target(%arg10 : memref<96x64xf32, #tpu.memory_space<vmem>>) offsets(%dma_start3A_12 : memref<96xi32, #tpu.memory_space<vmem>>) semaphore(%arg16 : memref<!tpu.dma_semaphore, #tpu.memory_space<semaphore_mem>>)
    %scan3A = arith.constant 0 : i32
    %scan3A_16 = arith.constant 27 : i32
    %scan3A_17 = arith.addi %scan3A, %scan3A_16 : i32
    %scan3A_18 = arith.constant 1 : i32
    scf.for %scan3A_34 = %scan3A to %scan3A_17 step %scan3A_18  : i32 {
      %mul3A_35 = arith.constant 4 : i32
      %mul3A_36 = arith.muli %scan3A_34, %mul3A_35 : i32
      %add3A_37 = arith.constant 0 : i32
      %add3A_38 = arith.addi %add3A_37, %mul3A_36 : i32
      %add3A_39 = arith.constant 0 : i32
      %add3A_40 = arith.addi %add3A_38, %add3A_39 : i32
      %lt3A = arith.constant 105 : i32
      %lt3A_41 = arith.cmpi slt, %add3A_40, %lt3A : i32
      %convert_element_type3A = arith.extui %lt3A_41 : i1 to i32
      %cond3A = arith.constant 0 : i32
      %cond3A_42 = arith.cmpi ne, %convert_element_type3A, %cond3A : i32
      scf.if %cond3A_42 {
        %dma_wait3A_142 = arith.constant 0 : i32
        %dma_wait3A_143 = arith.constant 0 : i32
        %dma_wait3A_144 = tpu.memref_slice %arg5[%dma_wait3A_142, %dma_wait3A_143] : memref<10000x64xf32, #tpu.memory_space<hbm>> -> memref<96x64xf32, #tpu.memory_space<hbm>>
        %dma_wait3A_145 = arith.constant 0 : i32
        %dma_wait3A_146 = arith.constant 0 : i32
        %dma_wait3A_147 = tpu.memref_slice %arg5[%dma_wait3A_145, %dma_wait3A_146] : memref<10000x64xf32, #tpu.memory_space<hbm>> -> memref<96x64xf32, #tpu.memory_space<hbm>>
        tpu.wait_dma2 semaphore(%arg15 : memref<!tpu.dma_semaphore, #tpu.memory_space<semaphore_mem>>) src(%dma_wait3A_147 : memref<96x64xf32, #tpu.memory_space<hbm>>) dst(%arg9 : memref<96x64xf32, #tpu.memory_space<vmem>>)
      } else {
      }
      %ge3A = arith.constant 2 : i32
      %ge3A_43 = arith.cmpi sge, %add3A_40, %ge3A : i32
      %lt3A_44 = arith.constant 105 : i32
      %lt3A_45 = arith.cmpi slt, %add3A_40, %lt3A_44 : i32
      %and3A = arith.andi %ge3A_43, %lt3A_45 : i1
      %convert_element_type3A_46 = arith.extui %and3A : i1 to i32
      %cond3A_47 = arith.constant 0 : i32
      %cond3A_48 = arith.cmpi ne, %convert_element_type3A_46, %cond3A_47 : i32
      scf.if %cond3A_48 {
        %dma_wait3A_142 = arith.constant 0 : i32
        %dma_wait3A_143 = arith.constant 0 : i32
        %dma_wait3A_144 = tpu.memref_slice %arg13[%dma_wait3A_142, %dma_wait3A_143] : memref<10008x64xf32, #tpu.memory_space<vmem_shared>> -> memref<96x64xf32, #tpu.memory_space<vmem_shared>>
        %dma_wait3A_145 = arith.constant 0 : i32
        %dma_wait3A_146 = arith.constant 0 : i32
        %dma_wait3A_147 = tpu.memref_slice %arg13[%dma_wait3A_145, %dma_wait3A_146] : memref<10008x64xf32, #tpu.memory_space<vmem_shared>> -> memref<96x64xf32, #tpu.memory_space<vmem_shared>>
        tpu.wait_dma2 semaphore(%arg21 : memref<!tpu.dma_semaphore, #tpu.memory_space<semaphore_mem>>) src(%arg11 : memref<96x64xf32, #tpu.memory_space<vmem>>) dst(%dma_wait3A_147 : memref<96x64xf32, #tpu.memory_space<vmem_shared>>)
      } else {
      }
      %add3A_49 = arith.constant 2 : i32
      %add3A_50 = arith.addi %add3A_40, %add3A_49 : i32
      %lt3A_51 = arith.constant 105 : i32
      %lt3A_52 = arith.cmpi slt, %add3A_50, %lt3A_51 : i32
      %convert_element_type3A_53 = arith.extui %lt3A_52 : i1 to i32
      %cond3A_54 = arith.constant 0 : i32
      %cond3A_55 = arith.cmpi ne, %convert_element_type3A_53, %cond3A_54 : i32
      scf.if %cond3A_55 {
        %add3A_142 = arith.constant 2 : i32
        %add3A_143 = arith.addi %add3A_40, %add3A_142 : i32
        %dma_start3A_144 = arith.constant 0 : i32
        %dma_start3A_145 = tpu.memref_slice %arg7[%add3A_143, %dma_start3A_144] : memref<105x96xi32, #tpu.memory_space<vmem>> -> memref<1x96xi32, #tpu.memory_space<vmem>>
        %dma_start3A_146 = tpu.memref_squeeze %dma_start3A_145 : memref<1x96xi32, #tpu.memory_space<vmem>> -> memref<96xi32, #tpu.memory_space<vmem>>
        %dma_start3A_147 = arith.constant 0 : i32
        %dma_start3A_148 = arith.constant 0 : i32
        %dma_start3A_149 = tpu.memref_slice %arg14[%dma_start3A_147, %dma_start3A_148] : memref<10000x64xf32, #tpu.memory_space<vmem_shared>> -> memref<10000x64xf32, #tpu.memory_space<vmem_shared>>
        tpu.enqueue_indirect_dma source(%dma_start3A_149 : memref<10000x64xf32, #tpu.memory_space<vmem_shared>>) target(%arg11 : memref<96x64xf32, #tpu.memory_space<vmem>>) offsets(%dma_start3A_146 : memref<96xi32, #tpu.memory_space<vmem>>) semaphore(%arg17 : memref<!tpu.dma_semaphore, #tpu.memory_space<semaphore_mem>>)
      } else {
      }
      %lt3A_56 = arith.constant 105 : i32
      %lt3A_57 = arith.cmpi slt, %add3A_40, %lt3A_56 : i32
      %convert_element_type3A_58 = arith.extui %lt3A_57 : i1 to i32
      %cond3A_59 = arith.constant 0 : i32
      %cond3A_60 = arith.cmpi ne, %convert_element_type3A_58, %cond3A_59 : i32
      scf.if %cond3A_60 {
        %dma_start3A_142 = arith.constant 0 : i32
        %dma_start3A_143 = tpu.memref_slice %arg8[%add3A_40, %dma_start3A_142] : memref<105x96xi32, #tpu.memory_space<vmem>> -> memref<1x96xi32, #tpu.memory_space<vmem>>
        %dma_start3A_144 = tpu.memref_squeeze %dma_start3A_143 : memref<1x96xi32, #tpu.memory_space<vmem>> -> memref<96xi32, #tpu.memory_space<vmem>>
        %dma_start3A_145 = arith.constant 0 : i32
        %dma_start3A_146 = arith.constant 0 : i32
        %dma_start3A_147 = tpu.memref_slice %arg13[%dma_start3A_145, %dma_start3A_146] : memref<10008x64xf32, #tpu.memory_space<vmem_shared>> -> memref<10008x64xf32, #tpu.memory_space<vmem_shared>>
        tpu.enqueue_indirect_dma source(%arg9 : memref<96x64xf32, #tpu.memory_space<vmem>>) target(%dma_start3A_147 : memref<10008x64xf32, #tpu.memory_space<vmem_shared>>) offsets(%dma_start3A_144 : memref<96xi32, #tpu.memory_space<vmem>>) semaphore(%arg19 : memref<!tpu.dma_semaphore, #tpu.memory_space<semaphore_mem>>) {add = true}
      } else {
      }
      %add3A_61 = arith.constant 1 : i32
      %add3A_62 = arith.addi %add3A_38, %add3A_61 : i32
      %lt3A_63 = arith.constant 105 : i32
      %lt3A_64 = arith.cmpi slt, %add3A_62, %lt3A_63 : i32
      %convert_element_type3A_65 = arith.extui %lt3A_64 : i1 to i32
      %cond3A_66 = arith.constant 0 : i32
      %cond3A_67 = arith.cmpi ne, %convert_element_type3A_65, %cond3A_66 : i32
      scf.if %cond3A_67 {
        %dma_wait3A_142 = arith.constant 0 : i32
        %dma_wait3A_143 = arith.constant 0 : i32
        %dma_wait3A_144 = tpu.memref_slice %arg5[%dma_wait3A_142, %dma_wait3A_143] : memref<10000x64xf32, #tpu.memory_space<hbm>> -> memref<96x64xf32, #tpu.memory_space<hbm>>
        %dma_wait3A_145 = arith.constant 0 : i32
        %dma_wait3A_146 = arith.constant 0 : i32
        %dma_wait3A_147 = tpu.memref_slice %arg5[%dma_wait3A_145, %dma_wait3A_146] : memref<10000x64xf32, #tpu.memory_space<hbm>> -> memref<96x64xf32, #tpu.memory_space<hbm>>
        tpu.wait_dma2 semaphore(%arg16 : memref<!tpu.dma_semaphore, #tpu.memory_space<semaphore_mem>>) src(%dma_wait3A_147 : memref<96x64xf32, #tpu.memory_space<hbm>>) dst(%arg10 : memref<96x64xf32, #tpu.memory_space<vmem>>)
      } else {
      }
      %ge3A_68 = arith.constant 2 : i32
      %ge3A_69 = arith.cmpi sge, %add3A_62, %ge3A_68 : i32
      %lt3A_70 = arith.constant 105 : i32
      %lt3A_71 = arith.cmpi slt, %add3A_62, %lt3A_70 : i32
      %and3A_72 = arith.andi %ge3A_69, %lt3A_71 : i1
      %convert_element_type3A_73 = arith.extui %and3A_72 : i1 to i32
      %cond3A_74 = arith.constant 0 : i32
      %cond3A_75 = arith.cmpi ne, %convert_element_type3A_73, %cond3A_74 : i32
      scf.if %cond3A_75 {
        %dma_wait3A_142 = arith.constant 0 : i32
        %dma_wait3A_143 = arith.constant 0 : i32
        %dma_wait3A_144 = tpu.memref_slice %arg13[%dma_wait3A_142, %dma_wait3A_143] : memref<10008x64xf32, #tpu.memory_space<vmem_shared>> -> memref<96x64xf32, #tpu.memory_space<vmem_shared>>
        %dma_wait3A_145 = arith.constant 0 : i32
        %dma_wait3A_146 = arith.constant 0 : i32
        %dma_wait3A_147 = tpu.memref_slice %arg13[%dma_wait3A_145, %dma_wait3A_146] : memref<10008x64xf32, #tpu.memory_space<vmem_shared>> -> memref<96x64xf32, #tpu.memory_space<vmem_shared>>
        tpu.wait_dma2 semaphore(%arg22 : memref<!tpu.dma_semaphore, #tpu.memory_space<semaphore_mem>>) src(%arg12 : memref<96x64xf32, #tpu.memory_space<vmem>>) dst(%dma_wait3A_147 : memref<96x64xf32, #tpu.memory_space<vmem_shared>>)
      } else {
      }
      %add3A_76 = arith.constant 2 : i32
      %add3A_77 = arith.addi %add3A_62, %add3A_76 : i32
      %lt3A_78 = arith.constant 105 : i32
      %lt3A_79 = arith.cmpi slt, %add3A_77, %lt3A_78 : i32
      %convert_element_type3A_80 = arith.extui %lt3A_79 : i1 to i32
      %cond3A_81 = arith.constant 0 : i32
      %cond3A_82 = arith.cmpi ne, %convert_element_type3A_80, %cond3A_81 : i32
      scf.if %cond3A_82 {
        %add3A_142 = arith.constant 2 : i32
        %add3A_143 = arith.addi %add3A_62, %add3A_142 : i32
        %dma_start3A_144 = arith.constant 0 : i32
        %dma_start3A_145 = tpu.memref_slice %arg7[%add3A_143, %dma_start3A_144] : memref<105x96xi32, #tpu.memory_space<vmem>> -> memref<1x96xi32, #tpu.memory_space<vmem>>
        %dma_start3A_146 = tpu.memref_squeeze %dma_start3A_145 : memref<1x96xi32, #tpu.memory_space<vmem>> -> memref<96xi32, #tpu.memory_space<vmem>>
        %dma_start3A_147 = arith.constant 0 : i32
        %dma_start3A_148 = arith.constant 0 : i32
        %dma_start3A_149 = tpu.memref_slice %arg14[%dma_start3A_147, %dma_start3A_148] : memref<10000x64xf32, #tpu.memory_space<vmem_shared>> -> memref<10000x64xf32, #tpu.memory_space<vmem_shared>>
        tpu.enqueue_indirect_dma source(%dma_start3A_149 : memref<10000x64xf32, #tpu.memory_space<vmem_shared>>) target(%arg12 : memref<96x64xf32, #tpu.memory_space<vmem>>) offsets(%dma_start3A_146 : memref<96xi32, #tpu.memory_space<vmem>>) semaphore(%arg18 : memref<!tpu.dma_semaphore, #tpu.memory_space<semaphore_mem>>)
      } else {
      }
      %lt3A_83 = arith.constant 105 : i32
      %lt3A_84 = arith.cmpi slt, %add3A_62, %lt3A_83 : i32
      %convert_element_type3A_85 = arith.extui %lt3A_84 : i1 to i32
      %cond3A_86 = arith.constant 0 : i32
      %cond3A_87 = arith.cmpi ne, %convert_element_type3A_85, %cond3A_86 : i32
      scf.if %cond3A_87 {
        %dma_start3A_142 = arith.constant 0 : i32
        %dma_start3A_143 = tpu.memref_slice %arg8[%add3A_62, %dma_start3A_142] : memref<105x96xi32, #tpu.memory_space<vmem>> -> memref<1x96xi32, #tpu.memory_space<vmem>>
        %dma_start3A_144 = tpu.memref_squeeze %dma_start3A_143 : memref<1x96xi32, #tpu.memory_space<vmem>> -> memref<96xi32, #tpu.memory_space<vmem>>
        %dma_start3A_145 = arith.constant 0 : i32
        %dma_start3A_146 = arith.constant 0 : i32
        %dma_start3A_147 = tpu.memref_slice %arg13[%dma_start3A_145, %dma_start3A_146] : memref<10008x64xf32, #tpu.memory_space<vmem_shared>> -> memref<10008x64xf32, #tpu.memory_space<vmem_shared>>
        tpu.enqueue_indirect_dma source(%arg10 : memref<96x64xf32, #tpu.memory_space<vmem>>) target(%dma_start3A_147 : memref<10008x64xf32, #tpu.memory_space<vmem_shared>>) offsets(%dma_start3A_144 : memref<96xi32, #tpu.memory_space<vmem>>) semaphore(%arg20 : memref<!tpu.dma_semaphore, #tpu.memory_space<semaphore_mem>>) {add = true}
      } else {
      }
      %add3A_88 = arith.constant 2 : i32
      %add3A_89 = arith.addi %add3A_38, %add3A_88 : i32
      %lt3A_90 = arith.constant 105 : i32
      %lt3A_91 = arith.cmpi slt, %add3A_89, %lt3A_90 : i32
      %convert_element_type3A_92 = arith.extui %lt3A_91 : i1 to i32
      %cond3A_93 = arith.constant 0 : i32
      %cond3A_94 = arith.cmpi ne, %convert_element_type3A_92, %cond3A_93 : i32
      scf.if %cond3A_94 {
        %dma_wait3A_142 = arith.constant 0 : i32
        %dma_wait3A_143 = arith.constant 0 : i32
        %dma_wait3A_144 = tpu.memref_slice %arg5[%dma_wait3A_142, %dma_wait3A_143] : memref<10000x64xf32, #tpu.memory_space<hbm>> -> memref<96x64xf32, #tpu.memory_space<hbm>>
        %dma_wait3A_145 = arith.constant 0 : i32
        %dma_wait3A_146 = arith.constant 0 : i32
        %dma_wait3A_147 = tpu.memref_slice %arg5[%dma_wait3A_145, %dma_wait3A_146] : memref<10000x64xf32, #tpu.memory_space<hbm>> -> memref<96x64xf32, #tpu.memory_space<hbm>>
        tpu.wait_dma2 semaphore(%arg17 : memref<!tpu.dma_semaphore, #tpu.memory_space<semaphore_mem>>) src(%dma_wait3A_147 : memref<96x64xf32, #tpu.memory_space<hbm>>) dst(%arg11 : memref<96x64xf32, #tpu.memory_space<vmem>>)
      } else {
      }
      %ge3A_95 = arith.constant 2 : i32
      %ge3A_96 = arith.cmpi sge, %add3A_89, %ge3A_95 : i32
      %lt3A_97 = arith.constant 105 : i32
      %lt3A_98 = arith.cmpi slt, %add3A_89, %lt3A_97 : i32
      %and3A_99 = arith.andi %ge3A_96, %lt3A_98 : i1
      %convert_element_type3A_100 = arith.extui %and3A_99 : i1 to i32
      %cond3A_101 = arith.constant 0 : i32
      %cond3A_102 = arith.cmpi ne, %convert_element_type3A_100, %cond3A_101 : i32
      scf.if %cond3A_102 {
        %dma_wait3A_142 = arith.constant 0 : i32
        %dma_wait3A_143 = arith.constant 0 : i32
        %dma_wait3A_144 = tpu.memref_slice %arg13[%dma_wait3A_142, %dma_wait3A_143] : memref<10008x64xf32, #tpu.memory_space<vmem_shared>> -> memref<96x64xf32, #tpu.memory_space<vmem_shared>>
        %dma_wait3A_145 = arith.constant 0 : i32
        %dma_wait3A_146 = arith.constant 0 : i32
        %dma_wait3A_147 = tpu.memref_slice %arg13[%dma_wait3A_145, %dma_wait3A_146] : memref<10008x64xf32, #tpu.memory_space<vmem_shared>> -> memref<96x64xf32, #tpu.memory_space<vmem_shared>>
        tpu.wait_dma2 semaphore(%arg19 : memref<!tpu.dma_semaphore, #tpu.memory_space<semaphore_mem>>) src(%arg9 : memref<96x64xf32, #tpu.memory_space<vmem>>) dst(%dma_wait3A_147 : memref<96x64xf32, #tpu.memory_space<vmem_shared>>)
      } else {
      }
      %add3A_103 = arith.constant 2 : i32
      %add3A_104 = arith.addi %add3A_89, %add3A_103 : i32
      %lt3A_105 = arith.constant 105 : i32
      %lt3A_106 = arith.cmpi slt, %add3A_104, %lt3A_105 : i32
      %convert_element_type3A_107 = arith.extui %lt3A_106 : i1 to i32
      %cond3A_108 = arith.constant 0 : i32
      %cond3A_109 = arith.cmpi ne, %convert_element_type3A_107, %cond3A_108 : i32
      scf.if %cond3A_109 {
        %add3A_142 = arith.constant 2 : i32
        %add3A_143 = arith.addi %add3A_89, %add3A_142 : i32
        %dma_start3A_144 = arith.constant 0 : i32
        %dma_start3A_145 = tpu.memref_slice %arg7[%add3A_143, %dma_start3A_144] : memref<105x96xi32, #tpu.memory_space<vmem>> -> memref<1x96xi32, #tpu.memory_space<vmem>>
        %dma_start3A_146 = tpu.memref_squeeze %dma_start3A_145 : memref<1x96xi32, #tpu.memory_space<vmem>> -> memref<96xi32, #tpu.memory_space<vmem>>
        %dma_start3A_147 = arith.constant 0 : i32
        %dma_start3A_148 = arith.constant 0 : i32
        %dma_start3A_149 = tpu.memref_slice %arg14[%dma_start3A_147, %dma_start3A_148] : memref<10000x64xf32, #tpu.memory_space<vmem_shared>> -> memref<10000x64xf32, #tpu.memory_space<vmem_shared>>
        tpu.enqueue_indirect_dma source(%dma_start3A_149 : memref<10000x64xf32, #tpu.memory_space<vmem_shared>>) target(%arg9 : memref<96x64xf32, #tpu.memory_space<vmem>>) offsets(%dma_start3A_146 : memref<96xi32, #tpu.memory_space<vmem>>) semaphore(%arg15 : memref<!tpu.dma_semaphore, #tpu.memory_space<semaphore_mem>>)
      } else {
      }
      %lt3A_110 = arith.constant 105 : i32
      %lt3A_111 = arith.cmpi slt, %add3A_89, %lt3A_110 : i32
      %convert_element_type3A_112 = arith.extui %lt3A_111 : i1 to i32
      %cond3A_113 = arith.constant 0 : i32
      %cond3A_114 = arith.cmpi ne, %convert_element_type3A_112, %cond3A_113 : i32
      scf.if %cond3A_114 {
        %dma_start3A_142 = arith.constant 0 : i32
        %dma_start3A_143 = tpu.memref_slice %arg8[%add3A_89, %dma_start3A_142] : memref<105x96xi32, #tpu.memory_space<vmem>> -> memref<1x96xi32, #tpu.memory_space<vmem>>
        %dma_start3A_144 = tpu.memref_squeeze %dma_start3A_143 : memref<1x96xi32, #tpu.memory_space<vmem>> -> memref<96xi32, #tpu.memory_space<vmem>>
        %dma_start3A_145 = arith.constant 0 : i32
        %dma_start3A_146 = arith.constant 0 : i32
        %dma_start3A_147 = tpu.memref_slice %arg13[%dma_start3A_145, %dma_start3A_146] : memref<10008x64xf32, #tpu.memory_space<vmem_shared>> -> memref<10008x64xf32, #tpu.memory_space<vmem_shared>>
        tpu.enqueue_indirect_dma source(%arg11 : memref<96x64xf32, #tpu.memory_space<vmem>>) target(%dma_start3A_147 : memref<10008x64xf32, #tpu.memory_space<vmem_shared>>) offsets(%dma_start3A_144 : memref<96xi32, #tpu.memory_space<vmem>>) semaphore(%arg21 : memref<!tpu.dma_semaphore, #tpu.memory_space<semaphore_mem>>) {add = true}
      } else {
      }
      %add3A_115 = arith.constant 3 : i32
      %add3A_116 = arith.addi %add3A_38, %add3A_115 : i32
      %lt3A_117 = arith.constant 105 : i32
      %lt3A_118 = arith.cmpi slt, %add3A_116, %lt3A_117 : i32
      %convert_element_type3A_119 = arith.extui %lt3A_118 : i1 to i32
      %cond3A_120 = arith.constant 0 : i32
      %cond3A_121 = arith.cmpi ne, %convert_element_type3A_119, %cond3A_120 : i32
      scf.if %cond3A_121 {
        %dma_wait3A_142 = arith.constant 0 : i32
        %dma_wait3A_143 = arith.constant 0 : i32
        %dma_wait3A_144 = tpu.memref_slice %arg5[%dma_wait3A_142, %dma_wait3A_143] : memref<10000x64xf32, #tpu.memory_space<hbm>> -> memref<96x64xf32, #tpu.memory_space<hbm>>
        %dma_wait3A_145 = arith.constant 0 : i32
        %dma_wait3A_146 = arith.constant 0 : i32
        %dma_wait3A_147 = tpu.memref_slice %arg5[%dma_wait3A_145, %dma_wait3A_146] : memref<10000x64xf32, #tpu.memory_space<hbm>> -> memref<96x64xf32, #tpu.memory_space<hbm>>
        tpu.wait_dma2 semaphore(%arg18 : memref<!tpu.dma_semaphore, #tpu.memory_space<semaphore_mem>>) src(%dma_wait3A_147 : memref<96x64xf32, #tpu.memory_space<hbm>>) dst(%arg12 : memref<96x64xf32, #tpu.memory_space<vmem>>)
      } else {
      }
      %ge3A_122 = arith.constant 2 : i32
      %ge3A_123 = arith.cmpi sge, %add3A_116, %ge3A_122 : i32
      %lt3A_124 = arith.constant 105 : i32
      %lt3A_125 = arith.cmpi slt, %add3A_116, %lt3A_124 : i32
      %and3A_126 = arith.andi %ge3A_123, %lt3A_125 : i1
      %convert_element_type3A_127 = arith.extui %and3A_126 : i1 to i32
      %cond3A_128 = arith.constant 0 : i32
      %cond3A_129 = arith.cmpi ne, %convert_element_type3A_127, %cond3A_128 : i32
      scf.if %cond3A_129 {
        %dma_wait3A_142 = arith.constant 0 : i32
        %dma_wait3A_143 = arith.constant 0 : i32
        %dma_wait3A_144 = tpu.memref_slice %arg13[%dma_wait3A_142, %dma_wait3A_143] : memref<10008x64xf32, #tpu.memory_space<vmem_shared>> -> memref<96x64xf32, #tpu.memory_space<vmem_shared>>
        %dma_wait3A_145 = arith.constant 0 : i32
        %dma_wait3A_146 = arith.constant 0 : i32
        %dma_wait3A_147 = tpu.memref_slice %arg13[%dma_wait3A_145, %dma_wait3A_146] : memref<10008x64xf32, #tpu.memory_space<vmem_shared>> -> memref<96x64xf32, #tpu.memory_space<vmem_shared>>
        tpu.wait_dma2 semaphore(%arg20 : memref<!tpu.dma_semaphore, #tpu.memory_space<semaphore_mem>>) src(%arg10 : memref<96x64xf32, #tpu.memory_space<vmem>>) dst(%dma_wait3A_147 : memref<96x64xf32, #tpu.memory_space<vmem_shared>>)
      } else {
      }
      %add3A_130 = arith.constant 2 : i32
      %add3A_131 = arith.addi %add3A_116, %add3A_130 : i32
      %lt3A_132 = arith.constant 105 : i32
      %lt3A_133 = arith.cmpi slt, %add3A_131, %lt3A_132 : i32
      %convert_element_type3A_134 = arith.extui %lt3A_133 : i1 to i32
      %cond3A_135 = arith.constant 0 : i32
      %cond3A_136 = arith.cmpi ne, %convert_element_type3A_134, %cond3A_135 : i32
      scf.if %cond3A_136 {
        %add3A_142 = arith.constant 2 : i32
        %add3A_143 = arith.addi %add3A_116, %add3A_142 : i32
        %dma_start3A_144 = arith.constant 0 : i32
        %dma_start3A_145 = tpu.memref_slice %arg7[%add3A_143, %dma_start3A_144] : memref<105x96xi32, #tpu.memory_space<vmem>> -> memref<1x96xi32, #tpu.memory_space<vmem>>
        %dma_start3A_146 = tpu.memref_squeeze %dma_start3A_145 : memref<1x96xi32, #tpu.memory_space<vmem>> -> memref<96xi32, #tpu.memory_space<vmem>>
        %dma_start3A_147 = arith.constant 0 : i32
        %dma_start3A_148 = arith.constant 0 : i32
        %dma_start3A_149 = tpu.memref_slice %arg14[%dma_start3A_147, %dma_start3A_148] : memref<10000x64xf32, #tpu.memory_space<vmem_shared>> -> memref<10000x64xf32, #tpu.memory_space<vmem_shared>>
        tpu.enqueue_indirect_dma source(%dma_start3A_149 : memref<10000x64xf32, #tpu.memory_space<vmem_shared>>) target(%arg10 : memref<96x64xf32, #tpu.memory_space<vmem>>) offsets(%dma_start3A_146 : memref<96xi32, #tpu.memory_space<vmem>>) semaphore(%arg16 : memref<!tpu.dma_semaphore, #tpu.memory_space<semaphore_mem>>)
      } else {
      }
      %lt3A_137 = arith.constant 105 : i32
      %lt3A_138 = arith.cmpi slt, %add3A_116, %lt3A_137 : i32
      %convert_element_type3A_139 = arith.extui %lt3A_138 : i1 to i32
      %cond3A_140 = arith.constant 0 : i32
      %cond3A_141 = arith.cmpi ne, %convert_element_type3A_139, %cond3A_140 : i32
      scf.if %cond3A_141 {
        %dma_start3A_142 = arith.constant 0 : i32
        %dma_start3A_143 = tpu.memref_slice %arg8[%add3A_116, %dma_start3A_142] : memref<105x96xi32, #tpu.memory_space<vmem>> -> memref<1x96xi32, #tpu.memory_space<vmem>>
        %dma_start3A_144 = tpu.memref_squeeze %dma_start3A_143 : memref<1x96xi32, #tpu.memory_space<vmem>> -> memref<96xi32, #tpu.memory_space<vmem>>
        %dma_start3A_145 = arith.constant 0 : i32
        %dma_start3A_146 = arith.constant 0 : i32
        %dma_start3A_147 = tpu.memref_slice %arg13[%dma_start3A_145, %dma_start3A_146] : memref<10008x64xf32, #tpu.memory_space<vmem_shared>> -> memref<10008x64xf32, #tpu.memory_space<vmem_shared>>
        tpu.enqueue_indirect_dma source(%arg12 : memref<96x64xf32, #tpu.memory_space<vmem>>) target(%dma_start3A_147 : memref<10008x64xf32, #tpu.memory_space<vmem_shared>>) offsets(%dma_start3A_144 : memref<96xi32, #tpu.memory_space<vmem>>) semaphore(%arg22 : memref<!tpu.dma_semaphore, #tpu.memory_space<semaphore_mem>>) {add = true}
      } else {
      }
    }
    %scan3A_19 = arith.constant 27 : i32
    %dma_wait3A = arith.constant 0 : i32
    %dma_wait3A_20 = arith.constant 0 : i32
    %dma_wait3A_21 = tpu.memref_slice %arg13[%dma_wait3A, %dma_wait3A_20] : memref<10008x64xf32, #tpu.memory_space<vmem_shared>> -> memref<96x64xf32, #tpu.memory_space<vmem_shared>>
    %dma_wait3A_22 = arith.constant 0 : i32
    %dma_wait3A_23 = arith.constant 0 : i32
    %dma_wait3A_24 = tpu.memref_slice %arg13[%dma_wait3A_22, %dma_wait3A_23] : memref<10008x64xf32, #tpu.memory_space<vmem_shared>> -> memref<96x64xf32, #tpu.memory_space<vmem_shared>>
    tpu.wait_dma2 semaphore(%arg22 : memref<!tpu.dma_semaphore, #tpu.memory_space<semaphore_mem>>) src(%arg12 : memref<96x64xf32, #tpu.memory_space<vmem>>) dst(%dma_wait3A_24 : memref<96x64xf32, #tpu.memory_space<vmem_shared>>)
    %dma_wait3A_25 = arith.constant 0 : i32
    %dma_wait3A_26 = arith.constant 0 : i32
    %dma_wait3A_27 = tpu.memref_slice %arg13[%dma_wait3A_25, %dma_wait3A_26] : memref<10008x64xf32, #tpu.memory_space<vmem_shared>> -> memref<96x64xf32, #tpu.memory_space<vmem_shared>>
    %dma_wait3A_28 = arith.constant 0 : i32
    %dma_wait3A_29 = arith.constant 0 : i32
    %dma_wait3A_30 = tpu.memref_slice %arg13[%dma_wait3A_28, %dma_wait3A_29] : memref<10008x64xf32, #tpu.memory_space<vmem_shared>> -> memref<96x64xf32, #tpu.memory_space<vmem_shared>>
    tpu.wait_dma2 semaphore(%arg19 : memref<!tpu.dma_semaphore, #tpu.memory_space<semaphore_mem>>) src(%arg9 : memref<96x64xf32, #tpu.memory_space<vmem>>) dst(%dma_wait3A_30 : memref<96x64xf32, #tpu.memory_space<vmem_shared>>)
    %barrier3A_31 = arith.constant 0 : index
    tpu.barrier barrier_id(%barrier3A_31)
    %add3A_32 = arith.constant 0 : i32
    %add3A_33 = arith.addi %add3A_32, %arg0 : i32
    "tpu.region"() ({
      %run_scoped3A = tpu.sem_alloc : memref<!tpu.dma_semaphore, #tpu.memory_space<semaphore_mem>>
      %dma_start3A_34 = arith.constant 0 : i32
      %dma_start3A_35 = tpu.memref_slice %arg6[%add3A_33, %mul3A_2, %dma_start3A_34] : memref<2x10000x64xf32, #tpu.memory_space<hbm>> -> memref<1x640x64xf32, #tpu.memory_space<hbm>>
      %dma_start3A_36 = tpu.memref_squeeze %dma_start3A_35 : memref<1x640x64xf32, #tpu.memory_space<hbm>> -> memref<640x64xf32, #tpu.memory_space<hbm>>
      %dma_start3A_37 = arith.constant 0 : i32
      %dma_start3A_38 = tpu.memref_slice %arg13[%mul3A_2, %dma_start3A_37] : memref<10008x64xf32, #tpu.memory_space<vmem_shared>> -> memref<640x64xf32, #tpu.memory_space<vmem_shared>>
      tpu.enqueue_dma source(%dma_start3A_38 : memref<640x64xf32, #tpu.memory_space<vmem_shared>>) target(%dma_start3A_36 : memref<640x64xf32, #tpu.memory_space<hbm>>) target_semaphore(%run_scoped3A : memref<!tpu.dma_semaphore, #tpu.memory_space<semaphore_mem>>)
      %dma_wait3A_39 = arith.constant 0 : i32
      %dma_wait3A_40 = tpu.memref_slice %arg6[%add3A_33, %mul3A_2, %dma_wait3A_39] : memref<2x10000x64xf32, #tpu.memory_space<hbm>> -> memref<1x640x64xf32, #tpu.memory_space<hbm>>
      %dma_wait3A_41 = tpu.memref_squeeze %dma_wait3A_40 : memref<1x640x64xf32, #tpu.memory_space<hbm>> -> memref<640x64xf32, #tpu.memory_space<hbm>>
      %dma_wait3A_42 = arith.constant 0 : i32
      %dma_wait3A_43 = tpu.memref_slice %arg13[%mul3A_2, %dma_wait3A_42] : memref<10008x64xf32, #tpu.memory_space<vmem_shared>> -> memref<640x64xf32, #tpu.memory_space<vmem_shared>>
      tpu.wait_dma2 semaphore(%run_scoped3A : memref<!tpu.dma_semaphore, #tpu.memory_space<semaphore_mem>>) src(%dma_wait3A_43 : memref<640x64xf32, #tpu.memory_space<vmem_shared>>) dst(%dma_wait3A_41 : memref<640x64xf32, #tpu.memory_space<hbm>>)
      tpu.yield
    }) : () -> ()
    return
  }
}

#map = affine_map<(d0, d1) -> (0, 0)>
#map1 = affine_map<(d0, d1) -> (0, 0, 0)>
module attributes {stable_mosaic.version = 14 : i64} {
  func.func @spmm(%arg0: i32, %arg1: i32, %arg2: memref<10000x64xf32, #tpu.memory_space<hbm>>, %arg3: memref<32x105x96xi32, #tpu.memory_space<hbm>>, %arg4: memref<32x105x96xi32, #tpu.memory_space<hbm>>, %arg5: memref<10000x64xf32, #tpu.memory_space<hbm>>, %arg6: memref<2x10000x64xf32, #tpu.memory_space<hbm>>, %arg7: memref<105x96xi32, #tpu.memory_space<vmem>>, %arg8: memref<105x96xi32, #tpu.memory_space<vmem>>, %arg9: memref<96x64xf32, #tpu.memory_space<vmem>>, %arg10: memref<96x64xf32, #tpu.memory_space<vmem>>, %arg11: memref<96x64xf32, #tpu.memory_space<vmem>>, %arg12: memref<96x64xf32, #tpu.memory_space<vmem>>, %arg13: memref<10008x64xf32, #tpu.memory_space<vmem_shared>>, %arg14: memref<10000x64xf32, #tpu.memory_space<vmem_shared>>, %arg15: memref<!tpu.dma_semaphore, #tpu.memory_space<semaphore_mem>>, %arg16: memref<!tpu.dma_semaphore, #tpu.memory_space<semaphore_mem>>, %arg17: memref<!tpu.dma_semaphore, #tpu.memory_space<semaphore_mem>>, %arg18: memref<!tpu.dma_semaphore, #tpu.memory_space<semaphore_mem>>, %arg19: memref<!tpu.dma_semaphore, #tpu.memory_space<semaphore_mem>>, %arg20: memref<!tpu.dma_semaphore, #tpu.memory_space<semaphore_mem>>, %arg21: memref<!tpu.dma_semaphore, #tpu.memory_space<semaphore_mem>>, %arg22: memref<!tpu.dma_semaphore, #tpu.memory_space<semaphore_mem>>) attributes {dimension_semantics = [#tpu.dimension_semantics<core_parallel>, #tpu.dimension_semantics<subcore_parallel>], iteration_bounds = array<i64: 2, 16>, scalar_prefetch = 0 : i64, scratch_operands = 16 : i64, tpu.core_type = #tpu.core_type<sc_vector_subcore>, window_params = [{transform_indices = #map}, {transform_indices = #map1}, {transform_indices = #map1}, {transform_indices = #map}, {transform_indices = #map1}]} {
    %mul3A = arith.constant 2 : i32
    %mul3A_0 = arith.muli %arg1, %mul3A : i32
    %add3A = arith.addi %mul3A_0, %arg0 : i32
    %mul3A_1 = arith.constant 624 : i32
    %mul3A_2 = arith.muli %arg1, %mul3A_1 : i32
    "tpu.region"() ({
      %run_scoped3A = tpu.sem_alloc : memref<!tpu.dma_semaphore, #tpu.memory_space<semaphore_mem>>
      %dma_start3A_34 = arith.constant 0 : i32
      %dma_start3A_35 = arith.constant 0 : i32
      %dma_start3A_36 = tpu.memref_slice %arg3[%add3A, %dma_start3A_34, %dma_start3A_35] : memref<32x105x96xi32, #tpu.memory_space<hbm>> -> memref<1x105x96xi32, #tpu.memory_space<hbm>>
      %dma_start3A_37 = tpu.memref_squeeze %dma_start3A_36 : memref<1x105x96xi32, #tpu.memory_space<hbm>> -> memref<105x96xi32, #tpu.memory_space<hbm>>
      %dma_start3A_38 = arith.constant 0 : i32
      %dma_start3A_39 = arith.constant 0 : i32
      %dma_start3A_40 = tpu.memref_slice %arg3[%add3A, %dma_start3A_38, %dma_start3A_39] : memref<32x105x96xi32, #tpu.memory_space<hbm>> -> memref<1x105x96xi32, #tpu.memory_space<hbm>>
      %dma_start3A_41 = tpu.memref_squeeze %dma_start3A_40 : memref<1x105x96xi32, #tpu.memory_space<hbm>> -> memref<105x96xi32, #tpu.memory_space<hbm>>
      tpu.enqueue_dma source(%dma_start3A_41 : memref<105x96xi32, #tpu.memory_space<hbm>>) target(%arg7 : memref<105x96xi32, #tpu.memory_space<vmem>>) target_semaphore(%run_scoped3A : memref<!tpu.dma_semaphore, #tpu.memory_space<semaphore_mem>>)
      %dma_wait3A_42 = arith.constant 0 : i32
      %dma_wait3A_43 = arith.constant 0 : i32
      %dma_wait3A_44 = tpu.memref_slice %arg3[%add3A, %dma_wait3A_42, %dma_wait3A_43] : memref<32x105x96xi32, #tpu.memory_space<hbm>> -> memref<1x105x96xi32, #tpu.memory_space<hbm>>
      %dma_wait3A_45 = tpu.memref_squeeze %dma_wait3A_44 : memref<1x105x96xi32, #tpu.memory_space<hbm>> -> memref<105x96xi32, #tpu.memory_space<hbm>>
      %dma_wait3A_46 = arith.constant 0 : i32
      %dma_wait3A_47 = arith.constant 0 : i32
      %dma_wait3A_48 = tpu.memref_slice %arg3[%add3A, %dma_wait3A_46, %dma_wait3A_47] : memref<32x105x96xi32, #tpu.memory_space<hbm>> -> memref<1x105x96xi32, #tpu.memory_space<hbm>>
      %dma_wait3A_49 = tpu.memref_squeeze %dma_wait3A_48 : memref<1x105x96xi32, #tpu.memory_space<hbm>> -> memref<105x96xi32, #tpu.memory_space<hbm>>
      tpu.wait_dma2 semaphore(%run_scoped3A : memref<!tpu.dma_semaphore, #tpu.memory_space<semaphore_mem>>) src(%dma_wait3A_49 : memref<105x96xi32, #tpu.memory_space<hbm>>) dst(%arg7 : memref<105x96xi32, #tpu.memory_space<vmem>>)
      tpu.yield
    }) : () -> ()
    "tpu.region"() ({
      %run_scoped3A = tpu.sem_alloc : memref<!tpu.dma_semaphore, #tpu.memory_space<semaphore_mem>>
      %dma_start3A_34 = arith.constant 0 : i32
      %dma_start3A_35 = arith.constant 0 : i32
      %dma_start3A_36 = tpu.memref_slice %arg4[%add3A, %dma_start3A_34, %dma_start3A_35] : memref<32x105x96xi32, #tpu.memory_space<hbm>> -> memref<1x105x96xi32, #tpu.memory_space<hbm>>
      %dma_start3A_37 = tpu.memref_squeeze %dma_start3A_36 : memref<1x105x96xi32, #tpu.memory_space<hbm>> -> memref<105x96xi32, #tpu.memory_space<hbm>>
      %dma_start3A_38 = arith.constant 0 : i32
      %dma_start3A_39 = arith.constant 0 : i32
      %dma_start3A_40 = tpu.memref_slice %arg4[%add3A, %dma_start3A_38, %dma_start3A_39] : memref<32x105x96xi32, #tpu.memory_space<hbm>> -> memref<1x105x96xi32, #tpu.memory_space<hbm>>
      %dma_start3A_41 = tpu.memref_squeeze %dma_start3A_40 : memref<1x105x96xi32, #tpu.memory_space<hbm>> -> memref<105x96xi32, #tpu.memory_space<hbm>>
      tpu.enqueue_dma source(%dma_start3A_41 : memref<105x96xi32, #tpu.memory_space<hbm>>) target(%arg8 : memref<105x96xi32, #tpu.memory_space<vmem>>) target_semaphore(%run_scoped3A : memref<!tpu.dma_semaphore, #tpu.memory_space<semaphore_mem>>)
      %dma_wait3A_42 = arith.constant 0 : i32
      %dma_wait3A_43 = arith.constant 0 : i32
      %dma_wait3A_44 = tpu.memref_slice %arg4[%add3A, %dma_wait3A_42, %dma_wait3A_43] : memref<32x105x96xi32, #tpu.memory_space<hbm>> -> memref<1x105x96xi32, #tpu.memory_space<hbm>>
      %dma_wait3A_45 = tpu.memref_squeeze %dma_wait3A_44 : memref<1x105x96xi32, #tpu.memory_space<hbm>> -> memref<105x96xi32, #tpu.memory_space<hbm>>
      %dma_wait3A_46 = arith.constant 0 : i32
      %dma_wait3A_47 = arith.constant 0 : i32
      %dma_wait3A_48 = tpu.memref_slice %arg4[%add3A, %dma_wait3A_46, %dma_wait3A_47] : memref<32x105x96xi32, #tpu.memory_space<hbm>> -> memref<1x105x96xi32, #tpu.memory_space<hbm>>
      %dma_wait3A_49 = tpu.memref_squeeze %dma_wait3A_48 : memref<1x105x96xi32, #tpu.memory_space<hbm>> -> memref<105x96xi32, #tpu.memory_space<hbm>>
      tpu.wait_dma2 semaphore(%run_scoped3A : memref<!tpu.dma_semaphore, #tpu.memory_space<semaphore_mem>>) src(%dma_wait3A_49 : memref<105x96xi32, #tpu.memory_space<hbm>>) dst(%arg8 : memref<105x96xi32, #tpu.memory_space<vmem>>)
      tpu.yield
    }) : () -> ()
    "tpu.region"() ({
      %run_scoped3A = tpu.sem_alloc : memref<!tpu.dma_semaphore, #tpu.memory_space<semaphore_mem>>
      %dma_start3A_34 = arith.constant 0 : i32
      %dma_start3A_35 = tpu.memref_slice %arg13[%mul3A_2, %dma_start3A_34] : memref<10008x64xf32, #tpu.memory_space<vmem_shared>> -> memref<640x64xf32, #tpu.memory_space<vmem_shared>>
      %dma_start3A_36 = arith.constant 0 : i32
      %dma_start3A_37 = tpu.memref_slice %arg5[%mul3A_2, %dma_start3A_36] : memref<10000x64xf32, #tpu.memory_space<hbm>> -> memref<640x64xf32, #tpu.memory_space<hbm>>
      tpu.enqueue_dma source(%dma_start3A_37 : memref<640x64xf32, #tpu.memory_space<hbm>>) target(%dma_start3A_35 : memref<640x64xf32, #tpu.memory_space<vmem_shared>>) target_semaphore(%run_scoped3A : memref<!tpu.dma_semaphore, #tpu.memory_space<semaphore_mem>>)
      %dma_wait3A_38 = arith.constant 0 : i32
      %dma_wait3A_39 = tpu.memref_slice %arg13[%mul3A_2, %dma_wait3A_38] : memref<10008x64xf32, #tpu.memory_space<vmem_shared>> -> memref<640x64xf32, #tpu.memory_space<vmem_shared>>
      %dma_wait3A_40 = arith.constant 0 : i32
      %dma_wait3A_41 = tpu.memref_slice %arg5[%mul3A_2, %dma_wait3A_40] : memref<10000x64xf32, #tpu.memory_space<hbm>> -> memref<640x64xf32, #tpu.memory_space<hbm>>
      tpu.wait_dma2 semaphore(%run_scoped3A : memref<!tpu.dma_semaphore, #tpu.memory_space<semaphore_mem>>) src(%dma_wait3A_41 : memref<640x64xf32, #tpu.memory_space<hbm>>) dst(%dma_wait3A_39 : memref<640x64xf32, #tpu.memory_space<vmem_shared>>)
      tpu.yield
    }) : () -> ()
    "tpu.region"() ({
      %run_scoped3A = tpu.sem_alloc : memref<!tpu.dma_semaphore, #tpu.memory_space<semaphore_mem>>
      %dma_start3A_34 = arith.constant 0 : i32
      %dma_start3A_35 = tpu.memref_slice %arg14[%mul3A_2, %dma_start3A_34] : memref<10000x64xf32, #tpu.memory_space<vmem_shared>> -> memref<640x64xf32, #tpu.memory_space<vmem_shared>>
      %dma_start3A_36 = arith.constant 0 : i32
      %dma_start3A_37 = tpu.memref_slice %arg2[%mul3A_2, %dma_start3A_36] : memref<10000x64xf32, #tpu.memory_space<hbm>> -> memref<640x64xf32, #tpu.memory_space<hbm>>
      tpu.enqueue_dma source(%dma_start3A_37 : memref<640x64xf32, #tpu.memory_space<hbm>>) target(%dma_start3A_35 : memref<640x64xf32, #tpu.memory_space<vmem_shared>>) target_semaphore(%run_scoped3A : memref<!tpu.dma_semaphore, #tpu.memory_space<semaphore_mem>>)
      %dma_wait3A_38 = arith.constant 0 : i32
      %dma_wait3A_39 = tpu.memref_slice %arg14[%mul3A_2, %dma_wait3A_38] : memref<10000x64xf32, #tpu.memory_space<vmem_shared>> -> memref<640x64xf32, #tpu.memory_space<vmem_shared>>
      %dma_wait3A_40 = arith.constant 0 : i32
      %dma_wait3A_41 = tpu.memref_slice %arg2[%mul3A_2, %dma_wait3A_40] : memref<10000x64xf32, #tpu.memory_space<hbm>> -> memref<640x64xf32, #tpu.memory_space<hbm>>
      tpu.wait_dma2 semaphore(%run_scoped3A : memref<!tpu.dma_semaphore, #tpu.memory_space<semaphore_mem>>) src(%dma_wait3A_41 : memref<640x64xf32, #tpu.memory_space<hbm>>) dst(%dma_wait3A_39 : memref<640x64xf32, #tpu.memory_space<vmem_shared>>)
      tpu.yield
    }) : () -> ()
    %barrier3A = arith.constant 0 : index
    tpu.barrier barrier_id(%barrier3A)
    %dma_start3A = arith.constant 0 : i32
    %dma_start3A_3 = arith.constant 0 : i32
    %dma_start3A_4 = tpu.memref_slice %arg7[%dma_start3A, %dma_start3A_3] : memref<105x96xi32, #tpu.memory_space<vmem>> -> memref<1x96xi32, #tpu.memory_space<vmem>>
    %dma_start3A_5 = tpu.memref_squeeze %dma_start3A_4 : memref<1x96xi32, #tpu.memory_space<vmem>> -> memref<96xi32, #tpu.memory_space<vmem>>
    %dma_start3A_6 = arith.constant 0 : i32
    %dma_start3A_7 = arith.constant 0 : i32
    %dma_start3A_8 = tpu.memref_slice %arg14[%dma_start3A_6, %dma_start3A_7] : memref<10000x64xf32, #tpu.memory_space<vmem_shared>> -> memref<10000x64xf32, #tpu.memory_space<vmem_shared>>
    tpu.enqueue_indirect_dma source(%dma_start3A_8 : memref<10000x64xf32, #tpu.memory_space<vmem_shared>>) target(%arg9 : memref<96x64xf32, #tpu.memory_space<vmem>>) offsets(%dma_start3A_5 : memref<96xi32, #tpu.memory_space<vmem>>) semaphore(%arg15 : memref<!tpu.dma_semaphore, #tpu.memory_space<semaphore_mem>>)
    %dma_start3A_9 = arith.constant 1 : i32
    %dma_start3A_10 = arith.constant 0 : i32
    %dma_start3A_11 = tpu.memref_slice %arg7[%dma_start3A_9, %dma_start3A_10] : memref<105x96xi32, #tpu.memory_space<vmem>> -> memref<1x96xi32, #tpu.memory_space<vmem>>
    %dma_start3A_12 = tpu.memref_squeeze %dma_start3A_11 : memref<1x96xi32, #tpu.memory_space<vmem>> -> memref<96xi32, #tpu.memory_space<vmem>>
    %dma_start3A_13 = arith.constant 0 : i32
    %dma_start3A_14 = arith.constant 0 : i32
    %dma_start3A_15 = tpu.memref_slice %arg14[%dma_start3A_13, %dma_start3A_14] : memref<10000x64xf32, #tpu.memory_space<vmem_shared>> -> memref<10000x64xf32, #tpu.memory_space<vmem_shared>>
    tpu.enqueue_indirect_dma source(%dma_start3A_15 : memref<10000x64xf32, #tpu.memory_space<vmem_shared>>) target(%arg10 : memref<96x64xf32, #tpu.memory_space<vmem>>) offsets(%dma_start3A_12 : memref<96xi32, #tpu.memory_space<vmem>>) semaphore(%arg16 : memref<!tpu.dma_semaphore, #tpu.memory_space<semaphore_mem>>)
    %scan3A = arith.constant 0 : i32
    %scan3A_16 = arith.constant 27 : i32
    %scan3A_17 = arith.addi %scan3A, %scan3A_16 : i32
    %scan3A_18 = arith.constant 1 : i32
    scf.for %scan3A_34 = %scan3A to %scan3A_17 step %scan3A_18  : i32 {
      %mul3A_35 = arith.constant 4 : i32
      %mul3A_36 = arith.muli %scan3A_34, %mul3A_35 : i32
      %add3A_37 = arith.constant 0 : i32
      %add3A_38 = arith.addi %add3A_37, %mul3A_36 : i32
      %add3A_39 = arith.constant 0 : i32
      %add3A_40 = arith.addi %add3A_38, %add3A_39 : i32
      %lt3A = arith.constant 105 : i32
      %lt3A_41 = arith.cmpi slt, %add3A_40, %lt3A : i32
      %convert_element_type3A = arith.extui %lt3A_41 : i1 to i32
      %cond3A = arith.constant 0 : i32
      %cond3A_42 = arith.cmpi ne, %convert_element_type3A, %cond3A : i32
      scf.if %cond3A_42 {
        %dma_wait3A_142 = arith.constant 0 : i32
        %dma_wait3A_143 = arith.constant 0 : i32
        %dma_wait3A_144 = tpu.memref_slice %arg5[%dma_wait3A_142, %dma_wait3A_143] : memref<10000x64xf32, #tpu.memory_space<hbm>> -> memref<96x64xf32, #tpu.memory_space<hbm>>
        %dma_wait3A_145 = arith.constant 0 : i32
        %dma_wait3A_146 = arith.constant 0 : i32
        %dma_wait3A_147 = tpu.memref_slice %arg5[%dma_wait3A_145, %dma_wait3A_146] : memref<10000x64xf32, #tpu.memory_space<hbm>> -> memref<96x64xf32, #tpu.memory_space<hbm>>
        tpu.wait_dma2 semaphore(%arg15 : memref<!tpu.dma_semaphore, #tpu.memory_space<semaphore_mem>>) src(%dma_wait3A_147 : memref<96x64xf32, #tpu.memory_space<hbm>>) dst(%arg9 : memref<96x64xf32, #tpu.memory_space<vmem>>)
      } else {
      }
      %ge3A = arith.constant 2 : i32
      %ge3A_43 = arith.cmpi sge, %add3A_40, %ge3A : i32
      %lt3A_44 = arith.constant 105 : i32
      %lt3A_45 = arith.cmpi slt, %add3A_40, %lt3A_44 : i32
      %and3A = arith.andi %ge3A_43, %lt3A_45 : i1
      %convert_element_type3A_46 = arith.extui %and3A : i1 to i32
      %cond3A_47 = arith.constant 0 : i32
      %cond3A_48 = arith.cmpi ne, %convert_element_type3A_46, %cond3A_47 : i32
      scf.if %cond3A_48 {
        %dma_wait3A_142 = arith.constant 0 : i32
        %dma_wait3A_143 = arith.constant 0 : i32
        %dma_wait3A_144 = tpu.memref_slice %arg13[%dma_wait3A_142, %dma_wait3A_143] : memref<10008x64xf32, #tpu.memory_space<vmem_shared>> -> memref<96x64xf32, #tpu.memory_space<vmem_shared>>
        %dma_wait3A_145 = arith.constant 0 : i32
        %dma_wait3A_146 = arith.constant 0 : i32
        %dma_wait3A_147 = tpu.memref_slice %arg13[%dma_wait3A_145, %dma_wait3A_146] : memref<10008x64xf32, #tpu.memory_space<vmem_shared>> -> memref<96x64xf32, #tpu.memory_space<vmem_shared>>
        tpu.wait_dma2 semaphore(%arg21 : memref<!tpu.dma_semaphore, #tpu.memory_space<semaphore_mem>>) src(%arg11 : memref<96x64xf32, #tpu.memory_space<vmem>>) dst(%dma_wait3A_147 : memref<96x64xf32, #tpu.memory_space<vmem_shared>>)
      } else {
      }
      %add3A_49 = arith.constant 2 : i32
      %add3A_50 = arith.addi %add3A_40, %add3A_49 : i32
      %lt3A_51 = arith.constant 105 : i32
      %lt3A_52 = arith.cmpi slt, %add3A_50, %lt3A_51 : i32
      %convert_element_type3A_53 = arith.extui %lt3A_52 : i1 to i32
      %cond3A_54 = arith.constant 0 : i32
      %cond3A_55 = arith.cmpi ne, %convert_element_type3A_53, %cond3A_54 : i32
      scf.if %cond3A_55 {
        %add3A_142 = arith.constant 2 : i32
        %add3A_143 = arith.addi %add3A_40, %add3A_142 : i32
        %dma_start3A_144 = arith.constant 0 : i32
        %dma_start3A_145 = tpu.memref_slice %arg7[%add3A_143, %dma_start3A_144] : memref<105x96xi32, #tpu.memory_space<vmem>> -> memref<1x96xi32, #tpu.memory_space<vmem>>
        %dma_start3A_146 = tpu.memref_squeeze %dma_start3A_145 : memref<1x96xi32, #tpu.memory_space<vmem>> -> memref<96xi32, #tpu.memory_space<vmem>>
        %dma_start3A_147 = arith.constant 0 : i32
        %dma_start3A_148 = arith.constant 0 : i32
        %dma_start3A_149 = tpu.memref_slice %arg14[%dma_start3A_147, %dma_start3A_148] : memref<10000x64xf32, #tpu.memory_space<vmem_shared>> -> memref<10000x64xf32, #tpu.memory_space<vmem_shared>>
        tpu.enqueue_indirect_dma source(%dma_start3A_149 : memref<10000x64xf32, #tpu.memory_space<vmem_shared>>) target(%arg11 : memref<96x64xf32, #tpu.memory_space<vmem>>) offsets(%dma_start3A_146 : memref<96xi32, #tpu.memory_space<vmem>>) semaphore(%arg17 : memref<!tpu.dma_semaphore, #tpu.memory_space<semaphore_mem>>)
      } else {
      }
      %lt3A_56 = arith.constant 105 : i32
      %lt3A_57 = arith.cmpi slt, %add3A_40, %lt3A_56 : i32
      %convert_element_type3A_58 = arith.extui %lt3A_57 : i1 to i32
      %cond3A_59 = arith.constant 0 : i32
      %cond3A_60 = arith.cmpi ne, %convert_element_type3A_58, %cond3A_59 : i32
      scf.if %cond3A_60 {
        %dma_start3A_142 = arith.constant 0 : i32
        %dma_start3A_143 = tpu.memref_slice %arg8[%add3A_40, %dma_start3A_142] : memref<105x96xi32, #tpu.memory_space<vmem>> -> memref<1x96xi32, #tpu.memory_space<vmem>>
        %dma_start3A_144 = tpu.memref_squeeze %dma_start3A_143 : memref<1x96xi32, #tpu.memory_space<vmem>> -> memref<96xi32, #tpu.memory_space<vmem>>
        %dma_start3A_145 = arith.constant 0 : i32
        %dma_start3A_146 = arith.constant 0 : i32
        %dma_start3A_147 = tpu.memref_slice %arg13[%dma_start3A_145, %dma_start3A_146] : memref<10008x64xf32, #tpu.memory_space<vmem_shared>> -> memref<10008x64xf32, #tpu.memory_space<vmem_shared>>
        tpu.enqueue_indirect_dma source(%arg9 : memref<96x64xf32, #tpu.memory_space<vmem>>) target(%dma_start3A_147 : memref<10008x64xf32, #tpu.memory_space<vmem_shared>>) offsets(%dma_start3A_144 : memref<96xi32, #tpu.memory_space<vmem>>) semaphore(%arg19 : memref<!tpu.dma_semaphore, #tpu.memory_space<semaphore_mem>>) {add = true}
      } else {
      }
      %add3A_61 = arith.constant 1 : i32
      %add3A_62 = arith.addi %add3A_38, %add3A_61 : i32
      %lt3A_63 = arith.constant 105 : i32
      %lt3A_64 = arith.cmpi slt, %add3A_62, %lt3A_63 : i32
      %convert_element_type3A_65 = arith.extui %lt3A_64 : i1 to i32
      %cond3A_66 = arith.constant 0 : i32
      %cond3A_67 = arith.cmpi ne, %convert_element_type3A_65, %cond3A_66 : i32
      scf.if %cond3A_67 {
        %dma_wait3A_142 = arith.constant 0 : i32
        %dma_wait3A_143 = arith.constant 0 : i32
        %dma_wait3A_144 = tpu.memref_slice %arg5[%dma_wait3A_142, %dma_wait3A_143] : memref<10000x64xf32, #tpu.memory_space<hbm>> -> memref<96x64xf32, #tpu.memory_space<hbm>>
        %dma_wait3A_145 = arith.constant 0 : i32
        %dma_wait3A_146 = arith.constant 0 : i32
        %dma_wait3A_147 = tpu.memref_slice %arg5[%dma_wait3A_145, %dma_wait3A_146] : memref<10000x64xf32, #tpu.memory_space<hbm>> -> memref<96x64xf32, #tpu.memory_space<hbm>>
        tpu.wait_dma2 semaphore(%arg16 : memref<!tpu.dma_semaphore, #tpu.memory_space<semaphore_mem>>) src(%dma_wait3A_147 : memref<96x64xf32, #tpu.memory_space<hbm>>) dst(%arg10 : memref<96x64xf32, #tpu.memory_space<vmem>>)
      } else {
      }
      %ge3A_68 = arith.constant 2 : i32
      %ge3A_69 = arith.cmpi sge, %add3A_62, %ge3A_68 : i32
      %lt3A_70 = arith.constant 105 : i32
      %lt3A_71 = arith.cmpi slt, %add3A_62, %lt3A_70 : i32
      %and3A_72 = arith.andi %ge3A_69, %lt3A_71 : i1
      %convert_element_type3A_73 = arith.extui %and3A_72 : i1 to i32
      %cond3A_74 = arith.constant 0 : i32
      %cond3A_75 = arith.cmpi ne, %convert_element_type3A_73, %cond3A_74 : i32
      scf.if %cond3A_75 {
        %dma_wait3A_142 = arith.constant 0 : i32
        %dma_wait3A_143 = arith.constant 0 : i32
        %dma_wait3A_144 = tpu.memref_slice %arg13[%dma_wait3A_142, %dma_wait3A_143] : memref<10008x64xf32, #tpu.memory_space<vmem_shared>> -> memref<96x64xf32, #tpu.memory_space<vmem_shared>>
        %dma_wait3A_145 = arith.constant 0 : i32
        %dma_wait3A_146 = arith.constant 0 : i32
        %dma_wait3A_147 = tpu.memref_slice %arg13[%dma_wait3A_145, %dma_wait3A_146] : memref<10008x64xf32, #tpu.memory_space<vmem_shared>> -> memref<96x64xf32, #tpu.memory_space<vmem_shared>>
        tpu.wait_dma2 semaphore(%arg22 : memref<!tpu.dma_semaphore, #tpu.memory_space<semaphore_mem>>) src(%arg12 : memref<96x64xf32, #tpu.memory_space<vmem>>) dst(%dma_wait3A_147 : memref<96x64xf32, #tpu.memory_space<vmem_shared>>)
      } else {
      }
      %add3A_76 = arith.constant 2 : i32
      %add3A_77 = arith.addi %add3A_62, %add3A_76 : i32
      %lt3A_78 = arith.constant 105 : i32
      %lt3A_79 = arith.cmpi slt, %add3A_77, %lt3A_78 : i32
      %convert_element_type3A_80 = arith.extui %lt3A_79 : i1 to i32
      %cond3A_81 = arith.constant 0 : i32
      %cond3A_82 = arith.cmpi ne, %convert_element_type3A_80, %cond3A_81 : i32
      scf.if %cond3A_82 {
        %add3A_142 = arith.constant 2 : i32
        %add3A_143 = arith.addi %add3A_62, %add3A_142 : i32
        %dma_start3A_144 = arith.constant 0 : i32
        %dma_start3A_145 = tpu.memref_slice %arg7[%add3A_143, %dma_start3A_144] : memref<105x96xi32, #tpu.memory_space<vmem>> -> memref<1x96xi32, #tpu.memory_space<vmem>>
        %dma_start3A_146 = tpu.memref_squeeze %dma_start3A_145 : memref<1x96xi32, #tpu.memory_space<vmem>> -> memref<96xi32, #tpu.memory_space<vmem>>
        %dma_start3A_147 = arith.constant 0 : i32
        %dma_start3A_148 = arith.constant 0 : i32
        %dma_start3A_149 = tpu.memref_slice %arg14[%dma_start3A_147, %dma_start3A_148] : memref<10000x64xf32, #tpu.memory_space<vmem_shared>> -> memref<10000x64xf32, #tpu.memory_space<vmem_shared>>
        tpu.enqueue_indirect_dma source(%dma_start3A_149 : memref<10000x64xf32, #tpu.memory_space<vmem_shared>>) target(%arg12 : memref<96x64xf32, #tpu.memory_space<vmem>>) offsets(%dma_start3A_146 : memref<96xi32, #tpu.memory_space<vmem>>) semaphore(%arg18 : memref<!tpu.dma_semaphore, #tpu.memory_space<semaphore_mem>>)
      } else {
      }
      %lt3A_83 = arith.constant 105 : i32
      %lt3A_84 = arith.cmpi slt, %add3A_62, %lt3A_83 : i32
      %convert_element_type3A_85 = arith.extui %lt3A_84 : i1 to i32
      %cond3A_86 = arith.constant 0 : i32
      %cond3A_87 = arith.cmpi ne, %convert_element_type3A_85, %cond3A_86 : i32
      scf.if %cond3A_87 {
        %dma_start3A_142 = arith.constant 0 : i32
        %dma_start3A_143 = tpu.memref_slice %arg8[%add3A_62, %dma_start3A_142] : memref<105x96xi32, #tpu.memory_space<vmem>> -> memref<1x96xi32, #tpu.memory_space<vmem>>
        %dma_start3A_144 = tpu.memref_squeeze %dma_start3A_143 : memref<1x96xi32, #tpu.memory_space<vmem>> -> memref<96xi32, #tpu.memory_space<vmem>>
        %dma_start3A_145 = arith.constant 0 : i32
        %dma_start3A_146 = arith.constant 0 : i32
        %dma_start3A_147 = tpu.memref_slice %arg13[%dma_start3A_145, %dma_start3A_146] : memref<10008x64xf32, #tpu.memory_space<vmem_shared>> -> memref<10008x64xf32, #tpu.memory_space<vmem_shared>>
        tpu.enqueue_indirect_dma source(%arg10 : memref<96x64xf32, #tpu.memory_space<vmem>>) target(%dma_start3A_147 : memref<10008x64xf32, #tpu.memory_space<vmem_shared>>) offsets(%dma_start3A_144 : memref<96xi32, #tpu.memory_space<vmem>>) semaphore(%arg20 : memref<!tpu.dma_semaphore, #tpu.memory_space<semaphore_mem>>) {add = true}
      } else {
      }
      %add3A_88 = arith.constant 2 : i32
      %add3A_89 = arith.addi %add3A_38, %add3A_88 : i32
      %lt3A_90 = arith.constant 105 : i32
      %lt3A_91 = arith.cmpi slt, %add3A_89, %lt3A_90 : i32
      %convert_element_type3A_92 = arith.extui %lt3A_91 : i1 to i32
      %cond3A_93 = arith.constant 0 : i32
      %cond3A_94 = arith.cmpi ne, %convert_element_type3A_92, %cond3A_93 : i32
      scf.if %cond3A_94 {
        %dma_wait3A_142 = arith.constant 0 : i32
        %dma_wait3A_143 = arith.constant 0 : i32
        %dma_wait3A_144 = tpu.memref_slice %arg5[%dma_wait3A_142, %dma_wait3A_143] : memref<10000x64xf32, #tpu.memory_space<hbm>> -> memref<96x64xf32, #tpu.memory_space<hbm>>
        %dma_wait3A_145 = arith.constant 0 : i32
        %dma_wait3A_146 = arith.constant 0 : i32
        %dma_wait3A_147 = tpu.memref_slice %arg5[%dma_wait3A_145, %dma_wait3A_146] : memref<10000x64xf32, #tpu.memory_space<hbm>> -> memref<96x64xf32, #tpu.memory_space<hbm>>
        tpu.wait_dma2 semaphore(%arg17 : memref<!tpu.dma_semaphore, #tpu.memory_space<semaphore_mem>>) src(%dma_wait3A_147 : memref<96x64xf32, #tpu.memory_space<hbm>>) dst(%arg11 : memref<96x64xf32, #tpu.memory_space<vmem>>)
      } else {
      }
      %ge3A_95 = arith.constant 2 : i32
      %ge3A_96 = arith.cmpi sge, %add3A_89, %ge3A_95 : i32
      %lt3A_97 = arith.constant 105 : i32
      %lt3A_98 = arith.cmpi slt, %add3A_89, %lt3A_97 : i32
      %and3A_99 = arith.andi %ge3A_96, %lt3A_98 : i1
      %convert_element_type3A_100 = arith.extui %and3A_99 : i1 to i32
      %cond3A_101 = arith.constant 0 : i32
      %cond3A_102 = arith.cmpi ne, %convert_element_type3A_100, %cond3A_101 : i32
      scf.if %cond3A_102 {
        %dma_wait3A_142 = arith.constant 0 : i32
        %dma_wait3A_143 = arith.constant 0 : i32
        %dma_wait3A_144 = tpu.memref_slice %arg13[%dma_wait3A_142, %dma_wait3A_143] : memref<10008x64xf32, #tpu.memory_space<vmem_shared>> -> memref<96x64xf32, #tpu.memory_space<vmem_shared>>
        %dma_wait3A_145 = arith.constant 0 : i32
        %dma_wait3A_146 = arith.constant 0 : i32
        %dma_wait3A_147 = tpu.memref_slice %arg13[%dma_wait3A_145, %dma_wait3A_146] : memref<10008x64xf32, #tpu.memory_space<vmem_shared>> -> memref<96x64xf32, #tpu.memory_space<vmem_shared>>
        tpu.wait_dma2 semaphore(%arg19 : memref<!tpu.dma_semaphore, #tpu.memory_space<semaphore_mem>>) src(%arg9 : memref<96x64xf32, #tpu.memory_space<vmem>>) dst(%dma_wait3A_147 : memref<96x64xf32, #tpu.memory_space<vmem_shared>>)
      } else {
      }
      %add3A_103 = arith.constant 2 : i32
      %add3A_104 = arith.addi %add3A_89, %add3A_103 : i32
      %lt3A_105 = arith.constant 105 : i32
      %lt3A_106 = arith.cmpi slt, %add3A_104, %lt3A_105 : i32
      %convert_element_type3A_107 = arith.extui %lt3A_106 : i1 to i32
      %cond3A_108 = arith.constant 0 : i32
      %cond3A_109 = arith.cmpi ne, %convert_element_type3A_107, %cond3A_108 : i32
      scf.if %cond3A_109 {
        %add3A_142 = arith.constant 2 : i32
        %add3A_143 = arith.addi %add3A_89, %add3A_142 : i32
        %dma_start3A_144 = arith.constant 0 : i32
        %dma_start3A_145 = tpu.memref_slice %arg7[%add3A_143, %dma_start3A_144] : memref<105x96xi32, #tpu.memory_space<vmem>> -> memref<1x96xi32, #tpu.memory_space<vmem>>
        %dma_start3A_146 = tpu.memref_squeeze %dma_start3A_145 : memref<1x96xi32, #tpu.memory_space<vmem>> -> memref<96xi32, #tpu.memory_space<vmem>>
        %dma_start3A_147 = arith.constant 0 : i32
        %dma_start3A_148 = arith.constant 0 : i32
        %dma_start3A_149 = tpu.memref_slice %arg14[%dma_start3A_147, %dma_start3A_148] : memref<10000x64xf32, #tpu.memory_space<vmem_shared>> -> memref<10000x64xf32, #tpu.memory_space<vmem_shared>>
        tpu.enqueue_indirect_dma source(%dma_start3A_149 : memref<10000x64xf32, #tpu.memory_space<vmem_shared>>) target(%arg9 : memref<96x64xf32, #tpu.memory_space<vmem>>) offsets(%dma_start3A_146 : memref<96xi32, #tpu.memory_space<vmem>>) semaphore(%arg15 : memref<!tpu.dma_semaphore, #tpu.memory_space<semaphore_mem>>)
      } else {
      }
      %lt3A_110 = arith.constant 105 : i32
      %lt3A_111 = arith.cmpi slt, %add3A_89, %lt3A_110 : i32
      %convert_element_type3A_112 = arith.extui %lt3A_111 : i1 to i32
      %cond3A_113 = arith.constant 0 : i32
      %cond3A_114 = arith.cmpi ne, %convert_element_type3A_112, %cond3A_113 : i32
      scf.if %cond3A_114 {
        %dma_start3A_142 = arith.constant 0 : i32
        %dma_start3A_143 = tpu.memref_slice %arg8[%add3A_89, %dma_start3A_142] : memref<105x96xi32, #tpu.memory_space<vmem>> -> memref<1x96xi32, #tpu.memory_space<vmem>>
        %dma_start3A_144 = tpu.memref_squeeze %dma_start3A_143 : memref<1x96xi32, #tpu.memory_space<vmem>> -> memref<96xi32, #tpu.memory_space<vmem>>
        %dma_start3A_145 = arith.constant 0 : i32
        %dma_start3A_146 = arith.constant 0 : i32
        %dma_start3A_147 = tpu.memref_slice %arg13[%dma_start3A_145, %dma_start3A_146] : memref<10008x64xf32, #tpu.memory_space<vmem_shared>> -> memref<10008x64xf32, #tpu.memory_space<vmem_shared>>
        tpu.enqueue_indirect_dma source(%arg11 : memref<96x64xf32, #tpu.memory_space<vmem>>) target(%dma_start3A_147 : memref<10008x64xf32, #tpu.memory_space<vmem_shared>>) offsets(%dma_start3A_144 : memref<96xi32, #tpu.memory_space<vmem>>) semaphore(%arg21 : memref<!tpu.dma_semaphore, #tpu.memory_space<semaphore_mem>>) {add = true}
      } else {
      }
      %add3A_115 = arith.constant 3 : i32
      %add3A_116 = arith.addi %add3A_38, %add3A_115 : i32
      %lt3A_117 = arith.constant 105 : i32
      %lt3A_118 = arith.cmpi slt, %add3A_116, %lt3A_117 : i32
      %convert_element_type3A_119 = arith.extui %lt3A_118 : i1 to i32
      %cond3A_120 = arith.constant 0 : i32
      %cond3A_121 = arith.cmpi ne, %convert_element_type3A_119, %cond3A_120 : i32
      scf.if %cond3A_121 {
        %dma_wait3A_142 = arith.constant 0 : i32
        %dma_wait3A_143 = arith.constant 0 : i32
        %dma_wait3A_144 = tpu.memref_slice %arg5[%dma_wait3A_142, %dma_wait3A_143] : memref<10000x64xf32, #tpu.memory_space<hbm>> -> memref<96x64xf32, #tpu.memory_space<hbm>>
        %dma_wait3A_145 = arith.constant 0 : i32
        %dma_wait3A_146 = arith.constant 0 : i32
        %dma_wait3A_147 = tpu.memref_slice %arg5[%dma_wait3A_145, %dma_wait3A_146] : memref<10000x64xf32, #tpu.memory_space<hbm>> -> memref<96x64xf32, #tpu.memory_space<hbm>>
        tpu.wait_dma2 semaphore(%arg18 : memref<!tpu.dma_semaphore, #tpu.memory_space<semaphore_mem>>) src(%dma_wait3A_147 : memref<96x64xf32, #tpu.memory_space<hbm>>) dst(%arg12 : memref<96x64xf32, #tpu.memory_space<vmem>>)
      } else {
      }
      %ge3A_122 = arith.constant 2 : i32
      %ge3A_123 = arith.cmpi sge, %add3A_116, %ge3A_122 : i32
      %lt3A_124 = arith.constant 105 : i32
      %lt3A_125 = arith.cmpi slt, %add3A_116, %lt3A_124 : i32
      %and3A_126 = arith.andi %ge3A_123, %lt3A_125 : i1
      %convert_element_type3A_127 = arith.extui %and3A_126 : i1 to i32
      %cond3A_128 = arith.constant 0 : i32
      %cond3A_129 = arith.cmpi ne, %convert_element_type3A_127, %cond3A_128 : i32
      scf.if %cond3A_129 {
        %dma_wait3A_142 = arith.constant 0 : i32
        %dma_wait3A_143 = arith.constant 0 : i32
        %dma_wait3A_144 = tpu.memref_slice %arg13[%dma_wait3A_142, %dma_wait3A_143] : memref<10008x64xf32, #tpu.memory_space<vmem_shared>> -> memref<96x64xf32, #tpu.memory_space<vmem_shared>>
        %dma_wait3A_145 = arith.constant 0 : i32
        %dma_wait3A_146 = arith.constant 0 : i32
        %dma_wait3A_147 = tpu.memref_slice %arg13[%dma_wait3A_145, %dma_wait3A_146] : memref<10008x64xf32, #tpu.memory_space<vmem_shared>> -> memref<96x64xf32, #tpu.memory_space<vmem_shared>>
        tpu.wait_dma2 semaphore(%arg20 : memref<!tpu.dma_semaphore, #tpu.memory_space<semaphore_mem>>) src(%arg10 : memref<96x64xf32, #tpu.memory_space<vmem>>) dst(%dma_wait3A_147 : memref<96x64xf32, #tpu.memory_space<vmem_shared>>)
      } else {
      }
      %add3A_130 = arith.constant 2 : i32
      %add3A_131 = arith.addi %add3A_116, %add3A_130 : i32
      %lt3A_132 = arith.constant 105 : i32
      %lt3A_133 = arith.cmpi slt, %add3A_131, %lt3A_132 : i32
      %convert_element_type3A_134 = arith.extui %lt3A_133 : i1 to i32
      %cond3A_135 = arith.constant 0 : i32
      %cond3A_136 = arith.cmpi ne, %convert_element_type3A_134, %cond3A_135 : i32
      scf.if %cond3A_136 {
        %add3A_142 = arith.constant 2 : i32
        %add3A_143 = arith.addi %add3A_116, %add3A_142 : i32
        %dma_start3A_144 = arith.constant 0 : i32
        %dma_start3A_145 = tpu.memref_slice %arg7[%add3A_143, %dma_start3A_144] : memref<105x96xi32, #tpu.memory_space<vmem>> -> memref<1x96xi32, #tpu.memory_space<vmem>>
        %dma_start3A_146 = tpu.memref_squeeze %dma_start3A_145 : memref<1x96xi32, #tpu.memory_space<vmem>> -> memref<96xi32, #tpu.memory_space<vmem>>
        %dma_start3A_147 = arith.constant 0 : i32
        %dma_start3A_148 = arith.constant 0 : i32
        %dma_start3A_149 = tpu.memref_slice %arg14[%dma_start3A_147, %dma_start3A_148] : memref<10000x64xf32, #tpu.memory_space<vmem_shared>> -> memref<10000x64xf32, #tpu.memory_space<vmem_shared>>
        tpu.enqueue_indirect_dma source(%dma_start3A_149 : memref<10000x64xf32, #tpu.memory_space<vmem_shared>>) target(%arg10 : memref<96x64xf32, #tpu.memory_space<vmem>>) offsets(%dma_start3A_146 : memref<96xi32, #tpu.memory_space<vmem>>) semaphore(%arg16 : memref<!tpu.dma_semaphore, #tpu.memory_space<semaphore_mem>>)
      } else {
      }
      %lt3A_137 = arith.constant 105 : i32
      %lt3A_138 = arith.cmpi slt, %add3A_116, %lt3A_137 : i32
      %convert_element_type3A_139 = arith.extui %lt3A_138 : i1 to i32
      %cond3A_140 = arith.constant 0 : i32
      %cond3A_141 = arith.cmpi ne, %convert_element_type3A_139, %cond3A_140 : i32
      scf.if %cond3A_141 {
        %dma_start3A_142 = arith.constant 0 : i32
        %dma_start3A_143 = tpu.memref_slice %arg8[%add3A_116, %dma_start3A_142] : memref<105x96xi32, #tpu.memory_space<vmem>> -> memref<1x96xi32, #tpu.memory_space<vmem>>
        %dma_start3A_144 = tpu.memref_squeeze %dma_start3A_143 : memref<1x96xi32, #tpu.memory_space<vmem>> -> memref<96xi32, #tpu.memory_space<vmem>>
        %dma_start3A_145 = arith.constant 0 : i32
        %dma_start3A_146 = arith.constant 0 : i32
        %dma_start3A_147 = tpu.memref_slice %arg13[%dma_start3A_145, %dma_start3A_146] : memref<10008x64xf32, #tpu.memory_space<vmem_shared>> -> memref<10008x64xf32, #tpu.memory_space<vmem_shared>>
        tpu.enqueue_indirect_dma source(%arg12 : memref<96x64xf32, #tpu.memory_space<vmem>>) target(%dma_start3A_147 : memref<10008x64xf32, #tpu.memory_space<vmem_shared>>) offsets(%dma_start3A_144 : memref<96xi32, #tpu.memory_space<vmem>>) semaphore(%arg22 : memref<!tpu.dma_semaphore, #tpu.memory_space<semaphore_mem>>) {add = true}
      } else {
      }
    }
    %scan3A_19 = arith.constant 27 : i32
    %dma_wait3A = arith.constant 0 : i32
    %dma_wait3A_20 = arith.constant 0 : i32
    %dma_wait3A_21 = tpu.memref_slice %arg13[%dma_wait3A, %dma_wait3A_20] : memref<10008x64xf32, #tpu.memory_space<vmem_shared>> -> memref<96x64xf32, #tpu.memory_space<vmem_shared>>
    %dma_wait3A_22 = arith.constant 0 : i32
    %dma_wait3A_23 = arith.constant 0 : i32
    %dma_wait3A_24 = tpu.memref_slice %arg13[%dma_wait3A_22, %dma_wait3A_23] : memref<10008x64xf32, #tpu.memory_space<vmem_shared>> -> memref<96x64xf32, #tpu.memory_space<vmem_shared>>
    tpu.wait_dma2 semaphore(%arg22 : memref<!tpu.dma_semaphore, #tpu.memory_space<semaphore_mem>>) src(%arg12 : memref<96x64xf32, #tpu.memory_space<vmem>>) dst(%dma_wait3A_24 : memref<96x64xf32, #tpu.memory_space<vmem_shared>>)
    %dma_wait3A_25 = arith.constant 0 : i32
    %dma_wait3A_26 = arith.constant 0 : i32
    %dma_wait3A_27 = tpu.memref_slice %arg13[%dma_wait3A_25, %dma_wait3A_26] : memref<10008x64xf32, #tpu.memory_space<vmem_shared>> -> memref<96x64xf32, #tpu.memory_space<vmem_shared>>
    %dma_wait3A_28 = arith.constant 0 : i32
    %dma_wait3A_29 = arith.constant 0 : i32
    %dma_wait3A_30 = tpu.memref_slice %arg13[%dma_wait3A_28, %dma_wait3A_29] : memref<10008x64xf32, #tpu.memory_space<vmem_shared>> -> memref<96x64xf32, #tpu.memory_space<vmem_shared>>
    tpu.wait_dma2 semaphore(%arg19 : memref<!tpu.dma_semaphore, #tpu.memory_space<semaphore_mem>>) src(%arg9 : memref<96x64xf32, #tpu.memory_space<vmem>>) dst(%dma_wait3A_30 : memref<96x64xf32, #tpu.memory_space<vmem_shared>>)
    %barrier3A_31 = arith.constant 0 : index
    tpu.barrier barrier_id(%barrier3A_31)
    %add3A_32 = arith.constant 0 : i32
    %add3A_33 = arith.addi %add3A_32, %arg0 : i32
    "tpu.region"() ({
      %run_scoped3A = tpu.sem_alloc : memref<!tpu.dma_semaphore, #tpu.memory_space<semaphore_mem>>
      %dma_start3A_34 = arith.constant 0 : i32
      %dma_start3A_35 = tpu.memref_slice %arg6[%add3A_33, %mul3A_2, %dma_start3A_34] : memref<2x10000x64xf32, #tpu.memory_space<hbm>> -> memref<1x640x64xf32, #tpu.memory_space<hbm>>
      %dma_start3A_36 = tpu.memref_squeeze %dma_start3A_35 : memref<1x640x64xf32, #tpu.memory_space<hbm>> -> memref<640x64xf32, #tpu.memory_space<hbm>>
      %dma_start3A_37 = arith.constant 0 : i32
      %dma_start3A_38 = tpu.memref_slice %arg13[%mul3A_2, %dma_start3A_37] : memref<10008x64xf32, #tpu.memory_space<vmem_shared>> -> memref<640x64xf32, #tpu.memory_space<vmem_shared>>
      tpu.enqueue_dma source(%dma_start3A_38 : memref<640x64xf32, #tpu.memory_space<vmem_shared>>) target(%dma_start3A_36 : memref<640x64xf32, #tpu.memory_space<hbm>>) target_semaphore(%run_scoped3A : memref<!tpu.dma_semaphore, #tpu.memory_space<semaphore_mem>>)
      %dma_wait3A_39 = arith.constant 0 : i32
      %dma_wait3A_40 = tpu.memref_slice %arg6[%add3A_33, %mul3A_2, %dma_wait3A_39] : memref<2x10000x64xf32, #tpu.memory_space<hbm>> -> memref<1x640x64xf32, #tpu.memory_space<hbm>>
      %dma_wait3A_41 = tpu.memref_squeeze %dma_wait3A_40 : memref<1x640x64xf32, #tpu.memory_space<hbm>> -> memref<640x64xf32, #tpu.memory_space<hbm>>
      %dma_wait3A_42 = arith.constant 0 : i32
      %dma_wait3A_43 = tpu.memref_slice %arg13[%mul3A_2, %dma_wait3A_42] : memref<10008x64xf32, #tpu.memory_space<vmem_shared>> -> memref<640x64xf32, #tpu.memory_space<vmem_shared>>
      tpu.wait_dma2 semaphore(%run_scoped3A : memref<!tpu.dma_semaphore, #tpu.memory_space<semaphore_mem>>) src(%dma_wait3A_43 : memref<640x64xf32, #tpu.memory_space<vmem_shared>>) dst(%dma_wait3A_41 : memref<640x64xf32, #tpu.memory_space<hbm>>)
      tpu.yield
    }) : () -> ()
    return
  }
}

module attributes {stable_mosaic.version = 14 : i64} {
  func.func @body(%arg0: memref<10000x128xf32, #tpu.memory_space<vmem>>, %arg1: memref<128x32xf32, #tpu.memory_space<vmem>>, %arg2: memref<10000x32xf32, #tpu.memory_space<vmem>>) attributes {dimension_semantics = [], scalar_prefetch = 0 : i64, scratch_operands = 0 : i64, tpu.core_type = #tpu.core_type<tc>} {
    %get3A = arith.constant 0 : index
    %get3A_0 = arith.constant 0 : index
    %get3A_1 = vector.load %arg0[%get3A, %get3A_0] : memref<10000x128xf32, #tpu.memory_space<vmem>>, vector<10000x128xf32>
    %get3A_2 = arith.constant 0 : index
    %get3A_3 = arith.constant 0 : index
    %get3A_4 = vector.load %arg1[%get3A_2, %get3A_3] : memref<128x32xf32, #tpu.memory_space<vmem>>, vector<128x32xf32>
    %dot_general3A = arith.constant dense<0.000000e+00> : vector<10000x32xf32>
    %dot_general3A_5 = tpu.matmul %get3A_1, %get3A_4, %dot_general3A {dimension_numbers = #tpu.dot_dimension_numbers<[1], [0], [0], [1], [0, 0, 1, 1], [], []>, transpose_lhs_hint = false} : vector<10000x128xf32>, vector<128x32xf32>, vector<10000x32xf32> -> vector<10000x32xf32>
    %swap3A = arith.constant 0 : index
    %swap3A_6 = arith.constant 0 : index
    %swap3A_7 = vector.load %arg2[%swap3A, %swap3A_6] : memref<10000x32xf32, #tpu.memory_space<vmem>>, vector<10000x32xf32>
    tpu.vector_store %arg2[%swap3A, %swap3A_6], %dot_general3A_5 {strides = array<i32>} : memref<10000x32xf32, #tpu.memory_space<vmem>>, vector<10000x32xf32>,
    return
  }
}

module attributes {stable_mosaic.version = 14 : i64} {
  func.func @body(%arg0: memref<10000x128xf32, #tpu.memory_space<vmem>>, %arg1: memref<2x10000x32xf32, #tpu.memory_space<vmem>>, %arg2: memref<128x32xf32, #tpu.memory_space<vmem>>, %arg3: memref<32xf32, #tpu.memory_space<vmem>>, %arg4: memref<32xf32, #tpu.memory_space<vmem>>, %arg5: memref<32xf32, #tpu.memory_space<vmem>>, %arg6: memref<10000x32xf32, #tpu.memory_space<vmem>>) attributes {dimension_semantics = [], scalar_prefetch = 0 : i64, scratch_operands = 0 : i64, tpu.core_type = #tpu.core_type<tc>} {
    %get3A = arith.constant 0 : index
    %get3A_0 = arith.constant 0 : index
    %get3A_1 = vector.load %arg0[%get3A, %get3A_0] : memref<10000x128xf32, #tpu.memory_space<vmem>>, vector<10000x128xf32>
    %get3A_2 = arith.constant 0 : index
    %get3A_3 = arith.constant 0 : index
    %get3A_4 = vector.load %arg2[%get3A_2, %get3A_3] : memref<128x32xf32, #tpu.memory_space<vmem>>, vector<128x32xf32>
    %dot_general3A = arith.constant dense<0.000000e+00> : vector<10000x32xf32>
    %dot_general3A_5 = tpu.matmul %get3A_1, %get3A_4, %dot_general3A {dimension_numbers = #tpu.dot_dimension_numbers<[1], [0], [0], [1], [0, 0, 1, 1], [], []>, transpose_lhs_hint = false} : vector<10000x128xf32>, vector<128x32xf32>, vector<10000x32xf32> -> vector<10000x32xf32>
    %get3A_6 = arith.constant 0 : index
    %get3A_7 = arith.constant 0 : index
    %get3A_8 = arith.constant 0 : index
    %get3A_9 = vector.load %arg1[%get3A_6, %get3A_7, %get3A_8] : memref<2x10000x32xf32, #tpu.memory_space<vmem>>, vector<1x10000x32xf32>
    %get3A_10 = vector.shape_cast %get3A_9 : vector<1x10000x32xf32> to vector<10000x32xf32>
    %add3A = arith.addf %dot_general3A_5, %get3A_10 : vector<10000x32xf32>
    %get3A_11 = arith.constant 1 : index
    %get3A_12 = arith.constant 0 : index
    %get3A_13 = arith.constant 0 : index
    %get3A_14 = vector.load %arg1[%get3A_11, %get3A_12, %get3A_13] : memref<2x10000x32xf32, #tpu.memory_space<vmem>>, vector<1x10000x32xf32>
    %get3A_15 = vector.shape_cast %get3A_14 : vector<1x10000x32xf32> to vector<10000x32xf32>
    %add3A_16 = arith.addf %add3A, %get3A_15 : vector<10000x32xf32>
    %get3A_17 = arith.constant 0 : index
    %get3A_18 = vector.load %arg3[%get3A_17] : memref<32xf32, #tpu.memory_space<vmem>>, vector<32xf32>
    %broadcast_in_dim3A = vector.shape_cast %get3A_18 : vector<32xf32> to vector<1x32xf32>
    %add3A_19 = vector.broadcast %broadcast_in_dim3A : vector<1x32xf32> to vector<10000x32xf32>
    %add3A_20 = arith.addf %add3A_16, %add3A_19 : vector<10000x32xf32>
    %get3A_21 = arith.constant 0 : index
    %get3A_22 = vector.load %arg4[%get3A_21] : memref<32xf32, #tpu.memory_space<vmem>>, vector<32xf32>
    %get3A_23 = arith.constant 0 : index
    %get3A_24 = vector.load %arg5[%get3A_23] : memref<32xf32, #tpu.memory_space<vmem>>, vector<32xf32>
    %reduce_sum3A = arith.constant dense<0.000000e+00> : vector<32xf32>
    %reduce_sum3A_25 = vector.multi_reduction <add>, %add3A_20, %reduce_sum3A [0] : vector<10000x32xf32> to vector<32xf32>
    %div3A = arith.constant 1.000000e+04 : f32
    %div3A_26 = vector.broadcast %div3A : f32 to vector<32xf32>
    %div3A_27 = arith.divf %reduce_sum3A_25, %div3A_26 : vector<32xf32>
    %jit3A = arith.constant 0 : i32
    %reduce_sum3A_28 = arith.constant dense<0.000000e+00> : vector<32xf32>
    %reduce_sum3A_29 = vector.multi_reduction <add>, %add3A_20, %reduce_sum3A_28 [0] : vector<10000x32xf32> to vector<32xf32>
    %broadcast_in_dim3A_30 = vector.shape_cast %reduce_sum3A_29 : vector<32xf32> to vector<1x32xf32>
    %div3A_31 = arith.constant 1.000000e+04 : f32
    %div3A_32 = vector.broadcast %div3A_31 : f32 to vector<1x32xf32>
    %div3A_33 = arith.divf %broadcast_in_dim3A_30, %div3A_32 : vector<1x32xf32>
    %sub3A = vector.broadcast %div3A_33 : vector<1x32xf32> to vector<10000x32xf32>
    %sub3A_34 = arith.subf %add3A_20, %sub3A : vector<10000x32xf32>
    %square3A = arith.mulf %sub3A_34, %sub3A_34 : vector<10000x32xf32>
    %convert_element_type3A = arith.sitofp %jit3A : i32 to f32
    %sub3A_35 = arith.constant 1.000000e+04 : f32
    %sub3A_36 = arith.subf %sub3A_35, %convert_element_type3A : f32
    %reduce_sum3A_37 = arith.constant dense<0.000000e+00> : vector<32xf32>
    %reduce_sum3A_38 = vector.multi_reduction <add>, %square3A, %reduce_sum3A_37 [0] : vector<10000x32xf32> to vector<32xf32>
    %div3A_39 = vector.broadcast %sub3A_36 : f32 to vector<32xf32>
    %div3A_40 = arith.divf %reduce_sum3A_38, %div3A_39 : vector<32xf32>
    %gt3A = arith.constant 0.000000e+00 : f32
    %gt3A_41 = arith.cmpf ogt, %sub3A_36, %gt3A : f32
    %jit3A_42 = arith.constant 0x7FC00000 : f32
    %broadcast_in_dim3A_43 = vector.broadcast %jit3A_42 : f32 to vector<32xf32>
    %select_n3A = arith.select %gt3A_41, %div3A_40, %broadcast_in_dim3A_43 : vector<32xf32>
    %broadcast_in_dim3A_44 = vector.shape_cast %div3A_27 : vector<32xf32> to vector<1x32xf32>
    %sub3A_45 = vector.broadcast %broadcast_in_dim3A_44 : vector<1x32xf32> to vector<10000x32xf32>
    %sub3A_46 = arith.subf %add3A_20, %sub3A_45 : vector<10000x32xf32>
    %add3A_47 = arith.constant 9.99999974E-6 : f32
    %add3A_48 = vector.broadcast %add3A_47 : f32 to vector<32xf32>
    %add3A_49 = arith.addf %select_n3A, %add3A_48 : vector<32xf32>
    %sqrt3A = math.sqrt %add3A_49 : vector<32xf32>
    %broadcast_in_dim3A_50 = vector.shape_cast %sqrt3A : vector<32xf32> to vector<1x32xf32>
    %div3A_51 = vector.broadcast %broadcast_in_dim3A_50 : vector<1x32xf32> to vector<10000x32xf32>
    %div3A_52 = arith.divf %sub3A_46, %div3A_51 : vector<10000x32xf32>
    %broadcast_in_dim3A_53 = vector.shape_cast %get3A_22 : vector<32xf32> to vector<1x32xf32>
    %mul3A = vector.broadcast %broadcast_in_dim3A_53 : vector<1x32xf32> to vector<10000x32xf32>
    %mul3A_54 = arith.mulf %div3A_52, %mul3A : vector<10000x32xf32>
    %broadcast_in_dim3A_55 = vector.shape_cast %get3A_24 : vector<32xf32> to vector<1x32xf32>
    %add3A_56 = vector.broadcast %broadcast_in_dim3A_55 : vector<1x32xf32> to vector<10000x32xf32>
    %add3A_57 = arith.addf %mul3A_54, %add3A_56 : vector<10000x32xf32>
    %max3A = arith.constant 0.000000e+00 : f32
    %max3A_58 = vector.broadcast %max3A : f32 to vector<10000x32xf32>
    %max3A_59 = arith.maximumf %add3A_57, %max3A_58 : vector<10000x32xf32>
    %swap3A = arith.constant 0 : index
    %swap3A_60 = arith.constant 0 : index
    %swap3A_61 = vector.load %arg6[%swap3A, %swap3A_60] : memref<10000x32xf32, #tpu.memory_space<vmem>>, vector<10000x32xf32>
    tpu.vector_store %arg6[%swap3A, %swap3A_60], %max3A_59 {strides = array<i32>} : memref<10000x32xf32, #tpu.memory_space<vmem>>, vector<10000x32xf32>,
    return
  }
}

module attributes {stable_mosaic.version = 14 : i64} {
  func.func @body(%arg0: memref<10000x32xf32, #tpu.memory_space<vmem>>, %arg1: memref<2x10000x32xf32, #tpu.memory_space<vmem>>, %arg2: memref<32x64xf32, #tpu.memory_space<vmem>>, %arg3: memref<32x64xf32, #tpu.memory_space<vmem>>, %arg4: memref<64xf32, #tpu.memory_space<vmem>>, %arg5: memref<64xf32, #tpu.memory_space<vmem>>, %arg6: memref<64xf32, #tpu.memory_space<vmem>>, %arg7: memref<10000x64xf32, #tpu.memory_space<vmem>>) attributes {dimension_semantics = [], scalar_prefetch = 0 : i64, scratch_operands = 0 : i64, tpu.core_type = #tpu.core_type<tc>} {
    %get3A = arith.constant 0 : index
    %get3A_0 = arith.constant 0 : index
    %get3A_1 = vector.load %arg0[%get3A, %get3A_0] : memref<10000x32xf32, #tpu.memory_space<vmem>>, vector<10000x32xf32>
    %get3A_2 = arith.constant 0 : index
    %get3A_3 = arith.constant 0 : index
    %get3A_4 = vector.load %arg2[%get3A_2, %get3A_3] : memref<32x64xf32, #tpu.memory_space<vmem>>, vector<32x64xf32>
    %dot_general3A = arith.constant dense<0.000000e+00> : vector<10000x64xf32>
    %dot_general3A_5 = tpu.matmul %get3A_1, %get3A_4, %dot_general3A {dimension_numbers = #tpu.dot_dimension_numbers<[1], [0], [0], [1], [0, 0, 1, 1], [], []>, transpose_lhs_hint = false} : vector<10000x32xf32>, vector<32x64xf32>, vector<10000x64xf32> -> vector<10000x64xf32>
    %get3A_6 = arith.constant 0 : index
    %get3A_7 = arith.constant 0 : index
    %get3A_8 = arith.constant 0 : index
    %get3A_9 = vector.load %arg1[%get3A_6, %get3A_7, %get3A_8] : memref<2x10000x32xf32, #tpu.memory_space<vmem>>, vector<1x10000x32xf32>
    %get3A_10 = vector.shape_cast %get3A_9 : vector<1x10000x32xf32> to vector<10000x32xf32>
    %get3A_11 = arith.constant 1 : index
    %get3A_12 = arith.constant 0 : index
    %get3A_13 = arith.constant 0 : index
    %get3A_14 = vector.load %arg1[%get3A_11, %get3A_12, %get3A_13] : memref<2x10000x32xf32, #tpu.memory_space<vmem>>, vector<1x10000x32xf32>
    %get3A_15 = vector.shape_cast %get3A_14 : vector<1x10000x32xf32> to vector<10000x32xf32>
    %add3A = arith.addf %get3A_10, %get3A_15 : vector<10000x32xf32>
    %get3A_16 = arith.constant 0 : index
    %get3A_17 = arith.constant 0 : index
    %get3A_18 = vector.load %arg3[%get3A_16, %get3A_17] : memref<32x64xf32, #tpu.memory_space<vmem>>, vector<32x64xf32>
    %dot_general3A_19 = arith.constant dense<0.000000e+00> : vector<10000x64xf32>
    %dot_general3A_20 = tpu.matmul %add3A, %get3A_18, %dot_general3A_19 {dimension_numbers = #tpu.dot_dimension_numbers<[1], [0], [0], [1], [0, 0, 1, 1], [], []>, transpose_lhs_hint = false} : vector<10000x32xf32>, vector<32x64xf32>, vector<10000x64xf32> -> vector<10000x64xf32>
    %add3A_21 = arith.addf %dot_general3A_5, %dot_general3A_20 : vector<10000x64xf32>
    %get3A_22 = arith.constant 0 : index
    %get3A_23 = vector.load %arg4[%get3A_22] : memref<64xf32, #tpu.memory_space<vmem>>, vector<64xf32>
    %broadcast_in_dim3A = vector.shape_cast %get3A_23 : vector<64xf32> to vector<1x64xf32>
    %add3A_24 = vector.broadcast %broadcast_in_dim3A : vector<1x64xf32> to vector<10000x64xf32>
    %add3A_25 = arith.addf %add3A_21, %add3A_24 : vector<10000x64xf32>
    %get3A_26 = arith.constant 0 : index
    %get3A_27 = vector.load %arg5[%get3A_26] : memref<64xf32, #tpu.memory_space<vmem>>, vector<64xf32>
    %get3A_28 = arith.constant 0 : index
    %get3A_29 = vector.load %arg6[%get3A_28] : memref<64xf32, #tpu.memory_space<vmem>>, vector<64xf32>
    %reduce_sum3A = arith.constant dense<0.000000e+00> : vector<64xf32>
    %reduce_sum3A_30 = vector.multi_reduction <add>, %add3A_25, %reduce_sum3A [0] : vector<10000x64xf32> to vector<64xf32>
    %div3A = arith.constant 1.000000e+04 : f32
    %div3A_31 = vector.broadcast %div3A : f32 to vector<64xf32>
    %div3A_32 = arith.divf %reduce_sum3A_30, %div3A_31 : vector<64xf32>
    %jit3A = arith.constant 0 : i32
    %reduce_sum3A_33 = arith.constant dense<0.000000e+00> : vector<64xf32>
    %reduce_sum3A_34 = vector.multi_reduction <add>, %add3A_25, %reduce_sum3A_33 [0] : vector<10000x64xf32> to vector<64xf32>
    %broadcast_in_dim3A_35 = vector.shape_cast %reduce_sum3A_34 : vector<64xf32> to vector<1x64xf32>
    %div3A_36 = arith.constant 1.000000e+04 : f32
    %div3A_37 = vector.broadcast %div3A_36 : f32 to vector<1x64xf32>
    %div3A_38 = arith.divf %broadcast_in_dim3A_35, %div3A_37 : vector<1x64xf32>
    %sub3A = vector.broadcast %div3A_38 : vector<1x64xf32> to vector<10000x64xf32>
    %sub3A_39 = arith.subf %add3A_25, %sub3A : vector<10000x64xf32>
    %square3A = arith.mulf %sub3A_39, %sub3A_39 : vector<10000x64xf32>
    %convert_element_type3A = arith.sitofp %jit3A : i32 to f32
    %sub3A_40 = arith.constant 1.000000e+04 : f32
    %sub3A_41 = arith.subf %sub3A_40, %convert_element_type3A : f32
    %reduce_sum3A_42 = arith.constant dense<0.000000e+00> : vector<64xf32>
    %reduce_sum3A_43 = vector.multi_reduction <add>, %square3A, %reduce_sum3A_42 [0] : vector<10000x64xf32> to vector<64xf32>
    %div3A_44 = vector.broadcast %sub3A_41 : f32 to vector<64xf32>
    %div3A_45 = arith.divf %reduce_sum3A_43, %div3A_44 : vector<64xf32>
    %gt3A = arith.constant 0.000000e+00 : f32
    %gt3A_46 = arith.cmpf ogt, %sub3A_41, %gt3A : f32
    %jit3A_47 = arith.constant 0x7FC00000 : f32
    %broadcast_in_dim3A_48 = vector.broadcast %jit3A_47 : f32 to vector<64xf32>
    %select_n3A = arith.select %gt3A_46, %div3A_45, %broadcast_in_dim3A_48 : vector<64xf32>
    %broadcast_in_dim3A_49 = vector.shape_cast %div3A_32 : vector<64xf32> to vector<1x64xf32>
    %sub3A_50 = vector.broadcast %broadcast_in_dim3A_49 : vector<1x64xf32> to vector<10000x64xf32>
    %sub3A_51 = arith.subf %add3A_25, %sub3A_50 : vector<10000x64xf32>
    %add3A_52 = arith.constant 9.99999974E-6 : f32
    %add3A_53 = vector.broadcast %add3A_52 : f32 to vector<64xf32>
    %add3A_54 = arith.addf %select_n3A, %add3A_53 : vector<64xf32>
    %sqrt3A = math.sqrt %add3A_54 : vector<64xf32>
    %broadcast_in_dim3A_55 = vector.shape_cast %sqrt3A : vector<64xf32> to vector<1x64xf32>
    %div3A_56 = vector.broadcast %broadcast_in_dim3A_55 : vector<1x64xf32> to vector<10000x64xf32>
    %div3A_57 = arith.divf %sub3A_51, %div3A_56 : vector<10000x64xf32>
    %broadcast_in_dim3A_58 = vector.shape_cast %get3A_27 : vector<64xf32> to vector<1x64xf32>
    %mul3A = vector.broadcast %broadcast_in_dim3A_58 : vector<1x64xf32> to vector<10000x64xf32>
    %mul3A_59 = arith.mulf %div3A_57, %mul3A : vector<10000x64xf32>
    %broadcast_in_dim3A_60 = vector.shape_cast %get3A_29 : vector<64xf32> to vector<1x64xf32>
    %add3A_61 = vector.broadcast %broadcast_in_dim3A_60 : vector<1x64xf32> to vector<10000x64xf32>
    %add3A_62 = arith.addf %mul3A_59, %add3A_61 : vector<10000x64xf32>
    %max3A = arith.constant 0.000000e+00 : f32
    %max3A_63 = vector.broadcast %max3A : f32 to vector<10000x64xf32>
    %max3A_64 = arith.maximumf %add3A_62, %max3A_63 : vector<10000x64xf32>
    %swap3A = arith.constant 0 : index
    %swap3A_65 = arith.constant 0 : index
    %swap3A_66 = vector.load %arg7[%swap3A, %swap3A_65] : memref<10000x64xf32, #tpu.memory_space<vmem>>, vector<10000x64xf32>
    tpu.vector_store %arg7[%swap3A, %swap3A_65], %max3A_64 {strides = array<i32>} : memref<10000x64xf32, #tpu.memory_space<vmem>>, vector<10000x64xf32>,
    return
  }
}

module attributes {stable_mosaic.version = 14 : i64} {
  func.func @body(%arg0: memref<10000x64xf32, #tpu.memory_space<vmem>>, %arg1: memref<2x10000x64xf32, #tpu.memory_space<vmem>>, %arg2: memref<10000x32xf32, #tpu.memory_space<vmem>>, %arg3: memref<64x64xf32, #tpu.memory_space<vmem>>, %arg4: memref<64x64xf32, #tpu.memory_space<vmem>>, %arg5: memref<64xf32, #tpu.memory_space<vmem>>, %arg6: memref<64xf32, #tpu.memory_space<vmem>>, %arg7: memref<64xf32, #tpu.memory_space<vmem>>, %arg8: memref<32x64xf32, #tpu.memory_space<vmem>>, %arg9: memref<64xf32, #tpu.memory_space<vmem>>, %arg10: memref<64xf32, #tpu.memory_space<vmem>>, %arg11: memref<10000x64xf32, #tpu.memory_space<vmem>>) attributes {dimension_semantics = [], scalar_prefetch = 0 : i64, scratch_operands = 0 : i64, tpu.core_type = #tpu.core_type<tc>} {
    %get3A = arith.constant 0 : index
    %get3A_0 = arith.constant 0 : index
    %get3A_1 = vector.load %arg0[%get3A, %get3A_0] : memref<10000x64xf32, #tpu.memory_space<vmem>>, vector<10000x64xf32>
    %get3A_2 = arith.constant 0 : index
    %get3A_3 = arith.constant 0 : index
    %get3A_4 = vector.load %arg3[%get3A_2, %get3A_3] : memref<64x64xf32, #tpu.memory_space<vmem>>, vector<64x64xf32>
    %dot_general3A = arith.constant dense<0.000000e+00> : vector<10000x64xf32>
    %dot_general3A_5 = tpu.matmul %get3A_1, %get3A_4, %dot_general3A {dimension_numbers = #tpu.dot_dimension_numbers<[1], [0], [0], [1], [0, 0, 1, 1], [], []>, transpose_lhs_hint = false} : vector<10000x64xf32>, vector<64x64xf32>, vector<10000x64xf32> -> vector<10000x64xf32>
    %get3A_6 = arith.constant 0 : index
    %get3A_7 = arith.constant 0 : index
    %get3A_8 = arith.constant 0 : index
    %get3A_9 = vector.load %arg1[%get3A_6, %get3A_7, %get3A_8] : memref<2x10000x64xf32, #tpu.memory_space<vmem>>, vector<1x10000x64xf32>
    %get3A_10 = vector.shape_cast %get3A_9 : vector<1x10000x64xf32> to vector<10000x64xf32>
    %get3A_11 = arith.constant 1 : index
    %get3A_12 = arith.constant 0 : index
    %get3A_13 = arith.constant 0 : index
    %get3A_14 = vector.load %arg1[%get3A_11, %get3A_12, %get3A_13] : memref<2x10000x64xf32, #tpu.memory_space<vmem>>, vector<1x10000x64xf32>
    %get3A_15 = vector.shape_cast %get3A_14 : vector<1x10000x64xf32> to vector<10000x64xf32>
    %add3A = arith.addf %get3A_10, %get3A_15 : vector<10000x64xf32>
    %get3A_16 = arith.constant 0 : index
    %get3A_17 = arith.constant 0 : index
    %get3A_18 = vector.load %arg4[%get3A_16, %get3A_17] : memref<64x64xf32, #tpu.memory_space<vmem>>, vector<64x64xf32>
    %dot_general3A_19 = arith.constant dense<0.000000e+00> : vector<10000x64xf32>
    %dot_general3A_20 = tpu.matmul %add3A, %get3A_18, %dot_general3A_19 {dimension_numbers = #tpu.dot_dimension_numbers<[1], [0], [0], [1], [0, 0, 1, 1], [], []>, transpose_lhs_hint = false} : vector<10000x64xf32>, vector<64x64xf32>, vector<10000x64xf32> -> vector<10000x64xf32>
    %add3A_21 = arith.addf %dot_general3A_5, %dot_general3A_20 : vector<10000x64xf32>
    %get3A_22 = arith.constant 0 : index
    %get3A_23 = vector.load %arg5[%get3A_22] : memref<64xf32, #tpu.memory_space<vmem>>, vector<64xf32>
    %broadcast_in_dim3A = vector.shape_cast %get3A_23 : vector<64xf32> to vector<1x64xf32>
    %add3A_24 = vector.broadcast %broadcast_in_dim3A : vector<1x64xf32> to vector<10000x64xf32>
    %add3A_25 = arith.addf %add3A_21, %add3A_24 : vector<10000x64xf32>
    %get3A_26 = arith.constant 0 : index
    %get3A_27 = vector.load %arg6[%get3A_26] : memref<64xf32, #tpu.memory_space<vmem>>, vector<64xf32>
    %get3A_28 = arith.constant 0 : index
    %get3A_29 = vector.load %arg7[%get3A_28] : memref<64xf32, #tpu.memory_space<vmem>>, vector<64xf32>
    %reduce_sum3A = arith.constant dense<0.000000e+00> : vector<64xf32>
    %reduce_sum3A_30 = vector.multi_reduction <add>, %add3A_25, %reduce_sum3A [0] : vector<10000x64xf32> to vector<64xf32>
    %div3A = arith.constant 1.000000e+04 : f32
    %div3A_31 = vector.broadcast %div3A : f32 to vector<64xf32>
    %div3A_32 = arith.divf %reduce_sum3A_30, %div3A_31 : vector<64xf32>
    %jit3A = arith.constant 0 : i32
    %reduce_sum3A_33 = arith.constant dense<0.000000e+00> : vector<64xf32>
    %reduce_sum3A_34 = vector.multi_reduction <add>, %add3A_25, %reduce_sum3A_33 [0] : vector<10000x64xf32> to vector<64xf32>
    %broadcast_in_dim3A_35 = vector.shape_cast %reduce_sum3A_34 : vector<64xf32> to vector<1x64xf32>
    %div3A_36 = arith.constant 1.000000e+04 : f32
    %div3A_37 = vector.broadcast %div3A_36 : f32 to vector<1x64xf32>
    %div3A_38 = arith.divf %broadcast_in_dim3A_35, %div3A_37 : vector<1x64xf32>
    %sub3A = vector.broadcast %div3A_38 : vector<1x64xf32> to vector<10000x64xf32>
    %sub3A_39 = arith.subf %add3A_25, %sub3A : vector<10000x64xf32>
    %square3A = arith.mulf %sub3A_39, %sub3A_39 : vector<10000x64xf32>
    %convert_element_type3A = arith.sitofp %jit3A : i32 to f32
    %sub3A_40 = arith.constant 1.000000e+04 : f32
    %sub3A_41 = arith.subf %sub3A_40, %convert_element_type3A : f32
    %reduce_sum3A_42 = arith.constant dense<0.000000e+00> : vector<64xf32>
    %reduce_sum3A_43 = vector.multi_reduction <add>, %square3A, %reduce_sum3A_42 [0] : vector<10000x64xf32> to vector<64xf32>
    %div3A_44 = vector.broadcast %sub3A_41 : f32 to vector<64xf32>
    %div3A_45 = arith.divf %reduce_sum3A_43, %div3A_44 : vector<64xf32>
    %gt3A = arith.constant 0.000000e+00 : f32
    %gt3A_46 = arith.cmpf ogt, %sub3A_41, %gt3A : f32
    %jit3A_47 = arith.constant 0x7FC00000 : f32
    %broadcast_in_dim3A_48 = vector.broadcast %jit3A_47 : f32 to vector<64xf32>
    %select_n3A = arith.select %gt3A_46, %div3A_45, %broadcast_in_dim3A_48 : vector<64xf32>
    %broadcast_in_dim3A_49 = vector.shape_cast %div3A_32 : vector<64xf32> to vector<1x64xf32>
    %sub3A_50 = vector.broadcast %broadcast_in_dim3A_49 : vector<1x64xf32> to vector<10000x64xf32>
    %sub3A_51 = arith.subf %add3A_25, %sub3A_50 : vector<10000x64xf32>
    %add3A_52 = arith.constant 9.99999974E-6 : f32
    %add3A_53 = vector.broadcast %add3A_52 : f32 to vector<64xf32>
    %add3A_54 = arith.addf %select_n3A, %add3A_53 : vector<64xf32>
    %sqrt3A = math.sqrt %add3A_54 : vector<64xf32>
    %broadcast_in_dim3A_55 = vector.shape_cast %sqrt3A : vector<64xf32> to vector<1x64xf32>
    %div3A_56 = vector.broadcast %broadcast_in_dim3A_55 : vector<1x64xf32> to vector<10000x64xf32>
    %div3A_57 = arith.divf %sub3A_51, %div3A_56 : vector<10000x64xf32>
    %broadcast_in_dim3A_58 = vector.shape_cast %get3A_27 : vector<64xf32> to vector<1x64xf32>
    %mul3A = vector.broadcast %broadcast_in_dim3A_58 : vector<1x64xf32> to vector<10000x64xf32>
    %mul3A_59 = arith.mulf %div3A_57, %mul3A : vector<10000x64xf32>
    %broadcast_in_dim3A_60 = vector.shape_cast %get3A_29 : vector<64xf32> to vector<1x64xf32>
    %add3A_61 = vector.broadcast %broadcast_in_dim3A_60 : vector<1x64xf32> to vector<10000x64xf32>
    %add3A_62 = arith.addf %mul3A_59, %add3A_61 : vector<10000x64xf32>
    %get3A_63 = arith.constant 0 : index
    %get3A_64 = arith.constant 0 : index
    %get3A_65 = vector.load %arg2[%get3A_63, %get3A_64] : memref<10000x32xf32, #tpu.memory_space<vmem>>, vector<10000x32xf32>
    %get3A_66 = arith.constant 0 : index
    %get3A_67 = arith.constant 0 : index
    %get3A_68 = vector.load %arg8[%get3A_66, %get3A_67] : memref<32x64xf32, #tpu.memory_space<vmem>>, vector<32x64xf32>
    %dot_general3A_69 = arith.constant dense<0.000000e+00> : vector<10000x64xf32>
    %dot_general3A_70 = tpu.matmul %get3A_65, %get3A_68, %dot_general3A_69 {dimension_numbers = #tpu.dot_dimension_numbers<[1], [0], [0], [1], [0, 0, 1, 1], [], []>, transpose_lhs_hint = false} : vector<10000x32xf32>, vector<32x64xf32>, vector<10000x64xf32> -> vector<10000x64xf32>
    %get3A_71 = arith.constant 0 : index
    %get3A_72 = vector.load %arg9[%get3A_71] : memref<64xf32, #tpu.memory_space<vmem>>, vector<64xf32>
    %get3A_73 = arith.constant 0 : index
    %get3A_74 = vector.load %arg10[%get3A_73] : memref<64xf32, #tpu.memory_space<vmem>>, vector<64xf32>
    %reduce_sum3A_75 = arith.constant dense<0.000000e+00> : vector<64xf32>
    %reduce_sum3A_76 = vector.multi_reduction <add>, %dot_general3A_70, %reduce_sum3A_75 [0] : vector<10000x64xf32> to vector<64xf32>
    %div3A_77 = arith.constant 1.000000e+04 : f32
    %div3A_78 = vector.broadcast %div3A_77 : f32 to vector<64xf32>
    %div3A_79 = arith.divf %reduce_sum3A_76, %div3A_78 : vector<64xf32>
    %jit3A_80 = arith.constant 0 : i32
    %reduce_sum3A_81 = arith.constant dense<0.000000e+00> : vector<64xf32>
    %reduce_sum3A_82 = vector.multi_reduction <add>, %dot_general3A_70, %reduce_sum3A_81 [0] : vector<10000x64xf32> to vector<64xf32>
    %broadcast_in_dim3A_83 = vector.shape_cast %reduce_sum3A_82 : vector<64xf32> to vector<1x64xf32>
    %div3A_84 = arith.constant 1.000000e+04 : f32
    %div3A_85 = vector.broadcast %div3A_84 : f32 to vector<1x64xf32>
    %div3A_86 = arith.divf %broadcast_in_dim3A_83, %div3A_85 : vector<1x64xf32>
    %sub3A_87 = vector.broadcast %div3A_86 : vector<1x64xf32> to vector<10000x64xf32>
    %sub3A_88 = arith.subf %dot_general3A_70, %sub3A_87 : vector<10000x64xf32>
    %square3A_89 = arith.mulf %sub3A_88, %sub3A_88 : vector<10000x64xf32>
    %convert_element_type3A_90 = arith.sitofp %jit3A_80 : i32 to f32
    %sub3A_91 = arith.constant 1.000000e+04 : f32
    %sub3A_92 = arith.subf %sub3A_91, %convert_element_type3A_90 : f32
    %reduce_sum3A_93 = arith.constant dense<0.000000e+00> : vector<64xf32>
    %reduce_sum3A_94 = vector.multi_reduction <add>, %square3A_89, %reduce_sum3A_93 [0] : vector<10000x64xf32> to vector<64xf32>
    %div3A_95 = vector.broadcast %sub3A_92 : f32 to vector<64xf32>
    %div3A_96 = arith.divf %reduce_sum3A_94, %div3A_95 : vector<64xf32>
    %gt3A_97 = arith.constant 0.000000e+00 : f32
    %gt3A_98 = arith.cmpf ogt, %sub3A_92, %gt3A_97 : f32
    %jit3A_99 = arith.constant 0x7FC00000 : f32
    %broadcast_in_dim3A_100 = vector.broadcast %jit3A_99 : f32 to vector<64xf32>
    %select_n3A_101 = arith.select %gt3A_98, %div3A_96, %broadcast_in_dim3A_100 : vector<64xf32>
    %broadcast_in_dim3A_102 = vector.shape_cast %div3A_79 : vector<64xf32> to vector<1x64xf32>
    %sub3A_103 = vector.broadcast %broadcast_in_dim3A_102 : vector<1x64xf32> to vector<10000x64xf32>
    %sub3A_104 = arith.subf %dot_general3A_70, %sub3A_103 : vector<10000x64xf32>
    %add3A_105 = arith.constant 9.99999974E-6 : f32
    %add3A_106 = vector.broadcast %add3A_105 : f32 to vector<64xf32>
    %add3A_107 = arith.addf %select_n3A_101, %add3A_106 : vector<64xf32>
    %sqrt3A_108 = math.sqrt %add3A_107 : vector<64xf32>
    %broadcast_in_dim3A_109 = vector.shape_cast %sqrt3A_108 : vector<64xf32> to vector<1x64xf32>
    %div3A_110 = vector.broadcast %broadcast_in_dim3A_109 : vector<1x64xf32> to vector<10000x64xf32>
    %div3A_111 = arith.divf %sub3A_104, %div3A_110 : vector<10000x64xf32>
    %broadcast_in_dim3A_112 = vector.shape_cast %get3A_72 : vector<64xf32> to vector<1x64xf32>
    %mul3A_113 = vector.broadcast %broadcast_in_dim3A_112 : vector<1x64xf32> to vector<10000x64xf32>
    %mul3A_114 = arith.mulf %div3A_111, %mul3A_113 : vector<10000x64xf32>
    %broadcast_in_dim3A_115 = vector.shape_cast %get3A_74 : vector<64xf32> to vector<1x64xf32>
    %add3A_116 = vector.broadcast %broadcast_in_dim3A_115 : vector<1x64xf32> to vector<10000x64xf32>
    %add3A_117 = arith.addf %mul3A_114, %add3A_116 : vector<10000x64xf32>
    %add3A_118 = arith.addf %add3A_62, %add3A_117 : vector<10000x64xf32>
    %max3A = arith.constant 0.000000e+00 : f32
    %max3A_119 = vector.broadcast %max3A : f32 to vector<10000x64xf32>
    %max3A_120 = arith.maximumf %add3A_118, %max3A_119 : vector<10000x64xf32>
    %swap3A = arith.constant 0 : index
    %swap3A_121 = arith.constant 0 : index
    %swap3A_122 = vector.load %arg11[%swap3A, %swap3A_121] : memref<10000x64xf32, #tpu.memory_space<vmem>>, vector<10000x64xf32>
    tpu.vector_store %arg11[%swap3A, %swap3A_121], %max3A_120 {strides = array<i32>} : memref<10000x64xf32, #tpu.memory_space<vmem>>, vector<10000x64xf32>,
    return
  }
}

module attributes {stable_mosaic.version = 14 : i64} {
  func.func @body(%arg0: memref<10000x64xf32, #tpu.memory_space<vmem>>, %arg1: memref<2x10000x64xf32, #tpu.memory_space<vmem>>, %arg2: memref<64x128xf32, #tpu.memory_space<vmem>>, %arg3: memref<64x128xf32, #tpu.memory_space<vmem>>, %arg4: memref<128xf32, #tpu.memory_space<vmem>>, %arg5: memref<128xf32, #tpu.memory_space<vmem>>, %arg6: memref<128xf32, #tpu.memory_space<vmem>>, %arg7: memref<10000x64xf32, #tpu.memory_space<vmem>>, %arg8: memref<10000x64xf32, #tpu.memory_space<vmem>>) attributes {dimension_semantics = [], scalar_prefetch = 0 : i64, scratch_operands = 0 : i64, tpu.core_type = #tpu.core_type<tc>} {
    %get3A = arith.constant 0 : index
    %get3A_0 = arith.constant 0 : index
    %get3A_1 = vector.load %arg0[%get3A, %get3A_0] : memref<10000x64xf32, #tpu.memory_space<vmem>>, vector<10000x64xf32>
    %get3A_2 = arith.constant 0 : index
    %get3A_3 = arith.constant 0 : index
    %get3A_4 = vector.load %arg2[%get3A_2, %get3A_3] : memref<64x128xf32, #tpu.memory_space<vmem>>, vector<64x128xf32>
    %dot_general3A = arith.constant dense<0.000000e+00> : vector<10000x128xf32>
    %dot_general3A_5 = tpu.matmul %get3A_1, %get3A_4, %dot_general3A {dimension_numbers = #tpu.dot_dimension_numbers<[1], [0], [0], [1], [0, 0, 1, 1], [], []>, transpose_lhs_hint = false} : vector<10000x64xf32>, vector<64x128xf32>, vector<10000x128xf32> -> vector<10000x128xf32>
    %get3A_6 = arith.constant 0 : index
    %get3A_7 = arith.constant 0 : index
    %get3A_8 = arith.constant 0 : index
    %get3A_9 = vector.load %arg1[%get3A_6, %get3A_7, %get3A_8] : memref<2x10000x64xf32, #tpu.memory_space<vmem>>, vector<1x10000x64xf32>
    %get3A_10 = vector.shape_cast %get3A_9 : vector<1x10000x64xf32> to vector<10000x64xf32>
    %get3A_11 = arith.constant 1 : index
    %get3A_12 = arith.constant 0 : index
    %get3A_13 = arith.constant 0 : index
    %get3A_14 = vector.load %arg1[%get3A_11, %get3A_12, %get3A_13] : memref<2x10000x64xf32, #tpu.memory_space<vmem>>, vector<1x10000x64xf32>
    %get3A_15 = vector.shape_cast %get3A_14 : vector<1x10000x64xf32> to vector<10000x64xf32>
    %add3A = arith.addf %get3A_10, %get3A_15 : vector<10000x64xf32>
    %get3A_16 = arith.constant 0 : index
    %get3A_17 = arith.constant 0 : index
    %get3A_18 = vector.load %arg3[%get3A_16, %get3A_17] : memref<64x128xf32, #tpu.memory_space<vmem>>, vector<64x128xf32>
    %dot_general3A_19 = arith.constant dense<0.000000e+00> : vector<10000x128xf32>
    %dot_general3A_20 = tpu.matmul %add3A, %get3A_18, %dot_general3A_19 {dimension_numbers = #tpu.dot_dimension_numbers<[1], [0], [0], [1], [0, 0, 1, 1], [], []>, transpose_lhs_hint = false} : vector<10000x64xf32>, vector<64x128xf32>, vector<10000x128xf32> -> vector<10000x128xf32>
    %add3A_21 = arith.addf %dot_general3A_5, %dot_general3A_20 : vector<10000x128xf32>
    %get3A_22 = arith.constant 0 : index
    %get3A_23 = vector.load %arg4[%get3A_22] : memref<128xf32, #tpu.memory_space<vmem>>, vector<128xf32>
    %broadcast_in_dim3A = vector.shape_cast %get3A_23 : vector<128xf32> to vector<1x128xf32>
    %add3A_24 = vector.broadcast %broadcast_in_dim3A : vector<1x128xf32> to vector<10000x128xf32>
    %add3A_25 = arith.addf %add3A_21, %add3A_24 : vector<10000x128xf32>
    %get3A_26 = arith.constant 0 : index
    %get3A_27 = vector.load %arg5[%get3A_26] : memref<128xf32, #tpu.memory_space<vmem>>, vector<128xf32>
    %get3A_28 = arith.constant 0 : index
    %get3A_29 = vector.load %arg6[%get3A_28] : memref<128xf32, #tpu.memory_space<vmem>>, vector<128xf32>
    %reduce_sum3A = arith.constant dense<0.000000e+00> : vector<128xf32>
    %reduce_sum3A_30 = vector.multi_reduction <add>, %add3A_25, %reduce_sum3A [0] : vector<10000x128xf32> to vector<128xf32>
    %div3A = arith.constant 1.000000e+04 : f32
    %div3A_31 = vector.broadcast %div3A : f32 to vector<128xf32>
    %div3A_32 = arith.divf %reduce_sum3A_30, %div3A_31 : vector<128xf32>
    %jit3A = arith.constant 0 : i32
    %reduce_sum3A_33 = arith.constant dense<0.000000e+00> : vector<128xf32>
    %reduce_sum3A_34 = vector.multi_reduction <add>, %add3A_25, %reduce_sum3A_33 [0] : vector<10000x128xf32> to vector<128xf32>
    %broadcast_in_dim3A_35 = vector.shape_cast %reduce_sum3A_34 : vector<128xf32> to vector<1x128xf32>
    %div3A_36 = arith.constant 1.000000e+04 : f32
    %div3A_37 = vector.broadcast %div3A_36 : f32 to vector<1x128xf32>
    %div3A_38 = arith.divf %broadcast_in_dim3A_35, %div3A_37 : vector<1x128xf32>
    %sub3A = vector.broadcast %div3A_38 : vector<1x128xf32> to vector<10000x128xf32>
    %sub3A_39 = arith.subf %add3A_25, %sub3A : vector<10000x128xf32>
    %square3A = arith.mulf %sub3A_39, %sub3A_39 : vector<10000x128xf32>
    %convert_element_type3A = arith.sitofp %jit3A : i32 to f32
    %sub3A_40 = arith.constant 1.000000e+04 : f32
    %sub3A_41 = arith.subf %sub3A_40, %convert_element_type3A : f32
    %reduce_sum3A_42 = arith.constant dense<0.000000e+00> : vector<128xf32>
    %reduce_sum3A_43 = vector.multi_reduction <add>, %square3A, %reduce_sum3A_42 [0] : vector<10000x128xf32> to vector<128xf32>
    %div3A_44 = vector.broadcast %sub3A_41 : f32 to vector<128xf32>
    %div3A_45 = arith.divf %reduce_sum3A_43, %div3A_44 : vector<128xf32>
    %gt3A = arith.constant 0.000000e+00 : f32
    %gt3A_46 = arith.cmpf ogt, %sub3A_41, %gt3A : f32
    %jit3A_47 = arith.constant 0x7FC00000 : f32
    %broadcast_in_dim3A_48 = vector.broadcast %jit3A_47 : f32 to vector<128xf32>
    %select_n3A = arith.select %gt3A_46, %div3A_45, %broadcast_in_dim3A_48 : vector<128xf32>
    %broadcast_in_dim3A_49 = vector.shape_cast %div3A_32 : vector<128xf32> to vector<1x128xf32>
    %sub3A_50 = vector.broadcast %broadcast_in_dim3A_49 : vector<1x128xf32> to vector<10000x128xf32>
    %sub3A_51 = arith.subf %add3A_25, %sub3A_50 : vector<10000x128xf32>
    %add3A_52 = arith.constant 9.99999974E-6 : f32
    %add3A_53 = vector.broadcast %add3A_52 : f32 to vector<128xf32>
    %add3A_54 = arith.addf %select_n3A, %add3A_53 : vector<128xf32>
    %sqrt3A = math.sqrt %add3A_54 : vector<128xf32>
    %broadcast_in_dim3A_55 = vector.shape_cast %sqrt3A : vector<128xf32> to vector<1x128xf32>
    %div3A_56 = vector.broadcast %broadcast_in_dim3A_55 : vector<1x128xf32> to vector<10000x128xf32>
    %div3A_57 = arith.divf %sub3A_51, %div3A_56 : vector<10000x128xf32>
    %broadcast_in_dim3A_58 = vector.shape_cast %get3A_27 : vector<128xf32> to vector<1x128xf32>
    %mul3A = vector.broadcast %broadcast_in_dim3A_58 : vector<1x128xf32> to vector<10000x128xf32>
    %mul3A_59 = arith.mulf %div3A_57, %mul3A : vector<10000x128xf32>
    %broadcast_in_dim3A_60 = vector.shape_cast %get3A_29 : vector<128xf32> to vector<1x128xf32>
    %add3A_61 = vector.broadcast %broadcast_in_dim3A_60 : vector<1x128xf32> to vector<10000x128xf32>
    %add3A_62 = arith.addf %mul3A_59, %add3A_61 : vector<10000x128xf32>
    %max3A = arith.constant 0.000000e+00 : f32
    %max3A_63 = vector.broadcast %max3A : f32 to vector<10000x128xf32>
    %max3A_64 = arith.maximumf %add3A_62, %max3A_63 : vector<10000x128xf32>
    %slice3A = vector.extract_strided_slice %max3A_64 {offsets = [0, 0], sizes = [10000, 64], strides = [1, 1]} : vector<10000x128xf32> to vector<10000x64xf32>
    %swap3A = arith.constant 0 : index
    %swap3A_65 = arith.constant 0 : index
    %swap3A_66 = vector.load %arg7[%swap3A, %swap3A_65] : memref<10000x64xf32, #tpu.memory_space<vmem>>, vector<10000x64xf32>
    tpu.vector_store %arg7[%swap3A, %swap3A_65], %slice3A {strides = array<i32>} : memref<10000x64xf32, #tpu.memory_space<vmem>>, vector<10000x64xf32>,
    %slice3A_67 = vector.extract_strided_slice %max3A_64 {offsets = [0, 64], sizes = [10000, 64], strides = [1, 1]} : vector<10000x128xf32> to vector<10000x64xf32>
    %swap3A_68 = arith.constant 0 : index
    %swap3A_69 = arith.constant 0 : index
    %swap3A_70 = vector.load %arg8[%swap3A_68, %swap3A_69] : memref<10000x64xf32, #tpu.memory_space<vmem>>, vector<10000x64xf32>
    tpu.vector_store %arg8[%swap3A_68, %swap3A_69], %slice3A_67 {strides = array<i32>} : memref<10000x64xf32, #tpu.memory_space<vmem>>, vector<10000x64xf32>,
    return
  }
}

module attributes {stable_mosaic.version = 14 : i64} {
  func.func @body(%arg0: memref<10000x64xf32, #tpu.memory_space<vmem>>, %arg1: memref<10000x64xf32, #tpu.memory_space<vmem>>, %arg2: memref<2x10000x64xf32, #tpu.memory_space<vmem>>, %arg3: memref<2x10000x64xf32, #tpu.memory_space<vmem>>, %arg4: memref<10000x64xf32, #tpu.memory_space<vmem>>, %arg5: memref<128x128xf32, #tpu.memory_space<vmem>>, %arg6: memref<128x128xf32, #tpu.memory_space<vmem>>, %arg7: memref<128xf32, #tpu.memory_space<vmem>>, %arg8: memref<128xf32, #tpu.memory_space<vmem>>, %arg9: memref<128xf32, #tpu.memory_space<vmem>>, %arg10: memref<64x128xf32, #tpu.memory_space<vmem>>, %arg11: memref<128xf32, #tpu.memory_space<vmem>>, %arg12: memref<128xf32, #tpu.memory_space<vmem>>, %arg13: memref<128x20xf32, #tpu.memory_space<vmem>>, %arg14: memref<20xf32, #tpu.memory_space<vmem>>, %arg15: memref<20x3xf32, #tpu.memory_space<vmem>>, %arg16: memref<3xf32, #tpu.memory_space<vmem>>, %arg17: memref<10000x3xf32, #tpu.memory_space<vmem>>) attributes {dimension_semantics = [], scalar_prefetch = 0 : i64, scratch_operands = 0 : i64, tpu.core_type = #tpu.core_type<tc>} {
    %get3A = arith.constant 0 : index
    %get3A_0 = arith.constant 0 : index
    %get3A_1 = vector.load %arg6[%get3A, %get3A_0] : memref<128x128xf32, #tpu.memory_space<vmem>>, vector<128x128xf32>
    %get3A_2 = arith.constant 0 : index
    %get3A_3 = arith.constant 0 : index
    %get3A_4 = vector.load %arg5[%get3A_2, %get3A_3] : memref<128x128xf32, #tpu.memory_space<vmem>>, vector<128x128xf32>
    %get3A_5 = arith.constant 0 : index
    %get3A_6 = arith.constant 0 : index
    %get3A_7 = vector.load %arg0[%get3A_5, %get3A_6] : memref<10000x64xf32, #tpu.memory_space<vmem>>, vector<10000x64xf32>
    %slice3A = vector.extract_strided_slice %get3A_4 {offsets = [0, 0], sizes = [64, 128], strides = [1, 1]} : vector<128x128xf32> to vector<64x128xf32>
    %dot_general3A = arith.constant dense<0.000000e+00> : vector<10000x128xf32>
    %dot_general3A_8 = tpu.matmul %get3A_7, %slice3A, %dot_general3A {dimension_numbers = #tpu.dot_dimension_numbers<[1], [0], [0], [1], [0, 0, 1, 1], [], []>, transpose_lhs_hint = false} : vector<10000x64xf32>, vector<64x128xf32>, vector<10000x128xf32> -> vector<10000x128xf32>
    %get3A_9 = arith.constant 0 : index
    %get3A_10 = arith.constant 0 : index
    %get3A_11 = vector.load %arg1[%get3A_9, %get3A_10] : memref<10000x64xf32, #tpu.memory_space<vmem>>, vector<10000x64xf32>
    %slice3A_12 = vector.extract_strided_slice %get3A_4 {offsets = [64, 0], sizes = [64, 128], strides = [1, 1]} : vector<128x128xf32> to vector<64x128xf32>
    %dot_general3A_13 = arith.constant dense<0.000000e+00> : vector<10000x128xf32>
    %dot_general3A_14 = tpu.matmul %get3A_11, %slice3A_12, %dot_general3A_13 {dimension_numbers = #tpu.dot_dimension_numbers<[1], [0], [0], [1], [0, 0, 1, 1], [], []>, transpose_lhs_hint = false} : vector<10000x64xf32>, vector<64x128xf32>, vector<10000x128xf32> -> vector<10000x128xf32>
    %add3A = arith.addf %dot_general3A_8, %dot_general3A_14 : vector<10000x128xf32>
    %get3A_15 = arith.constant 0 : index
    %get3A_16 = arith.constant 0 : index
    %get3A_17 = arith.constant 0 : index
    %get3A_18 = vector.load %arg2[%get3A_15, %get3A_16, %get3A_17] : memref<2x10000x64xf32, #tpu.memory_space<vmem>>, vector<1x10000x64xf32>
    %get3A_19 = vector.shape_cast %get3A_18 : vector<1x10000x64xf32> to vector<10000x64xf32>
    %get3A_20 = arith.constant 1 : index
    %get3A_21 = arith.constant 0 : index
    %get3A_22 = arith.constant 0 : index
    %get3A_23 = vector.load %arg2[%get3A_20, %get3A_21, %get3A_22] : memref<2x10000x64xf32, #tpu.memory_space<vmem>>, vector<1x10000x64xf32>
    %get3A_24 = vector.shape_cast %get3A_23 : vector<1x10000x64xf32> to vector<10000x64xf32>
    %add3A_25 = arith.addf %get3A_19, %get3A_24 : vector<10000x64xf32>
    %slice3A_26 = vector.extract_strided_slice %get3A_1 {offsets = [0, 0], sizes = [64, 128], strides = [1, 1]} : vector<128x128xf32> to vector<64x128xf32>
    %dot_general3A_27 = arith.constant dense<0.000000e+00> : vector<10000x128xf32>
    %dot_general3A_28 = tpu.matmul %add3A_25, %slice3A_26, %dot_general3A_27 {dimension_numbers = #tpu.dot_dimension_numbers<[1], [0], [0], [1], [0, 0, 1, 1], [], []>, transpose_lhs_hint = false} : vector<10000x64xf32>, vector<64x128xf32>, vector<10000x128xf32> -> vector<10000x128xf32>
    %add3A_29 = arith.addf %add3A, %dot_general3A_28 : vector<10000x128xf32>
    %get3A_30 = arith.constant 0 : index
    %get3A_31 = arith.constant 0 : index
    %get3A_32 = arith.constant 0 : index
    %get3A_33 = vector.load %arg3[%get3A_30, %get3A_31, %get3A_32] : memref<2x10000x64xf32, #tpu.memory_space<vmem>>, vector<1x10000x64xf32>
    %get3A_34 = vector.shape_cast %get3A_33 : vector<1x10000x64xf32> to vector<10000x64xf32>
    %get3A_35 = arith.constant 1 : index
    %get3A_36 = arith.constant 0 : index
    %get3A_37 = arith.constant 0 : index
    %get3A_38 = vector.load %arg3[%get3A_35, %get3A_36, %get3A_37] : memref<2x10000x64xf32, #tpu.memory_space<vmem>>, vector<1x10000x64xf32>
    %get3A_39 = vector.shape_cast %get3A_38 : vector<1x10000x64xf32> to vector<10000x64xf32>
    %add3A_40 = arith.addf %get3A_34, %get3A_39 : vector<10000x64xf32>
    %slice3A_41 = vector.extract_strided_slice %get3A_1 {offsets = [64, 0], sizes = [64, 128], strides = [1, 1]} : vector<128x128xf32> to vector<64x128xf32>
    %dot_general3A_42 = arith.constant dense<0.000000e+00> : vector<10000x128xf32>
    %dot_general3A_43 = tpu.matmul %add3A_40, %slice3A_41, %dot_general3A_42 {dimension_numbers = #tpu.dot_dimension_numbers<[1], [0], [0], [1], [0, 0, 1, 1], [], []>, transpose_lhs_hint = false} : vector<10000x64xf32>, vector<64x128xf32>, vector<10000x128xf32> -> vector<10000x128xf32>
    %add3A_44 = arith.addf %add3A_29, %dot_general3A_43 : vector<10000x128xf32>
    %get3A_45 = arith.constant 0 : index
    %get3A_46 = vector.load %arg7[%get3A_45] : memref<128xf32, #tpu.memory_space<vmem>>, vector<128xf32>
    %broadcast_in_dim3A = vector.shape_cast %get3A_46 : vector<128xf32> to vector<1x128xf32>
    %add3A_47 = vector.broadcast %broadcast_in_dim3A : vector<1x128xf32> to vector<10000x128xf32>
    %add3A_48 = arith.addf %add3A_44, %add3A_47 : vector<10000x128xf32>
    %get3A_49 = arith.constant 0 : index
    %get3A_50 = vector.load %arg8[%get3A_49] : memref<128xf32, #tpu.memory_space<vmem>>, vector<128xf32>
    %get3A_51 = arith.constant 0 : index
    %get3A_52 = vector.load %arg9[%get3A_51] : memref<128xf32, #tpu.memory_space<vmem>>, vector<128xf32>
    %reduce_sum3A = arith.constant dense<0.000000e+00> : vector<128xf32>
    %reduce_sum3A_53 = vector.multi_reduction <add>, %add3A_48, %reduce_sum3A [0] : vector<10000x128xf32> to vector<128xf32>
    %div3A = arith.constant 1.000000e+04 : f32
    %div3A_54 = vector.broadcast %div3A : f32 to vector<128xf32>
    %div3A_55 = arith.divf %reduce_sum3A_53, %div3A_54 : vector<128xf32>
    %jit3A = arith.constant 0 : i32
    %reduce_sum3A_56 = arith.constant dense<0.000000e+00> : vector<128xf32>
    %reduce_sum3A_57 = vector.multi_reduction <add>, %add3A_48, %reduce_sum3A_56 [0] : vector<10000x128xf32> to vector<128xf32>
    %broadcast_in_dim3A_58 = vector.shape_cast %reduce_sum3A_57 : vector<128xf32> to vector<1x128xf32>
    %div3A_59 = arith.constant 1.000000e+04 : f32
    %div3A_60 = vector.broadcast %div3A_59 : f32 to vector<1x128xf32>
    %div3A_61 = arith.divf %broadcast_in_dim3A_58, %div3A_60 : vector<1x128xf32>
    %sub3A = vector.broadcast %div3A_61 : vector<1x128xf32> to vector<10000x128xf32>
    %sub3A_62 = arith.subf %add3A_48, %sub3A : vector<10000x128xf32>
    %square3A = arith.mulf %sub3A_62, %sub3A_62 : vector<10000x128xf32>
    %convert_element_type3A = arith.sitofp %jit3A : i32 to f32
    %sub3A_63 = arith.constant 1.000000e+04 : f32
    %sub3A_64 = arith.subf %sub3A_63, %convert_element_type3A : f32
    %reduce_sum3A_65 = arith.constant dense<0.000000e+00> : vector<128xf32>
    %reduce_sum3A_66 = vector.multi_reduction <add>, %square3A, %reduce_sum3A_65 [0] : vector<10000x128xf32> to vector<128xf32>
    %div3A_67 = vector.broadcast %sub3A_64 : f32 to vector<128xf32>
    %div3A_68 = arith.divf %reduce_sum3A_66, %div3A_67 : vector<128xf32>
    %gt3A = arith.constant 0.000000e+00 : f32
    %gt3A_69 = arith.cmpf ogt, %sub3A_64, %gt3A : f32
    %jit3A_70 = arith.constant 0x7FC00000 : f32
    %broadcast_in_dim3A_71 = vector.broadcast %jit3A_70 : f32 to vector<128xf32>
    %select_n3A = arith.select %gt3A_69, %div3A_68, %broadcast_in_dim3A_71 : vector<128xf32>
    %broadcast_in_dim3A_72 = vector.shape_cast %div3A_55 : vector<128xf32> to vector<1x128xf32>
    %sub3A_73 = vector.broadcast %broadcast_in_dim3A_72 : vector<1x128xf32> to vector<10000x128xf32>
    %sub3A_74 = arith.subf %add3A_48, %sub3A_73 : vector<10000x128xf32>
    %add3A_75 = arith.constant 9.99999974E-6 : f32
    %add3A_76 = vector.broadcast %add3A_75 : f32 to vector<128xf32>
    %add3A_77 = arith.addf %select_n3A, %add3A_76 : vector<128xf32>
    %sqrt3A = math.sqrt %add3A_77 : vector<128xf32>
    %broadcast_in_dim3A_78 = vector.shape_cast %sqrt3A : vector<128xf32> to vector<1x128xf32>
    %div3A_79 = vector.broadcast %broadcast_in_dim3A_78 : vector<1x128xf32> to vector<10000x128xf32>
    %div3A_80 = arith.divf %sub3A_74, %div3A_79 : vector<10000x128xf32>
    %broadcast_in_dim3A_81 = vector.shape_cast %get3A_50 : vector<128xf32> to vector<1x128xf32>
    %mul3A = vector.broadcast %broadcast_in_dim3A_81 : vector<1x128xf32> to vector<10000x128xf32>
    %mul3A_82 = arith.mulf %div3A_80, %mul3A : vector<10000x128xf32>
    %broadcast_in_dim3A_83 = vector.shape_cast %get3A_52 : vector<128xf32> to vector<1x128xf32>
    %add3A_84 = vector.broadcast %broadcast_in_dim3A_83 : vector<1x128xf32> to vector<10000x128xf32>
    %add3A_85 = arith.addf %mul3A_82, %add3A_84 : vector<10000x128xf32>
    %get3A_86 = arith.constant 0 : index
    %get3A_87 = arith.constant 0 : index
    %get3A_88 = vector.load %arg4[%get3A_86, %get3A_87] : memref<10000x64xf32, #tpu.memory_space<vmem>>, vector<10000x64xf32>
    %get3A_89 = arith.constant 0 : index
    %get3A_90 = arith.constant 0 : index
    %get3A_91 = vector.load %arg10[%get3A_89, %get3A_90] : memref<64x128xf32, #tpu.memory_space<vmem>>, vector<64x128xf32>
    %dot_general3A_92 = arith.constant dense<0.000000e+00> : vector<10000x128xf32>
    %dot_general3A_93 = tpu.matmul %get3A_88, %get3A_91, %dot_general3A_92 {dimension_numbers = #tpu.dot_dimension_numbers<[1], [0], [0], [1], [0, 0, 1, 1], [], []>, transpose_lhs_hint = false} : vector<10000x64xf32>, vector<64x128xf32>, vector<10000x128xf32> -> vector<10000x128xf32>
    %get3A_94 = arith.constant 0 : index
    %get3A_95 = vector.load %arg11[%get3A_94] : memref<128xf32, #tpu.memory_space<vmem>>, vector<128xf32>
    %get3A_96 = arith.constant 0 : index
    %get3A_97 = vector.load %arg12[%get3A_96] : memref<128xf32, #tpu.memory_space<vmem>>, vector<128xf32>
    %reduce_sum3A_98 = arith.constant dense<0.000000e+00> : vector<128xf32>
    %reduce_sum3A_99 = vector.multi_reduction <add>, %dot_general3A_93, %reduce_sum3A_98 [0] : vector<10000x128xf32> to vector<128xf32>
    %div3A_100 = arith.constant 1.000000e+04 : f32
    %div3A_101 = vector.broadcast %div3A_100 : f32 to vector<128xf32>
    %div3A_102 = arith.divf %reduce_sum3A_99, %div3A_101 : vector<128xf32>
    %jit3A_103 = arith.constant 0 : i32
    %reduce_sum3A_104 = arith.constant dense<0.000000e+00> : vector<128xf32>
    %reduce_sum3A_105 = vector.multi_reduction <add>, %dot_general3A_93, %reduce_sum3A_104 [0] : vector<10000x128xf32> to vector<128xf32>
    %broadcast_in_dim3A_106 = vector.shape_cast %reduce_sum3A_105 : vector<128xf32> to vector<1x128xf32>
    %div3A_107 = arith.constant 1.000000e+04 : f32
    %div3A_108 = vector.broadcast %div3A_107 : f32 to vector<1x128xf32>
    %div3A_109 = arith.divf %broadcast_in_dim3A_106, %div3A_108 : vector<1x128xf32>
    %sub3A_110 = vector.broadcast %div3A_109 : vector<1x128xf32> to vector<10000x128xf32>
    %sub3A_111 = arith.subf %dot_general3A_93, %sub3A_110 : vector<10000x128xf32>
    %square3A_112 = arith.mulf %sub3A_111, %sub3A_111 : vector<10000x128xf32>
    %convert_element_type3A_113 = arith.sitofp %jit3A_103 : i32 to f32
    %sub3A_114 = arith.constant 1.000000e+04 : f32
    %sub3A_115 = arith.subf %sub3A_114, %convert_element_type3A_113 : f32
    %reduce_sum3A_116 = arith.constant dense<0.000000e+00> : vector<128xf32>
    %reduce_sum3A_117 = vector.multi_reduction <add>, %square3A_112, %reduce_sum3A_116 [0] : vector<10000x128xf32> to vector<128xf32>
    %div3A_118 = vector.broadcast %sub3A_115 : f32 to vector<128xf32>
    %div3A_119 = arith.divf %reduce_sum3A_117, %div3A_118 : vector<128xf32>
    %gt3A_120 = arith.constant 0.000000e+00 : f32
    %gt3A_121 = arith.cmpf ogt, %sub3A_115, %gt3A_120 : f32
    %jit3A_122 = arith.constant 0x7FC00000 : f32
    %broadcast_in_dim3A_123 = vector.broadcast %jit3A_122 : f32 to vector<128xf32>
    %select_n3A_124 = arith.select %gt3A_121, %div3A_119, %broadcast_in_dim3A_123 : vector<128xf32>
    %broadcast_in_dim3A_125 = vector.shape_cast %div3A_102 : vector<128xf32> to vector<1x128xf32>
    %sub3A_126 = vector.broadcast %broadcast_in_dim3A_125 : vector<1x128xf32> to vector<10000x128xf32>
    %sub3A_127 = arith.subf %dot_general3A_93, %sub3A_126 : vector<10000x128xf32>
    %add3A_128 = arith.constant 9.99999974E-6 : f32
    %add3A_129 = vector.broadcast %add3A_128 : f32 to vector<128xf32>
    %add3A_130 = arith.addf %select_n3A_124, %add3A_129 : vector<128xf32>
    %sqrt3A_131 = math.sqrt %add3A_130 : vector<128xf32>
    %broadcast_in_dim3A_132 = vector.shape_cast %sqrt3A_131 : vector<128xf32> to vector<1x128xf32>
    %div3A_133 = vector.broadcast %broadcast_in_dim3A_132 : vector<1x128xf32> to vector<10000x128xf32>
    %div3A_134 = arith.divf %sub3A_127, %div3A_133 : vector<10000x128xf32>
    %broadcast_in_dim3A_135 = vector.shape_cast %get3A_95 : vector<128xf32> to vector<1x128xf32>
    %mul3A_136 = vector.broadcast %broadcast_in_dim3A_135 : vector<1x128xf32> to vector<10000x128xf32>
    %mul3A_137 = arith.mulf %div3A_134, %mul3A_136 : vector<10000x128xf32>
    %broadcast_in_dim3A_138 = vector.shape_cast %get3A_97 : vector<128xf32> to vector<1x128xf32>
    %add3A_139 = vector.broadcast %broadcast_in_dim3A_138 : vector<1x128xf32> to vector<10000x128xf32>
    %add3A_140 = arith.addf %mul3A_137, %add3A_139 : vector<10000x128xf32>
    %add3A_141 = arith.addf %add3A_85, %add3A_140 : vector<10000x128xf32>
    %max3A = arith.constant 0.000000e+00 : f32
    %max3A_142 = vector.broadcast %max3A : f32 to vector<10000x128xf32>
    %max3A_143 = arith.maximumf %add3A_141, %max3A_142 : vector<10000x128xf32>
    %get3A_144 = arith.constant 0 : index
    %get3A_145 = arith.constant 0 : index
    %get3A_146 = vector.load %arg13[%get3A_144, %get3A_145] : memref<128x20xf32, #tpu.memory_space<vmem>>, vector<128x20xf32>
    %dot_general3A_147 = arith.constant dense<0.000000e+00> : vector<10000x20xf32>
    %dot_general3A_148 = tpu.matmul %max3A_143, %get3A_146, %dot_general3A_147 {dimension_numbers = #tpu.dot_dimension_numbers<[1], [0], [0], [1], [0, 0, 1, 1], [], []>, transpose_lhs_hint = false} : vector<10000x128xf32>, vector<128x20xf32>, vector<10000x20xf32> -> vector<10000x20xf32>
    %get3A_149 = arith.constant 0 : index
    %get3A_150 = vector.load %arg14[%get3A_149] : memref<20xf32, #tpu.memory_space<vmem>>, vector<20xf32>
    %broadcast_in_dim3A_151 = vector.shape_cast %get3A_150 : vector<20xf32> to vector<1x20xf32>
    %add3A_152 = vector.broadcast %broadcast_in_dim3A_151 : vector<1x20xf32> to vector<10000x20xf32>
    %add3A_153 = arith.addf %dot_general3A_148, %add3A_152 : vector<10000x20xf32>
    %gt3A_154 = arith.constant 0.000000e+00 : f32
    %gt3A_155 = vector.broadcast %gt3A_154 : f32 to vector<10000x20xf32>
    %gt3A_156 = arith.cmpf ogt, %add3A_153, %gt3A_155 : vector<10000x20xf32>
    %mul3A_157 = arith.constant 1.000000e-01 : f32
    %mul3A_158 = vector.broadcast %mul3A_157 : f32 to vector<10000x20xf32>
    %mul3A_159 = arith.mulf %mul3A_158, %add3A_153 : vector<10000x20xf32>
    %select_n3A_160 = arith.select %gt3A_156, %add3A_153, %mul3A_159 : vector<10000x20xi1>, vector<10000x20xf32>
    %get3A_161 = arith.constant 0 : index
    %get3A_162 = arith.constant 0 : index
    %get3A_163 = vector.load %arg15[%get3A_161, %get3A_162] : memref<20x3xf32, #tpu.memory_space<vmem>>, vector<20x3xf32>
    %dot_general3A_164 = arith.constant dense<0.000000e+00> : vector<10000x3xf32>
    %dot_general3A_165 = tpu.matmul %select_n3A_160, %get3A_163, %dot_general3A_164 {dimension_numbers = #tpu.dot_dimension_numbers<[1], [0], [0], [1], [0, 0, 1, 1], [], []>, transpose_lhs_hint = false} : vector<10000x20xf32>, vector<20x3xf32>, vector<10000x3xf32> -> vector<10000x3xf32>
    %get3A_166 = arith.constant 0 : index
    %get3A_167 = vector.load %arg16[%get3A_166] : memref<3xf32, #tpu.memory_space<vmem>>, vector<3xf32>
    %broadcast_in_dim3A_168 = vector.shape_cast %get3A_167 : vector<3xf32> to vector<1x3xf32>
    %add3A_169 = vector.broadcast %broadcast_in_dim3A_168 : vector<1x3xf32> to vector<10000x3xf32>
    %add3A_170 = arith.addf %dot_general3A_165, %add3A_169 : vector<10000x3xf32>
    %logistic3A = arith.negf %add3A_170 : vector<10000x3xf32>
    %logistic3A_171 = math.exp %logistic3A : vector<10000x3xf32>
    %logistic3A_172 = arith.constant 1.000000e+00 : f32
    %logistic3A_173 = vector.broadcast %logistic3A_172 : f32 to vector<10000x3xf32>
    %logistic3A_174 = arith.addf %logistic3A_173, %logistic3A_171 : vector<10000x3xf32>
    %logistic3A_175 = arith.divf %logistic3A_173, %logistic3A_174 : vector<10000x3xf32>
    %swap3A = arith.constant 0 : index
    %swap3A_176 = arith.constant 0 : index
    %swap3A_177 = vector.load %arg17[%swap3A, %swap3A_176] : memref<10000x3xf32, #tpu.memory_space<vmem>>, vector<10000x3xf32>
    tpu.vector_store %arg17[%swap3A, %swap3A_176], %logistic3A_175 {strides = array<i32>} : memref<10000x3xf32, #tpu.memory_space<vmem>>, vector<10000x3xf32>,
    return
  }
}

</mosaic_0001>

<sc_bundles>
// kernel: kernel.14.cloned.1.call-start
scs
__scs_entry_jumppad:
0x0: {  	(pc) =	sbr.rel $0x88, $3  }
0x1: {  	(tag) =	ssettag $0x0;
	lr =	simm.s32 $0x1  }
0x2: {  	[smem:$0x3F7C] =	sst lr;
	_ =	strace $0xD0000000  }
0x3: {  	_ = 	snop  }
0x4: {  	_ = 	snop  }
0x5: {  	_ = 	snop  }
0x6: {  	_ = 	snop  }
0x7: {  	_ = 	snop  }
__scs_overlays_trampoline_lowered:
0x8: {  	[smem:$0x3F8B] =	sst s0  }
0x9: {  	[smem:$0x3F8C] =	sst s1  }
0xa: {  	[smem:$0x3F8D] =	sst s2  }
0xb: {  	[smem:$0x3F8E] =	sst s3  }
0xc: {  	[smem:$0x3F8F] =	sst s4  }
0xd: {  	[smem:$0x3F90] =	sst s5  }
0xe: {  	[smem:$0x3F91] =	sst s6  }
0xf: {  	[smem:$0x3F92] =	sst s7  }
0x10: {  	[smem:$0x3F93] =	sst s8  }
0x11: {  	[smem:$0x3F94] =	sst s9;
	s0 =	simm.s32 @!p0 $0x0  }
0x12: {  	s1 =	sld [smem:$0x3F7A];
	s0 =	simm.s32 @p0 $0x1  }
0x13: {  	[smem:$0x3F95] =	sst s0;
	s0 =	simm.s32 @!p1 $0x0  }
0x14: {  	s2 =	sld [smem:$0x3F79];
	s0 =	simm.s32 @p1 $0x1  }
0x15: {  	[smem:$0x3F96] =	sst s0;
	s0 =	simm.s32 @!p2 $0x0  }
0x16: {  	s3 =	sld [smem:$0x3FDB];
	s0 =	simm.s32 @p2 $0x1  }
0x17: {  	s4 =	simm.s32 $0x1BF5;
	[smem:$0x3F98] =	sst s0  }
0x18: {  	s0 =	sld [smem:$0x3F7B];
	_ =	swait.ge [sflag:s4], $0x0  }
0x19: {  	s7 =	sld [smem:$0x3F7C]  }
0x1a: {  	s8 =	sadd.s32 $0xFFFFE003, lr  }
0x1b: {  	s9 =	sadd.s32 $0xFFFFFEF7, lr;
	s5 =	simm.s32 $0xFFFFFFFF;
	p2 =	slt.u32 s8, $0xFFFFF086  }
0x1c: {  	p1 =	slt.u32 s9, $0xF7A;
	s5 =	simm.s32 @!p2 $0x0  }
0x1d: {  	s5 =	simm.s32 @p1 $0x1;
	p0 =	seq.s32 s7, s2  }
0x1e: {  	s7 =	smul.u32 @!p0 $0xF7A, s2;
	p2 =	seq.s32 @!p0 s5, $0x0  }
0x1f: {  	s9 =	smul.u32 $0xF7A, s1;
	s8 =	simm.s32 @!p0 $0x1BF5;
	p2 =	por !p2, p0  }
0x20: {  	[sflag:s8] =	ssyncset.s32 @!p0 $0xFFFFF086;
	s6 =	sadd.s32 @!p0 s3, s7;
	s7 =	simm.s32 @!p0 $0x108  }
0x21: {  	s3 =	sadd.s32 s3, s9;
	s6 =	sadd.s32 @!p0 $0x88, s6;
	s7 =	simm.s32 @p2 $0x1082  }
0x22: {  	[simem:s7], [sflag:s8] =	dma.local @!p0 [hbm:s6], $0xF7A  }
0x23: {  	s9 =	sor.u32 $0xD0000000, s2;
	s6 =	simm.s32 $0x108;
	_ =	swait.ge @!p0 [sflag:s8], $0x0  }
0x24: {  	s3 =	sadd.s32 $0x88, s3;
	s6 =	simm.s32 @!p1 $0x1082;
	[sflag:s4] =	ssyncset.s32 $0xFFFFF086  }
0x25: {  	[simem:s6], [sflag:s4] =	dma.local [hbm:s3], $0xF7A  }
0x26: {  	[smem:$0x3F7C] =	sst s1;
	(tag) =	ssettag s2;
	_ =	strace s9  }
0x27: {  	s1 =	sld [smem:$0x3F8C]  }
0x28: {  	s2 =	sld [smem:$0x3F8D]  }
0x29: {  	s4 =	sld [smem:$0x3F8F]  }
0x2a: {  	p0 =	seq.s32 s5, $0x0;
	s5 =	sld [smem:$0x3F90]  }
0x2b: {  	s6 =	sld [smem:$0x3F91]  }
0x2c: {  	s7 =	sld [smem:$0x3F92]  }
0x2d: {  	s3 =	simm.s32 $0x108;
	s8 =	sld [smem:$0x3F93]  }
0x2e: {  	s3 =	simm.s32 @!p0 $0x1082;
	s9 =	sld [smem:$0x3F94]  }
0x2f: {  	lr =	sadd.s32 s0, s3;
	s0 =	sld [smem:$0x3F8B]  }
0x30: {  	s3 =	sld [smem:$0x3F8E]  }
0x31: {  	[smem:$0x3F97] =	sst s10  }
0x32: {  	s10 =	sld [smem:$0x3F95];
	_ =	sdelay $0x3  }
0x33: {  	p0 =	seq.s32 s10, $0x1;
	s10 =	sld [smem:$0x3F97];
	_ =	sdelay $0x3  }
0x34: {  	[smem:$0x3F97] =	sst s10  }
0x35: {  	s10 =	sld [smem:$0x3F96];
	_ =	sdelay $0x3  }
0x36: {  	p1 =	seq.s32 s10, $0x1;
	s10 =	sld [smem:$0x3F97];
	_ =	sdelay $0x3  }
0x37: {  	[smem:$0x3F97] =	sst s10  }
0x38: {  	s10 =	sld [smem:$0x3F98]  }
0x39: {  	_ = 	snop;
	(pc) =	sbr.ind lr, $3  }
0x3a: {  	_ = 	snop  }
0x3b: {  	_ = 	snop  }
0x3c: {  	p2 =	seq.s32 s10, $0x1;
	s10 =	sld [smem:$0x3F97]  }
0x3d: {  	_ =	shalt  }
0x3e: {  	_ =	shalt  }
0x3f: {  	_ =	shalt  }
0x40: {  	_ =	shalt  }
0x41: {  	_ =	shalt  }
0x42: {  	_ =	shalt  }
0x43: {  	_ =	shalt  }
0x44: {  	_ =	shalt  }
0x45: {  	_ =	shalt  }
0x46: {  	_ =	shalt  }
0x47: {  	_ =	shalt  }
0x48: {  	_ =	shalt  }
0x49: {  	_ =	shalt  }
0x4a: {  	_ =	shalt  }
0x4b: {  	_ =	shalt  }
0x4c: {  	_ =	shalt  }
0x4d: {  	_ =	shalt  }
0x4e: {  	_ =	shalt  }
0x4f: {  	_ =	shalt  }
0x50: {  	_ =	shalt  }
0x51: {  	_ =	shalt  }
0x52: {  	_ =	shalt  }
0x53: {  	_ =	shalt  }
0x54: {  	_ =	shalt  }
0x55: {  	_ =	shalt  }
0x56: {  	_ =	shalt  }
0x57: {  	_ =	shalt  }
0x58: {  	_ =	shalt  }
0x59: {  	_ =	shalt  }
0x5a: {  	_ =	shalt  }
0x5b: {  	_ =	shalt  }
0x5c: {  	_ =	shalt  }
0x5d: {  	_ =	shalt  }
0x5e: {  	_ =	shalt  }
0x5f: {  	_ =	shalt  }
0x60: {  	_ =	shalt  }
0x61: {  	_ =	shalt  }
0x62: {  	_ =	shalt  }
0x63: {  	_ =	shalt  }
0x64: {  	_ =	shalt  }
0x65: {  	_ =	shalt  }
0x66: {  	_ =	shalt  }
0x67: {  	_ =	shalt  }
0x68: {  	_ =	shalt  }
0x69: {  	_ =	shalt  }
0x6a: {  	_ =	shalt  }
0x6b: {  	_ =	shalt  }
0x6c: {  	_ =	shalt  }
0x6d: {  	_ =	shalt  }
0x6e: {  	_ =	shalt  }
0x6f: {  	_ =	shalt  }
0x70: {  	_ =	shalt  }
0x71: {  	_ =	shalt  }
0x72: {  	_ =	shalt  }
0x73: {  	_ =	shalt  }
0x74: {  	_ =	shalt  }
0x75: {  	_ =	shalt  }
0x76: {  	_ =	shalt  }
0x77: {  	_ =	shalt  }
0x78: {  	_ =	shalt  }
0x79: {  	_ =	shalt  }
0x7a: {  	_ =	shalt  }
0x7b: {  	_ =	shalt  }
0x7c: {  	_ =	shalt  }
0x7d: {  	_ =	shalt  }
0x7e: {  	_ =	shalt  }
0x7f: {  	_ =	shalt  }
0x80: {  	_ =	shalt  }
0x81: {  	_ =	shalt  }
0x82: {  	_ =	shalt  }
0x83: {  	_ =	shalt  }
0x84: {  	_ =	shalt  }
0x85: {  	_ =	shalt  }
0x86: {  	_ =	shalt  }
0x87: {  	_ =	shalt  }
.Lfunc_end0:
.L_simem_size_0:
called_computation_lowered:
.L_overlay_start_0:
0x88: {  	s2 =	sld [smem:$0x3FD9]  }
0x89: {  	s3 =	sld [smem:$0x3FFE];
	_ =	sdelay $0x1  }
0x8a: {  	s1 =	srdreg.scid  }
0x8b: {  	s0 =	sand.u32 $0x1, s1  }
0x8c: {  	s16 =	sshll.u32 s0, $0xA;
	s2 =	sadd.s32 s3, s2  }
0x8d: {  	s2 =	sadd.s32 s2, s16  }
0x8e: {  	[smem:$0x3FA3] =	sst s2  }
0x8f: {  	_ = 	snop  }
0x90: {  	(tm) =	ssettm $0x1  }
0x91: {  	s17 =	sld [smem:$0x3FFB];
	_ =	sdelay $0x3  }
0x92: {  	_ =	strace s17  }
0x93: {  	s2 =	sld [smem:$0x3FFC];
	_ =	sdelay $0x3  }
0x94: {  	_ =	strace s2  }
0x95: {  	s2 =	sld [smem:$0x3FFD];
	_ =	sdelay $0x3  }
0x96: {  	_ =	strace s2  }
0x97: {  	_ =	strace $0x8FFFFFFF  }
0x98: {  	s18 =	sld [smem:$0x3FDB];
	_ =	sdelay $0x1  }
0x99: {  	s19 =	simm.s32 $_scs_section_size  }
0x9a: {  	s4 =	simm.s32 $_size__tile_overlayer_lowered;
	s5 =	simm.s32 $_tile_overlayer_lowered  }
0x9b: {  	s22 =	simm.s32 $0x1BFF;
	s21 =	sshll.u32 s5, $0x1;
	s2 =	sadd.s32 s19, s18  }
0x9c: {  	s6 =	simm.s32 $0x0;
	s20 =	sshll.u32 s4, $0x1;
	s4 =	sadd.s32 s21, s2  }
0x9d: {  	[timem:s6], [sflag:s22] =	dma.local [hbm:s4], s20  }
0x9e: {  	_ =	swait.ge [sflag:s22], s20  }
0x9f: {  	s3 =	ssub.s32 $0x0, s20;
	[sflag:s22] =	ssyncset.done $0x0  }
0xa0: {  	[sflag:s22] =	ssyncadd.s32 s3;
	_ =	sdelay $0x1  }
0xa1: {  	s23 =	simm.s32 $0x1B8B  }
0xa2: {  	_ =	swait.ge [sflag:s23], $0x1  }
0xa3: {  	[sflag:s23] =	ssyncset.done $0x0  }
0xa4: {  	s25 =	simm.s32 $0x1B8E;
	s24 =	sld [smem:$0x3FFE];
	[sflag:s23] =	ssyncadd.s32 $0xFFFFFFFF  }
0xa5: {  	s26 =	simm.s32 $execute0_lowered;
	[smem:$0x3FD2] =	sst s25  }
0xa6: {  	s4 =	sshll.u32 s26, $0x1;
	_ =	strace $0x80000046;
	[dreg:$0x1] =	wrdreg $0xFFFFFFFF  }
0xa7: {  	s28 =	simm.s32 $_size_execute0_lowered;
	s2 =	sadd.s32 s2, s4;
	[dreg:$0x0] =	wrdreg $0x0  }
0xa8: {  	s4 =	sshll.u32 s28, $0x1;
	[dreg:$0x2] =	wrdreg s2  }
0xa9: {  	[dreg:$0x3] =	wrdreg s4  }
0xaa: {  	[dreg:$0x4] =	wrdreg $0xC0  }
0xab: {  	_ =	task [dreg:s6], $0x5FFFF  }
0xac: {  	[dreg:$0x1] =	wrdreg $0xFFFFFFFF  }
0xad: {  	[dreg:$0x0] =	wrdreg $0x60  }
0xae: {  	[dreg:$0x2] =	wrdreg s24  }
0xaf: {  	[dreg:$0x3] =	wrdreg $0x8F000  }
0xb0: {  	[dreg:$0x4] =	wrdreg $0xDD300  }
0xb1: {  	[dreg:$0x5] =	wrdreg $0x9  }
0xb2: {  	_ =	task.clear_ibuf [dreg:s6], $0x6FFFF;
	_ =	strace $0x90000046  }
0xb3: {  	s29 =	simm.s32 $0x9;
	_ =	strace $0x80000048  }
0xb4: {  	_ =	swait.ge [sflag:s29], $0x1  }
0xb5: {  	[sflag:s29] =	ssyncadd.s32 $0xFFFFFFFF  }
0xb6: {  	_ =	strace $0x90000048  }
0xb7: {  	_ =	sfence  }
0xb8: {  	s30 =	sld [smem:$0x0];
	_ =	sdelay $0x2  }
0xb9: {  	s31 =	sshll.u32 s1, $0xD;
	s1 =	sshrl.u32 s1, $0x2  }
0xba: {  	s3 =	sand.u32 $0x4000, s31;
	s1 =	sadd.s32 s1, s30  }
0xbb: {  	s0 =	sor.u32 s3, s0;
	s1 =	sshll.u32 s1, $0x11  }
0xbc: {  	s0 =	sor.u32 s1, s0  }
0xbd: {  	s0 =	sadd.s32 $0x8F2B, s0  }
0xbe: {  	[sflag:s0] =	ssyncadd.remote.s32 $0x1  }
0xbf: {  	_ =	sfence.sel $0xFFFF  }
0xc0: {  	[dreg:$0x0] =	wrdreg $0xFFFFFFFF;
	(pc) =	sbr.abs _section_cstart, $3  }
0xc1: {  	[dreg:$0x1] =	wrdreg $0xFFFFFFFF  }
0xc2: {  	_ =	task.clear_ibuf [dreg:s6], $0x2FFFF;
	_ =	strace $0x9FFFFFFF  }
0xc3: {  	(tm) =	ssettm $0x7FFFFFFF  }
tec
execute0_lowered:
.L_overlay_start_1:
0x0: {  	(tag) =	ssettag $0x1  }
0x1: {  	s0 =	rddreg [dreg:$0x0]  }
0x2: {  	s2 =	rddreg [dreg:$0x1]  }
0x3: {  	s3 =	rddreg [dreg:$0x2]  }
0x4: {  	s11 =	stileid.u32;
	s1 =	srdreg.scid;
	s4 =	simm.s32 $0x0  }
0x5: {  	s12 =	simm.s32 $0x2780;
	s16 =	simm.s32 $0x80;
	s17 =	simm.s32 $0x4F00  }
0x6: {  	s18 =	simm.s32 $0x5F00;
	s19 =	simm.s32 $0x1;
	s21 =	simm.s32 $0x6F00  }
0x7: {  	s22 =	simm.s32 $0x2;
	s24 =	simm.s32 $0x7F00;
	s28 =	simm.s32 $0x5  }
0x8: {  	s31 =	simm.s32 $0x4;
	s23 =	simm.s32 $0x7;
	s25 =	simm.s32 $0x8  }
0x9: {  	s29 =	simm.s32 $0x0;
	s8 =	smul.u32 $0x4E00, s11;
	s1 =	sand.u32 $0x1, s1  }
0xa: {  	[smem:$0x7FF] =	sst s4;
	s5 =	sshll.u32 s11, $0x1;
	s30 =	sshll.u32 s11, $0x6  }
0xb: {  	s11 =	simm.s32 $0x9;
	s6 =	smul.u32 $0x4E200, s1;
	_ =	strace $0x80000047  }
0xc: {  	s5 =	sor.u32 s1, s5;
	s1 =	ssub.s32 $0x2, s1;
	s13 =	sor.u32 $0x1C09, s30  }
0xd: {  	s7 =	sshrl.u32 s8, $0x3;
	s5 =	smul.u32 $0x4F0, s5;
	s26 =	sshrl.u32 s1, $0x1  }
0xe: {  	s14 =	sadd.s32 s8, s2;
	s15 =	sadd.s32 s8, s3;
	s6 =	sadd.s32 s8, s6  }
0xf: {  	s9 =	sadd.s32 s7, s0;
	s1 =	ssub.s32 s1, s26;
	s14 =	sshrl.u32 s14, $0x3  }
0x10: {  	s15 =	sshrl.u32 s15, $0x3;
	s26 =	simm.s32 $0x3;
	s6 =	sshrl.u32 s6, $0x3  }
0x11: {  	s10 =	sadd.s32 s5, s0;
	s7 =	sadd.s32 $0x23800, s9;
	s8 =	sadd.s32 $0x19A00, s9  }
0x12: {  	s0 =	sadd.s32 s6, s0;
	s5 =	sadd.s32 $0xFC00, s10;
	s6 =	sadd.s32 $0x5E00, s10  }
0x13: {  	s10 =	smax.u32 s1, $0x1;
	s9 =	sadd.s32 $0x2D600, s0;
	s0 =	simm.s32 $0x6  }
.LBB2_1:
0x14: {  	[tilespmem:s4], [sflag:$0x9] =	stream.linear.gather [hbm4b:s5+s4], $0x2780, $0x38;
	[tilespmem:$0x12B50] =	vst v63  }
0x15: {  	_ =	swait.ge [sflag:s11], $0x2780  }
0x16: {  	[sflag:s11] =	ssyncset.done $0x0  }
0x17: {  	[sflag:s11] =	ssyncadd.s32 $0xFFFFD880  }
0x18: {  	[tilespmem:s12], [sflag:$0x9] =	stream.linear.gather [hbm4b:s6+s4], $0x2780, $0x38;
	[tilespmem:$0x12B50] =	vst v63  }
0x19: {  	_ =	swait.ge [sflag:s11], $0x2780  }
0x1a: {  	[sflag:s11] =	ssyncset.done $0x0  }
0x1b: {  	[sflag:s11] =	ssyncadd.s32 $0xFFFFD880  }
0x1c: {  	[spmem:s14], [sflag:s13] =	dma.local [hbm:s7], $0xA00  }
0x1d: {  	_ =	swait.ge [sflag:s11], $0xA00  }
0x1e: {  	[sflag:s11] =	ssyncset.done $0x0  }
0x1f: {  	[sflag:s11] =	ssyncadd.s32 $0xFFFFF600  }
0x20: {  	[spmem:s15], [sflag:s13] =	dma.local [hbm:s8], $0xA00  }
0x21: {  	_ =	swait.ge [sflag:s11], $0xA00  }
0x22: {  	[sflag:s11] =	ssyncset.done $0x0  }
0x23: {  	[sflag:s11] =	ssyncadd.s32 $0xFFFFF600  }
0x24: {  	[bflag:$0x0] =	sbarrier.arrive $0xFFFF  }
0x25: {  	[tilespmem:s17], [sflag:$0x1] =	stream.indirect.gather [spmem:s3], $0x20, s4, s16, $0xb8;
	[tilespmem:$0x12B50] =	vst v63  }
0x26: {  	_ = 	snop  }
0x27: {  	[tilespmem:s18], [sflag:$0x2] =	stream.indirect.gather [spmem:s3], $0x20, s16, s16, $0xb8;
	[tilespmem:$0x12B50] =	vst v63  }
0x28: {  	_ =	swait.ge [sflag:s19], $0x1000  }
0x29: {  	[sflag:s19] =	ssyncset.done $0x0  }
0x2a: {  	s1 =	simm.s32 $0x100;
	[sflag:s19] =	ssyncadd.s32 $0xFFFFF000  }
0x2b: {  	[tilespmem:s21], [sflag:$0x3] =	stream.indirect.gather [spmem:s3], $0x20, s1, s16, $0xb8;
	[tilespmem:$0x12B50] =	vst v63  }
0x2c: {  	_ = 	snop  }
0x2d: {  	[spmem:s2] =	stream.indirect.scatter.add.f32 [tilespmem:s17], [sflag:$0x5], $0x20, s12, s16, $0xb8;
	[tilespmem:$0x12B50] =	vst v63  }
0x2e: {  	_ =	swait.ge [sflag:s22], $0x1000  }
0x2f: {  	[sflag:s22] =	ssyncset.done $0x0  }
0x30: {  	s20 =	simm.s32 $0x180;
	[sflag:s22] =	ssyncadd.s32 $0xFFFFF000  }
0x31: {  	[tilespmem:s24], [sflag:$0x4] =	stream.indirect.gather [spmem:s3], $0x20, s20, s16, $0xb8;
	[tilespmem:$0x12B50] =	vst v63  }
0x32: {  	s20 =	simm.s32 $0x2800  }
0x33: {  	[spmem:s2] =	stream.indirect.scatter.add.f32 [tilespmem:s18], [sflag:$0x6], $0x20, s20, s16, $0xb8;
	[tilespmem:$0x12B50] =	vst v63  }
0x34: {  	_ =	swait.ge [sflag:s26], $0x1000  }
0x35: {  	[sflag:s26] =	ssyncset.done $0x0  }
0x36: {  	[sflag:s26] =	ssyncadd.s32 $0xFFFFF000  }
0x37: {  	_ =	swait.ge [sflag:s28], $0x1000  }
0x38: {  	[sflag:s28] =	ssyncset.done $0x0  }
0x39: {  	s20 =	simm.s32 $0x200;
	[sflag:s28] =	ssyncadd.s32 $0xFFFFF000  }
0x3a: {  	[tilespmem:s17], [sflag:$0x1] =	stream.indirect.gather [spmem:s3], $0x20, s20, s16, $0xb8;
	[tilespmem:$0x12B50] =	vst v63  }
0x3b: {  	s20 =	simm.s32 $0x2880  }
0x3c: {  	[spmem:s2] =	stream.indirect.scatter.add.f32 [tilespmem:s21], [sflag:$0x7], $0x20, s20, s16, $0xb8;
	[tilespmem:$0x12B50] =	vst v63  }
0x3d: {  	_ =	swait.ge [sflag:s31], $0x1000  }
0x3e: {  	[sflag:s31] =	ssyncset.done $0x0  }
0x3f: {  	[sflag:s31] =	ssyncadd.s32 $0xFFFFF000  }
0x40: {  	_ =	swait.ge [sflag:s0], $0x1000  }
0x41: {  	[sflag:s0] =	ssyncset.done $0x0  }
0x42: {  	s20 =	simm.s32 $0x280;
	[sflag:s0] =	ssyncadd.s32 $0xFFFFF000  }
0x43: {  	[tilespmem:s18], [sflag:$0x2] =	stream.indirect.gather [spmem:s3], $0x20, s20, s16, $0xb8;
	[tilespmem:$0x12B50] =	vst v63  }
0x44: {  	s20 =	simm.s32 $0x2900  }
0x45: {  	[spmem:s2] =	stream.indirect.scatter.add.f32 [tilespmem:s24], [sflag:$0x8], $0x20, s20, s16, $0xb8;
	[tilespmem:$0x12B50] =	vst v63  }
0x46: {  	_ =	swait.ge [sflag:s19], $0x1000  }
0x47: {  	[sflag:s19] =	ssyncset.done $0x0  }
0x48: {  	[sflag:s19] =	ssyncadd.s32 $0xFFFFF000  }
0x49: {  	_ =	swait.ge [sflag:s23], $0x1000  }
0x4a: {  	[sflag:s23] =	ssyncset.done $0x0  }
0x4b: {  	s20 =	simm.s32 $0x300;
	[sflag:s23] =	ssyncadd.s32 $0xFFFFF000  }
0x4c: {  	[tilespmem:s21], [sflag:$0x3] =	stream.indirect.gather [spmem:s3], $0x20, s20, s16, $0xb8;
	[tilespmem:$0x12B50] =	vst v63  }
0x4d: {  	s20 =	simm.s32 $0x2980  }
0x4e: {  	[spmem:s2] =	stream.indirect.scatter.add.f32 [tilespmem:s17], [sflag:$0x5], $0x20, s20, s16, $0xb8;
	[tilespmem:$0x12B50] =	vst v63  }
0x4f: {  	_ =	swait.ge [sflag:s22], $0x1000  }
0x50: {  	[sflag:s22] =	ssyncset.done $0x0  }
0x51: {  	[sflag:s22] =	ssyncadd.s32 $0xFFFFF000  }
0x52: {  	_ =	swait.ge [sflag:s25], $0x1000  }
0x53: {  	[sflag:s25] =	ssyncset.done $0x0  }
0x54: {  	s20 =	simm.s32 $0x380;
	[sflag:s25] =	ssyncadd.s32 $0xFFFFF000  }
0x55: {  	[tilespmem:s24], [sflag:$0x4] =	stream.indirect.gather [spmem:s3], $0x20, s20, s16, $0xb8;
	[tilespmem:$0x12B50] =	vst v63  }
0x56: {  	s20 =	simm.s32 $0x2A00  }
0x57: {  	[spmem:s2] =	stream.indirect.scatter.add.f32 [tilespmem:s18], [sflag:$0x6], $0x20, s20, s16, $0xb8;
	[tilespmem:$0x12B50] =	vst v63  }
0x58: {  	_ =	swait.ge [sflag:s26], $0x1000  }
0x59: {  	[sflag:s26] =	ssyncset.done $0x0  }
0x5a: {  	[sflag:s26] =	ssyncadd.s32 $0xFFFFF000  }
0x5b: {  	_ =	swait.ge [sflag:s28], $0x1000  }
0x5c: {  	[sflag:s28] =	ssyncset.done $0x0  }
0x5d: {  	s20 =	simm.s32 $0x400;
	[sflag:s28] =	ssyncadd.s32 $0xFFFFF000  }
0x5e: {  	[tilespmem:s17], [sflag:$0x1] =	stream.indirect.gather [spmem:s3], $0x20, s20, s16, $0xb8;
	[tilespmem:$0x12B50] =	vst v63  }
0x5f: {  	s20 =	simm.s32 $0x2A80  }
0x60: {  	[spmem:s2] =	stream.indirect.scatter.add.f32 [tilespmem:s21], [sflag:$0x7], $0x20, s20, s16, $0xb8;
	[tilespmem:$0x12B50] =	vst v63  }
0x61: {  	_ =	swait.ge [sflag:s31], $0x1000  }
0x62: {  	[sflag:s31] =	ssyncset.done $0x0  }
0x63: {  	[sflag:s31] =	ssyncadd.s32 $0xFFFFF000  }
0x64: {  	_ =	swait.ge [sflag:s0], $0x1000  }
0x65: {  	s30 =	simm.s32 $0x800;
	[sflag:s0] =	ssyncset.done $0x0  }
0x66: {  	s1 =	simm.s32 $0x2B00;
	s20 =	simm.s32 $0x480;
	[sflag:s0] =	ssyncadd.s32 $0xFFFFF000  }
0x67: {  	[tilespmem:s18], [sflag:$0x2] =	stream.indirect.gather [spmem:s3], $0x20, s20, s16, $0xb8;
	[tilespmem:$0x12B50] =	vst v63  }
.LBB2_2:
0x68: {  	[spmem:s2] =	stream.indirect.scatter.add.f32 [tilespmem:s24], [sflag:$0x8], $0x20, s1, s16, $0xb8;
	[tilespmem:$0x12B50] =	vst v63  }
0x69: {  	s1 =	smov.u32 s30  }
0x6a: {  	p0 =	sne.s32 s30, $0x8800;
	s30 =	sadd.s32 $0x800, s30;
	_ =	swait.ge [sflag:s19], $0x1000  }
0x6b: {  	[sflag:s19] =	ssyncset.done $0x0  }
0x6c: {  	[sflag:s19] =	ssyncadd.s32 $0xFFFFF000  }
0x6d: {  	_ =	swait.ge [sflag:s23], $0x1000  }
0x6e: {  	s1 =	sshra.s32 s1, $0x2;
	[sflag:s23] =	ssyncset.done $0x0  }
0x6f: {  	s20 =	sadd.s32 $0x300, s1;
	[sflag:s23] =	ssyncadd.s32 $0xFFFFF000  }
0x70: {  	[tilespmem:s21], [sflag:$0x3] =	stream.indirect.gather [spmem:s3], $0x20, s20, s16, $0xb8;
	[tilespmem:$0x12B50] =	vst v63  }
0x71: {  	s20 =	sadd.s32 $0x2980, s1  }
0x72: {  	[spmem:s2] =	stream.indirect.scatter.add.f32 [tilespmem:s17], [sflag:$0x5], $0x20, s20, s16, $0xb8;
	[tilespmem:$0x12B50] =	vst v63  }
0x73: {  	_ =	swait.ge [sflag:s22], $0x1000  }
0x74: {  	[sflag:s22] =	ssyncset.done $0x0  }
0x75: {  	[sflag:s22] =	ssyncadd.s32 $0xFFFFF000  }
0x76: {  	_ =	swait.ge [sflag:s25], $0x1000  }
0x77: {  	[sflag:s25] =	ssyncset.done $0x0  }
0x78: {  	s20 =	sadd.s32 $0x380, s1;
	[sflag:s25] =	ssyncadd.s32 $0xFFFFF000  }
0x79: {  	[tilespmem:s24], [sflag:$0x4] =	stream.indirect.gather [spmem:s3], $0x20, s20, s16, $0xb8;
	[tilespmem:$0x12B50] =	vst v63  }
0x7a: {  	s20 =	sadd.s32 $0x2A00, s1  }
0x7b: {  	[spmem:s2] =	stream.indirect.scatter.add.f32 [tilespmem:s18], [sflag:$0x6], $0x20, s20, s16, $0xb8;
	[tilespmem:$0x12B50] =	vst v63  }
0x7c: {  	_ =	swait.ge [sflag:s26], $0x1000  }
0x7d: {  	[sflag:s26] =	ssyncset.done $0x0  }
0x7e: {  	[sflag:s26] =	ssyncadd.s32 $0xFFFFF000  }
0x7f: {  	_ =	swait.ge [sflag:s28], $0x1000  }
0x80: {  	[sflag:s28] =	ssyncset.done $0x0  }
0x81: {  	s20 =	sadd.s32 $0x400, s1;
	[sflag:s28] =	ssyncadd.s32 $0xFFFFF000  }
0x82: {  	[tilespmem:s17], [sflag:$0x1] =	stream.indirect.gather [spmem:s3], $0x20, s20, s16, $0xb8;
	[tilespmem:$0x12B50] =	vst v63  }
0x83: {  	s20 =	sadd.s32 $0x2A80, s1  }
0x84: {  	[spmem:s2] =	stream.indirect.scatter.add.f32 [tilespmem:s21], [sflag:$0x7], $0x20, s20, s16, $0xb8;
	[tilespmem:$0x12B50] =	vst v63  }
0x85: {  	_ =	swait.ge [sflag:s31], $0x1000  }
0x86: {  	[sflag:s31] =	ssyncset.done $0x0  }
0x87: {  	[sflag:s31] =	ssyncadd.s32 $0xFFFFF000  }
.Ltmp0:
0x88: {  	_ =	swait.ge [sflag:s0], $0x1000;
	(pc) =	sbr.rel @p0 .LBB2_2-.Ltmp0, $4  }
0x89: {  	[sflag:s0] =	ssyncset.done $0x0  }
0x8a: {  	s20 =	sadd.s32 $0x480, s1;
	[sflag:s0] =	ssyncadd.s32 $0xFFFFF000  }
0x8b: {  	[tilespmem:s18], [sflag:$0x2] =	stream.indirect.gather [spmem:s3], $0x20, s20, s16, $0xb8;
	[tilespmem:$0x12B50] =	vst v63  }
0x8c: {  	s1 =	sadd.s32 $0x2B00, s1  }
0x8d: {  	[spmem:s2] =	stream.indirect.scatter.add.f32 [tilespmem:s24], [sflag:$0x8], $0x20, s1, s16, $0xb8;
	[tilespmem:$0x12B50] =	vst v63  }
0x8e: {  	_ =	swait.ge [sflag:s19], $0x1000  }
0x8f: {  	[sflag:s19] =	ssyncset.done $0x0  }
0x90: {  	[sflag:s19] =	ssyncadd.s32 $0xFFFFF000  }
0x91: {  	_ =	swait.ge [sflag:s23], $0x1000  }
0x92: {  	[sflag:s23] =	ssyncset.done $0x0  }
0x93: {  	s20 =	simm.s32 $0x2700;
	[sflag:s23] =	ssyncadd.s32 $0xFFFFF000  }
0x94: {  	[tilespmem:s21], [sflag:$0x3] =	stream.indirect.gather [spmem:s3], $0x20, s20, s16, $0xb8;
	[tilespmem:$0x12B50] =	vst v63  }
0x95: {  	s30 =	simm.s32 $0x4D80  }
0x96: {  	[spmem:s2] =	stream.indirect.scatter.add.f32 [tilespmem:s17], [sflag:$0x5], $0x20, s30, s16, $0xb8;
	[tilespmem:$0x12B50] =	vst v63  }
0x97: {  	_ =	swait.ge [sflag:s22], $0x1000  }
0x98: {  	[sflag:s22] =	ssyncset.done $0x0  }
0x99: {  	[sflag:s22] =	ssyncadd.s32 $0xFFFFF000  }
0x9a: {  	_ =	swait.ge [sflag:s25], $0x1000  }
0x9b: {  	[sflag:s25] =	ssyncset.done $0x0  }
0x9c: {  	s20 =	simm.s32 $0x4E00;
	[sflag:s25] =	ssyncadd.s32 $0xFFFFF000  }
0x9d: {  	[spmem:s2] =	stream.indirect.scatter.add.f32 [tilespmem:s18], [sflag:$0x6], $0x20, s20, s16, $0xb8;
	[tilespmem:$0x12B50] =	vst v63  }
0x9e: {  	_ =	swait.ge [sflag:s26], $0x1000  }
0x9f: {  	[sflag:s26] =	ssyncset.done $0x0  }
0xa0: {  	[sflag:s26] =	ssyncadd.s32 $0xFFFFF000  }
0xa1: {  	_ =	swait.ge [sflag:s28], $0x1000  }
0xa2: {  	[sflag:s28] =	ssyncset.done $0x0  }
0xa3: {  	s30 =	simm.s32 $0x4E80;
	[sflag:s28] =	ssyncadd.s32 $0xFFFFF000  }
0xa4: {  	[spmem:s2] =	stream.indirect.scatter.add.f32 [tilespmem:s21], [sflag:$0x7], $0x20, s30, s16, $0xb8;
	[tilespmem:$0x12B50] =	vst v63  }
0xa5: {  	_ =	swait.ge [sflag:s0], $0x1000  }
0xa6: {  	[sflag:s0] =	ssyncset.done $0x0  }
0xa7: {  	[sflag:s0] =	ssyncadd.s32 $0xFFFFF000  }
0xa8: {  	_ =	swait.ge [sflag:s23], $0x1000  }
0xa9: {  	s29 =	sadd.s32 $0x1, s29;
	[sflag:s23] =	ssyncset.done $0x0  }
0xaa: {  	p0 =	sne.s32 s29, s10;
	[sflag:s23] =	ssyncadd.s32 $0xFFFFF000  }
.Ltmp1:
0xab: {  	[bflag:$0x0] =	sbarrier.arrive $0xFFFF;
	(pc) =	sbr.rel @p0 .LBB2_1-.Ltmp1, $4  }
0xac: {  	[hbm:s9], [sflag:s13] =	dma.local [spmem:s14], $0xA00  }
0xad: {  	_ =	swait.ge [sflag:s11], $0xA00  }
0xae: {  	[sflag:s11] =	ssyncset.done $0x0  }
0xaf: {  	[sflag:s11] =	ssyncadd.s32 $0xFFFFF600  }
0xb0: {  	_ =	sfence.sel $0x180000  }
0xb1: {  	[bflag:$0x0] =	sbarrier.arrive $0xFFFF  }
0xb2: {  	_ =	strace $0x90000047  }
0xb3: {  	s0 =	stileid.u32;
	[bflag:$0x2] =	sbarrier.arrive $0xFFFF  }
0xb4: {  	p0 =	sne.s32 s0, $0x0;
	s0 =	rddreg [dreg:$0x3]  }
0xb5: {  	s0 =	sadd.s32 @!p0 $0x100000, s0  }
0xb6: {  	[sflag:s0] =	ssyncadd.tile.s32 @!p0 $0x1;
	_ =	shalt  }
.Lfunc_end2:
_tile_overlayer_lowered:
.L_overlay_start_2:
0xb7: {  	(tag) =	ssettag $0x2  }
0xb8: {  	s0 =	rddreg [dreg:$0x0];
	s2 =	stileid.u32  }
0xb9: {  	s1 =	rddreg [dreg:$0x1];
	p0 =	sne.s32 s2, $0x0  }
0xba: {  	s3 =	rddreg [dreg:$0x2];
	[bflag:$0x3] =	sbarrier.arrive $0xFFFF;
	s2 =	simm.s32 @!p0 $0x1C09  }
0xbb: {  	[timem:s3], [sflag:s2] =	dma.local @!p0 [hbm:s0], s1  }
0xbc: {  	s0 =	simm.s32 @!p0 $0x9  }
0xbd: {  	_ =	swait.ge @!p0 [sflag:s0], s1  }
0xbe: {  	s1 =	ssub.s32 @!p0 $0x0, s1;
	[sflag:s0] =	ssyncset.done @!p0 $0x0  }
0xbf: {  	[sflag:s0] =	ssyncadd.s32 @!p0 s1  }
0xc0: {  	[bflag:$0x3] =	sbarrier.arrive $0xFFFF  }
0xc1: {  	_ =	shalt  }

// kernel: kernel.17.cloned.1.call-start
scs
__scs_entry_jumppad:
0x0: {  	(pc) =	sbr.rel $0x88, $3  }
0x1: {  	(tag) =	ssettag $0x0;
	lr =	simm.s32 $0x1  }
0x2: {  	[smem:$0x3F7C] =	sst lr;
	_ =	strace $0xD0000000  }
0x3: {  	_ = 	snop  }
0x4: {  	_ = 	snop  }
0x5: {  	_ = 	snop  }
0x6: {  	_ = 	snop  }
0x7: {  	_ = 	snop  }
__scs_overlays_trampoline_lowered:
0x8: {  	[smem:$0x3F8B] =	sst s0  }
0x9: {  	[smem:$0x3F8C] =	sst s1  }
0xa: {  	[smem:$0x3F8D] =	sst s2  }
0xb: {  	[smem:$0x3F8E] =	sst s3  }
0xc: {  	[smem:$0x3F8F] =	sst s4  }
0xd: {  	[smem:$0x3F90] =	sst s5  }
0xe: {  	[smem:$0x3F91] =	sst s6  }
0xf: {  	[smem:$0x3F92] =	sst s7  }
0x10: {  	[smem:$0x3F93] =	sst s8  }
0x11: {  	[smem:$0x3F94] =	sst s9;
	s0 =	simm.s32 @!p0 $0x0  }
0x12: {  	s1 =	sld [smem:$0x3F7A];
	s0 =	simm.s32 @p0 $0x1  }
0x13: {  	[smem:$0x3F95] =	sst s0;
	s0 =	simm.s32 @!p1 $0x0  }
0x14: {  	s2 =	sld [smem:$0x3F79];
	s0 =	simm.s32 @p1 $0x1  }
0x15: {  	[smem:$0x3F96] =	sst s0;
	s0 =	simm.s32 @!p2 $0x0  }
0x16: {  	s3 =	sld [smem:$0x3FDB];
	s0 =	simm.s32 @p2 $0x1  }
0x17: {  	s4 =	simm.s32 $0x1BF5;
	[smem:$0x3F98] =	sst s0  }
0x18: {  	s0 =	sld [smem:$0x3F7B];
	_ =	swait.ge [sflag:s4], $0x0  }
0x19: {  	s7 =	sld [smem:$0x3F7C]  }
0x1a: {  	s8 =	sadd.s32 $0xFFFFE003, lr  }
0x1b: {  	s9 =	sadd.s32 $0xFFFFFEF7, lr;
	s5 =	simm.s32 $0xFFFFFFFF;
	p2 =	slt.u32 s8, $0xFFFFF086  }
0x1c: {  	p1 =	slt.u32 s9, $0xF7A;
	s5 =	simm.s32 @!p2 $0x0  }
0x1d: {  	s5 =	simm.s32 @p1 $0x1;
	p0 =	seq.s32 s7, s2  }
0x1e: {  	s7 =	smul.u32 @!p0 $0xF7A, s2;
	p2 =	seq.s32 @!p0 s5, $0x0  }
0x1f: {  	s9 =	smul.u32 $0xF7A, s1;
	s8 =	simm.s32 @!p0 $0x1BF5;
	p2 =	por !p2, p0  }
0x20: {  	[sflag:s8] =	ssyncset.s32 @!p0 $0xFFFFF086;
	s6 =	sadd.s32 @!p0 s3, s7;
	s7 =	simm.s32 @!p0 $0x108  }
0x21: {  	s3 =	sadd.s32 s3, s9;
	s6 =	sadd.s32 @!p0 $0x88, s6;
	s7 =	simm.s32 @p2 $0x1082  }
0x22: {  	[simem:s7], [sflag:s8] =	dma.local @!p0 [hbm:s6], $0xF7A  }
0x23: {  	s9 =	sor.u32 $0xD0000000, s2;
	s6 =	simm.s32 $0x108;
	_ =	swait.ge @!p0 [sflag:s8], $0x0  }
0x24: {  	s3 =	sadd.s32 $0x88, s3;
	s6 =	simm.s32 @!p1 $0x1082;
	[sflag:s4] =	ssyncset.s32 $0xFFFFF086  }
0x25: {  	[simem:s6], [sflag:s4] =	dma.local [hbm:s3], $0xF7A  }
0x26: {  	[smem:$0x3F7C] =	sst s1;
	(tag) =	ssettag s2;
	_ =	strace s9  }
0x27: {  	s1 =	sld [smem:$0x3F8C]  }
0x28: {  	s2 =	sld [smem:$0x3F8D]  }
0x29: {  	s4 =	sld [smem:$0x3F8F]  }
0x2a: {  	p0 =	seq.s32 s5, $0x0;
	s5 =	sld [smem:$0x3F90]  }
0x2b: {  	s6 =	sld [smem:$0x3F91]  }
0x2c: {  	s7 =	sld [smem:$0x3F92]  }
0x2d: {  	s3 =	simm.s32 $0x108;
	s8 =	sld [smem:$0x3F93]  }
0x2e: {  	s3 =	simm.s32 @!p0 $0x1082;
	s9 =	sld [smem:$0x3F94]  }
0x2f: {  	lr =	sadd.s32 s0, s3;
	s0 =	sld [smem:$0x3F8B]  }
0x30: {  	s3 =	sld [smem:$0x3F8E]  }
0x31: {  	[smem:$0x3F97] =	sst s10  }
0x32: {  	s10 =	sld [smem:$0x3F95];
	_ =	sdelay $0x3  }
0x33: {  	p0 =	seq.s32 s10, $0x1;
	s10 =	sld [smem:$0x3F97];
	_ =	sdelay $0x3  }
0x34: {  	[smem:$0x3F97] =	sst s10  }
0x35: {  	s10 =	sld [smem:$0x3F96];
	_ =	sdelay $0x3  }
0x36: {  	p1 =	seq.s32 s10, $0x1;
	s10 =	sld [smem:$0x3F97];
	_ =	sdelay $0x3  }
0x37: {  	[smem:$0x3F97] =	sst s10  }
0x38: {  	s10 =	sld [smem:$0x3F98]  }
0x39: {  	_ = 	snop;
	(pc) =	sbr.ind lr, $3  }
0x3a: {  	_ = 	snop  }
0x3b: {  	_ = 	snop  }
0x3c: {  	p2 =	seq.s32 s10, $0x1;
	s10 =	sld [smem:$0x3F97]  }
0x3d: {  	_ =	shalt  }
0x3e: {  	_ =	shalt  }
0x3f: {  	_ =	shalt  }
0x40: {  	_ =	shalt  }
0x41: {  	_ =	shalt  }
0x42: {  	_ =	shalt  }
0x43: {  	_ =	shalt  }
0x44: {  	_ =	shalt  }
0x45: {  	_ =	shalt  }
0x46: {  	_ =	shalt  }
0x47: {  	_ =	shalt  }
0x48: {  	_ =	shalt  }
0x49: {  	_ =	shalt  }
0x4a: {  	_ =	shalt  }
0x4b: {  	_ =	shalt  }
0x4c: {  	_ =	shalt  }
0x4d: {  	_ =	shalt  }
0x4e: {  	_ =	shalt  }
0x4f: {  	_ =	shalt  }
0x50: {  	_ =	shalt  }
0x51: {  	_ =	shalt  }
0x52: {  	_ =	shalt  }
0x53: {  	_ =	shalt  }
0x54: {  	_ =	shalt  }
0x55: {  	_ =	shalt  }
0x56: {  	_ =	shalt  }
0x57: {  	_ =	shalt  }
0x58: {  	_ =	shalt  }
0x59: {  	_ =	shalt  }
0x5a: {  	_ =	shalt  }
0x5b: {  	_ =	shalt  }
0x5c: {  	_ =	shalt  }
0x5d: {  	_ =	shalt  }
0x5e: {  	_ =	shalt  }
0x5f: {  	_ =	shalt  }
0x60: {  	_ =	shalt  }
0x61: {  	_ =	shalt  }
0x62: {  	_ =	shalt  }
0x63: {  	_ =	shalt  }
0x64: {  	_ =	shalt  }
0x65: {  	_ =	shalt  }
0x66: {  	_ =	shalt  }
0x67: {  	_ =	shalt  }
0x68: {  	_ =	shalt  }
0x69: {  	_ =	shalt  }
0x6a: {  	_ =	shalt  }
0x6b: {  	_ =	shalt  }
0x6c: {  	_ =	shalt  }
0x6d: {  	_ =	shalt  }
0x6e: {  	_ =	shalt  }
0x6f: {  	_ =	shalt  }
0x70: {  	_ =	shalt  }
0x71: {  	_ =	shalt  }
0x72: {  	_ =	shalt  }
0x73: {  	_ =	shalt  }
0x74: {  	_ =	shalt  }
0x75: {  	_ =	shalt  }
0x76: {  	_ =	shalt  }
0x77: {  	_ =	shalt  }
0x78: {  	_ =	shalt  }
0x79: {  	_ =	shalt  }
0x7a: {  	_ =	shalt  }
0x7b: {  	_ =	shalt  }
0x7c: {  	_ =	shalt  }
0x7d: {  	_ =	shalt  }
0x7e: {  	_ =	shalt  }
0x7f: {  	_ =	shalt  }
0x80: {  	_ =	shalt  }
0x81: {  	_ =	shalt  }
0x82: {  	_ =	shalt  }
0x83: {  	_ =	shalt  }
0x84: {  	_ =	shalt  }
0x85: {  	_ =	shalt  }
0x86: {  	_ =	shalt  }
0x87: {  	_ =	shalt  }
.Lfunc_end0:
.L_simem_size_0:
called_computation.1_lowered:
.L_overlay_start_0:
0x88: {  	s2 =	sld [smem:$0x3FD9]  }
0x89: {  	s3 =	sld [smem:$0x3FFE];
	_ =	sdelay $0x1  }
0x8a: {  	s1 =	srdreg.scid  }
0x8b: {  	s0 =	sand.u32 $0x1, s1  }
0x8c: {  	s16 =	sshll.u32 s0, $0xA;
	s2 =	sadd.s32 s3, s2  }
0x8d: {  	s2 =	sadd.s32 s2, s16  }
0x8e: {  	[smem:$0x3FA3] =	sst s2  }
0x8f: {  	_ = 	snop  }
0x90: {  	(tm) =	ssettm $0x1  }
0x91: {  	s17 =	sld [smem:$0x3FFB];
	_ =	sdelay $0x3  }
0x92: {  	_ =	strace s17  }
0x93: {  	s2 =	sld [smem:$0x3FFC];
	_ =	sdelay $0x3  }
0x94: {  	_ =	strace s2  }
0x95: {  	s2 =	sld [smem:$0x3FFD];
	_ =	sdelay $0x3  }
0x96: {  	_ =	strace s2  }
0x97: {  	_ =	strace $0x8FFFFFFF  }
0x98: {  	s18 =	sld [smem:$0x3FDB];
	_ =	sdelay $0x1  }
0x99: {  	s19 =	simm.s32 $_scs_section_size  }
0x9a: {  	s4 =	simm.s32 $_size__tile_overlayer_lowered;
	s5 =	simm.s32 $_tile_overlayer_lowered  }
0x9b: {  	s22 =	simm.s32 $0x1BFF;
	s21 =	sshll.u32 s5, $0x1;
	s2 =	sadd.s32 s19, s18  }
0x9c: {  	s6 =	simm.s32 $0x0;
	s20 =	sshll.u32 s4, $0x1;
	s4 =	sadd.s32 s21, s2  }
0x9d: {  	[timem:s6], [sflag:s22] =	dma.local [hbm:s4], s20  }
0x9e: {  	_ =	swait.ge [sflag:s22], s20  }
0x9f: {  	s3 =	ssub.s32 $0x0, s20;
	[sflag:s22] =	ssyncset.done $0x0  }
0xa0: {  	[sflag:s22] =	ssyncadd.s32 s3;
	_ =	sdelay $0x1  }
0xa1: {  	s23 =	simm.s32 $0x1B8B  }
0xa2: {  	_ =	swait.ge [sflag:s23], $0x1  }
0xa3: {  	[sflag:s23] =	ssyncset.done $0x0  }
0xa4: {  	s25 =	simm.s32 $0x1B8E;
	s24 =	sld [smem:$0x3FFE];
	[sflag:s23] =	ssyncadd.s32 $0xFFFFFFFF  }
0xa5: {  	s26 =	simm.s32 $execute0_lowered;
	[smem:$0x3FD2] =	sst s25  }
0xa6: {  	s4 =	sshll.u32 s26, $0x1;
	_ =	strace $0x80000049;
	[dreg:$0x1] =	wrdreg $0xFFFFFFFF  }
0xa7: {  	s28 =	simm.s32 $_size_execute0_lowered;
	s2 =	sadd.s32 s2, s4;
	[dreg:$0x0] =	wrdreg $0x0  }
0xa8: {  	s4 =	sshll.u32 s28, $0x1;
	[dreg:$0x2] =	wrdreg s2  }
0xa9: {  	[dreg:$0x3] =	wrdreg s4  }
0xaa: {  	[dreg:$0x4] =	wrdreg $0xC0  }
0xab: {  	_ =	task [dreg:s6], $0x5FFFF  }
0xac: {  	[dreg:$0x1] =	wrdreg $0xFFFFFFFF  }
0xad: {  	[dreg:$0x0] =	wrdreg $0x60  }
0xae: {  	[dreg:$0x2] =	wrdreg s24  }
0xaf: {  	[dreg:$0x3] =	wrdreg $0x8F000  }
0xb0: {  	[dreg:$0x4] =	wrdreg $0xDD300  }
0xb1: {  	[dreg:$0x5] =	wrdreg $0x9  }
0xb2: {  	_ =	task.clear_ibuf [dreg:s6], $0x6FFFF;
	_ =	strace $0x90000049  }
0xb3: {  	s29 =	simm.s32 $0x9;
	_ =	strace $0x8000004B  }
0xb4: {  	_ =	swait.ge [sflag:s29], $0x1  }
0xb5: {  	[sflag:s29] =	ssyncadd.s32 $0xFFFFFFFF  }
0xb6: {  	_ =	strace $0x9000004B  }
0xb7: {  	_ =	sfence  }
0xb8: {  	s30 =	sld [smem:$0x0];
	_ =	sdelay $0x2  }
0xb9: {  	s31 =	sshll.u32 s1, $0xD;
	s1 =	sshrl.u32 s1, $0x2  }
0xba: {  	s3 =	sand.u32 $0x4000, s31;
	s1 =	sadd.s32 s1, s30  }
0xbb: {  	s0 =	sor.u32 s3, s0;
	s1 =	sshll.u32 s1, $0x11  }
0xbc: {  	s0 =	sor.u32 s1, s0  }
0xbd: {  	s0 =	sadd.s32 $0x8F2B, s0  }
0xbe: {  	[sflag:s0] =	ssyncadd.remote.s32 $0x1  }
0xbf: {  	_ =	sfence.sel $0xFFFF  }
0xc0: {  	[dreg:$0x0] =	wrdreg $0xFFFFFFFF;
	(pc) =	sbr.abs _section_cstart, $3  }
0xc1: {  	[dreg:$0x1] =	wrdreg $0xFFFFFFFF  }
0xc2: {  	_ =	task.clear_ibuf [dreg:s6], $0x2FFFF;
	_ =	strace $0x9FFFFFFF  }
0xc3: {  	(tm) =	ssettm $0x7FFFFFFF  }
tec
execute0_lowered:
.L_overlay_start_1:
0x0: {  	(tag) =	ssettag $0x1  }
0x1: {  	s0 =	rddreg [dreg:$0x0]  }
0x2: {  	s2 =	rddreg [dreg:$0x1]  }
0x3: {  	s3 =	rddreg [dreg:$0x2]  }
0x4: {  	s11 =	stileid.u32;
	s1 =	srdreg.scid;
	s4 =	simm.s32 $0x0  }
0x5: {  	s12 =	simm.s32 $0x2780;
	s16 =	simm.s32 $0x80;
	s17 =	simm.s32 $0x4F00  }
0x6: {  	s18 =	simm.s32 $0x5F00;
	s19 =	simm.s32 $0x1;
	s21 =	simm.s32 $0x6F00  }
0x7: {  	s22 =	simm.s32 $0x2;
	s24 =	simm.s32 $0x7F00;
	s28 =	simm.s32 $0x5  }
0x8: {  	s31 =	simm.s32 $0x4;
	s23 =	simm.s32 $0x7;
	s25 =	simm.s32 $0x8  }
0x9: {  	s29 =	simm.s32 $0x0;
	s8 =	smul.u32 $0x4E00, s11;
	s1 =	sand.u32 $0x1, s1  }
0xa: {  	[smem:$0x7FF] =	sst s4;
	s5 =	sshll.u32 s11, $0x1;
	s30 =	sshll.u32 s11, $0x6  }
0xb: {  	s11 =	simm.s32 $0x9;
	s6 =	smul.u32 $0x4E200, s1;
	_ =	strace $0x8000004A  }
0xc: {  	s5 =	sor.u32 s1, s5;
	s1 =	ssub.s32 $0x2, s1;
	s13 =	sor.u32 $0x1C09, s30  }
0xd: {  	s7 =	sshrl.u32 s8, $0x3;
	s5 =	smul.u32 $0x4F0, s5;
	s26 =	sshrl.u32 s1, $0x1  }
0xe: {  	s14 =	sadd.s32 s8, s2;
	s15 =	sadd.s32 s8, s3;
	s6 =	sadd.s32 s8, s6  }
0xf: {  	s9 =	sadd.s32 s7, s0;
	s1 =	ssub.s32 s1, s26;
	s14 =	sshrl.u32 s14, $0x3  }
0x10: {  	s15 =	sshrl.u32 s15, $0x3;
	s26 =	simm.s32 $0x3;
	s6 =	sshrl.u32 s6, $0x3  }
0x11: {  	s10 =	sadd.s32 s5, s0;
	s7 =	sadd.s32 $0x23800, s9;
	s8 =	sadd.s32 $0x19A00, s9  }
0x12: {  	s0 =	sadd.s32 s6, s0;
	s5 =	sadd.s32 $0xFC00, s10;
	s6 =	sadd.s32 $0x5E00, s10  }
0x13: {  	s10 =	smax.u32 s1, $0x1;
	s9 =	sadd.s32 $0x2D600, s0;
	s0 =	simm.s32 $0x6  }
.LBB2_1:
0x14: {  	[tilespmem:s4], [sflag:$0x9] =	stream.linear.gather [hbm4b:s5+s4], $0x2780, $0x38;
	[tilespmem:$0x12B50] =	vst v63  }
0x15: {  	_ =	swait.ge [sflag:s11], $0x2780  }
0x16: {  	[sflag:s11] =	ssyncset.done $0x0  }
0x17: {  	[sflag:s11] =	ssyncadd.s32 $0xFFFFD880  }
0x18: {  	[tilespmem:s12], [sflag:$0x9] =	stream.linear.gather [hbm4b:s6+s4], $0x2780, $0x38;
	[tilespmem:$0x12B50] =	vst v63  }
0x19: {  	_ =	swait.ge [sflag:s11], $0x2780  }
0x1a: {  	[sflag:s11] =	ssyncset.done $0x0  }
0x1b: {  	[sflag:s11] =	ssyncadd.s32 $0xFFFFD880  }
0x1c: {  	[spmem:s14], [sflag:s13] =	dma.local [hbm:s7], $0xA00  }
0x1d: {  	_ =	swait.ge [sflag:s11], $0xA00  }
0x1e: {  	[sflag:s11] =	ssyncset.done $0x0  }
0x1f: {  	[sflag:s11] =	ssyncadd.s32 $0xFFFFF600  }
0x20: {  	[spmem:s15], [sflag:s13] =	dma.local [hbm:s8], $0xA00  }
0x21: {  	_ =	swait.ge [sflag:s11], $0xA00  }
0x22: {  	[sflag:s11] =	ssyncset.done $0x0  }
0x23: {  	[sflag:s11] =	ssyncadd.s32 $0xFFFFF600  }
0x24: {  	[bflag:$0x0] =	sbarrier.arrive $0xFFFF  }
0x25: {  	[tilespmem:s17], [sflag:$0x1] =	stream.indirect.gather [spmem:s3], $0x20, s4, s16, $0xb8;
	[tilespmem:$0x12B50] =	vst v63  }
0x26: {  	_ = 	snop  }
0x27: {  	[tilespmem:s18], [sflag:$0x2] =	stream.indirect.gather [spmem:s3], $0x20, s16, s16, $0xb8;
	[tilespmem:$0x12B50] =	vst v63  }
0x28: {  	_ =	swait.ge [sflag:s19], $0x1000  }
0x29: {  	[sflag:s19] =	ssyncset.done $0x0  }
0x2a: {  	s1 =	simm.s32 $0x100;
	[sflag:s19] =	ssyncadd.s32 $0xFFFFF000  }
0x2b: {  	[tilespmem:s21], [sflag:$0x3] =	stream.indirect.gather [spmem:s3], $0x20, s1, s16, $0xb8;
	[tilespmem:$0x12B50] =	vst v63  }
0x2c: {  	_ = 	snop  }
0x2d: {  	[spmem:s2] =	stream.indirect.scatter.add.f32 [tilespmem:s17], [sflag:$0x5], $0x20, s12, s16, $0xb8;
	[tilespmem:$0x12B50] =	vst v63  }
0x2e: {  	_ =	swait.ge [sflag:s22], $0x1000  }
0x2f: {  	[sflag:s22] =	ssyncset.done $0x0  }
0x30: {  	s20 =	simm.s32 $0x180;
	[sflag:s22] =	ssyncadd.s32 $0xFFFFF000  }
0x31: {  	[tilespmem:s24], [sflag:$0x4] =	stream.indirect.gather [spmem:s3], $0x20, s20, s16, $0xb8;
	[tilespmem:$0x12B50] =	vst v63  }
0x32: {  	s20 =	simm.s32 $0x2800  }
0x33: {  	[spmem:s2] =	stream.indirect.scatter.add.f32 [tilespmem:s18], [sflag:$0x6], $0x20, s20, s16, $0xb8;
	[tilespmem:$0x12B50] =	vst v63  }
0x34: {  	_ =	swait.ge [sflag:s26], $0x1000  }
0x35: {  	[sflag:s26] =	ssyncset.done $0x0  }
0x36: {  	[sflag:s26] =	ssyncadd.s32 $0xFFFFF000  }
0x37: {  	_ =	swait.ge [sflag:s28], $0x1000  }
0x38: {  	[sflag:s28] =	ssyncset.done $0x0  }
0x39: {  	s20 =	simm.s32 $0x200;
	[sflag:s28] =	ssyncadd.s32 $0xFFFFF000  }
0x3a: {  	[tilespmem:s17], [sflag:$0x1] =	stream.indirect.gather [spmem:s3], $0x20, s20, s16, $0xb8;
	[tilespmem:$0x12B50] =	vst v63  }
0x3b: {  	s20 =	simm.s32 $0x2880  }
0x3c: {  	[spmem:s2] =	stream.indirect.scatter.add.f32 [tilespmem:s21], [sflag:$0x7], $0x20, s20, s16, $0xb8;
	[tilespmem:$0x12B50] =	vst v63  }
0x3d: {  	_ =	swait.ge [sflag:s31], $0x1000  }
0x3e: {  	[sflag:s31] =	ssyncset.done $0x0  }
0x3f: {  	[sflag:s31] =	ssyncadd.s32 $0xFFFFF000  }
0x40: {  	_ =	swait.ge [sflag:s0], $0x1000  }
0x41: {  	[sflag:s0] =	ssyncset.done $0x0  }
0x42: {  	s20 =	simm.s32 $0x280;
	[sflag:s0] =	ssyncadd.s32 $0xFFFFF000  }
0x43: {  	[tilespmem:s18], [sflag:$0x2] =	stream.indirect.gather [spmem:s3], $0x20, s20, s16, $0xb8;
	[tilespmem:$0x12B50] =	vst v63  }
0x44: {  	s20 =	simm.s32 $0x2900  }
0x45: {  	[spmem:s2] =	stream.indirect.scatter.add.f32 [tilespmem:s24], [sflag:$0x8], $0x20, s20, s16, $0xb8;
	[tilespmem:$0x12B50] =	vst v63  }
0x46: {  	_ =	swait.ge [sflag:s19], $0x1000  }
0x47: {  	[sflag:s19] =	ssyncset.done $0x0  }
0x48: {  	[sflag:s19] =	ssyncadd.s32 $0xFFFFF000  }
0x49: {  	_ =	swait.ge [sflag:s23], $0x1000  }
0x4a: {  	[sflag:s23] =	ssyncset.done $0x0  }
0x4b: {  	s20 =	simm.s32 $0x300;
	[sflag:s23] =	ssyncadd.s32 $0xFFFFF000  }
0x4c: {  	[tilespmem:s21], [sflag:$0x3] =	stream.indirect.gather [spmem:s3], $0x20, s20, s16, $0xb8;
	[tilespmem:$0x12B50] =	vst v63  }
0x4d: {  	s20 =	simm.s32 $0x2980  }
0x4e: {  	[spmem:s2] =	stream.indirect.scatter.add.f32 [tilespmem:s17], [sflag:$0x5], $0x20, s20, s16, $0xb8;
	[tilespmem:$0x12B50] =	vst v63  }
0x4f: {  	_ =	swait.ge [sflag:s22], $0x1000  }
0x50: {  	[sflag:s22] =	ssyncset.done $0x0  }
0x51: {  	[sflag:s22] =	ssyncadd.s32 $0xFFFFF000  }
0x52: {  	_ =	swait.ge [sflag:s25], $0x1000  }
0x53: {  	[sflag:s25] =	ssyncset.done $0x0  }
0x54: {  	s20 =	simm.s32 $0x380;
	[sflag:s25] =	ssyncadd.s32 $0xFFFFF000  }
0x55: {  	[tilespmem:s24], [sflag:$0x4] =	stream.indirect.gather [spmem:s3], $0x20, s20, s16, $0xb8;
	[tilespmem:$0x12B50] =	vst v63  }
0x56: {  	s20 =	simm.s32 $0x2A00  }
0x57: {  	[spmem:s2] =	stream.indirect.scatter.add.f32 [tilespmem:s18], [sflag:$0x6], $0x20, s20, s16, $0xb8;
	[tilespmem:$0x12B50] =	vst v63  }
0x58: {  	_ =	swait.ge [sflag:s26], $0x1000  }
0x59: {  	[sflag:s26] =	ssyncset.done $0x0  }
0x5a: {  	[sflag:s26] =	ssyncadd.s32 $0xFFFFF000  }
0x5b: {  	_ =	swait.ge [sflag:s28], $0x1000  }
0x5c: {  	[sflag:s28] =	ssyncset.done $0x0  }
0x5d: {  	s20 =	simm.s32 $0x400;
	[sflag:s28] =	ssyncadd.s32 $0xFFFFF000  }
0x5e: {  	[tilespmem:s17], [sflag:$0x1] =	stream.indirect.gather [spmem:s3], $0x20, s20, s16, $0xb8;
	[tilespmem:$0x12B50] =	vst v63  }
0x5f: {  	s20 =	simm.s32 $0x2A80  }
0x60: {  	[spmem:s2] =	stream.indirect.scatter.add.f32 [tilespmem:s21], [sflag:$0x7], $0x20, s20, s16, $0xb8;
	[tilespmem:$0x12B50] =	vst v63  }
0x61: {  	_ =	swait.ge [sflag:s31], $0x1000  }
0x62: {  	[sflag:s31] =	ssyncset.done $0x0  }
0x63: {  	[sflag:s31] =	ssyncadd.s32 $0xFFFFF000  }
0x64: {  	_ =	swait.ge [sflag:s0], $0x1000  }
0x65: {  	s30 =	simm.s32 $0x800;
	[sflag:s0] =	ssyncset.done $0x0  }
0x66: {  	s1 =	simm.s32 $0x2B00;
	s20 =	simm.s32 $0x480;
	[sflag:s0] =	ssyncadd.s32 $0xFFFFF000  }
0x67: {  	[tilespmem:s18], [sflag:$0x2] =	stream.indirect.gather [spmem:s3], $0x20, s20, s16, $0xb8;
	[tilespmem:$0x12B50] =	vst v63  }
.LBB2_2:
0x68: {  	[spmem:s2] =	stream.indirect.scatter.add.f32 [tilespmem:s24], [sflag:$0x8], $0x20, s1, s16, $0xb8;
	[tilespmem:$0x12B50] =	vst v63  }
0x69: {  	s1 =	smov.u32 s30  }
0x6a: {  	p0 =	sne.s32 s30, $0x8800;
	s30 =	sadd.s32 $0x800, s30;
	_ =	swait.ge [sflag:s19], $0x1000  }
0x6b: {  	[sflag:s19] =	ssyncset.done $0x0  }
0x6c: {  	[sflag:s19] =	ssyncadd.s32 $0xFFFFF000  }
0x6d: {  	_ =	swait.ge [sflag:s23], $0x1000  }
0x6e: {  	s1 =	sshra.s32 s1, $0x2;
	[sflag:s23] =	ssyncset.done $0x0  }
0x6f: {  	s20 =	sadd.s32 $0x300, s1;
	[sflag:s23] =	ssyncadd.s32 $0xFFFFF000  }
0x70: {  	[tilespmem:s21], [sflag:$0x3] =	stream.indirect.gather [spmem:s3], $0x20, s20, s16, $0xb8;
	[tilespmem:$0x12B50] =	vst v63  }
0x71: {  	s20 =	sadd.s32 $0x2980, s1  }
0x72: {  	[spmem:s2] =	stream.indirect.scatter.add.f32 [tilespmem:s17], [sflag:$0x5], $0x20, s20, s16, $0xb8;
	[tilespmem:$0x12B50] =	vst v63  }
0x73: {  	_ =	swait.ge [sflag:s22], $0x1000  }
0x74: {  	[sflag:s22] =	ssyncset.done $0x0  }
0x75: {  	[sflag:s22] =	ssyncadd.s32 $0xFFFFF000  }
0x76: {  	_ =	swait.ge [sflag:s25], $0x1000  }
0x77: {  	[sflag:s25] =	ssyncset.done $0x0  }
0x78: {  	s20 =	sadd.s32 $0x380, s1;
	[sflag:s25] =	ssyncadd.s32 $0xFFFFF000  }
0x79: {  	[tilespmem:s24], [sflag:$0x4] =	stream.indirect.gather [spmem:s3], $0x20, s20, s16, $0xb8;
	[tilespmem:$0x12B50] =	vst v63  }
0x7a: {  	s20 =	sadd.s32 $0x2A00, s1  }
0x7b: {  	[spmem:s2] =	stream.indirect.scatter.add.f32 [tilespmem:s18], [sflag:$0x6], $0x20, s20, s16, $0xb8;
	[tilespmem:$0x12B50] =	vst v63  }
0x7c: {  	_ =	swait.ge [sflag:s26], $0x1000  }
0x7d: {  	[sflag:s26] =	ssyncset.done $0x0  }
0x7e: {  	[sflag:s26] =	ssyncadd.s32 $0xFFFFF000  }
0x7f: {  	_ =	swait.ge [sflag:s28], $0x1000  }
0x80: {  	[sflag:s28] =	ssyncset.done $0x0  }
0x81: {  	s20 =	sadd.s32 $0x400, s1;
	[sflag:s28] =	ssyncadd.s32 $0xFFFFF000  }
0x82: {  	[tilespmem:s17], [sflag:$0x1] =	stream.indirect.gather [spmem:s3], $0x20, s20, s16, $0xb8;
	[tilespmem:$0x12B50] =	vst v63  }
0x83: {  	s20 =	sadd.s32 $0x2A80, s1  }
0x84: {  	[spmem:s2] =	stream.indirect.scatter.add.f32 [tilespmem:s21], [sflag:$0x7], $0x20, s20, s16, $0xb8;
	[tilespmem:$0x12B50] =	vst v63  }
0x85: {  	_ =	swait.ge [sflag:s31], $0x1000  }
0x86: {  	[sflag:s31] =	ssyncset.done $0x0  }
0x87: {  	[sflag:s31] =	ssyncadd.s32 $0xFFFFF000  }
.Ltmp0:
0x88: {  	_ =	swait.ge [sflag:s0], $0x1000;
	(pc) =	sbr.rel @p0 .LBB2_2-.Ltmp0, $4  }
0x89: {  	[sflag:s0] =	ssyncset.done $0x0  }
0x8a: {  	s20 =	sadd.s32 $0x480, s1;
	[sflag:s0] =	ssyncadd.s32 $0xFFFFF000  }
0x8b: {  	[tilespmem:s18], [sflag:$0x2] =	stream.indirect.gather [spmem:s3], $0x20, s20, s16, $0xb8;
	[tilespmem:$0x12B50] =	vst v63  }
0x8c: {  	s1 =	sadd.s32 $0x2B00, s1  }
0x8d: {  	[spmem:s2] =	stream.indirect.scatter.add.f32 [tilespmem:s24], [sflag:$0x8], $0x20, s1, s16, $0xb8;
	[tilespmem:$0x12B50] =	vst v63  }
0x8e: {  	_ =	swait.ge [sflag:s19], $0x1000  }
0x8f: {  	[sflag:s19] =	ssyncset.done $0x0  }
0x90: {  	[sflag:s19] =	ssyncadd.s32 $0xFFFFF000  }
0x91: {  	_ =	swait.ge [sflag:s23], $0x1000  }
0x92: {  	[sflag:s23] =	ssyncset.done $0x0  }
0x93: {  	s20 =	simm.s32 $0x2700;
	[sflag:s23] =	ssyncadd.s32 $0xFFFFF000  }
0x94: {  	[tilespmem:s21], [sflag:$0x3] =	stream.indirect.gather [spmem:s3], $0x20, s20, s16, $0xb8;
	[tilespmem:$0x12B50] =	vst v63  }
0x95: {  	s30 =	simm.s32 $0x4D80  }
0x96: {  	[spmem:s2] =	stream.indirect.scatter.add.f32 [tilespmem:s17], [sflag:$0x5], $0x20, s30, s16, $0xb8;
	[tilespmem:$0x12B50] =	vst v63  }
0x97: {  	_ =	swait.ge [sflag:s22], $0x1000  }
0x98: {  	[sflag:s22] =	ssyncset.done $0x0  }
0x99: {  	[sflag:s22] =	ssyncadd.s32 $0xFFFFF000  }
0x9a: {  	_ =	swait.ge [sflag:s25], $0x1000  }
0x9b: {  	[sflag:s25] =	ssyncset.done $0x0  }
0x9c: {  	s20 =	simm.s32 $0x4E00;
	[sflag:s25] =	ssyncadd.s32 $0xFFFFF000  }
0x9d: {  	[spmem:s2] =	stream.indirect.scatter.add.f32 [tilespmem:s18], [sflag:$0x6], $0x20, s20, s16, $0xb8;
	[tilespmem:$0x12B50] =	vst v63  }
0x9e: {  	_ =	swait.ge [sflag:s26], $0x1000  }
0x9f: {  	[sflag:s26] =	ssyncset.done $0x0  }
0xa0: {  	[sflag:s26] =	ssyncadd.s32 $0xFFFFF000  }
0xa1: {  	_ =	swait.ge [sflag:s28], $0x1000  }
0xa2: {  	[sflag:s28] =	ssyncset.done $0x0  }
0xa3: {  	s30 =	simm.s32 $0x4E80;
	[sflag:s28] =	ssyncadd.s32 $0xFFFFF000  }
0xa4: {  	[spmem:s2] =	stream.indirect.scatter.add.f32 [tilespmem:s21], [sflag:$0x7], $0x20, s30, s16, $0xb8;
	[tilespmem:$0x12B50] =	vst v63  }
0xa5: {  	_ =	swait.ge [sflag:s0], $0x1000  }
0xa6: {  	[sflag:s0] =	ssyncset.done $0x0  }
0xa7: {  	[sflag:s0] =	ssyncadd.s32 $0xFFFFF000  }
0xa8: {  	_ =	swait.ge [sflag:s23], $0x1000  }
0xa9: {  	s29 =	sadd.s32 $0x1, s29;
	[sflag:s23] =	ssyncset.done $0x0  }
0xaa: {  	p0 =	sne.s32 s29, s10;
	[sflag:s23] =	ssyncadd.s32 $0xFFFFF000  }
.Ltmp1:
0xab: {  	[bflag:$0x0] =	sbarrier.arrive $0xFFFF;
	(pc) =	sbr.rel @p0 .LBB2_1-.Ltmp1, $4  }
0xac: {  	[hbm:s9], [sflag:s13] =	dma.local [spmem:s14], $0xA00  }
0xad: {  	_ =	swait.ge [sflag:s11], $0xA00  }
0xae: {  	[sflag:s11] =	ssyncset.done $0x0  }
0xaf: {  	[sflag:s11] =	ssyncadd.s32 $0xFFFFF600  }
0xb0: {  	_ =	sfence.sel $0x180000  }
0xb1: {  	[bflag:$0x0] =	sbarrier.arrive $0xFFFF  }
0xb2: {  	_ =	strace $0x9000004A  }
0xb3: {  	s0 =	stileid.u32;
	[bflag:$0x2] =	sbarrier.arrive $0xFFFF  }
0xb4: {  	p0 =	sne.s32 s0, $0x0;
	s0 =	rddreg [dreg:$0x3]  }
0xb5: {  	s0 =	sadd.s32 @!p0 $0x100000, s0  }
0xb6: {  	[sflag:s0] =	ssyncadd.tile.s32 @!p0 $0x1;
	_ =	shalt  }
.Lfunc_end2:
_tile_overlayer_lowered:
.L_overlay_start_2:
0xb7: {  	(tag) =	ssettag $0x2  }
0xb8: {  	s0 =	rddreg [dreg:$0x0];
	s2 =	stileid.u32  }
0xb9: {  	s1 =	rddreg [dreg:$0x1];
	p0 =	sne.s32 s2, $0x0  }
0xba: {  	s3 =	rddreg [dreg:$0x2];
	[bflag:$0x3] =	sbarrier.arrive $0xFFFF;
	s2 =	simm.s32 @!p0 $0x1C09  }
0xbb: {  	[timem:s3], [sflag:s2] =	dma.local @!p0 [hbm:s0], s1  }
0xbc: {  	s0 =	simm.s32 @!p0 $0x9  }
0xbd: {  	_ =	swait.ge @!p0 [sflag:s0], s1  }
0xbe: {  	s1 =	ssub.s32 @!p0 $0x0, s1;
	[sflag:s0] =	ssyncset.done @!p0 $0x0  }
0xbf: {  	[sflag:s0] =	ssyncadd.s32 @!p0 s1  }
0xc0: {  	[bflag:$0x3] =	sbarrier.arrive $0xFFFF  }
0xc1: {  	_ =	shalt  }

// kernel: kernel.20.cloned.1.call-start
scs
__scs_entry_jumppad:
0x0: {  	(pc) =	sbr.rel $0x88, $3  }
0x1: {  	(tag) =	ssettag $0x0;
	lr =	simm.s32 $0x1  }
0x2: {  	[smem:$0x3F7C] =	sst lr;
	_ =	strace $0xD0000000  }
0x3: {  	_ = 	snop  }
0x4: {  	_ = 	snop  }
0x5: {  	_ = 	snop  }
0x6: {  	_ = 	snop  }
0x7: {  	_ = 	snop  }
__scs_overlays_trampoline_lowered:
0x8: {  	[smem:$0x3F8B] =	sst s0  }
0x9: {  	[smem:$0x3F8C] =	sst s1  }
0xa: {  	[smem:$0x3F8D] =	sst s2  }
0xb: {  	[smem:$0x3F8E] =	sst s3  }
0xc: {  	[smem:$0x3F8F] =	sst s4  }
0xd: {  	[smem:$0x3F90] =	sst s5  }
0xe: {  	[smem:$0x3F91] =	sst s6  }
0xf: {  	[smem:$0x3F92] =	sst s7  }
0x10: {  	[smem:$0x3F93] =	sst s8  }
0x11: {  	[smem:$0x3F94] =	sst s9;
	s0 =	simm.s32 @!p0 $0x0  }
0x12: {  	s1 =	sld [smem:$0x3F7A];
	s0 =	simm.s32 @p0 $0x1  }
0x13: {  	[smem:$0x3F95] =	sst s0;
	s0 =	simm.s32 @!p1 $0x0  }
0x14: {  	s2 =	sld [smem:$0x3F79];
	s0 =	simm.s32 @p1 $0x1  }
0x15: {  	[smem:$0x3F96] =	sst s0;
	s0 =	simm.s32 @!p2 $0x0  }
0x16: {  	s3 =	sld [smem:$0x3FDB];
	s0 =	simm.s32 @p2 $0x1  }
0x17: {  	s4 =	simm.s32 $0x1BF5;
	[smem:$0x3F98] =	sst s0  }
0x18: {  	s0 =	sld [smem:$0x3F7B];
	_ =	swait.ge [sflag:s4], $0x0  }
0x19: {  	s7 =	sld [smem:$0x3F7C]  }
0x1a: {  	s8 =	sadd.s32 $0xFFFFE003, lr  }
0x1b: {  	s9 =	sadd.s32 $0xFFFFFEF7, lr;
	s5 =	simm.s32 $0xFFFFFFFF;
	p2 =	slt.u32 s8, $0xFFFFF086  }
0x1c: {  	p1 =	slt.u32 s9, $0xF7A;
	s5 =	simm.s32 @!p2 $0x0  }
0x1d: {  	s5 =	simm.s32 @p1 $0x1;
	p0 =	seq.s32 s7, s2  }
0x1e: {  	s7 =	smul.u32 @!p0 $0xF7A, s2;
	p2 =	seq.s32 @!p0 s5, $0x0  }
0x1f: {  	s9 =	smul.u32 $0xF7A, s1;
	s8 =	simm.s32 @!p0 $0x1BF5;
	p2 =	por !p2, p0  }
0x20: {  	[sflag:s8] =	ssyncset.s32 @!p0 $0xFFFFF086;
	s6 =	sadd.s32 @!p0 s3, s7;
	s7 =	simm.s32 @!p0 $0x108  }
0x21: {  	s3 =	sadd.s32 s3, s9;
	s6 =	sadd.s32 @!p0 $0x88, s6;
	s7 =	simm.s32 @p2 $0x1082  }
0x22: {  	[simem:s7], [sflag:s8] =	dma.local @!p0 [hbm:s6], $0xF7A  }
0x23: {  	s9 =	sor.u32 $0xD0000000, s2;
	s6 =	simm.s32 $0x108;
	_ =	swait.ge @!p0 [sflag:s8], $0x0  }
0x24: {  	s3 =	sadd.s32 $0x88, s3;
	s6 =	simm.s32 @!p1 $0x1082;
	[sflag:s4] =	ssyncset.s32 $0xFFFFF086  }
0x25: {  	[simem:s6], [sflag:s4] =	dma.local [hbm:s3], $0xF7A  }
0x26: {  	[smem:$0x3F7C] =	sst s1;
	(tag) =	ssettag s2;
	_ =	strace s9  }
0x27: {  	s1 =	sld [smem:$0x3F8C]  }
0x28: {  	s2 =	sld [smem:$0x3F8D]  }
0x29: {  	s4 =	sld [smem:$0x3F8F]  }
0x2a: {  	p0 =	seq.s32 s5, $0x0;
	s5 =	sld [smem:$0x3F90]  }
0x2b: {  	s6 =	sld [smem:$0x3F91]  }
0x2c: {  	s7 =	sld [smem:$0x3F92]  }
0x2d: {  	s3 =	simm.s32 $0x108;
	s8 =	sld [smem:$0x3F93]  }
0x2e: {  	s3 =	simm.s32 @!p0 $0x1082;
	s9 =	sld [smem:$0x3F94]  }
0x2f: {  	lr =	sadd.s32 s0, s3;
	s0 =	sld [smem:$0x3F8B]  }
0x30: {  	s3 =	sld [smem:$0x3F8E]  }
0x31: {  	[smem:$0x3F97] =	sst s10  }
0x32: {  	s10 =	sld [smem:$0x3F95];
	_ =	sdelay $0x3  }
0x33: {  	p0 =	seq.s32 s10, $0x1;
	s10 =	sld [smem:$0x3F97];
	_ =	sdelay $0x3  }
0x34: {  	[smem:$0x3F97] =	sst s10  }
0x35: {  	s10 =	sld [smem:$0x3F96];
	_ =	sdelay $0x3  }
0x36: {  	p1 =	seq.s32 s10, $0x1;
	s10 =	sld [smem:$0x3F97];
	_ =	sdelay $0x3  }
0x37: {  	[smem:$0x3F97] =	sst s10  }
0x38: {  	s10 =	sld [smem:$0x3F98]  }
0x39: {  	_ = 	snop;
	(pc) =	sbr.ind lr, $3  }
0x3a: {  	_ = 	snop  }
0x3b: {  	_ = 	snop  }
0x3c: {  	p2 =	seq.s32 s10, $0x1;
	s10 =	sld [smem:$0x3F97]  }
0x3d: {  	_ =	shalt  }
0x3e: {  	_ =	shalt  }
0x3f: {  	_ =	shalt  }
0x40: {  	_ =	shalt  }
0x41: {  	_ =	shalt  }
0x42: {  	_ =	shalt  }
0x43: {  	_ =	shalt  }
0x44: {  	_ =	shalt  }
0x45: {  	_ =	shalt  }
0x46: {  	_ =	shalt  }
0x47: {  	_ =	shalt  }
0x48: {  	_ =	shalt  }
0x49: {  	_ =	shalt  }
0x4a: {  	_ =	shalt  }
0x4b: {  	_ =	shalt  }
0x4c: {  	_ =	shalt  }
0x4d: {  	_ =	shalt  }
0x4e: {  	_ =	shalt  }
0x4f: {  	_ =	shalt  }
0x50: {  	_ =	shalt  }
0x51: {  	_ =	shalt  }
0x52: {  	_ =	shalt  }
0x53: {  	_ =	shalt  }
0x54: {  	_ =	shalt  }
0x55: {  	_ =	shalt  }
0x56: {  	_ =	shalt  }
0x57: {  	_ =	shalt  }
0x58: {  	_ =	shalt  }
0x59: {  	_ =	shalt  }
0x5a: {  	_ =	shalt  }
0x5b: {  	_ =	shalt  }
0x5c: {  	_ =	shalt  }
0x5d: {  	_ =	shalt  }
0x5e: {  	_ =	shalt  }
0x5f: {  	_ =	shalt  }
0x60: {  	_ =	shalt  }
0x61: {  	_ =	shalt  }
0x62: {  	_ =	shalt  }
0x63: {  	_ =	shalt  }
0x64: {  	_ =	shalt  }
0x65: {  	_ =	shalt  }
0x66: {  	_ =	shalt  }
0x67: {  	_ =	shalt  }
0x68: {  	_ =	shalt  }
0x69: {  	_ =	shalt  }
0x6a: {  	_ =	shalt  }
0x6b: {  	_ =	shalt  }
0x6c: {  	_ =	shalt  }
0x6d: {  	_ =	shalt  }
0x6e: {  	_ =	shalt  }
0x6f: {  	_ =	shalt  }
0x70: {  	_ =	shalt  }
0x71: {  	_ =	shalt  }
0x72: {  	_ =	shalt  }
0x73: {  	_ =	shalt  }
0x74: {  	_ =	shalt  }
0x75: {  	_ =	shalt  }
0x76: {  	_ =	shalt  }
0x77: {  	_ =	shalt  }
0x78: {  	_ =	shalt  }
0x79: {  	_ =	shalt  }
0x7a: {  	_ =	shalt  }
0x7b: {  	_ =	shalt  }
0x7c: {  	_ =	shalt  }
0x7d: {  	_ =	shalt  }
0x7e: {  	_ =	shalt  }
0x7f: {  	_ =	shalt  }
0x80: {  	_ =	shalt  }
0x81: {  	_ =	shalt  }
0x82: {  	_ =	shalt  }
0x83: {  	_ =	shalt  }
0x84: {  	_ =	shalt  }
0x85: {  	_ =	shalt  }
0x86: {  	_ =	shalt  }
0x87: {  	_ =	shalt  }
.Lfunc_end0:
.L_simem_size_0:
called_computation.2_lowered:
.L_overlay_start_0:
0x88: {  	s2 =	sld [smem:$0x3FD9]  }
0x89: {  	s3 =	sld [smem:$0x3FFE];
	_ =	sdelay $0x1  }
0x8a: {  	s1 =	srdreg.scid  }
0x8b: {  	s0 =	sand.u32 $0x1, s1  }
0x8c: {  	s16 =	sshll.u32 s0, $0xA;
	s2 =	sadd.s32 s3, s2  }
0x8d: {  	s2 =	sadd.s32 s2, s16  }
0x8e: {  	[smem:$0x3FA3] =	sst s2  }
0x8f: {  	_ = 	snop  }
0x90: {  	(tm) =	ssettm $0x1  }
0x91: {  	s17 =	sld [smem:$0x3FFB];
	_ =	sdelay $0x3  }
0x92: {  	_ =	strace s17  }
0x93: {  	s2 =	sld [smem:$0x3FFC];
	_ =	sdelay $0x3  }
0x94: {  	_ =	strace s2  }
0x95: {  	s2 =	sld [smem:$0x3FFD];
	_ =	sdelay $0x3  }
0x96: {  	_ =	strace s2  }
0x97: {  	_ =	strace $0x8FFFFFFF  }
0x98: {  	s18 =	sld [smem:$0x3FDB];
	_ =	sdelay $0x1  }
0x99: {  	s19 =	simm.s32 $_scs_section_size  }
0x9a: {  	s4 =	simm.s32 $_size__tile_overlayer_lowered;
	s5 =	simm.s32 $_tile_overlayer_lowered  }
0x9b: {  	s22 =	simm.s32 $0x1BFF;
	s21 =	sshll.u32 s5, $0x1;
	s2 =	sadd.s32 s19, s18  }
0x9c: {  	s6 =	simm.s32 $0x0;
	s20 =	sshll.u32 s4, $0x1;
	s4 =	sadd.s32 s21, s2  }
0x9d: {  	[timem:s6], [sflag:s22] =	dma.local [hbm:s4], s20  }
0x9e: {  	_ =	swait.ge [sflag:s22], s20  }
0x9f: {  	s3 =	ssub.s32 $0x0, s20;
	[sflag:s22] =	ssyncset.done $0x0  }
0xa0: {  	[sflag:s22] =	ssyncadd.s32 s3;
	_ =	sdelay $0x1  }
0xa1: {  	s23 =	simm.s32 $0x1B8B  }
0xa2: {  	_ =	swait.ge [sflag:s23], $0x1  }
0xa3: {  	[sflag:s23] =	ssyncset.done $0x0  }
0xa4: {  	s25 =	simm.s32 $0x1B8E;
	s24 =	sld [smem:$0x3FFE];
	[sflag:s23] =	ssyncadd.s32 $0xFFFFFFFF  }
0xa5: {  	s26 =	simm.s32 $execute0_lowered;
	[smem:$0x3FD2] =	sst s25  }
0xa6: {  	s4 =	sshll.u32 s26, $0x1;
	_ =	strace $0x8000004C;
	[dreg:$0x1] =	wrdreg $0xFFFFFFFF  }
0xa7: {  	s28 =	simm.s32 $_size_execute0_lowered;
	s2 =	sadd.s32 s2, s4;
	[dreg:$0x0] =	wrdreg $0x0  }
0xa8: {  	s4 =	sshll.u32 s28, $0x1;
	[dreg:$0x2] =	wrdreg s2  }
0xa9: {  	[dreg:$0x3] =	wrdreg s4  }
0xaa: {  	[dreg:$0x4] =	wrdreg $0xC0  }
0xab: {  	_ =	task [dreg:s6], $0x5FFFF  }
0xac: {  	[dreg:$0x1] =	wrdreg $0xFFFFFFFF  }
0xad: {  	[dreg:$0x0] =	wrdreg $0x60  }
0xae: {  	[dreg:$0x2] =	wrdreg s24  }
0xaf: {  	[dreg:$0x3] =	wrdreg $0xAEC00  }
0xb0: {  	[dreg:$0x4] =	wrdreg $0x14B200  }
0xb1: {  	[dreg:$0x5] =	wrdreg $0x9  }
0xb2: {  	_ =	task.clear_ibuf [dreg:s6], $0x6FFFF;
	_ =	strace $0x9000004C  }
0xb3: {  	s29 =	simm.s32 $0x9;
	_ =	strace $0x8000004E  }
0xb4: {  	_ =	swait.ge [sflag:s29], $0x1  }
0xb5: {  	[sflag:s29] =	ssyncadd.s32 $0xFFFFFFFF  }
0xb6: {  	_ =	strace $0x9000004E  }
0xb7: {  	_ =	sfence  }
0xb8: {  	s30 =	sld [smem:$0x0];
	_ =	sdelay $0x2  }
0xb9: {  	s31 =	sshll.u32 s1, $0xD;
	s1 =	sshrl.u32 s1, $0x2  }
0xba: {  	s3 =	sand.u32 $0x4000, s31;
	s1 =	sadd.s32 s1, s30  }
0xbb: {  	s0 =	sor.u32 s3, s0;
	s1 =	sshll.u32 s1, $0x11  }
0xbc: {  	s0 =	sor.u32 s1, s0  }
0xbd: {  	s0 =	sadd.s32 $0x8F2B, s0  }
0xbe: {  	[sflag:s0] =	ssyncadd.remote.s32 $0x1  }
0xbf: {  	_ =	sfence.sel $0xFFFF  }
0xc0: {  	[dreg:$0x0] =	wrdreg $0xFFFFFFFF;
	(pc) =	sbr.abs _section_cstart, $3  }
0xc1: {  	[dreg:$0x1] =	wrdreg $0xFFFFFFFF  }
0xc2: {  	_ =	task.clear_ibuf [dreg:s6], $0x2FFFF;
	_ =	strace $0x9FFFFFFF  }
0xc3: {  	(tm) =	ssettm $0x7FFFFFFF  }
tec
execute0_lowered:
.L_overlay_start_1:
0x0: {  	(tag) =	ssettag $0x1  }
0x1: {  	s0 =	rddreg [dreg:$0x0]  }
0x2: {  	s2 =	rddreg [dreg:$0x1]  }
0x3: {  	s3 =	rddreg [dreg:$0x2]  }
0x4: {  	s13 =	stileid.u32;
	s1 =	srdreg.scid;
	s4 =	simm.s32 $0x0  }
0x5: {  	s11 =	simm.s32 $0x9;
	s12 =	simm.s32 $0x2760;
	s16 =	simm.s32 $0x60  }
0x6: {  	s17 =	simm.s32 $0x4EC0;
	s18 =	simm.s32 $0x66C0;
	s20 =	simm.s32 $0x7EC0  }
0x7: {  	s21 =	simm.s32 $0x2;
	s23 =	simm.s32 $0x96C0;
	s30 =	simm.s32 $0x4  }
0x8: {  	s31 =	simm.s32 $0x6;
	s19 =	simm.s32 $0x1;
	s22 =	simm.s32 $0x7  }
0x9: {  	s28 =	simm.s32 $0x0;
	s5 =	smul.u32 $0x9C00, s13;
	s1 =	sand.u32 $0x1, s1  }
0xa: {  	[smem:$0x7FF] =	sst s4;
	s6 =	sshll.u32 s13, $0x1;
	s29 =	sshll.u32 s13, $0x6  }
0xb: {  	s7 =	smul.u32 $0x9C400, s1;
	_ =	strace $0x8000004D;
	s6 =	sor.u32 s1, s6  }
0xc: {  	s1 =	ssub.s32 $0x2, s1;
	s13 =	sor.u32 $0x1C09, s29;
	s8 =	sshrl.u32 s5, $0x3  }
0xd: {  	s6 =	smul.u32 $0x4EC, s6;
	s24 =	sshrl.u32 s1, $0x1;
	s14 =	sadd.s32 s5, s2  }
0xe: {  	s7 =	sadd.s32 s5, s7;
	s8 =	sadd.s32 s8, s0;
	s1 =	ssub.s32 s1, s24  }
0xf: {  	s5 =	sadd.s32 s5, s3;
	s14 =	sshrl.u32 s14, $0x3;
	s24 =	simm.s32 $0x8  }
0x10: {  	s7 =	sshrl.u32 s7, $0x3;
	s6 =	sadd.s32 s6, s0;
	s26 =	sadd.s32 $0x19800, s8  }
0x11: {  	s8 =	sadd.s32 $0x5E00, s8;
	s10 =	smax.u32 s1, $0x1;
	s15 =	sshrl.u32 s5, $0x3  }
0x12: {  	s0 =	sadd.s32 s7, s0;
	s25 =	sadd.s32 $0x4AE00, s6;
	[dreg:$0x6] =	wrdreg s26  }
0x13: {  	s6 =	sadd.s32 $0x41000, s6;
	s26 =	simm.s32 $0x5;
	[dreg:$0x4] =	wrdreg s25  }
0x14: {  	[dreg:$0x5] =	wrdreg s6;
	s9 =	sadd.s32 $0x54C00, s0;
	s25 =	simm.s32 $0x3  }
.LBB2_1:
0x15: {  	s0 =	rddreg [dreg:$0x4]  }
0x16: {  	[tilespmem:s4], [sflag:$0x9] =	stream.linear.gather [hbm4b:s0+s4], $0x2760, $0x38;
	[tilespmem:$0x1E760] =	vst v63  }
0x17: {  	_ =	swait.ge [sflag:s11], $0x2760  }
0x18: {  	[sflag:s11] =	ssyncset.done $0x0  }
0x19: {  	s5 =	rddreg [dreg:$0x5];
	[sflag:s11] =	ssyncadd.s32 $0xFFFFD8A0  }
0x1a: {  	[tilespmem:s12], [sflag:$0x9] =	stream.linear.gather [hbm4b:s5+s4], $0x2760, $0x38;
	[tilespmem:$0x1E760] =	vst v63  }
0x1b: {  	_ =	swait.ge [sflag:s11], $0x2760  }
0x1c: {  	[sflag:s11] =	ssyncset.done $0x0  }
0x1d: {  	s6 =	rddreg [dreg:$0x6];
	[sflag:s11] =	ssyncadd.s32 $0xFFFFD8A0  }
0x1e: {  	[spmem:s14], [sflag:s13] =	dma.local [hbm:s6], $0x1400  }
0x1f: {  	_ =	swait.ge [sflag:s11], $0x1400  }
0x20: {  	[sflag:s11] =	ssyncset.done $0x0  }
0x21: {  	[sflag:s11] =	ssyncadd.s32 $0xFFFFEC00  }
0x22: {  	[spmem:s15], [sflag:s13] =	dma.local [hbm:s8], $0x1400  }
0x23: {  	_ =	swait.ge [sflag:s11], $0x1400  }
0x24: {  	[sflag:s11] =	ssyncset.done $0x0  }
0x25: {  	[sflag:s11] =	ssyncadd.s32 $0xFFFFEC00  }
0x26: {  	[bflag:$0x0] =	sbarrier.arrive $0xFFFF  }
0x27: {  	[tilespmem:s17], [sflag:$0x1] =	stream.indirect.gather [spmem:s3], $0x40, s4, s16, $0xb8;
	[tilespmem:$0x1E760] =	vst v63  }
0x28: {  	_ = 	snop  }
0x29: {  	[tilespmem:s18], [sflag:$0x2] =	stream.indirect.gather [spmem:s3], $0x40, s16, s16, $0xb8;
	[tilespmem:$0x1E760] =	vst v63  }
0x2a: {  	_ =	swait.ge [sflag:s19], $0x1800  }
0x2b: {  	[sflag:s19] =	ssyncset.done $0x0  }
0x2c: {  	s7 =	simm.s32 $0xC0;
	[sflag:s19] =	ssyncadd.s32 $0xFFFFE800  }
0x2d: {  	[tilespmem:s20], [sflag:$0x3] =	stream.indirect.gather [spmem:s3], $0x40, s7, s16, $0xb8;
	[tilespmem:$0x1E760] =	vst v63  }
0x2e: {  	_ = 	snop  }
0x2f: {  	[spmem:s2] =	stream.indirect.scatter.add.f32 [tilespmem:s17], [sflag:$0x5], $0x40, s12, s16, $0xb8;
	[tilespmem:$0x1E760] =	vst v63  }
0x30: {  	_ =	swait.ge [sflag:s21], $0x1800  }
0x31: {  	[sflag:s21] =	ssyncset.done $0x0  }
0x32: {  	s1 =	simm.s32 $0x120;
	[sflag:s21] =	ssyncadd.s32 $0xFFFFE800  }
0x33: {  	[tilespmem:s23], [sflag:$0x4] =	stream.indirect.gather [spmem:s3], $0x40, s1, s16, $0xb8;
	[tilespmem:$0x1E760] =	vst v63  }
0x34: {  	s5 =	simm.s32 $0x27C0  }
0x35: {  	[spmem:s2] =	stream.indirect.scatter.add.f32 [tilespmem:s18], [sflag:$0x6], $0x40, s5, s16, $0xb8;
	[tilespmem:$0x1E760] =	vst v63  }
0x36: {  	_ =	swait.ge [sflag:s25], $0x1800  }
0x37: {  	[sflag:s25] =	ssyncset.done $0x0  }
0x38: {  	[sflag:s25] =	ssyncadd.s32 $0xFFFFE800  }
0x39: {  	_ =	swait.ge [sflag:s26], $0x1800  }
0x3a: {  	[sflag:s26] =	ssyncset.done $0x0  }
0x3b: {  	s6 =	simm.s32 $0x180;
	[sflag:s26] =	ssyncadd.s32 $0xFFFFE800  }
0x3c: {  	[tilespmem:s17], [sflag:$0x1] =	stream.indirect.gather [spmem:s3], $0x40, s6, s16, $0xb8;
	[tilespmem:$0x1E760] =	vst v63  }
0x3d: {  	s7 =	simm.s32 $0x2820  }
0x3e: {  	[spmem:s2] =	stream.indirect.scatter.add.f32 [tilespmem:s20], [sflag:$0x7], $0x40, s7, s16, $0xb8;
	[tilespmem:$0x1E760] =	vst v63  }
0x3f: {  	_ =	swait.ge [sflag:s30], $0x1800  }
0x40: {  	[sflag:s30] =	ssyncset.done $0x0  }
0x41: {  	[sflag:s30] =	ssyncadd.s32 $0xFFFFE800  }
0x42: {  	_ =	swait.ge [sflag:s31], $0x1800  }
0x43: {  	[sflag:s31] =	ssyncset.done $0x0  }
0x44: {  	s1 =	simm.s32 $0x1E0;
	[sflag:s31] =	ssyncadd.s32 $0xFFFFE800  }
0x45: {  	[tilespmem:s18], [sflag:$0x2] =	stream.indirect.gather [spmem:s3], $0x40, s1, s16, $0xb8;
	[tilespmem:$0x1E760] =	vst v63  }
0x46: {  	s5 =	simm.s32 $0x2880  }
0x47: {  	[spmem:s2] =	stream.indirect.scatter.add.f32 [tilespmem:s23], [sflag:$0x8], $0x40, s5, s16, $0xb8;
	[tilespmem:$0x1E760] =	vst v63  }
0x48: {  	_ =	swait.ge [sflag:s19], $0x1800  }
0x49: {  	[sflag:s19] =	ssyncset.done $0x0  }
0x4a: {  	[sflag:s19] =	ssyncadd.s32 $0xFFFFE800  }
0x4b: {  	_ =	swait.ge [sflag:s22], $0x1800  }
0x4c: {  	[sflag:s22] =	ssyncset.done $0x0  }
0x4d: {  	s6 =	simm.s32 $0x240;
	[sflag:s22] =	ssyncadd.s32 $0xFFFFE800  }
0x4e: {  	[tilespmem:s20], [sflag:$0x3] =	stream.indirect.gather [spmem:s3], $0x40, s6, s16, $0xb8;
	[tilespmem:$0x1E760] =	vst v63  }
0x4f: {  	s7 =	simm.s32 $0x28E0  }
0x50: {  	[spmem:s2] =	stream.indirect.scatter.add.f32 [tilespmem:s17], [sflag:$0x5], $0x40, s7, s16, $0xb8;
	[tilespmem:$0x1E760] =	vst v63  }
0x51: {  	_ =	swait.ge [sflag:s21], $0x1800  }
0x52: {  	[sflag:s21] =	ssyncset.done $0x0  }
0x53: {  	[sflag:s21] =	ssyncadd.s32 $0xFFFFE800  }
0x54: {  	_ =	swait.ge [sflag:s24], $0x1800  }
0x55: {  	[sflag:s24] =	ssyncset.done $0x0  }
0x56: {  	s1 =	simm.s32 $0x2A0;
	[sflag:s24] =	ssyncadd.s32 $0xFFFFE800  }
0x57: {  	[tilespmem:s23], [sflag:$0x4] =	stream.indirect.gather [spmem:s3], $0x40, s1, s16, $0xb8;
	[tilespmem:$0x1E760] =	vst v63  }
0x58: {  	s5 =	simm.s32 $0x2940  }
0x59: {  	[spmem:s2] =	stream.indirect.scatter.add.f32 [tilespmem:s18], [sflag:$0x6], $0x40, s5, s16, $0xb8;
	[tilespmem:$0x1E760] =	vst v63  }
0x5a: {  	_ =	swait.ge [sflag:s25], $0x1800  }
0x5b: {  	[sflag:s25] =	ssyncset.done $0x0  }
0x5c: {  	[sflag:s25] =	ssyncadd.s32 $0xFFFFE800  }
0x5d: {  	_ =	swait.ge [sflag:s26], $0x1800  }
0x5e: {  	[sflag:s26] =	ssyncset.done $0x0  }
0x5f: {  	s6 =	simm.s32 $0x300;
	[sflag:s26] =	ssyncadd.s32 $0xFFFFE800  }
0x60: {  	[tilespmem:s17], [sflag:$0x1] =	stream.indirect.gather [spmem:s3], $0x40, s6, s16, $0xb8;
	[tilespmem:$0x1E760] =	vst v63  }
0x61: {  	s7 =	simm.s32 $0x29A0  }
0x62: {  	[spmem:s2] =	stream.indirect.scatter.add.f32 [tilespmem:s20], [sflag:$0x7], $0x40, s7, s16, $0xb8;
	[tilespmem:$0x1E760] =	vst v63  }
0x63: {  	_ =	swait.ge [sflag:s30], $0x1800  }
0x64: {  	[sflag:s30] =	ssyncset.done $0x0  }
0x65: {  	[sflag:s30] =	ssyncadd.s32 $0xFFFFE800  }
0x66: {  	p0 =	por $0x0, $0x0;
	_ =	swait.ge [sflag:s31], $0x1800  }
0x67: {  	s0 =	simm.s32 @!p0 $0x66C0;
	[sflag:s31] =	ssyncset.done $0x0  }
0x68: {  	s1 =	simm.s32 @!p0 $0x360;
	s5 =	simm.s32 @!p0 $0x60;
	[sflag:s31] =	ssyncadd.s32 $0xFFFFE800  }
0x69: {  	[tilespmem:s0], [sflag:$0x2] =	stream.indirect.gather @!p0 [spmem:s3], $0x40, s1, s5, $0xb8;
	[tilespmem:$0x1E760] =	vst v63  }
0x6a: {  	s29 =	simm.s32 $0x600;
	s1 =	simm.s32 $0x2A00;
	s0 =	simm.s32 $0x2  }
.LBB2_2:
0x6b: {  	[spmem:s2] =	stream.indirect.scatter.add.f32 [tilespmem:s23], [sflag:$0x8], $0x40, s1, s16, $0xb8;
	[tilespmem:$0x1E760] =	vst v63  }
0x6c: {  	s1 =	smov.u32 s29;
	s29 =	sadd.s32 $0x600, s29;
	_ =	swait.ge [sflag:s19], $0x1800  }
0x6d: {  	p0 =	sne.s32 s29, $0x9600;
	[sflag:s19] =	ssyncset.done $0x0  }
0x6e: {  	[sflag:s19] =	ssyncadd.s32 $0xFFFFE800  }
0x6f: {  	_ =	swait.ge [sflag:s22], $0x1800  }
0x70: {  	s5 =	sshra.s32 s1, $0x2;
	[sflag:s22] =	ssyncset.done $0x0  }
0x71: {  	s6 =	sadd.s32 $0x240, s5;
	[sflag:s22] =	ssyncadd.s32 $0xFFFFE800  }
0x72: {  	[tilespmem:s20], [sflag:$0x3] =	stream.indirect.gather [spmem:s3], $0x40, s6, s16, $0xb8;
	[tilespmem:$0x1E760] =	vst v63  }
0x73: {  	s6 =	sadd.s32 $0x28E0, s5  }
0x74: {  	[spmem:s2] =	stream.indirect.scatter.add.f32 [tilespmem:s17], [sflag:$0x5], $0x40, s6, s16, $0xb8;
	[tilespmem:$0x1E760] =	vst v63  }
0x75: {  	_ =	swait.ge [sflag:s21], $0x1800  }
0x76: {  	[sflag:s21] =	ssyncset.done $0x0  }
0x77: {  	[sflag:s21] =	ssyncadd.s32 $0xFFFFE800  }
0x78: {  	_ =	swait.ge [sflag:s24], $0x1800  }
0x79: {  	[sflag:s24] =	ssyncset.done $0x0  }
0x7a: {  	s6 =	sadd.s32 $0x2A0, s5;
	[sflag:s24] =	ssyncadd.s32 $0xFFFFE800  }
0x7b: {  	[tilespmem:s23], [sflag:$0x4] =	stream.indirect.gather [spmem:s3], $0x40, s6, s16, $0xb8;
	[tilespmem:$0x1E760] =	vst v63  }
0x7c: {  	s6 =	sadd.s32 $0x2940, s5  }
0x7d: {  	[spmem:s2] =	stream.indirect.scatter.add.f32 [tilespmem:s18], [sflag:$0x6], $0x40, s6, s16, $0xb8;
	[tilespmem:$0x1E760] =	vst v63  }
0x7e: {  	_ =	swait.ge [sflag:s25], $0x1800  }
0x7f: {  	[sflag:s25] =	ssyncset.done $0x0  }
0x80: {  	[sflag:s25] =	ssyncadd.s32 $0xFFFFE800  }
0x81: {  	_ =	swait.ge [sflag:s26], $0x1800  }
0x82: {  	[sflag:s26] =	ssyncset.done $0x0  }
0x83: {  	s6 =	sadd.s32 $0x300, s5;
	[sflag:s26] =	ssyncadd.s32 $0xFFFFE800  }
0x84: {  	[tilespmem:s17], [sflag:$0x1] =	stream.indirect.gather [spmem:s3], $0x40, s6, s16, $0xb8;
	[tilespmem:$0x1E760] =	vst v63  }
0x85: {  	s6 =	sadd.s32 $0x29A0, s5  }
0x86: {  	[spmem:s2] =	stream.indirect.scatter.add.f32 [tilespmem:s20], [sflag:$0x7], $0x40, s6, s16, $0xb8;
	[tilespmem:$0x1E760] =	vst v63  }
0x87: {  	_ =	swait.ge [sflag:s30], $0x1800  }
0x88: {  	[sflag:s30] =	ssyncset.done $0x0  }
0x89: {  	[sflag:s30] =	ssyncadd.s32 $0xFFFFE800  }
.Ltmp0:
0x8a: {  	p1 =	sgt.u32 s0, $0x18;
	_ =	swait.ge [sflag:s31], $0x1800;
	(pc) =	sbr.rel @p0 .LBB2_2-.Ltmp0, $4  }
0x8b: {  	s1 =	sshra.s32 @!p1 s1, $0x2;
	s6 =	simm.s32 @!p1 $0x66C0;
	[sflag:s31] =	ssyncset.done $0x0  }
0x8c: {  	s7 =	simm.s32 @!p1 $0x60;
	s1 =	sadd.s32 @!p1 $0x360, s1;
	[sflag:s31] =	ssyncadd.s32 $0xFFFFE800  }
0x8d: {  	[tilespmem:s6], [sflag:$0x2] =	stream.indirect.gather @!p1 [spmem:s3], $0x40, s1, s7, $0xb8;
	[tilespmem:$0x1E760] =	vst v63  }
0x8e: {  	s0 =	sadd.s32 $0x1, s0;
	s1 =	sadd.s32 $0x2A00, s5  }
0x8f: {  	[spmem:s2] =	stream.indirect.scatter.add.f32 [tilespmem:s23], [sflag:$0x8], $0x40, s1, s16, $0xb8;
	[tilespmem:$0x1E760] =	vst v63  }
0x90: {  	_ =	swait.ge [sflag:s19], $0x1800  }
0x91: {  	[sflag:s19] =	ssyncset.done $0x0  }
0x92: {  	[sflag:s19] =	ssyncadd.s32 $0xFFFFE800  }
0x93: {  	_ =	swait.ge [sflag:s22], $0x1800  }
0x94: {  	s0 =	sshra.s32 s29, $0x2;
	[sflag:s22] =	ssyncset.done $0x0  }
0x95: {  	s0 =	sadd.s32 $0x28E0, s0;
	[sflag:s22] =	ssyncadd.s32 $0xFFFFE800  }
0x96: {  	[spmem:s2] =	stream.indirect.scatter.add.f32 [tilespmem:s17], [sflag:$0x5], $0x40, s0, s16, $0xb8;
	[tilespmem:$0x1E760] =	vst v63  }
0x97: {  	_ =	swait.ge [sflag:s24], $0x1800  }
0x98: {  	[sflag:s24] =	ssyncset.done $0x0  }
0x99: {  	[sflag:s24] =	ssyncadd.s32 $0xFFFFE800  }
0x9a: {  	_ =	swait.ge [sflag:s26], $0x1800  }
0x9b: {  	s28 =	sadd.s32 $0x1, s28;
	[sflag:s26] =	ssyncset.done $0x0  }
0x9c: {  	p0 =	sne.s32 s28, s10;
	[sflag:s26] =	ssyncadd.s32 $0xFFFFE800  }
.Ltmp1:
0x9d: {  	[bflag:$0x0] =	sbarrier.arrive $0xFFFF;
	(pc) =	sbr.rel @p0 .LBB2_1-.Ltmp1, $4  }
0x9e: {  	[hbm:s9], [sflag:s13] =	dma.local [spmem:s14], $0x1400  }
0x9f: {  	_ =	swait.ge [sflag:s11], $0x1400  }
0xa0: {  	[sflag:s11] =	ssyncset.done $0x0  }
0xa1: {  	[sflag:s11] =	ssyncadd.s32 $0xFFFFEC00  }
0xa2: {  	_ =	sfence.sel $0x180000  }
0xa3: {  	[bflag:$0x0] =	sbarrier.arrive $0xFFFF  }
0xa4: {  	_ =	strace $0x9000004D  }
0xa5: {  	s0 =	stileid.u32;
	[bflag:$0x2] =	sbarrier.arrive $0xFFFF  }
0xa6: {  	p0 =	sne.s32 s0, $0x0;
	s0 =	rddreg [dreg:$0x3]  }
0xa7: {  	s0 =	sadd.s32 @!p0 $0x100000, s0  }
0xa8: {  	[sflag:s0] =	ssyncadd.tile.s32 @!p0 $0x1;
	_ =	shalt  }
.Lfunc_end2:
_tile_overlayer_lowered:
.L_overlay_start_2:
0xa9: {  	(tag) =	ssettag $0x2  }
0xaa: {  	s0 =	rddreg [dreg:$0x0];
	s2 =	stileid.u32  }
0xab: {  	s1 =	rddreg [dreg:$0x1];
	p0 =	sne.s32 s2, $0x0  }
0xac: {  	s3 =	rddreg [dreg:$0x2];
	[bflag:$0x3] =	sbarrier.arrive $0xFFFF;
	s2 =	simm.s32 @!p0 $0x1C09  }
0xad: {  	[timem:s3], [sflag:s2] =	dma.local @!p0 [hbm:s0], s1  }
0xae: {  	s0 =	simm.s32 @!p0 $0x9  }
0xaf: {  	_ =	swait.ge @!p0 [sflag:s0], s1  }
0xb0: {  	s1 =	ssub.s32 @!p0 $0x0, s1;
	[sflag:s0] =	ssyncset.done @!p0 $0x0  }
0xb1: {  	[sflag:s0] =	ssyncadd.s32 @!p0 s1  }
0xb2: {  	[bflag:$0x3] =	sbarrier.arrive $0xFFFF  }
0xb3: {  	_ =	shalt  }

// kernel: kernel.23.cloned.1.call-start
scs
__scs_entry_jumppad:
0x0: {  	(pc) =	sbr.rel $0x88, $3  }
0x1: {  	(tag) =	ssettag $0x0;
	lr =	simm.s32 $0x1  }
0x2: {  	[smem:$0x3F7C] =	sst lr;
	_ =	strace $0xD0000000  }
0x3: {  	_ = 	snop  }
0x4: {  	_ = 	snop  }
0x5: {  	_ = 	snop  }
0x6: {  	_ = 	snop  }
0x7: {  	_ = 	snop  }
__scs_overlays_trampoline_lowered:
0x8: {  	[smem:$0x3F8B] =	sst s0  }
0x9: {  	[smem:$0x3F8C] =	sst s1  }
0xa: {  	[smem:$0x3F8D] =	sst s2  }
0xb: {  	[smem:$0x3F8E] =	sst s3  }
0xc: {  	[smem:$0x3F8F] =	sst s4  }
0xd: {  	[smem:$0x3F90] =	sst s5  }
0xe: {  	[smem:$0x3F91] =	sst s6  }
0xf: {  	[smem:$0x3F92] =	sst s7  }
0x10: {  	[smem:$0x3F93] =	sst s8  }
0x11: {  	[smem:$0x3F94] =	sst s9;
	s0 =	simm.s32 @!p0 $0x0  }
0x12: {  	s1 =	sld [smem:$0x3F7A];
	s0 =	simm.s32 @p0 $0x1  }
0x13: {  	[smem:$0x3F95] =	sst s0;
	s0 =	simm.s32 @!p1 $0x0  }
0x14: {  	s2 =	sld [smem:$0x3F79];
	s0 =	simm.s32 @p1 $0x1  }
0x15: {  	[smem:$0x3F96] =	sst s0;
	s0 =	simm.s32 @!p2 $0x0  }
0x16: {  	s3 =	sld [smem:$0x3FDB];
	s0 =	simm.s32 @p2 $0x1  }
0x17: {  	s4 =	simm.s32 $0x1BF5;
	[smem:$0x3F98] =	sst s0  }
0x18: {  	s0 =	sld [smem:$0x3F7B];
	_ =	swait.ge [sflag:s4], $0x0  }
0x19: {  	s7 =	sld [smem:$0x3F7C]  }
0x1a: {  	s8 =	sadd.s32 $0xFFFFE003, lr  }
0x1b: {  	s9 =	sadd.s32 $0xFFFFFEF7, lr;
	s5 =	simm.s32 $0xFFFFFFFF;
	p2 =	slt.u32 s8, $0xFFFFF086  }
0x1c: {  	p1 =	slt.u32 s9, $0xF7A;
	s5 =	simm.s32 @!p2 $0x0  }
0x1d: {  	s5 =	simm.s32 @p1 $0x1;
	p0 =	seq.s32 s7, s2  }
0x1e: {  	s7 =	smul.u32 @!p0 $0xF7A, s2;
	p2 =	seq.s32 @!p0 s5, $0x0  }
0x1f: {  	s9 =	smul.u32 $0xF7A, s1;
	s8 =	simm.s32 @!p0 $0x1BF5;
	p2 =	por !p2, p0  }
0x20: {  	[sflag:s8] =	ssyncset.s32 @!p0 $0xFFFFF086;
	s6 =	sadd.s32 @!p0 s3, s7;
	s7 =	simm.s32 @!p0 $0x108  }
0x21: {  	s3 =	sadd.s32 s3, s9;
	s6 =	sadd.s32 @!p0 $0x88, s6;
	s7 =	simm.s32 @p2 $0x1082  }
0x22: {  	[simem:s7], [sflag:s8] =	dma.local @!p0 [hbm:s6], $0xF7A  }
0x23: {  	s9 =	sor.u32 $0xD0000000, s2;
	s6 =	simm.s32 $0x108;
	_ =	swait.ge @!p0 [sflag:s8], $0x0  }
0x24: {  	s3 =	sadd.s32 $0x88, s3;
	s6 =	simm.s32 @!p1 $0x1082;
	[sflag:s4] =	ssyncset.s32 $0xFFFFF086  }
0x25: {  	[simem:s6], [sflag:s4] =	dma.local [hbm:s3], $0xF7A  }
0x26: {  	[smem:$0x3F7C] =	sst s1;
	(tag) =	ssettag s2;
	_ =	strace s9  }
0x27: {  	s1 =	sld [smem:$0x3F8C]  }
0x28: {  	s2 =	sld [smem:$0x3F8D]  }
0x29: {  	s4 =	sld [smem:$0x3F8F]  }
0x2a: {  	p0 =	seq.s32 s5, $0x0;
	s5 =	sld [smem:$0x3F90]  }
0x2b: {  	s6 =	sld [smem:$0x3F91]  }
0x2c: {  	s7 =	sld [smem:$0x3F92]  }
0x2d: {  	s3 =	simm.s32 $0x108;
	s8 =	sld [smem:$0x3F93]  }
0x2e: {  	s3 =	simm.s32 @!p0 $0x1082;
	s9 =	sld [smem:$0x3F94]  }
0x2f: {  	lr =	sadd.s32 s0, s3;
	s0 =	sld [smem:$0x3F8B]  }
0x30: {  	s3 =	sld [smem:$0x3F8E]  }
0x31: {  	[smem:$0x3F97] =	sst s10  }
0x32: {  	s10 =	sld [smem:$0x3F95];
	_ =	sdelay $0x3  }
0x33: {  	p0 =	seq.s32 s10, $0x1;
	s10 =	sld [smem:$0x3F97];
	_ =	sdelay $0x3  }
0x34: {  	[smem:$0x3F97] =	sst s10  }
0x35: {  	s10 =	sld [smem:$0x3F96];
	_ =	sdelay $0x3  }
0x36: {  	p1 =	seq.s32 s10, $0x1;
	s10 =	sld [smem:$0x3F97];
	_ =	sdelay $0x3  }
0x37: {  	[smem:$0x3F97] =	sst s10  }
0x38: {  	s10 =	sld [smem:$0x3F98]  }
0x39: {  	_ = 	snop;
	(pc) =	sbr.ind lr, $3  }
0x3a: {  	_ = 	snop  }
0x3b: {  	_ = 	snop  }
0x3c: {  	p2 =	seq.s32 s10, $0x1;
	s10 =	sld [smem:$0x3F97]  }
0x3d: {  	_ =	shalt  }
0x3e: {  	_ =	shalt  }
0x3f: {  	_ =	shalt  }
0x40: {  	_ =	shalt  }
0x41: {  	_ =	shalt  }
0x42: {  	_ =	shalt  }
0x43: {  	_ =	shalt  }
0x44: {  	_ =	shalt  }
0x45: {  	_ =	shalt  }
0x46: {  	_ =	shalt  }
0x47: {  	_ =	shalt  }
0x48: {  	_ =	shalt  }
0x49: {  	_ =	shalt  }
0x4a: {  	_ =	shalt  }
0x4b: {  	_ =	shalt  }
0x4c: {  	_ =	shalt  }
0x4d: {  	_ =	shalt  }
0x4e: {  	_ =	shalt  }
0x4f: {  	_ =	shalt  }
0x50: {  	_ =	shalt  }
0x51: {  	_ =	shalt  }
0x52: {  	_ =	shalt  }
0x53: {  	_ =	shalt  }
0x54: {  	_ =	shalt  }
0x55: {  	_ =	shalt  }
0x56: {  	_ =	shalt  }
0x57: {  	_ =	shalt  }
0x58: {  	_ =	shalt  }
0x59: {  	_ =	shalt  }
0x5a: {  	_ =	shalt  }
0x5b: {  	_ =	shalt  }
0x5c: {  	_ =	shalt  }
0x5d: {  	_ =	shalt  }
0x5e: {  	_ =	shalt  }
0x5f: {  	_ =	shalt  }
0x60: {  	_ =	shalt  }
0x61: {  	_ =	shalt  }
0x62: {  	_ =	shalt  }
0x63: {  	_ =	shalt  }
0x64: {  	_ =	shalt  }
0x65: {  	_ =	shalt  }
0x66: {  	_ =	shalt  }
0x67: {  	_ =	shalt  }
0x68: {  	_ =	shalt  }
0x69: {  	_ =	shalt  }
0x6a: {  	_ =	shalt  }
0x6b: {  	_ =	shalt  }
0x6c: {  	_ =	shalt  }
0x6d: {  	_ =	shalt  }
0x6e: {  	_ =	shalt  }
0x6f: {  	_ =	shalt  }
0x70: {  	_ =	shalt  }
0x71: {  	_ =	shalt  }
0x72: {  	_ =	shalt  }
0x73: {  	_ =	shalt  }
0x74: {  	_ =	shalt  }
0x75: {  	_ =	shalt  }
0x76: {  	_ =	shalt  }
0x77: {  	_ =	shalt  }
0x78: {  	_ =	shalt  }
0x79: {  	_ =	shalt  }
0x7a: {  	_ =	shalt  }
0x7b: {  	_ =	shalt  }
0x7c: {  	_ =	shalt  }
0x7d: {  	_ =	shalt  }
0x7e: {  	_ =	shalt  }
0x7f: {  	_ =	shalt  }
0x80: {  	_ =	shalt  }
0x81: {  	_ =	shalt  }
0x82: {  	_ =	shalt  }
0x83: {  	_ =	shalt  }
0x84: {  	_ =	shalt  }
0x85: {  	_ =	shalt  }
0x86: {  	_ =	shalt  }
0x87: {  	_ =	shalt  }
.Lfunc_end0:
.L_simem_size_0:
called_computation.3_lowered:
.L_overlay_start_0:
0x88: {  	s2 =	sld [smem:$0x3FD9]  }
0x89: {  	s3 =	sld [smem:$0x3FFE];
	_ =	sdelay $0x1  }
0x8a: {  	s1 =	srdreg.scid  }
0x8b: {  	s0 =	sand.u32 $0x1, s1  }
0x8c: {  	s16 =	sshll.u32 s0, $0xA;
	s2 =	sadd.s32 s3, s2  }
0x8d: {  	s2 =	sadd.s32 s2, s16  }
0x8e: {  	[smem:$0x3FA3] =	sst s2  }
0x8f: {  	_ = 	snop  }
0x90: {  	(tm) =	ssettm $0x1  }
0x91: {  	s17 =	sld [smem:$0x3FFB];
	_ =	sdelay $0x3  }
0x92: {  	_ =	strace s17  }
0x93: {  	s2 =	sld [smem:$0x3FFC];
	_ =	sdelay $0x3  }
0x94: {  	_ =	strace s2  }
0x95: {  	s2 =	sld [smem:$0x3FFD];
	_ =	sdelay $0x3  }
0x96: {  	_ =	strace s2  }
0x97: {  	_ =	strace $0x8FFFFFFF  }
0x98: {  	s18 =	sld [smem:$0x3FDB];
	_ =	sdelay $0x1  }
0x99: {  	s19 =	simm.s32 $_scs_section_size  }
0x9a: {  	s4 =	simm.s32 $_size__tile_overlayer_lowered;
	s5 =	simm.s32 $_tile_overlayer_lowered  }
0x9b: {  	s22 =	simm.s32 $0x1BFF;
	s21 =	sshll.u32 s5, $0x1;
	s2 =	sadd.s32 s19, s18  }
0x9c: {  	s6 =	simm.s32 $0x0;
	s20 =	sshll.u32 s4, $0x1;
	s4 =	sadd.s32 s21, s2  }
0x9d: {  	[timem:s6], [sflag:s22] =	dma.local [hbm:s4], s20  }
0x9e: {  	_ =	swait.ge [sflag:s22], s20  }
0x9f: {  	s3 =	ssub.s32 $0x0, s20;
	[sflag:s22] =	ssyncset.done $0x0  }
0xa0: {  	[sflag:s22] =	ssyncadd.s32 s3;
	_ =	sdelay $0x1  }
0xa1: {  	s23 =	simm.s32 $0x1B8B  }
0xa2: {  	_ =	swait.ge [sflag:s23], $0x1  }
0xa3: {  	[sflag:s23] =	ssyncset.done $0x0  }
0xa4: {  	s25 =	simm.s32 $0x1B8E;
	s24 =	sld [smem:$0x3FFE];
	[sflag:s23] =	ssyncadd.s32 $0xFFFFFFFF  }
0xa5: {  	s26 =	simm.s32 $execute0_lowered;
	[smem:$0x3FD2] =	sst s25  }
0xa6: {  	s4 =	sshll.u32 s26, $0x1;
	_ =	strace $0x8000004F;
	[dreg:$0x1] =	wrdreg $0xFFFFFFFF  }
0xa7: {  	s28 =	simm.s32 $_size_execute0_lowered;
	s2 =	sadd.s32 s2, s4;
	[dreg:$0x0] =	wrdreg $0x0  }
0xa8: {  	s4 =	sshll.u32 s28, $0x1;
	[dreg:$0x2] =	wrdreg s2  }
0xa9: {  	[dreg:$0x3] =	wrdreg s4  }
0xaa: {  	[dreg:$0x4] =	wrdreg $0xC0  }
0xab: {  	_ =	task [dreg:s6], $0x5FFFF  }
0xac: {  	[dreg:$0x1] =	wrdreg $0xFFFFFFFF  }
0xad: {  	[dreg:$0x0] =	wrdreg $0x60  }
0xae: {  	[dreg:$0x2] =	wrdreg s24  }
0xaf: {  	[dreg:$0x3] =	wrdreg $0xAEC00  }
0xb0: {  	[dreg:$0x4] =	wrdreg $0x14B200  }
0xb1: {  	[dreg:$0x5] =	wrdreg $0x9  }
0xb2: {  	_ =	task.clear_ibuf [dreg:s6], $0x6FFFF;
	_ =	strace $0x9000004F  }
0xb3: {  	s29 =	simm.s32 $0x9;
	_ =	strace $0x80000051  }
0xb4: {  	_ =	swait.ge [sflag:s29], $0x1  }
0xb5: {  	[sflag:s29] =	ssyncadd.s32 $0xFFFFFFFF  }
0xb6: {  	_ =	strace $0x90000051  }
0xb7: {  	_ =	sfence  }
0xb8: {  	s30 =	sld [smem:$0x0];
	_ =	sdelay $0x2  }
0xb9: {  	s31 =	sshll.u32 s1, $0xD;
	s1 =	sshrl.u32 s1, $0x2  }
0xba: {  	s3 =	sand.u32 $0x4000, s31;
	s1 =	sadd.s32 s1, s30  }
0xbb: {  	s0 =	sor.u32 s3, s0;
	s1 =	sshll.u32 s1, $0x11  }
0xbc: {  	s0 =	sor.u32 s1, s0  }
0xbd: {  	s0 =	sadd.s32 $0x8F2B, s0  }
0xbe: {  	[sflag:s0] =	ssyncadd.remote.s32 $0x1  }
0xbf: {  	_ =	sfence.sel $0xFFFF  }
0xc0: {  	[dreg:$0x0] =	wrdreg $0xFFFFFFFF;
	(pc) =	sbr.abs _section_cstart, $3  }
0xc1: {  	[dreg:$0x1] =	wrdreg $0xFFFFFFFF  }
0xc2: {  	_ =	task.clear_ibuf [dreg:s6], $0x2FFFF;
	_ =	strace $0x9FFFFFFF  }
0xc3: {  	(tm) =	ssettm $0x7FFFFFFF  }
tec
execute0_lowered:
.L_overlay_start_1:
0x0: {  	(tag) =	ssettag $0x1  }
0x1: {  	s0 =	rddreg [dreg:$0x0]  }
0x2: {  	s2 =	rddreg [dreg:$0x1]  }
0x3: {  	s3 =	rddreg [dreg:$0x2]  }
0x4: {  	s13 =	stileid.u32;
	s1 =	srdreg.scid;
	s4 =	simm.s32 $0x0  }
0x5: {  	s11 =	simm.s32 $0x9;
	s12 =	simm.s32 $0x2760;
	s16 =	simm.s32 $0x60  }
0x6: {  	s17 =	simm.s32 $0x4EC0;
	s18 =	simm.s32 $0x66C0;
	s20 =	simm.s32 $0x7EC0  }
0x7: {  	s21 =	simm.s32 $0x2;
	s23 =	simm.s32 $0x96C0;
	s30 =	simm.s32 $0x4  }
0x8: {  	s31 =	simm.s32 $0x6;
	s19 =	simm.s32 $0x1;
	s22 =	simm.s32 $0x7  }
0x9: {  	s28 =	simm.s32 $0x0;
	s5 =	smul.u32 $0x9C00, s13;
	s1 =	sand.u32 $0x1, s1  }
0xa: {  	[smem:$0x7FF] =	sst s4;
	s6 =	sshll.u32 s13, $0x1;
	s29 =	sshll.u32 s13, $0x6  }
0xb: {  	s7 =	smul.u32 $0x9C400, s1;
	_ =	strace $0x80000050;
	s6 =	sor.u32 s1, s6  }
0xc: {  	s1 =	ssub.s32 $0x2, s1;
	s13 =	sor.u32 $0x1C09, s29;
	s8 =	sshrl.u32 s5, $0x3  }
0xd: {  	s6 =	smul.u32 $0x4EC, s6;
	s24 =	sshrl.u32 s1, $0x1;
	s14 =	sadd.s32 s5, s2  }
0xe: {  	s7 =	sadd.s32 s5, s7;
	s8 =	sadd.s32 s8, s0;
	s1 =	ssub.s32 s1, s24  }
0xf: {  	s5 =	sadd.s32 s5, s3;
	s14 =	sshrl.u32 s14, $0x3;
	s24 =	simm.s32 $0x8  }
0x10: {  	s7 =	sshrl.u32 s7, $0x3;
	s6 =	sadd.s32 s6, s0;
	s26 =	sadd.s32 $0x19800, s8  }
0x11: {  	s8 =	sadd.s32 $0x5E00, s8;
	s10 =	smax.u32 s1, $0x1;
	s15 =	sshrl.u32 s5, $0x3  }
0x12: {  	s0 =	sadd.s32 s7, s0;
	s25 =	sadd.s32 $0x4AE00, s6;
	[dreg:$0x6] =	wrdreg s26  }
0x13: {  	s6 =	sadd.s32 $0x41000, s6;
	s26 =	simm.s32 $0x5;
	[dreg:$0x4] =	wrdreg s25  }
0x14: {  	[dreg:$0x5] =	wrdreg s6;
	s9 =	sadd.s32 $0x54C00, s0;
	s25 =	simm.s32 $0x3  }
.LBB2_1:
0x15: {  	s0 =	rddreg [dreg:$0x4]  }
0x16: {  	[tilespmem:s4], [sflag:$0x9] =	stream.linear.gather [hbm4b:s0+s4], $0x2760, $0x38;
	[tilespmem:$0x1E760] =	vst v63  }
0x17: {  	_ =	swait.ge [sflag:s11], $0x2760  }
0x18: {  	[sflag:s11] =	ssyncset.done $0x0  }
0x19: {  	s5 =	rddreg [dreg:$0x5];
	[sflag:s11] =	ssyncadd.s32 $0xFFFFD8A0  }
0x1a: {  	[tilespmem:s12], [sflag:$0x9] =	stream.linear.gather [hbm4b:s5+s4], $0x2760, $0x38;
	[tilespmem:$0x1E760] =	vst v63  }
0x1b: {  	_ =	swait.ge [sflag:s11], $0x2760  }
0x1c: {  	[sflag:s11] =	ssyncset.done $0x0  }
0x1d: {  	s6 =	rddreg [dreg:$0x6];
	[sflag:s11] =	ssyncadd.s32 $0xFFFFD8A0  }
0x1e: {  	[spmem:s14], [sflag:s13] =	dma.local [hbm:s6], $0x1400  }
0x1f: {  	_ =	swait.ge [sflag:s11], $0x1400  }
0x20: {  	[sflag:s11] =	ssyncset.done $0x0  }
0x21: {  	[sflag:s11] =	ssyncadd.s32 $0xFFFFEC00  }
0x22: {  	[spmem:s15], [sflag:s13] =	dma.local [hbm:s8], $0x1400  }
0x23: {  	_ =	swait.ge [sflag:s11], $0x1400  }
0x24: {  	[sflag:s11] =	ssyncset.done $0x0  }
0x25: {  	[sflag:s11] =	ssyncadd.s32 $0xFFFFEC00  }
0x26: {  	[bflag:$0x0] =	sbarrier.arrive $0xFFFF  }
0x27: {  	[tilespmem:s17], [sflag:$0x1] =	stream.indirect.gather [spmem:s3], $0x40, s4, s16, $0xb8;
	[tilespmem:$0x1E760] =	vst v63  }
0x28: {  	_ = 	snop  }
0x29: {  	[tilespmem:s18], [sflag:$0x2] =	stream.indirect.gather [spmem:s3], $0x40, s16, s16, $0xb8;
	[tilespmem:$0x1E760] =	vst v63  }
0x2a: {  	_ =	swait.ge [sflag:s19], $0x1800  }
0x2b: {  	[sflag:s19] =	ssyncset.done $0x0  }
0x2c: {  	s7 =	simm.s32 $0xC0;
	[sflag:s19] =	ssyncadd.s32 $0xFFFFE800  }
0x2d: {  	[tilespmem:s20], [sflag:$0x3] =	stream.indirect.gather [spmem:s3], $0x40, s7, s16, $0xb8;
	[tilespmem:$0x1E760] =	vst v63  }
0x2e: {  	_ = 	snop  }
0x2f: {  	[spmem:s2] =	stream.indirect.scatter.add.f32 [tilespmem:s17], [sflag:$0x5], $0x40, s12, s16, $0xb8;
	[tilespmem:$0x1E760] =	vst v63  }
0x30: {  	_ =	swait.ge [sflag:s21], $0x1800  }
0x31: {  	[sflag:s21] =	ssyncset.done $0x0  }
0x32: {  	s1 =	simm.s32 $0x120;
	[sflag:s21] =	ssyncadd.s32 $0xFFFFE800  }
0x33: {  	[tilespmem:s23], [sflag:$0x4] =	stream.indirect.gather [spmem:s3], $0x40, s1, s16, $0xb8;
	[tilespmem:$0x1E760] =	vst v63  }
0x34: {  	s5 =	simm.s32 $0x27C0  }
0x35: {  	[spmem:s2] =	stream.indirect.scatter.add.f32 [tilespmem:s18], [sflag:$0x6], $0x40, s5, s16, $0xb8;
	[tilespmem:$0x1E760] =	vst v63  }
0x36: {  	_ =	swait.ge [sflag:s25], $0x1800  }
0x37: {  	[sflag:s25] =	ssyncset.done $0x0  }
0x38: {  	[sflag:s25] =	ssyncadd.s32 $0xFFFFE800  }
0x39: {  	_ =	swait.ge [sflag:s26], $0x1800  }
0x3a: {  	[sflag:s26] =	ssyncset.done $0x0  }
0x3b: {  	s6 =	simm.s32 $0x180;
	[sflag:s26] =	ssyncadd.s32 $0xFFFFE800  }
0x3c: {  	[tilespmem:s17], [sflag:$0x1] =	stream.indirect.gather [spmem:s3], $0x40, s6, s16, $0xb8;
	[tilespmem:$0x1E760] =	vst v63  }
0x3d: {  	s7 =	simm.s32 $0x2820  }
0x3e: {  	[spmem:s2] =	stream.indirect.scatter.add.f32 [tilespmem:s20], [sflag:$0x7], $0x40, s7, s16, $0xb8;
	[tilespmem:$0x1E760] =	vst v63  }
0x3f: {  	_ =	swait.ge [sflag:s30], $0x1800  }
0x40: {  	[sflag:s30] =	ssyncset.done $0x0  }
0x41: {  	[sflag:s30] =	ssyncadd.s32 $0xFFFFE800  }
0x42: {  	_ =	swait.ge [sflag:s31], $0x1800  }
0x43: {  	[sflag:s31] =	ssyncset.done $0x0  }
0x44: {  	s1 =	simm.s32 $0x1E0;
	[sflag:s31] =	ssyncadd.s32 $0xFFFFE800  }
0x45: {  	[tilespmem:s18], [sflag:$0x2] =	stream.indirect.gather [spmem:s3], $0x40, s1, s16, $0xb8;
	[tilespmem:$0x1E760] =	vst v63  }
0x46: {  	s5 =	simm.s32 $0x2880  }
0x47: {  	[spmem:s2] =	stream.indirect.scatter.add.f32 [tilespmem:s23], [sflag:$0x8], $0x40, s5, s16, $0xb8;
	[tilespmem:$0x1E760] =	vst v63  }
0x48: {  	_ =	swait.ge [sflag:s19], $0x1800  }
0x49: {  	[sflag:s19] =	ssyncset.done $0x0  }
0x4a: {  	[sflag:s19] =	ssyncadd.s32 $0xFFFFE800  }
0x4b: {  	_ =	swait.ge [sflag:s22], $0x1800  }
0x4c: {  	[sflag:s22] =	ssyncset.done $0x0  }
0x4d: {  	s6 =	simm.s32 $0x240;
	[sflag:s22] =	ssyncadd.s32 $0xFFFFE800  }
0x4e: {  	[tilespmem:s20], [sflag:$0x3] =	stream.indirect.gather [spmem:s3], $0x40, s6, s16, $0xb8;
	[tilespmem:$0x1E760] =	vst v63  }
0x4f: {  	s7 =	simm.s32 $0x28E0  }
0x50: {  	[spmem:s2] =	stream.indirect.scatter.add.f32 [tilespmem:s17], [sflag:$0x5], $0x40, s7, s16, $0xb8;
	[tilespmem:$0x1E760] =	vst v63  }
0x51: {  	_ =	swait.ge [sflag:s21], $0x1800  }
0x52: {  	[sflag:s21] =	ssyncset.done $0x0  }
0x53: {  	[sflag:s21] =	ssyncadd.s32 $0xFFFFE800  }
0x54: {  	_ =	swait.ge [sflag:s24], $0x1800  }
0x55: {  	[sflag:s24] =	ssyncset.done $0x0  }
0x56: {  	s1 =	simm.s32 $0x2A0;
	[sflag:s24] =	ssyncadd.s32 $0xFFFFE800  }
0x57: {  	[tilespmem:s23], [sflag:$0x4] =	stream.indirect.gather [spmem:s3], $0x40, s1, s16, $0xb8;
	[tilespmem:$0x1E760] =	vst v63  }
0x58: {  	s5 =	simm.s32 $0x2940  }
0x59: {  	[spmem:s2] =	stream.indirect.scatter.add.f32 [tilespmem:s18], [sflag:$0x6], $0x40, s5, s16, $0xb8;
	[tilespmem:$0x1E760] =	vst v63  }
0x5a: {  	_ =	swait.ge [sflag:s25], $0x1800  }
0x5b: {  	[sflag:s25] =	ssyncset.done $0x0  }
0x5c: {  	[sflag:s25] =	ssyncadd.s32 $0xFFFFE800  }
0x5d: {  	_ =	swait.ge [sflag:s26], $0x1800  }
0x5e: {  	[sflag:s26] =	ssyncset.done $0x0  }
0x5f: {  	s6 =	simm.s32 $0x300;
	[sflag:s26] =	ssyncadd.s32 $0xFFFFE800  }
0x60: {  	[tilespmem:s17], [sflag:$0x1] =	stream.indirect.gather [spmem:s3], $0x40, s6, s16, $0xb8;
	[tilespmem:$0x1E760] =	vst v63  }
0x61: {  	s7 =	simm.s32 $0x29A0  }
0x62: {  	[spmem:s2] =	stream.indirect.scatter.add.f32 [tilespmem:s20], [sflag:$0x7], $0x40, s7, s16, $0xb8;
	[tilespmem:$0x1E760] =	vst v63  }
0x63: {  	_ =	swait.ge [sflag:s30], $0x1800  }
0x64: {  	[sflag:s30] =	ssyncset.done $0x0  }
0x65: {  	[sflag:s30] =	ssyncadd.s32 $0xFFFFE800  }
0x66: {  	p0 =	por $0x0, $0x0;
	_ =	swait.ge [sflag:s31], $0x1800  }
0x67: {  	s0 =	simm.s32 @!p0 $0x66C0;
	[sflag:s31] =	ssyncset.done $0x0  }
0x68: {  	s1 =	simm.s32 @!p0 $0x360;
	s5 =	simm.s32 @!p0 $0x60;
	[sflag:s31] =	ssyncadd.s32 $0xFFFFE800  }
0x69: {  	[tilespmem:s0], [sflag:$0x2] =	stream.indirect.gather @!p0 [spmem:s3], $0x40, s1, s5, $0xb8;
	[tilespmem:$0x1E760] =	vst v63  }
0x6a: {  	s29 =	simm.s32 $0x600;
	s1 =	simm.s32 $0x2A00;
	s0 =	simm.s32 $0x2  }
.LBB2_2:
0x6b: {  	[spmem:s2] =	stream.indirect.scatter.add.f32 [tilespmem:s23], [sflag:$0x8], $0x40, s1, s16, $0xb8;
	[tilespmem:$0x1E760] =	vst v63  }
0x6c: {  	s1 =	smov.u32 s29;
	s29 =	sadd.s32 $0x600, s29;
	_ =	swait.ge [sflag:s19], $0x1800  }
0x6d: {  	p0 =	sne.s32 s29, $0x9600;
	[sflag:s19] =	ssyncset.done $0x0  }
0x6e: {  	[sflag:s19] =	ssyncadd.s32 $0xFFFFE800  }
0x6f: {  	_ =	swait.ge [sflag:s22], $0x1800  }
0x70: {  	s5 =	sshra.s32 s1, $0x2;
	[sflag:s22] =	ssyncset.done $0x0  }
0x71: {  	s6 =	sadd.s32 $0x240, s5;
	[sflag:s22] =	ssyncadd.s32 $0xFFFFE800  }
0x72: {  	[tilespmem:s20], [sflag:$0x3] =	stream.indirect.gather [spmem:s3], $0x40, s6, s16, $0xb8;
	[tilespmem:$0x1E760] =	vst v63  }
0x73: {  	s6 =	sadd.s32 $0x28E0, s5  }
0x74: {  	[spmem:s2] =	stream.indirect.scatter.add.f32 [tilespmem:s17], [sflag:$0x5], $0x40, s6, s16, $0xb8;
	[tilespmem:$0x1E760] =	vst v63  }
0x75: {  	_ =	swait.ge [sflag:s21], $0x1800  }
0x76: {  	[sflag:s21] =	ssyncset.done $0x0  }
0x77: {  	[sflag:s21] =	ssyncadd.s32 $0xFFFFE800  }
0x78: {  	_ =	swait.ge [sflag:s24], $0x1800  }
0x79: {  	[sflag:s24] =	ssyncset.done $0x0  }
0x7a: {  	s6 =	sadd.s32 $0x2A0, s5;
	[sflag:s24] =	ssyncadd.s32 $0xFFFFE800  }
0x7b: {  	[tilespmem:s23], [sflag:$0x4] =	stream.indirect.gather [spmem:s3], $0x40, s6, s16, $0xb8;
	[tilespmem:$0x1E760] =	vst v63  }
0x7c: {  	s6 =	sadd.s32 $0x2940, s5  }
0x7d: {  	[spmem:s2] =	stream.indirect.scatter.add.f32 [tilespmem:s18], [sflag:$0x6], $0x40, s6, s16, $0xb8;
	[tilespmem:$0x1E760] =	vst v63  }
0x7e: {  	_ =	swait.ge [sflag:s25], $0x1800  }
0x7f: {  	[sflag:s25] =	ssyncset.done $0x0  }
0x80: {  	[sflag:s25] =	ssyncadd.s32 $0xFFFFE800  }
0x81: {  	_ =	swait.ge [sflag:s26], $0x1800  }
0x82: {  	[sflag:s26] =	ssyncset.done $0x0  }
0x83: {  	s6 =	sadd.s32 $0x300, s5;
	[sflag:s26] =	ssyncadd.s32 $0xFFFFE800  }
0x84: {  	[tilespmem:s17], [sflag:$0x1] =	stream.indirect.gather [spmem:s3], $0x40, s6, s16, $0xb8;
	[tilespmem:$0x1E760] =	vst v63  }
0x85: {  	s6 =	sadd.s32 $0x29A0, s5  }
0x86: {  	[spmem:s2] =	stream.indirect.scatter.add.f32 [tilespmem:s20], [sflag:$0x7], $0x40, s6, s16, $0xb8;
	[tilespmem:$0x1E760] =	vst v63  }
0x87: {  	_ =	swait.ge [sflag:s30], $0x1800  }
0x88: {  	[sflag:s30] =	ssyncset.done $0x0  }
0x89: {  	[sflag:s30] =	ssyncadd.s32 $0xFFFFE800  }
.Ltmp0:
0x8a: {  	p1 =	sgt.u32 s0, $0x18;
	_ =	swait.ge [sflag:s31], $0x1800;
	(pc) =	sbr.rel @p0 .LBB2_2-.Ltmp0, $4  }
0x8b: {  	s1 =	sshra.s32 @!p1 s1, $0x2;
	s6 =	simm.s32 @!p1 $0x66C0;
	[sflag:s31] =	ssyncset.done $0x0  }
0x8c: {  	s7 =	simm.s32 @!p1 $0x60;
	s1 =	sadd.s32 @!p1 $0x360, s1;
	[sflag:s31] =	ssyncadd.s32 $0xFFFFE800  }
0x8d: {  	[tilespmem:s6], [sflag:$0x2] =	stream.indirect.gather @!p1 [spmem:s3], $0x40, s1, s7, $0xb8;
	[tilespmem:$0x1E760] =	vst v63  }
0x8e: {  	s0 =	sadd.s32 $0x1, s0;
	s1 =	sadd.s32 $0x2A00, s5  }
0x8f: {  	[spmem:s2] =	stream.indirect.scatter.add.f32 [tilespmem:s23], [sflag:$0x8], $0x40, s1, s16, $0xb8;
	[tilespmem:$0x1E760] =	vst v63  }
0x90: {  	_ =	swait.ge [sflag:s19], $0x1800  }
0x91: {  	[sflag:s19] =	ssyncset.done $0x0  }
0x92: {  	[sflag:s19] =	ssyncadd.s32 $0xFFFFE800  }
0x93: {  	_ =	swait.ge [sflag:s22], $0x1800  }
0x94: {  	s0 =	sshra.s32 s29, $0x2;
	[sflag:s22] =	ssyncset.done $0x0  }
0x95: {  	s0 =	sadd.s32 $0x28E0, s0;
	[sflag:s22] =	ssyncadd.s32 $0xFFFFE800  }
0x96: {  	[spmem:s2] =	stream.indirect.scatter.add.f32 [tilespmem:s17], [sflag:$0x5], $0x40, s0, s16, $0xb8;
	[tilespmem:$0x1E760] =	vst v63  }
0x97: {  	_ =	swait.ge [sflag:s24], $0x1800  }
0x98: {  	[sflag:s24] =	ssyncset.done $0x0  }
0x99: {  	[sflag:s24] =	ssyncadd.s32 $0xFFFFE800  }
0x9a: {  	_ =	swait.ge [sflag:s26], $0x1800  }
0x9b: {  	s28 =	sadd.s32 $0x1, s28;
	[sflag:s26] =	ssyncset.done $0x0  }
0x9c: {  	p0 =	sne.s32 s28, s10;
	[sflag:s26] =	ssyncadd.s32 $0xFFFFE800  }
.Ltmp1:
0x9d: {  	[bflag:$0x0] =	sbarrier.arrive $0xFFFF;
	(pc) =	sbr.rel @p0 .LBB2_1-.Ltmp1, $4  }
0x9e: {  	[hbm:s9], [sflag:s13] =	dma.local [spmem:s14], $0x1400  }
0x9f: {  	_ =	swait.ge [sflag:s11], $0x1400  }
0xa0: {  	[sflag:s11] =	ssyncset.done $0x0  }
0xa1: {  	[sflag:s11] =	ssyncadd.s32 $0xFFFFEC00  }
0xa2: {  	_ =	sfence.sel $0x180000  }
0xa3: {  	[bflag:$0x0] =	sbarrier.arrive $0xFFFF  }
0xa4: {  	_ =	strace $0x90000050  }
0xa5: {  	s0 =	stileid.u32;
	[bflag:$0x2] =	sbarrier.arrive $0xFFFF  }
0xa6: {  	p0 =	sne.s32 s0, $0x0;
	s0 =	rddreg [dreg:$0x3]  }
0xa7: {  	s0 =	sadd.s32 @!p0 $0x100000, s0  }
0xa8: {  	[sflag:s0] =	ssyncadd.tile.s32 @!p0 $0x1;
	_ =	shalt  }
.Lfunc_end2:
_tile_overlayer_lowered:
.L_overlay_start_2:
0xa9: {  	(tag) =	ssettag $0x2  }
0xaa: {  	s0 =	rddreg [dreg:$0x0];
	s2 =	stileid.u32  }
0xab: {  	s1 =	rddreg [dreg:$0x1];
	p0 =	sne.s32 s2, $0x0  }
0xac: {  	s3 =	rddreg [dreg:$0x2];
	[bflag:$0x3] =	sbarrier.arrive $0xFFFF;
	s2 =	simm.s32 @!p0 $0x1C09  }
0xad: {  	[timem:s3], [sflag:s2] =	dma.local @!p0 [hbm:s0], s1  }
0xae: {  	s0 =	simm.s32 @!p0 $0x9  }
0xaf: {  	_ =	swait.ge @!p0 [sflag:s0], s1  }
0xb0: {  	s1 =	ssub.s32 @!p0 $0x0, s1;
	[sflag:s0] =	ssyncset.done @!p0 $0x0  }
0xb1: {  	[sflag:s0] =	ssyncadd.s32 @!p0 s1  }
0xb2: {  	[bflag:$0x3] =	sbarrier.arrive $0xFFFF  }
0xb3: {  	_ =	shalt  }

// kernel: kernel.26.cloned.1.call-start
scs
__scs_entry_jumppad:
0x0: {  	(pc) =	sbr.rel $0x88, $3  }
0x1: {  	(tag) =	ssettag $0x0;
	lr =	simm.s32 $0x1  }
0x2: {  	[smem:$0x3F7C] =	sst lr;
	_ =	strace $0xD0000000  }
0x3: {  	_ = 	snop  }
0x4: {  	_ = 	snop  }
0x5: {  	_ = 	snop  }
0x6: {  	_ = 	snop  }
0x7: {  	_ = 	snop  }
__scs_overlays_trampoline_lowered:
0x8: {  	[smem:$0x3F8B] =	sst s0  }
0x9: {  	[smem:$0x3F8C] =	sst s1  }
0xa: {  	[smem:$0x3F8D] =	sst s2  }
0xb: {  	[smem:$0x3F8E] =	sst s3  }
0xc: {  	[smem:$0x3F8F] =	sst s4  }
0xd: {  	[smem:$0x3F90] =	sst s5  }
0xe: {  	[smem:$0x3F91] =	sst s6  }
0xf: {  	[smem:$0x3F92] =	sst s7  }
0x10: {  	[smem:$0x3F93] =	sst s8  }
0x11: {  	[smem:$0x3F94] =	sst s9;
	s0 =	simm.s32 @!p0 $0x0  }
0x12: {  	s1 =	sld [smem:$0x3F7A];
	s0 =	simm.s32 @p0 $0x1  }
0x13: {  	[smem:$0x3F95] =	sst s0;
	s0 =	simm.s32 @!p1 $0x0  }
0x14: {  	s2 =	sld [smem:$0x3F79];
	s0 =	simm.s32 @p1 $0x1  }
0x15: {  	[smem:$0x3F96] =	sst s0;
	s0 =	simm.s32 @!p2 $0x0  }
0x16: {  	s3 =	sld [smem:$0x3FDB];
	s0 =	simm.s32 @p2 $0x1  }
0x17: {  	s4 =	simm.s32 $0x1BF5;
	[smem:$0x3F98] =	sst s0  }
0x18: {  	s0 =	sld [smem:$0x3F7B];
	_ =	swait.ge [sflag:s4], $0x0  }
0x19: {  	s7 =	sld [smem:$0x3F7C]  }
0x1a: {  	s8 =	sadd.s32 $0xFFFFE003, lr  }
0x1b: {  	s9 =	sadd.s32 $0xFFFFFEF7, lr;
	s5 =	simm.s32 $0xFFFFFFFF;
	p2 =	slt.u32 s8, $0xFFFFF086  }
0x1c: {  	p1 =	slt.u32 s9, $0xF7A;
	s5 =	simm.s32 @!p2 $0x0  }
0x1d: {  	s5 =	simm.s32 @p1 $0x1;
	p0 =	seq.s32 s7, s2  }
0x1e: {  	s7 =	smul.u32 @!p0 $0xF7A, s2;
	p2 =	seq.s32 @!p0 s5, $0x0  }
0x1f: {  	s9 =	smul.u32 $0xF7A, s1;
	s8 =	simm.s32 @!p0 $0x1BF5;
	p2 =	por !p2, p0  }
0x20: {  	[sflag:s8] =	ssyncset.s32 @!p0 $0xFFFFF086;
	s6 =	sadd.s32 @!p0 s3, s7;
	s7 =	simm.s32 @!p0 $0x108  }
0x21: {  	s3 =	sadd.s32 s3, s9;
	s6 =	sadd.s32 @!p0 $0x88, s6;
	s7 =	simm.s32 @p2 $0x1082  }
0x22: {  	[simem:s7], [sflag:s8] =	dma.local @!p0 [hbm:s6], $0xF7A  }
0x23: {  	s9 =	sor.u32 $0xD0000000, s2;
	s6 =	simm.s32 $0x108;
	_ =	swait.ge @!p0 [sflag:s8], $0x0  }
0x24: {  	s3 =	sadd.s32 $0x88, s3;
	s6 =	simm.s32 @!p1 $0x1082;
	[sflag:s4] =	ssyncset.s32 $0xFFFFF086  }
0x25: {  	[simem:s6], [sflag:s4] =	dma.local [hbm:s3], $0xF7A  }
0x26: {  	[smem:$0x3F7C] =	sst s1;
	(tag) =	ssettag s2;
	_ =	strace s9  }
0x27: {  	s1 =	sld [smem:$0x3F8C]  }
0x28: {  	s2 =	sld [smem:$0x3F8D]  }
0x29: {  	s4 =	sld [smem:$0x3F8F]  }
0x2a: {  	p0 =	seq.s32 s5, $0x0;
	s5 =	sld [smem:$0x3F90]  }
0x2b: {  	s6 =	sld [smem:$0x3F91]  }
0x2c: {  	s7 =	sld [smem:$0x3F92]  }
0x2d: {  	s3 =	simm.s32 $0x108;
	s8 =	sld [smem:$0x3F93]  }
0x2e: {  	s3 =	simm.s32 @!p0 $0x1082;
	s9 =	sld [smem:$0x3F94]  }
0x2f: {  	lr =	sadd.s32 s0, s3;
	s0 =	sld [smem:$0x3F8B]  }
0x30: {  	s3 =	sld [smem:$0x3F8E]  }
0x31: {  	[smem:$0x3F97] =	sst s10  }
0x32: {  	s10 =	sld [smem:$0x3F95];
	_ =	sdelay $0x3  }
0x33: {  	p0 =	seq.s32 s10, $0x1;
	s10 =	sld [smem:$0x3F97];
	_ =	sdelay $0x3  }
0x34: {  	[smem:$0x3F97] =	sst s10  }
0x35: {  	s10 =	sld [smem:$0x3F96];
	_ =	sdelay $0x3  }
0x36: {  	p1 =	seq.s32 s10, $0x1;
	s10 =	sld [smem:$0x3F97];
	_ =	sdelay $0x3  }
0x37: {  	[smem:$0x3F97] =	sst s10  }
0x38: {  	s10 =	sld [smem:$0x3F98]  }
0x39: {  	_ = 	snop;
	(pc) =	sbr.ind lr, $3  }
0x3a: {  	_ = 	snop  }
0x3b: {  	_ = 	snop  }
0x3c: {  	p2 =	seq.s32 s10, $0x1;
	s10 =	sld [smem:$0x3F97]  }
0x3d: {  	_ =	shalt  }
0x3e: {  	_ =	shalt  }
0x3f: {  	_ =	shalt  }
0x40: {  	_ =	shalt  }
0x41: {  	_ =	shalt  }
0x42: {  	_ =	shalt  }
0x43: {  	_ =	shalt  }
0x44: {  	_ =	shalt  }
0x45: {  	_ =	shalt  }
0x46: {  	_ =	shalt  }
0x47: {  	_ =	shalt  }
0x48: {  	_ =	shalt  }
0x49: {  	_ =	shalt  }
0x4a: {  	_ =	shalt  }
0x4b: {  	_ =	shalt  }
0x4c: {  	_ =	shalt  }
0x4d: {  	_ =	shalt  }
0x4e: {  	_ =	shalt  }
0x4f: {  	_ =	shalt  }
0x50: {  	_ =	shalt  }
0x51: {  	_ =	shalt  }
0x52: {  	_ =	shalt  }
0x53: {  	_ =	shalt  }
0x54: {  	_ =	shalt  }
0x55: {  	_ =	shalt  }
0x56: {  	_ =	shalt  }
0x57: {  	_ =	shalt  }
0x58: {  	_ =	shalt  }
0x59: {  	_ =	shalt  }
0x5a: {  	_ =	shalt  }
0x5b: {  	_ =	shalt  }
0x5c: {  	_ =	shalt  }
0x5d: {  	_ =	shalt  }
0x5e: {  	_ =	shalt  }
0x5f: {  	_ =	shalt  }
0x60: {  	_ =	shalt  }
0x61: {  	_ =	shalt  }
0x62: {  	_ =	shalt  }
0x63: {  	_ =	shalt  }
0x64: {  	_ =	shalt  }
0x65: {  	_ =	shalt  }
0x66: {  	_ =	shalt  }
0x67: {  	_ =	shalt  }
0x68: {  	_ =	shalt  }
0x69: {  	_ =	shalt  }
0x6a: {  	_ =	shalt  }
0x6b: {  	_ =	shalt  }
0x6c: {  	_ =	shalt  }
0x6d: {  	_ =	shalt  }
0x6e: {  	_ =	shalt  }
0x6f: {  	_ =	shalt  }
0x70: {  	_ =	shalt  }
0x71: {  	_ =	shalt  }
0x72: {  	_ =	shalt  }
0x73: {  	_ =	shalt  }
0x74: {  	_ =	shalt  }
0x75: {  	_ =	shalt  }
0x76: {  	_ =	shalt  }
0x77: {  	_ =	shalt  }
0x78: {  	_ =	shalt  }
0x79: {  	_ =	shalt  }
0x7a: {  	_ =	shalt  }
0x7b: {  	_ =	shalt  }
0x7c: {  	_ =	shalt  }
0x7d: {  	_ =	shalt  }
0x7e: {  	_ =	shalt  }
0x7f: {  	_ =	shalt  }
0x80: {  	_ =	shalt  }
0x81: {  	_ =	shalt  }
0x82: {  	_ =	shalt  }
0x83: {  	_ =	shalt  }
0x84: {  	_ =	shalt  }
0x85: {  	_ =	shalt  }
0x86: {  	_ =	shalt  }
0x87: {  	_ =	shalt  }
.Lfunc_end0:
.L_simem_size_0:
called_computation.4_lowered:
.L_overlay_start_0:
0x88: {  	s2 =	sld [smem:$0x3FD9]  }
0x89: {  	s3 =	sld [smem:$0x3FFE];
	_ =	sdelay $0x1  }
0x8a: {  	s1 =	srdreg.scid  }
0x8b: {  	s0 =	sand.u32 $0x1, s1  }
0x8c: {  	s17 =	sshll.u32 s0, $0xA;
	s2 =	sadd.s32 s3, s2  }
0x8d: {  	s2 =	sadd.s32 s2, s17  }
0x8e: {  	[smem:$0x3FA3] =	sst s2  }
0x8f: {  	_ = 	snop  }
0x90: {  	(tm) =	ssettm $0x1  }
0x91: {  	s18 =	sld [smem:$0x3FFB];
	_ =	sdelay $0x3  }
0x92: {  	_ =	strace s18  }
0x93: {  	s2 =	sld [smem:$0x3FFC];
	_ =	sdelay $0x3  }
0x94: {  	_ =	strace s2  }
0x95: {  	s2 =	sld [smem:$0x3FFD];
	_ =	sdelay $0x3  }
0x96: {  	_ =	strace s2  }
0x97: {  	_ =	strace $0x8FFFFFFF  }
0x98: {  	s19 =	sld [smem:$0x3FDB];
	_ =	sdelay $0x1  }
0x99: {  	s20 =	simm.s32 $_scs_section_size  }
0x9a: {  	s4 =	simm.s32 $_size__tile_overlayer_lowered;
	s5 =	simm.s32 $_tile_overlayer_lowered  }
0x9b: {  	s6 =	simm.s32 $0x1BFF;
	s21 =	sshll.u32 s5, $0x1;
	s3 =	sadd.s32 s20, s19  }
0x9c: {  	s22 =	simm.s32 $0x0;
	s4 =	sshll.u32 s4, $0x1;
	s5 =	sadd.s32 s21, s3  }
0x9d: {  	[timem:s22], [sflag:s6] =	dma.local [hbm:s5], s4  }
0x9e: {  	_ =	swait.ge [sflag:s6], s4  }
0x9f: {  	s4 =	ssub.s32 $0x0, s4;
	[sflag:s6] =	ssyncset.done $0x0  }
0xa0: {  	[sflag:s6] =	ssyncadd.s32 s4;
	_ =	sdelay $0x1  }
0xa1: {  	s23 =	simm.s32 $0x1B8B  }
0xa2: {  	_ =	swait.ge [sflag:s23], $0x1  }
0xa3: {  	[sflag:s23] =	ssyncset.done $0x0  }
0xa4: {  	[sflag:s23] =	ssyncadd.s32 $0xFFFFFFFF  }
0xa5: {  	s4 =	sld [smem:$0x0]  }
0xa6: {  	s5 =	sand.u32 $0xFFFFFFFE, s1  }
0xa7: {  	p0 =	sne.s32 s1, s5  }
0xa8: {  	s5 =	sshll.u32 @p0 s5, $0xE  }
0xa9: {  	s5 =	sadd.s32 @p0 $0x11B8D, s5;
	s6 =	sshll.u32 @p0 s4, $0x11  }
0xaa: {  	s5 =	sor.u32 @p0 s6, s5  }
0xab: {  	[sflag:s5] =	ssyncadd.remote.s32 @p0 $0x1;
	_ =	sdelay $0x1  }
0xac: {  	s5 =	simm.s32 @p0 $0x1B8D  }
0xad: {  	_ =	swait.eq @p0 [sflag:s5], $0x1  }
0xae: {  	[sflag:s5] =	ssyncadd.s32 @p0 $0xFFFFFFFF  }
0xaf: {  	s6 =	sshll.u32 @!p0 s1, $0xE  }
0xb0: {  	s6 =	sor.u32 @!p0 $0x4000, s6;
	s5 =	simm.s32 @!p0 $0x1B8D  }
0xb1: {  	s4 =	sshll.u32 @!p0 s4, $0x11;
	s6 =	sadd.s32 @!p0 $0x11B8D, s6;
	_ =	swait.eq @!p0 [sflag:s5], $0x1  }
0xb2: {  	s4 =	sor.u32 @!p0 s4, s6;
	[sflag:s5] =	ssyncadd.s32 @!p0 $0xFFFFFFFF  }
0xb3: {  	s25 =	simm.s32 $0x1B8E;
	s24 =	sld [smem:$0x3FFE];
	[sflag:s4] =	ssyncadd.remote.s32 @!p0 $0x1  }
0xb4: {  	s26 =	simm.s32 $execute0_lowered;
	[smem:$0x3FD2] =	sst s25  }
0xb5: {  	s5 =	sshll.u32 s26, $0x1;
	_ =	strace $0x80000055;
	[dreg:$0x1] =	wrdreg $0xFFFFFFFF  }
0xb6: {  	s28 =	simm.s32 $_size_execute0_lowered;
	s3 =	sadd.s32 s3, s5;
	[dreg:$0x0] =	wrdreg $0x0  }
0xb7: {  	s5 =	sshll.u32 s28, $0x1;
	[dreg:$0x2] =	wrdreg s3  }
0xb8: {  	[dreg:$0x3] =	wrdreg s5  }
0xb9: {  	[dreg:$0x4] =	wrdreg $0xC0  }
0xba: {  	_ =	task [dreg:s22], $0x5FFFF  }
0xbb: {  	[dreg:$0x1] =	wrdreg $0xFFFFFFFF  }
0xbc: {  	[dreg:$0x0] =	wrdreg $0x60  }
0xbd: {  	[dreg:$0x2] =	wrdreg s24  }
0xbe: {  	[dreg:$0x3] =	wrdreg $0xAEC00  }
0xbf: {  	[dreg:$0x4] =	wrdreg $0x14B200  }
0xc0: {  	[dreg:$0x5] =	wrdreg $0x9  }
0xc1: {  	_ =	task.clear_ibuf [dreg:s22], $0x6FFFF;
	_ =	strace $0x90000055  }
0xc2: {  	s29 =	simm.s32 $0x9;
	_ =	strace $0x80000057  }
0xc3: {  	_ =	swait.ge [sflag:s29], $0x1  }
0xc4: {  	[sflag:s29] =	ssyncadd.s32 $0xFFFFFFFF  }
0xc5: {  	_ =	strace $0x90000057  }
0xc6: {  	_ =	sfence  }
0xc7: {  	s30 =	sld [smem:$0x0];
	_ =	sdelay $0x2  }
0xc8: {  	s31 =	sshll.u32 s1, $0xD;
	s1 =	sshrl.u32 s1, $0x2  }
0xc9: {  	s4 =	sand.u32 $0x4000, s31;
	s1 =	sadd.s32 s1, s30  }
0xca: {  	s0 =	sor.u32 s4, s0;
	s1 =	sshll.u32 s1, $0x11  }
0xcb: {  	s0 =	sor.u32 s1, s0  }
0xcc: {  	s0 =	sadd.s32 $0x8F2B, s0  }
0xcd: {  	[sflag:s0] =	ssyncadd.remote.s32 $0x1  }
0xce: {  	_ =	sfence.sel $0xFFFF  }
0xcf: {  	[dreg:$0x0] =	wrdreg $0xFFFFFFFF;
	(pc) =	sbr.abs _section_cstart, $3  }
0xd0: {  	[dreg:$0x1] =	wrdreg $0xFFFFFFFF  }
0xd1: {  	_ =	task.clear_ibuf [dreg:s22], $0x2FFFF;
	_ =	strace $0x9FFFFFFF  }
0xd2: {  	(tm) =	ssettm $0x7FFFFFFF  }
0xd3: {  	_ =	shalt  }
tec
execute0_lowered:
.L_overlay_start_1:
0x0: {  	(tag) =	ssettag $0x1  }
0x1: {  	s0 =	rddreg [dreg:$0x0]  }
0x2: {  	s2 =	rddreg [dreg:$0x1]  }
0x3: {  	s3 =	rddreg [dreg:$0x2]  }
0x4: {  	s13 =	stileid.u32;
	s1 =	srdreg.scid;
	s4 =	simm.s32 $0x0  }
0x5: {  	s11 =	simm.s32 $0x9;
	s12 =	simm.s32 $0x2760;
	s16 =	simm.s32 $0x60  }
0x6: {  	s17 =	simm.s32 $0x4EC0;
	s18 =	simm.s32 $0x66C0;
	s20 =	simm.s32 $0x7EC0  }
0x7: {  	s21 =	simm.s32 $0x2;
	s23 =	simm.s32 $0x96C0;
	s30 =	simm.s32 $0x4  }
0x8: {  	s31 =	simm.s32 $0x6;
	s19 =	simm.s32 $0x1;
	s22 =	simm.s32 $0x7  }
0x9: {  	s28 =	simm.s32 $0x0;
	s5 =	smul.u32 $0x9C00, s13;
	s1 =	sand.u32 $0x1, s1  }
0xa: {  	[smem:$0x7FF] =	sst s4;
	s6 =	sshll.u32 s13, $0x1;
	s29 =	sshll.u32 s13, $0x6  }
0xb: {  	s7 =	smul.u32 $0x9C400, s1;
	_ =	strace $0x80000056;
	s6 =	sor.u32 s1, s6  }
0xc: {  	s1 =	ssub.s32 $0x2, s1;
	s13 =	sor.u32 $0x1C09, s29;
	s8 =	sshrl.u32 s5, $0x3  }
0xd: {  	s6 =	smul.u32 $0x4EC, s6;
	s24 =	sshrl.u32 s1, $0x1;
	s14 =	sadd.s32 s5, s2  }
0xe: {  	s7 =	sadd.s32 s5, s7;
	s8 =	sadd.s32 s8, s0;
	s1 =	ssub.s32 s1, s24  }
0xf: {  	s5 =	sadd.s32 s5, s3;
	s14 =	sshrl.u32 s14, $0x3;
	s24 =	simm.s32 $0x8  }
0x10: {  	s7 =	sshrl.u32 s7, $0x3;
	s6 =	sadd.s32 s6, s0;
	s26 =	sadd.s32 $0x19800, s8  }
0x11: {  	s8 =	sadd.s32 $0x2D200, s8;
	s10 =	smax.u32 s1, $0x1;
	s15 =	sshrl.u32 s5, $0x3  }
0x12: {  	s0 =	sadd.s32 s7, s0;
	s25 =	sadd.s32 $0x4AE00, s6;
	[dreg:$0x6] =	wrdreg s26  }
0x13: {  	s6 =	sadd.s32 $0x41000, s6;
	s26 =	simm.s32 $0x5;
	[dreg:$0x4] =	wrdreg s25  }
0x14: {  	[dreg:$0x5] =	wrdreg s6;
	s9 =	sadd.s32 $0x7BE00, s0;
	s25 =	simm.s32 $0x3  }
.LBB2_1:
0x15: {  	s0 =	rddreg [dreg:$0x4]  }
0x16: {  	[tilespmem:s4], [sflag:$0x9] =	stream.linear.gather [hbm4b:s0+s4], $0x2760, $0x38;
	[tilespmem:$0x1E760] =	vst v63  }
0x17: {  	_ =	swait.ge [sflag:s11], $0x2760  }
0x18: {  	[sflag:s11] =	ssyncset.done $0x0  }
0x19: {  	s5 =	rddreg [dreg:$0x5];
	[sflag:s11] =	ssyncadd.s32 $0xFFFFD8A0  }
0x1a: {  	[tilespmem:s12], [sflag:$0x9] =	stream.linear.gather [hbm4b:s5+s4], $0x2760, $0x38;
	[tilespmem:$0x1E760] =	vst v63  }
0x1b: {  	_ =	swait.ge [sflag:s11], $0x2760  }
0x1c: {  	[sflag:s11] =	ssyncset.done $0x0  }
0x1d: {  	s6 =	rddreg [dreg:$0x6];
	[sflag:s11] =	ssyncadd.s32 $0xFFFFD8A0  }
0x1e: {  	[spmem:s14], [sflag:s13] =	dma.local [hbm:s6], $0x1400  }
0x1f: {  	_ =	swait.ge [sflag:s11], $0x1400  }
0x20: {  	[sflag:s11] =	ssyncset.done $0x0  }
0x21: {  	[sflag:s11] =	ssyncadd.s32 $0xFFFFEC00  }
0x22: {  	[spmem:s15], [sflag:s13] =	dma.local [hbm:s8], $0x1400  }
0x23: {  	_ =	swait.ge [sflag:s11], $0x1400  }
0x24: {  	[sflag:s11] =	ssyncset.done $0x0  }
0x25: {  	[sflag:s11] =	ssyncadd.s32 $0xFFFFEC00  }
0x26: {  	[bflag:$0x0] =	sbarrier.arrive $0xFFFF  }
0x27: {  	[tilespmem:s17], [sflag:$0x1] =	stream.indirect.gather [spmem:s3], $0x40, s4, s16, $0xb8;
	[tilespmem:$0x1E760] =	vst v63  }
0x28: {  	_ = 	snop  }
0x29: {  	[tilespmem:s18], [sflag:$0x2] =	stream.indirect.gather [spmem:s3], $0x40, s16, s16, $0xb8;
	[tilespmem:$0x1E760] =	vst v63  }
0x2a: {  	_ =	swait.ge [sflag:s19], $0x1800  }
0x2b: {  	[sflag:s19] =	ssyncset.done $0x0  }
0x2c: {  	s7 =	simm.s32 $0xC0;
	[sflag:s19] =	ssyncadd.s32 $0xFFFFE800  }
0x2d: {  	[tilespmem:s20], [sflag:$0x3] =	stream.indirect.gather [spmem:s3], $0x40, s7, s16, $0xb8;
	[tilespmem:$0x1E760] =	vst v63  }
0x2e: {  	_ = 	snop  }
0x2f: {  	[spmem:s2] =	stream.indirect.scatter.add.f32 [tilespmem:s17], [sflag:$0x5], $0x40, s12, s16, $0xb8;
	[tilespmem:$0x1E760] =	vst v63  }
0x30: {  	_ =	swait.ge [sflag:s21], $0x1800  }
0x31: {  	[sflag:s21] =	ssyncset.done $0x0  }
0x32: {  	s1 =	simm.s32 $0x120;
	[sflag:s21] =	ssyncadd.s32 $0xFFFFE800  }
0x33: {  	[tilespmem:s23], [sflag:$0x4] =	stream.indirect.gather [spmem:s3], $0x40, s1, s16, $0xb8;
	[tilespmem:$0x1E760] =	vst v63  }
0x34: {  	s5 =	simm.s32 $0x27C0  }
0x35: {  	[spmem:s2] =	stream.indirect.scatter.add.f32 [tilespmem:s18], [sflag:$0x6], $0x40, s5, s16, $0xb8;
	[tilespmem:$0x1E760] =	vst v63  }
0x36: {  	_ =	swait.ge [sflag:s25], $0x1800  }
0x37: {  	[sflag:s25] =	ssyncset.done $0x0  }
0x38: {  	[sflag:s25] =	ssyncadd.s32 $0xFFFFE800  }
0x39: {  	_ =	swait.ge [sflag:s26], $0x1800  }
0x3a: {  	[sflag:s26] =	ssyncset.done $0x0  }
0x3b: {  	s6 =	simm.s32 $0x180;
	[sflag:s26] =	ssyncadd.s32 $0xFFFFE800  }
0x3c: {  	[tilespmem:s17], [sflag:$0x1] =	stream.indirect.gather [spmem:s3], $0x40, s6, s16, $0xb8;
	[tilespmem:$0x1E760] =	vst v63  }
0x3d: {  	s7 =	simm.s32 $0x2820  }
0x3e: {  	[spmem:s2] =	stream.indirect.scatter.add.f32 [tilespmem:s20], [sflag:$0x7], $0x40, s7, s16, $0xb8;
	[tilespmem:$0x1E760] =	vst v63  }
0x3f: {  	_ =	swait.ge [sflag:s30], $0x1800  }
0x40: {  	[sflag:s30] =	ssyncset.done $0x0  }
0x41: {  	[sflag:s30] =	ssyncadd.s32 $0xFFFFE800  }
0x42: {  	_ =	swait.ge [sflag:s31], $0x1800  }
0x43: {  	[sflag:s31] =	ssyncset.done $0x0  }
0x44: {  	s1 =	simm.s32 $0x1E0;
	[sflag:s31] =	ssyncadd.s32 $0xFFFFE800  }
0x45: {  	[tilespmem:s18], [sflag:$0x2] =	stream.indirect.gather [spmem:s3], $0x40, s1, s16, $0xb8;
	[tilespmem:$0x1E760] =	vst v63  }
0x46: {  	s5 =	simm.s32 $0x2880  }
0x47: {  	[spmem:s2] =	stream.indirect.scatter.add.f32 [tilespmem:s23], [sflag:$0x8], $0x40, s5, s16, $0xb8;
	[tilespmem:$0x1E760] =	vst v63  }
0x48: {  	_ =	swait.ge [sflag:s19], $0x1800  }
0x49: {  	[sflag:s19] =	ssyncset.done $0x0  }
0x4a: {  	[sflag:s19] =	ssyncadd.s32 $0xFFFFE800  }
0x4b: {  	_ =	swait.ge [sflag:s22], $0x1800  }
0x4c: {  	[sflag:s22] =	ssyncset.done $0x0  }
0x4d: {  	s6 =	simm.s32 $0x240;
	[sflag:s22] =	ssyncadd.s32 $0xFFFFE800  }
0x4e: {  	[tilespmem:s20], [sflag:$0x3] =	stream.indirect.gather [spmem:s3], $0x40, s6, s16, $0xb8;
	[tilespmem:$0x1E760] =	vst v63  }
0x4f: {  	s7 =	simm.s32 $0x28E0  }
0x50: {  	[spmem:s2] =	stream.indirect.scatter.add.f32 [tilespmem:s17], [sflag:$0x5], $0x40, s7, s16, $0xb8;
	[tilespmem:$0x1E760] =	vst v63  }
0x51: {  	_ =	swait.ge [sflag:s21], $0x1800  }
0x52: {  	[sflag:s21] =	ssyncset.done $0x0  }
0x53: {  	[sflag:s21] =	ssyncadd.s32 $0xFFFFE800  }
0x54: {  	_ =	swait.ge [sflag:s24], $0x1800  }
0x55: {  	[sflag:s24] =	ssyncset.done $0x0  }
0x56: {  	s1 =	simm.s32 $0x2A0;
	[sflag:s24] =	ssyncadd.s32 $0xFFFFE800  }
0x57: {  	[tilespmem:s23], [sflag:$0x4] =	stream.indirect.gather [spmem:s3], $0x40, s1, s16, $0xb8;
	[tilespmem:$0x1E760] =	vst v63  }
0x58: {  	s5 =	simm.s32 $0x2940  }
0x59: {  	[spmem:s2] =	stream.indirect.scatter.add.f32 [tilespmem:s18], [sflag:$0x6], $0x40, s5, s16, $0xb8;
	[tilespmem:$0x1E760] =	vst v63  }
0x5a: {  	_ =	swait.ge [sflag:s25], $0x1800  }
0x5b: {  	[sflag:s25] =	ssyncset.done $0x0  }
0x5c: {  	[sflag:s25] =	ssyncadd.s32 $0xFFFFE800  }
0x5d: {  	_ =	swait.ge [sflag:s26], $0x1800  }
0x5e: {  	[sflag:s26] =	ssyncset.done $0x0  }
0x5f: {  	s6 =	simm.s32 $0x300;
	[sflag:s26] =	ssyncadd.s32 $0xFFFFE800  }
0x60: {  	[tilespmem:s17], [sflag:$0x1] =	stream.indirect.gather [spmem:s3], $0x40, s6, s16, $0xb8;
	[tilespmem:$0x1E760] =	vst v63  }
0x61: {  	s7 =	simm.s32 $0x29A0  }
0x62: {  	[spmem:s2] =	stream.indirect.scatter.add.f32 [tilespmem:s20], [sflag:$0x7], $0x40, s7, s16, $0xb8;
	[tilespmem:$0x1E760] =	vst v63  }
0x63: {  	_ =	swait.ge [sflag:s30], $0x1800  }
0x64: {  	[sflag:s30] =	ssyncset.done $0x0  }
0x65: {  	[sflag:s30] =	ssyncadd.s32 $0xFFFFE800  }
0x66: {  	p0 =	por $0x0, $0x0;
	_ =	swait.ge [sflag:s31], $0x1800  }
0x67: {  	s0 =	simm.s32 @!p0 $0x66C0;
	[sflag:s31] =	ssyncset.done $0x0  }
0x68: {  	s1 =	simm.s32 @!p0 $0x360;
	s5 =	simm.s32 @!p0 $0x60;
	[sflag:s31] =	ssyncadd.s32 $0xFFFFE800  }
0x69: {  	[tilespmem:s0], [sflag:$0x2] =	stream.indirect.gather @!p0 [spmem:s3], $0x40, s1, s5, $0xb8;
	[tilespmem:$0x1E760] =	vst v63  }
0x6a: {  	s29 =	simm.s32 $0x600;
	s1 =	simm.s32 $0x2A00;
	s0 =	simm.s32 $0x2  }
.LBB2_2:
0x6b: {  	[spmem:s2] =	stream.indirect.scatter.add.f32 [tilespmem:s23], [sflag:$0x8], $0x40, s1, s16, $0xb8;
	[tilespmem:$0x1E760] =	vst v63  }
0x6c: {  	s1 =	smov.u32 s29;
	s29 =	sadd.s32 $0x600, s29;
	_ =	swait.ge [sflag:s19], $0x1800  }
0x6d: {  	p0 =	sne.s32 s29, $0x9600;
	[sflag:s19] =	ssyncset.done $0x0  }
0x6e: {  	[sflag:s19] =	ssyncadd.s32 $0xFFFFE800  }
0x6f: {  	_ =	swait.ge [sflag:s22], $0x1800  }
0x70: {  	s5 =	sshra.s32 s1, $0x2;
	[sflag:s22] =	ssyncset.done $0x0  }
0x71: {  	s6 =	sadd.s32 $0x240, s5;
	[sflag:s22] =	ssyncadd.s32 $0xFFFFE800  }
0x72: {  	[tilespmem:s20], [sflag:$0x3] =	stream.indirect.gather [spmem:s3], $0x40, s6, s16, $0xb8;
	[tilespmem:$0x1E760] =	vst v63  }
0x73: {  	s6 =	sadd.s32 $0x28E0, s5  }
0x74: {  	[spmem:s2] =	stream.indirect.scatter.add.f32 [tilespmem:s17], [sflag:$0x5], $0x40, s6, s16, $0xb8;
	[tilespmem:$0x1E760] =	vst v63  }
0x75: {  	_ =	swait.ge [sflag:s21], $0x1800  }
0x76: {  	[sflag:s21] =	ssyncset.done $0x0  }
0x77: {  	[sflag:s21] =	ssyncadd.s32 $0xFFFFE800  }
0x78: {  	_ =	swait.ge [sflag:s24], $0x1800  }
0x79: {  	[sflag:s24] =	ssyncset.done $0x0  }
0x7a: {  	s6 =	sadd.s32 $0x2A0, s5;
	[sflag:s24] =	ssyncadd.s32 $0xFFFFE800  }
0x7b: {  	[tilespmem:s23], [sflag:$0x4] =	stream.indirect.gather [spmem:s3], $0x40, s6, s16, $0xb8;
	[tilespmem:$0x1E760] =	vst v63  }
0x7c: {  	s6 =	sadd.s32 $0x2940, s5  }
0x7d: {  	[spmem:s2] =	stream.indirect.scatter.add.f32 [tilespmem:s18], [sflag:$0x6], $0x40, s6, s16, $0xb8;
	[tilespmem:$0x1E760] =	vst v63  }
0x7e: {  	_ =	swait.ge [sflag:s25], $0x1800  }
0x7f: {  	[sflag:s25] =	ssyncset.done $0x0  }
0x80: {  	[sflag:s25] =	ssyncadd.s32 $0xFFFFE800  }
0x81: {  	_ =	swait.ge [sflag:s26], $0x1800  }
0x82: {  	[sflag:s26] =	ssyncset.done $0x0  }
0x83: {  	s6 =	sadd.s32 $0x300, s5;
	[sflag:s26] =	ssyncadd.s32 $0xFFFFE800  }
0x84: {  	[tilespmem:s17], [sflag:$0x1] =	stream.indirect.gather [spmem:s3], $0x40, s6, s16, $0xb8;
	[tilespmem:$0x1E760] =	vst v63  }
0x85: {  	s6 =	sadd.s32 $0x29A0, s5  }
0x86: {  	[spmem:s2] =	stream.indirect.scatter.add.f32 [tilespmem:s20], [sflag:$0x7], $0x40, s6, s16, $0xb8;
	[tilespmem:$0x1E760] =	vst v63  }
0x87: {  	_ =	swait.ge [sflag:s30], $0x1800  }
0x88: {  	[sflag:s30] =	ssyncset.done $0x0  }
0x89: {  	[sflag:s30] =	ssyncadd.s32 $0xFFFFE800  }
.Ltmp0:
0x8a: {  	p1 =	sgt.u32 s0, $0x18;
	_ =	swait.ge [sflag:s31], $0x1800;
	(pc) =	sbr.rel @p0 .LBB2_2-.Ltmp0, $4  }
0x8b: {  	s1 =	sshra.s32 @!p1 s1, $0x2;
	s6 =	simm.s32 @!p1 $0x66C0;
	[sflag:s31] =	ssyncset.done $0x0  }
0x8c: {  	s7 =	simm.s32 @!p1 $0x60;
	s1 =	sadd.s32 @!p1 $0x360, s1;
	[sflag:s31] =	ssyncadd.s32 $0xFFFFE800  }
0x8d: {  	[tilespmem:s6], [sflag:$0x2] =	stream.indirect.gather @!p1 [spmem:s3], $0x40, s1, s7, $0xb8;
	[tilespmem:$0x1E760] =	vst v63  }
0x8e: {  	s0 =	sadd.s32 $0x1, s0;
	s1 =	sadd.s32 $0x2A00, s5  }
0x8f: {  	[spmem:s2] =	stream.indirect.scatter.add.f32 [tilespmem:s23], [sflag:$0x8], $0x40, s1, s16, $0xb8;
	[tilespmem:$0x1E760] =	vst v63  }
0x90: {  	_ =	swait.ge [sflag:s19], $0x1800  }
0x91: {  	[sflag:s19] =	ssyncset.done $0x0  }
0x92: {  	[sflag:s19] =	ssyncadd.s32 $0xFFFFE800  }
0x93: {  	_ =	swait.ge [sflag:s22], $0x1800  }
0x94: {  	s0 =	sshra.s32 s29, $0x2;
	[sflag:s22] =	ssyncset.done $0x0  }
0x95: {  	s0 =	sadd.s32 $0x28E0, s0;
	[sflag:s22] =	ssyncadd.s32 $0xFFFFE800  }
0x96: {  	[spmem:s2] =	stream.indirect.scatter.add.f32 [tilespmem:s17], [sflag:$0x5], $0x40, s0, s16, $0xb8;
	[tilespmem:$0x1E760] =	vst v63  }
0x97: {  	_ =	swait.ge [sflag:s24], $0x1800  }
0x98: {  	[sflag:s24] =	ssyncset.done $0x0  }
0x99: {  	[sflag:s24] =	ssyncadd.s32 $0xFFFFE800  }
0x9a: {  	_ =	swait.ge [sflag:s26], $0x1800  }
0x9b: {  	s28 =	sadd.s32 $0x1, s28;
	[sflag:s26] =	ssyncset.done $0x0  }
0x9c: {  	p0 =	sne.s32 s28, s10;
	[sflag:s26] =	ssyncadd.s32 $0xFFFFE800  }
.Ltmp1:
0x9d: {  	[bflag:$0x0] =	sbarrier.arrive $0xFFFF;
	(pc) =	sbr.rel @p0 .LBB2_1-.Ltmp1, $4  }
0x9e: {  	[hbm:s9], [sflag:s13] =	dma.local [spmem:s14], $0x1400  }
0x9f: {  	_ =	swait.ge [sflag:s11], $0x1400  }
0xa0: {  	[sflag:s11] =	ssyncset.done $0x0  }
0xa1: {  	[sflag:s11] =	ssyncadd.s32 $0xFFFFEC00  }
0xa2: {  	_ =	sfence.sel $0x180000  }
0xa3: {  	[bflag:$0x0] =	sbarrier.arrive $0xFFFF  }
0xa4: {  	_ =	strace $0x90000056  }
0xa5: {  	s0 =	stileid.u32;
	[bflag:$0x2] =	sbarrier.arrive $0xFFFF  }
0xa6: {  	p0 =	sne.s32 s0, $0x0;
	s0 =	rddreg [dreg:$0x3]  }
0xa7: {  	s0 =	sadd.s32 @!p0 $0x100000, s0  }
0xa8: {  	[sflag:s0] =	ssyncadd.tile.s32 @!p0 $0x1;
	_ =	shalt  }
.Lfunc_end2:
_tile_overlayer_lowered:
.L_overlay_start_2:
0xa9: {  	(tag) =	ssettag $0x2  }
0xaa: {  	s0 =	rddreg [dreg:$0x0];
	s2 =	stileid.u32  }
0xab: {  	s1 =	rddreg [dreg:$0x1];
	p0 =	sne.s32 s2, $0x0  }
0xac: {  	s3 =	rddreg [dreg:$0x2];
	[bflag:$0x3] =	sbarrier.arrive $0xFFFF;
	s2 =	simm.s32 @!p0 $0x1C09  }
0xad: {  	[timem:s3], [sflag:s2] =	dma.local @!p0 [hbm:s0], s1  }
0xae: {  	s0 =	simm.s32 @!p0 $0x9  }
0xaf: {  	_ =	swait.ge @!p0 [sflag:s0], s1  }
0xb0: {  	s1 =	ssub.s32 @!p0 $0x0, s1;
	[sflag:s0] =	ssyncset.done @!p0 $0x0  }
0xb1: {  	[sflag:s0] =	ssyncadd.s32 @!p0 s1  }
0xb2: {  	[bflag:$0x3] =	sbarrier.arrive $0xFFFF  }
0xb3: {  	_ =	shalt  }

// kernel: kernel.29.cloned.1.call-start
scs
__scs_entry_jumppad:
0x0: {  	(pc) =	sbr.rel $0x88, $3  }
0x1: {  	(tag) =	ssettag $0x0;
	lr =	simm.s32 $0x1  }
0x2: {  	[smem:$0x3F7C] =	sst lr;
	_ =	strace $0xD0000000  }
0x3: {  	_ = 	snop  }
0x4: {  	_ = 	snop  }
0x5: {  	_ = 	snop  }
0x6: {  	_ = 	snop  }
0x7: {  	_ = 	snop  }
__scs_overlays_trampoline_lowered:
0x8: {  	[smem:$0x3F8B] =	sst s0  }
0x9: {  	[smem:$0x3F8C] =	sst s1  }
0xa: {  	[smem:$0x3F8D] =	sst s2  }
0xb: {  	[smem:$0x3F8E] =	sst s3  }
0xc: {  	[smem:$0x3F8F] =	sst s4  }
0xd: {  	[smem:$0x3F90] =	sst s5  }
0xe: {  	[smem:$0x3F91] =	sst s6  }
0xf: {  	[smem:$0x3F92] =	sst s7  }
0x10: {  	[smem:$0x3F93] =	sst s8  }
0x11: {  	[smem:$0x3F94] =	sst s9;
	s0 =	simm.s32 @!p0 $0x0  }
0x12: {  	s1 =	sld [smem:$0x3F7A];
	s0 =	simm.s32 @p0 $0x1  }
0x13: {  	[smem:$0x3F95] =	sst s0;
	s0 =	simm.s32 @!p1 $0x0  }
0x14: {  	s2 =	sld [smem:$0x3F79];
	s0 =	simm.s32 @p1 $0x1  }
0x15: {  	[smem:$0x3F96] =	sst s0;
	s0 =	simm.s32 @!p2 $0x0  }
0x16: {  	s3 =	sld [smem:$0x3FDB];
	s0 =	simm.s32 @p2 $0x1  }
0x17: {  	s4 =	simm.s32 $0x1BF5;
	[smem:$0x3F98] =	sst s0  }
0x18: {  	s0 =	sld [smem:$0x3F7B];
	_ =	swait.ge [sflag:s4], $0x0  }
0x19: {  	s7 =	sld [smem:$0x3F7C]  }
0x1a: {  	s8 =	sadd.s32 $0xFFFFE003, lr  }
0x1b: {  	s9 =	sadd.s32 $0xFFFFFEF7, lr;
	s5 =	simm.s32 $0xFFFFFFFF;
	p2 =	slt.u32 s8, $0xFFFFF086  }
0x1c: {  	p1 =	slt.u32 s9, $0xF7A;
	s5 =	simm.s32 @!p2 $0x0  }
0x1d: {  	s5 =	simm.s32 @p1 $0x1;
	p0 =	seq.s32 s7, s2  }
0x1e: {  	s7 =	smul.u32 @!p0 $0xF7A, s2;
	p2 =	seq.s32 @!p0 s5, $0x0  }
0x1f: {  	s9 =	smul.u32 $0xF7A, s1;
	s8 =	simm.s32 @!p0 $0x1BF5;
	p2 =	por !p2, p0  }
0x20: {  	[sflag:s8] =	ssyncset.s32 @!p0 $0xFFFFF086;
	s6 =	sadd.s32 @!p0 s3, s7;
	s7 =	simm.s32 @!p0 $0x108  }
0x21: {  	s3 =	sadd.s32 s3, s9;
	s6 =	sadd.s32 @!p0 $0x88, s6;
	s7 =	simm.s32 @p2 $0x1082  }
0x22: {  	[simem:s7], [sflag:s8] =	dma.local @!p0 [hbm:s6], $0xF7A  }
0x23: {  	s9 =	sor.u32 $0xD0000000, s2;
	s6 =	simm.s32 $0x108;
	_ =	swait.ge @!p0 [sflag:s8], $0x0  }
0x24: {  	s3 =	sadd.s32 $0x88, s3;
	s6 =	simm.s32 @!p1 $0x1082;
	[sflag:s4] =	ssyncset.s32 $0xFFFFF086  }
0x25: {  	[simem:s6], [sflag:s4] =	dma.local [hbm:s3], $0xF7A  }
0x26: {  	[smem:$0x3F7C] =	sst s1;
	(tag) =	ssettag s2;
	_ =	strace s9  }
0x27: {  	s1 =	sld [smem:$0x3F8C]  }
0x28: {  	s2 =	sld [smem:$0x3F8D]  }
0x29: {  	s4 =	sld [smem:$0x3F8F]  }
0x2a: {  	p0 =	seq.s32 s5, $0x0;
	s5 =	sld [smem:$0x3F90]  }
0x2b: {  	s6 =	sld [smem:$0x3F91]  }
0x2c: {  	s7 =	sld [smem:$0x3F92]  }
0x2d: {  	s3 =	simm.s32 $0x108;
	s8 =	sld [smem:$0x3F93]  }
0x2e: {  	s3 =	simm.s32 @!p0 $0x1082;
	s9 =	sld [smem:$0x3F94]  }
0x2f: {  	lr =	sadd.s32 s0, s3;
	s0 =	sld [smem:$0x3F8B]  }
0x30: {  	s3 =	sld [smem:$0x3F8E]  }
0x31: {  	[smem:$0x3F97] =	sst s10  }
0x32: {  	s10 =	sld [smem:$0x3F95];
	_ =	sdelay $0x3  }
0x33: {  	p0 =	seq.s32 s10, $0x1;
	s10 =	sld [smem:$0x3F97];
	_ =	sdelay $0x3  }
0x34: {  	[smem:$0x3F97] =	sst s10  }
0x35: {  	s10 =	sld [smem:$0x3F96];
	_ =	sdelay $0x3  }
0x36: {  	p1 =	seq.s32 s10, $0x1;
	s10 =	sld [smem:$0x3F97];
	_ =	sdelay $0x3  }
0x37: {  	[smem:$0x3F97] =	sst s10  }
0x38: {  	s10 =	sld [smem:$0x3F98]  }
0x39: {  	_ = 	snop;
	(pc) =	sbr.ind lr, $3  }
0x3a: {  	_ = 	snop  }
0x3b: {  	_ = 	snop  }
0x3c: {  	p2 =	seq.s32 s10, $0x1;
	s10 =	sld [smem:$0x3F97]  }
0x3d: {  	_ =	shalt  }
0x3e: {  	_ =	shalt  }
0x3f: {  	_ =	shalt  }
0x40: {  	_ =	shalt  }
0x41: {  	_ =	shalt  }
0x42: {  	_ =	shalt  }
0x43: {  	_ =	shalt  }
0x44: {  	_ =	shalt  }
0x45: {  	_ =	shalt  }
0x46: {  	_ =	shalt  }
0x47: {  	_ =	shalt  }
0x48: {  	_ =	shalt  }
0x49: {  	_ =	shalt  }
0x4a: {  	_ =	shalt  }
0x4b: {  	_ =	shalt  }
0x4c: {  	_ =	shalt  }
0x4d: {  	_ =	shalt  }
0x4e: {  	_ =	shalt  }
0x4f: {  	_ =	shalt  }
0x50: {  	_ =	shalt  }
0x51: {  	_ =	shalt  }
0x52: {  	_ =	shalt  }
0x53: {  	_ =	shalt  }
0x54: {  	_ =	shalt  }
0x55: {  	_ =	shalt  }
0x56: {  	_ =	shalt  }
0x57: {  	_ =	shalt  }
0x58: {  	_ =	shalt  }
0x59: {  	_ =	shalt  }
0x5a: {  	_ =	shalt  }
0x5b: {  	_ =	shalt  }
0x5c: {  	_ =	shalt  }
0x5d: {  	_ =	shalt  }
0x5e: {  	_ =	shalt  }
0x5f: {  	_ =	shalt  }
0x60: {  	_ =	shalt  }
0x61: {  	_ =	shalt  }
0x62: {  	_ =	shalt  }
0x63: {  	_ =	shalt  }
0x64: {  	_ =	shalt  }
0x65: {  	_ =	shalt  }
0x66: {  	_ =	shalt  }
0x67: {  	_ =	shalt  }
0x68: {  	_ =	shalt  }
0x69: {  	_ =	shalt  }
0x6a: {  	_ =	shalt  }
0x6b: {  	_ =	shalt  }
0x6c: {  	_ =	shalt  }
0x6d: {  	_ =	shalt  }
0x6e: {  	_ =	shalt  }
0x6f: {  	_ =	shalt  }
0x70: {  	_ =	shalt  }
0x71: {  	_ =	shalt  }
0x72: {  	_ =	shalt  }
0x73: {  	_ =	shalt  }
0x74: {  	_ =	shalt  }
0x75: {  	_ =	shalt  }
0x76: {  	_ =	shalt  }
0x77: {  	_ =	shalt  }
0x78: {  	_ =	shalt  }
0x79: {  	_ =	shalt  }
0x7a: {  	_ =	shalt  }
0x7b: {  	_ =	shalt  }
0x7c: {  	_ =	shalt  }
0x7d: {  	_ =	shalt  }
0x7e: {  	_ =	shalt  }
0x7f: {  	_ =	shalt  }
0x80: {  	_ =	shalt  }
0x81: {  	_ =	shalt  }
0x82: {  	_ =	shalt  }
0x83: {  	_ =	shalt  }
0x84: {  	_ =	shalt  }
0x85: {  	_ =	shalt  }
0x86: {  	_ =	shalt  }
0x87: {  	_ =	shalt  }
.Lfunc_end0:
.L_simem_size_0:
called_computation.5_lowered:
.L_overlay_start_0:
0x88: {  	s2 =	sld [smem:$0x3FD9]  }
0x89: {  	s3 =	sld [smem:$0x3FFE];
	_ =	sdelay $0x1  }
0x8a: {  	s1 =	srdreg.scid  }
0x8b: {  	s0 =	sand.u32 $0x1, s1  }
0x8c: {  	s16 =	sshll.u32 s0, $0xA;
	s2 =	sadd.s32 s3, s2  }
0x8d: {  	s2 =	sadd.s32 s2, s16  }
0x8e: {  	[smem:$0x3FA3] =	sst s2  }
0x8f: {  	_ = 	snop  }
0x90: {  	(tm) =	ssettm $0x1  }
0x91: {  	s17 =	sld [smem:$0x3FFB];
	_ =	sdelay $0x3  }
0x92: {  	_ =	strace s17  }
0x93: {  	s2 =	sld [smem:$0x3FFC];
	_ =	sdelay $0x3  }
0x94: {  	_ =	strace s2  }
0x95: {  	s2 =	sld [smem:$0x3FFD];
	_ =	sdelay $0x3  }
0x96: {  	_ =	strace s2  }
0x97: {  	_ =	strace $0x8FFFFFFF  }
0x98: {  	s18 =	sld [smem:$0x3FDB];
	_ =	sdelay $0x1  }
0x99: {  	s19 =	simm.s32 $_scs_section_size  }
0x9a: {  	s4 =	simm.s32 $_size__tile_overlayer_lowered;
	s5 =	simm.s32 $_tile_overlayer_lowered  }
0x9b: {  	s22 =	simm.s32 $0x1BFF;
	s21 =	sshll.u32 s5, $0x1;
	s2 =	sadd.s32 s19, s18  }
0x9c: {  	s6 =	simm.s32 $0x0;
	s20 =	sshll.u32 s4, $0x1;
	s4 =	sadd.s32 s21, s2  }
0x9d: {  	[timem:s6], [sflag:s22] =	dma.local [hbm:s4], s20  }
0x9e: {  	_ =	swait.ge [sflag:s22], s20  }
0x9f: {  	s3 =	ssub.s32 $0x0, s20;
	[sflag:s22] =	ssyncset.done $0x0  }
0xa0: {  	[sflag:s22] =	ssyncadd.s32 s3;
	_ =	sdelay $0x1  }
0xa1: {  	s23 =	simm.s32 $0x1B8B  }
0xa2: {  	_ =	swait.ge [sflag:s23], $0x1  }
0xa3: {  	[sflag:s23] =	ssyncset.done $0x0  }
0xa4: {  	s25 =	simm.s32 $0x1B8E;
	s24 =	sld [smem:$0x3FFE];
	[sflag:s23] =	ssyncadd.s32 $0xFFFFFFFF  }
0xa5: {  	s26 =	simm.s32 $execute0_lowered;
	[smem:$0x3FD2] =	sst s25  }
0xa6: {  	s4 =	sshll.u32 s26, $0x1;
	_ =	strace $0x80000052;
	[dreg:$0x1] =	wrdreg $0xFFFFFFFF  }
0xa7: {  	s28 =	simm.s32 $_size_execute0_lowered;
	s2 =	sadd.s32 s2, s4;
	[dreg:$0x0] =	wrdreg $0x0  }
0xa8: {  	s4 =	sshll.u32 s28, $0x1;
	[dreg:$0x2] =	wrdreg s2  }
0xa9: {  	[dreg:$0x3] =	wrdreg s4  }
0xaa: {  	[dreg:$0x4] =	wrdreg $0xC0  }
0xab: {  	_ =	task [dreg:s6], $0x5FFFF  }
0xac: {  	[dreg:$0x1] =	wrdreg $0xFFFFFFFF  }
0xad: {  	[dreg:$0x0] =	wrdreg $0x60  }
0xae: {  	[dreg:$0x2] =	wrdreg s24  }
0xaf: {  	[dreg:$0x3] =	wrdreg $0xAEC00  }
0xb0: {  	[dreg:$0x4] =	wrdreg $0x14B200  }
0xb1: {  	[dreg:$0x5] =	wrdreg $0xA  }
0xb2: {  	_ =	task.clear_ibuf [dreg:s6], $0x6FFFF;
	_ =	strace $0x90000052  }
0xb3: {  	s29 =	simm.s32 $0xA;
	_ =	strace $0x80000054  }
0xb4: {  	_ =	swait.ge [sflag:s29], $0x1  }
0xb5: {  	[sflag:s29] =	ssyncadd.s32 $0xFFFFFFFF  }
0xb6: {  	_ =	strace $0x90000054  }
0xb7: {  	_ =	sfence  }
0xb8: {  	s30 =	sld [smem:$0x0];
	_ =	sdelay $0x2  }
0xb9: {  	s31 =	sshll.u32 s1, $0xD;
	s1 =	sshrl.u32 s1, $0x2  }
0xba: {  	s3 =	sand.u32 $0x4000, s31;
	s1 =	sadd.s32 s1, s30  }
0xbb: {  	s0 =	sor.u32 s3, s0;
	s1 =	sshll.u32 s1, $0x11  }
0xbc: {  	s0 =	sor.u32 s1, s0  }
0xbd: {  	s0 =	sadd.s32 $0x8F2B, s0  }
0xbe: {  	[sflag:s0] =	ssyncadd.remote.s32 $0x1  }
0xbf: {  	_ =	sfence.sel $0xFFFF  }
0xc0: {  	[dreg:$0x0] =	wrdreg $0xFFFFFFFF;
	(pc) =	sbr.abs _section_cstart, $3  }
0xc1: {  	[dreg:$0x1] =	wrdreg $0xFFFFFFFF  }
0xc2: {  	_ =	task.clear_ibuf [dreg:s6], $0x2FFFF;
	_ =	strace $0x9FFFFFFF  }
0xc3: {  	(tm) =	ssettm $0x7FFFFFFF  }
tec
execute0_lowered:
.L_overlay_start_1:
0x0: {  	(tag) =	ssettag $0x1  }
0x1: {  	s0 =	rddreg [dreg:$0x0]  }
0x2: {  	s2 =	rddreg [dreg:$0x1]  }
0x3: {  	s3 =	rddreg [dreg:$0x2]  }
0x4: {  	s13 =	stileid.u32;
	s1 =	srdreg.scid;
	s4 =	simm.s32 $0x0  }
0x5: {  	s11 =	simm.s32 $0x9;
	s12 =	simm.s32 $0x2760;
	s16 =	simm.s32 $0x60  }
0x6: {  	s17 =	simm.s32 $0x4EC0;
	s18 =	simm.s32 $0x66C0;
	s20 =	simm.s32 $0x7EC0  }
0x7: {  	s21 =	simm.s32 $0x2;
	s23 =	simm.s32 $0x96C0;
	s30 =	simm.s32 $0x4  }
0x8: {  	s31 =	simm.s32 $0x6;
	s19 =	simm.s32 $0x1;
	s22 =	simm.s32 $0x7  }
0x9: {  	s28 =	simm.s32 $0x0;
	s5 =	smul.u32 $0x9C00, s13;
	s1 =	sand.u32 $0x1, s1  }
0xa: {  	[smem:$0x7FF] =	sst s4;
	s6 =	sshll.u32 s13, $0x1;
	s29 =	sshll.u32 s13, $0x6  }
0xb: {  	s7 =	smul.u32 $0x9C400, s1;
	_ =	strace $0x80000053;
	s6 =	sor.u32 s1, s6  }
0xc: {  	s1 =	ssub.s32 $0x2, s1;
	s13 =	sor.u32 $0x1C09, s29;
	s8 =	sshrl.u32 s5, $0x3  }
0xd: {  	s6 =	smul.u32 $0x4EC, s6;
	s24 =	sshrl.u32 s1, $0x1;
	s14 =	sadd.s32 s5, s2  }
0xe: {  	s7 =	sadd.s32 s5, s7;
	s8 =	sadd.s32 s8, s0;
	s1 =	ssub.s32 s1, s24  }
0xf: {  	s5 =	sadd.s32 s5, s3;
	s14 =	sshrl.u32 s14, $0x3;
	s24 =	simm.s32 $0x8  }
0x10: {  	s7 =	sshrl.u32 s7, $0x3;
	s6 =	sadd.s32 s6, s0;
	s26 =	sadd.s32 $0x19800, s8  }
0x11: {  	s8 =	sadd.s32 $0x5E00, s8;
	s10 =	smax.u32 s1, $0x1;
	s15 =	sshrl.u32 s5, $0x3  }
0x12: {  	s0 =	sadd.s32 s7, s0;
	s25 =	sadd.s32 $0x4AE00, s6;
	[dreg:$0x6] =	wrdreg s26  }
0x13: {  	s6 =	sadd.s32 $0x41000, s6;
	s26 =	simm.s32 $0x5;
	[dreg:$0x4] =	wrdreg s25  }
0x14: {  	[dreg:$0x5] =	wrdreg s6;
	s9 =	sadd.s32 $0x54C00, s0;
	s25 =	simm.s32 $0x3  }
.LBB2_1:
0x15: {  	s0 =	rddreg [dreg:$0x4]  }
0x16: {  	[tilespmem:s4], [sflag:$0x9] =	stream.linear.gather [hbm4b:s0+s4], $0x2760, $0x38;
	[tilespmem:$0x1E760] =	vst v63  }
0x17: {  	_ =	swait.ge [sflag:s11], $0x2760  }
0x18: {  	[sflag:s11] =	ssyncset.done $0x0  }
0x19: {  	s5 =	rddreg [dreg:$0x5];
	[sflag:s11] =	ssyncadd.s32 $0xFFFFD8A0  }
0x1a: {  	[tilespmem:s12], [sflag:$0x9] =	stream.linear.gather [hbm4b:s5+s4], $0x2760, $0x38;
	[tilespmem:$0x1E760] =	vst v63  }
0x1b: {  	_ =	swait.ge [sflag:s11], $0x2760  }
0x1c: {  	[sflag:s11] =	ssyncset.done $0x0  }
0x1d: {  	s6 =	rddreg [dreg:$0x6];
	[sflag:s11] =	ssyncadd.s32 $0xFFFFD8A0  }
0x1e: {  	[spmem:s14], [sflag:s13] =	dma.local [hbm:s6], $0x1400  }
0x1f: {  	_ =	swait.ge [sflag:s11], $0x1400  }
0x20: {  	[sflag:s11] =	ssyncset.done $0x0  }
0x21: {  	[sflag:s11] =	ssyncadd.s32 $0xFFFFEC00  }
0x22: {  	[spmem:s15], [sflag:s13] =	dma.local [hbm:s8], $0x1400  }
0x23: {  	_ =	swait.ge [sflag:s11], $0x1400  }
0x24: {  	[sflag:s11] =	ssyncset.done $0x0  }
0x25: {  	[sflag:s11] =	ssyncadd.s32 $0xFFFFEC00  }
0x26: {  	[bflag:$0x0] =	sbarrier.arrive $0xFFFF  }
0x27: {  	[tilespmem:s17], [sflag:$0x1] =	stream.indirect.gather [spmem:s3], $0x40, s4, s16, $0xb8;
	[tilespmem:$0x1E760] =	vst v63  }
0x28: {  	_ = 	snop  }
0x29: {  	[tilespmem:s18], [sflag:$0x2] =	stream.indirect.gather [spmem:s3], $0x40, s16, s16, $0xb8;
	[tilespmem:$0x1E760] =	vst v63  }
0x2a: {  	_ =	swait.ge [sflag:s19], $0x1800  }
0x2b: {  	[sflag:s19] =	ssyncset.done $0x0  }
0x2c: {  	s7 =	simm.s32 $0xC0;
	[sflag:s19] =	ssyncadd.s32 $0xFFFFE800  }
0x2d: {  	[tilespmem:s20], [sflag:$0x3] =	stream.indirect.gather [spmem:s3], $0x40, s7, s16, $0xb8;
	[tilespmem:$0x1E760] =	vst v63  }
0x2e: {  	_ = 	snop  }
0x2f: {  	[spmem:s2] =	stream.indirect.scatter.add.f32 [tilespmem:s17], [sflag:$0x5], $0x40, s12, s16, $0xb8;
	[tilespmem:$0x1E760] =	vst v63  }
0x30: {  	_ =	swait.ge [sflag:s21], $0x1800  }
0x31: {  	[sflag:s21] =	ssyncset.done $0x0  }
0x32: {  	s1 =	simm.s32 $0x120;
	[sflag:s21] =	ssyncadd.s32 $0xFFFFE800  }
0x33: {  	[tilespmem:s23], [sflag:$0x4] =	stream.indirect.gather [spmem:s3], $0x40, s1, s16, $0xb8;
	[tilespmem:$0x1E760] =	vst v63  }
0x34: {  	s5 =	simm.s32 $0x27C0  }
0x35: {  	[spmem:s2] =	stream.indirect.scatter.add.f32 [tilespmem:s18], [sflag:$0x6], $0x40, s5, s16, $0xb8;
	[tilespmem:$0x1E760] =	vst v63  }
0x36: {  	_ =	swait.ge [sflag:s25], $0x1800  }
0x37: {  	[sflag:s25] =	ssyncset.done $0x0  }
0x38: {  	[sflag:s25] =	ssyncadd.s32 $0xFFFFE800  }
0x39: {  	_ =	swait.ge [sflag:s26], $0x1800  }
0x3a: {  	[sflag:s26] =	ssyncset.done $0x0  }
0x3b: {  	s6 =	simm.s32 $0x180;
	[sflag:s26] =	ssyncadd.s32 $0xFFFFE800  }
0x3c: {  	[tilespmem:s17], [sflag:$0x1] =	stream.indirect.gather [spmem:s3], $0x40, s6, s16, $0xb8;
	[tilespmem:$0x1E760] =	vst v63  }
0x3d: {  	s7 =	simm.s32 $0x2820  }
0x3e: {  	[spmem:s2] =	stream.indirect.scatter.add.f32 [tilespmem:s20], [sflag:$0x7], $0x40, s7, s16, $0xb8;
	[tilespmem:$0x1E760] =	vst v63  }
0x3f: {  	_ =	swait.ge [sflag:s30], $0x1800  }
0x40: {  	[sflag:s30] =	ssyncset.done $0x0  }
0x41: {  	[sflag:s30] =	ssyncadd.s32 $0xFFFFE800  }
0x42: {  	_ =	swait.ge [sflag:s31], $0x1800  }
0x43: {  	[sflag:s31] =	ssyncset.done $0x0  }
0x44: {  	s1 =	simm.s32 $0x1E0;
	[sflag:s31] =	ssyncadd.s32 $0xFFFFE800  }
0x45: {  	[tilespmem:s18], [sflag:$0x2] =	stream.indirect.gather [spmem:s3], $0x40, s1, s16, $0xb8;
	[tilespmem:$0x1E760] =	vst v63  }
0x46: {  	s5 =	simm.s32 $0x2880  }
0x47: {  	[spmem:s2] =	stream.indirect.scatter.add.f32 [tilespmem:s23], [sflag:$0x8], $0x40, s5, s16, $0xb8;
	[tilespmem:$0x1E760] =	vst v63  }
0x48: {  	_ =	swait.ge [sflag:s19], $0x1800  }
0x49: {  	[sflag:s19] =	ssyncset.done $0x0  }
0x4a: {  	[sflag:s19] =	ssyncadd.s32 $0xFFFFE800  }
0x4b: {  	_ =	swait.ge [sflag:s22], $0x1800  }
0x4c: {  	[sflag:s22] =	ssyncset.done $0x0  }
0x4d: {  	s6 =	simm.s32 $0x240;
	[sflag:s22] =	ssyncadd.s32 $0xFFFFE800  }
0x4e: {  	[tilespmem:s20], [sflag:$0x3] =	stream.indirect.gather [spmem:s3], $0x40, s6, s16, $0xb8;
	[tilespmem:$0x1E760] =	vst v63  }
0x4f: {  	s7 =	simm.s32 $0x28E0  }
0x50: {  	[spmem:s2] =	stream.indirect.scatter.add.f32 [tilespmem:s17], [sflag:$0x5], $0x40, s7, s16, $0xb8;
	[tilespmem:$0x1E760] =	vst v63  }
0x51: {  	_ =	swait.ge [sflag:s21], $0x1800  }
0x52: {  	[sflag:s21] =	ssyncset.done $0x0  }
0x53: {  	[sflag:s21] =	ssyncadd.s32 $0xFFFFE800  }
0x54: {  	_ =	swait.ge [sflag:s24], $0x1800  }
0x55: {  	[sflag:s24] =	ssyncset.done $0x0  }
0x56: {  	s1 =	simm.s32 $0x2A0;
	[sflag:s24] =	ssyncadd.s32 $0xFFFFE800  }
0x57: {  	[tilespmem:s23], [sflag:$0x4] =	stream.indirect.gather [spmem:s3], $0x40, s1, s16, $0xb8;
	[tilespmem:$0x1E760] =	vst v63  }
0x58: {  	s5 =	simm.s32 $0x2940  }
0x59: {  	[spmem:s2] =	stream.indirect.scatter.add.f32 [tilespmem:s18], [sflag:$0x6], $0x40, s5, s16, $0xb8;
	[tilespmem:$0x1E760] =	vst v63  }
0x5a: {  	_ =	swait.ge [sflag:s25], $0x1800  }
0x5b: {  	[sflag:s25] =	ssyncset.done $0x0  }
0x5c: {  	[sflag:s25] =	ssyncadd.s32 $0xFFFFE800  }
0x5d: {  	_ =	swait.ge [sflag:s26], $0x1800  }
0x5e: {  	[sflag:s26] =	ssyncset.done $0x0  }
0x5f: {  	s6 =	simm.s32 $0x300;
	[sflag:s26] =	ssyncadd.s32 $0xFFFFE800  }
0x60: {  	[tilespmem:s17], [sflag:$0x1] =	stream.indirect.gather [spmem:s3], $0x40, s6, s16, $0xb8;
	[tilespmem:$0x1E760] =	vst v63  }
0x61: {  	s7 =	simm.s32 $0x29A0  }
0x62: {  	[spmem:s2] =	stream.indirect.scatter.add.f32 [tilespmem:s20], [sflag:$0x7], $0x40, s7, s16, $0xb8;
	[tilespmem:$0x1E760] =	vst v63  }
0x63: {  	_ =	swait.ge [sflag:s30], $0x1800  }
0x64: {  	[sflag:s30] =	ssyncset.done $0x0  }
0x65: {  	[sflag:s30] =	ssyncadd.s32 $0xFFFFE800  }
0x66: {  	p0 =	por $0x0, $0x0;
	_ =	swait.ge [sflag:s31], $0x1800  }
0x67: {  	s0 =	simm.s32 @!p0 $0x66C0;
	[sflag:s31] =	ssyncset.done $0x0  }
0x68: {  	s1 =	simm.s32 @!p0 $0x360;
	s5 =	simm.s32 @!p0 $0x60;
	[sflag:s31] =	ssyncadd.s32 $0xFFFFE800  }
0x69: {  	[tilespmem:s0], [sflag:$0x2] =	stream.indirect.gather @!p0 [spmem:s3], $0x40, s1, s5, $0xb8;
	[tilespmem:$0x1E760] =	vst v63  }
0x6a: {  	s29 =	simm.s32 $0x600;
	s1 =	simm.s32 $0x2A00;
	s0 =	simm.s32 $0x2  }
.LBB2_2:
0x6b: {  	[spmem:s2] =	stream.indirect.scatter.add.f32 [tilespmem:s23], [sflag:$0x8], $0x40, s1, s16, $0xb8;
	[tilespmem:$0x1E760] =	vst v63  }
0x6c: {  	s1 =	smov.u32 s29;
	s29 =	sadd.s32 $0x600, s29;
	_ =	swait.ge [sflag:s19], $0x1800  }
0x6d: {  	p0 =	sne.s32 s29, $0x9600;
	[sflag:s19] =	ssyncset.done $0x0  }
0x6e: {  	[sflag:s19] =	ssyncadd.s32 $0xFFFFE800  }
0x6f: {  	_ =	swait.ge [sflag:s22], $0x1800  }
0x70: {  	s5 =	sshra.s32 s1, $0x2;
	[sflag:s22] =	ssyncset.done $0x0  }
0x71: {  	s6 =	sadd.s32 $0x240, s5;
	[sflag:s22] =	ssyncadd.s32 $0xFFFFE800  }
0x72: {  	[tilespmem:s20], [sflag:$0x3] =	stream.indirect.gather [spmem:s3], $0x40, s6, s16, $0xb8;
	[tilespmem:$0x1E760] =	vst v63  }
0x73: {  	s6 =	sadd.s32 $0x28E0, s5  }
0x74: {  	[spmem:s2] =	stream.indirect.scatter.add.f32 [tilespmem:s17], [sflag:$0x5], $0x40, s6, s16, $0xb8;
	[tilespmem:$0x1E760] =	vst v63  }
0x75: {  	_ =	swait.ge [sflag:s21], $0x1800  }
0x76: {  	[sflag:s21] =	ssyncset.done $0x0  }
0x77: {  	[sflag:s21] =	ssyncadd.s32 $0xFFFFE800  }
0x78: {  	_ =	swait.ge [sflag:s24], $0x1800  }
0x79: {  	[sflag:s24] =	ssyncset.done $0x0  }
0x7a: {  	s6 =	sadd.s32 $0x2A0, s5;
	[sflag:s24] =	ssyncadd.s32 $0xFFFFE800  }
0x7b: {  	[tilespmem:s23], [sflag:$0x4] =	stream.indirect.gather [spmem:s3], $0x40, s6, s16, $0xb8;
	[tilespmem:$0x1E760] =	vst v63  }
0x7c: {  	s6 =	sadd.s32 $0x2940, s5  }
0x7d: {  	[spmem:s2] =	stream.indirect.scatter.add.f32 [tilespmem:s18], [sflag:$0x6], $0x40, s6, s16, $0xb8;
	[tilespmem:$0x1E760] =	vst v63  }
0x7e: {  	_ =	swait.ge [sflag:s25], $0x1800  }
0x7f: {  	[sflag:s25] =	ssyncset.done $0x0  }
0x80: {  	[sflag:s25] =	ssyncadd.s32 $0xFFFFE800  }
0x81: {  	_ =	swait.ge [sflag:s26], $0x1800  }
0x82: {  	[sflag:s26] =	ssyncset.done $0x0  }
0x83: {  	s6 =	sadd.s32 $0x300, s5;
	[sflag:s26] =	ssyncadd.s32 $0xFFFFE800  }
0x84: {  	[tilespmem:s17], [sflag:$0x1] =	stream.indirect.gather [spmem:s3], $0x40, s6, s16, $0xb8;
	[tilespmem:$0x1E760] =	vst v63  }
0x85: {  	s6 =	sadd.s32 $0x29A0, s5  }
0x86: {  	[spmem:s2] =	stream.indirect.scatter.add.f32 [tilespmem:s20], [sflag:$0x7], $0x40, s6, s16, $0xb8;
	[tilespmem:$0x1E760] =	vst v63  }
0x87: {  	_ =	swait.ge [sflag:s30], $0x1800  }
0x88: {  	[sflag:s30] =	ssyncset.done $0x0  }
0x89: {  	[sflag:s30] =	ssyncadd.s32 $0xFFFFE800  }
.Ltmp0:
0x8a: {  	p1 =	sgt.u32 s0, $0x18;
	_ =	swait.ge [sflag:s31], $0x1800;
	(pc) =	sbr.rel @p0 .LBB2_2-.Ltmp0, $4  }
0x8b: {  	s1 =	sshra.s32 @!p1 s1, $0x2;
	s6 =	simm.s32 @!p1 $0x66C0;
	[sflag:s31] =	ssyncset.done $0x0  }
0x8c: {  	s7 =	simm.s32 @!p1 $0x60;
	s1 =	sadd.s32 @!p1 $0x360, s1;
	[sflag:s31] =	ssyncadd.s32 $0xFFFFE800  }
0x8d: {  	[tilespmem:s6], [sflag:$0x2] =	stream.indirect.gather @!p1 [spmem:s3], $0x40, s1, s7, $0xb8;
	[tilespmem:$0x1E760] =	vst v63  }
0x8e: {  	s0 =	sadd.s32 $0x1, s0;
	s1 =	sadd.s32 $0x2A00, s5  }
0x8f: {  	[spmem:s2] =	stream.indirect.scatter.add.f32 [tilespmem:s23], [sflag:$0x8], $0x40, s1, s16, $0xb8;
	[tilespmem:$0x1E760] =	vst v63  }
0x90: {  	_ =	swait.ge [sflag:s19], $0x1800  }
0x91: {  	[sflag:s19] =	ssyncset.done $0x0  }
0x92: {  	[sflag:s19] =	ssyncadd.s32 $0xFFFFE800  }
0x93: {  	_ =	swait.ge [sflag:s22], $0x1800  }
0x94: {  	s0 =	sshra.s32 s29, $0x2;
	[sflag:s22] =	ssyncset.done $0x0  }
0x95: {  	s0 =	sadd.s32 $0x28E0, s0;
	[sflag:s22] =	ssyncadd.s32 $0xFFFFE800  }
0x96: {  	[spmem:s2] =	stream.indirect.scatter.add.f32 [tilespmem:s17], [sflag:$0x5], $0x40, s0, s16, $0xb8;
	[tilespmem:$0x1E760] =	vst v63  }
0x97: {  	_ =	swait.ge [sflag:s24], $0x1800  }
0x98: {  	[sflag:s24] =	ssyncset.done $0x0  }
0x99: {  	[sflag:s24] =	ssyncadd.s32 $0xFFFFE800  }
0x9a: {  	_ =	swait.ge [sflag:s26], $0x1800  }
0x9b: {  	s28 =	sadd.s32 $0x1, s28;
	[sflag:s26] =	ssyncset.done $0x0  }
0x9c: {  	p0 =	sne.s32 s28, s10;
	[sflag:s26] =	ssyncadd.s32 $0xFFFFE800  }
.Ltmp1:
0x9d: {  	[bflag:$0x0] =	sbarrier.arrive $0xFFFF;
	(pc) =	sbr.rel @p0 .LBB2_1-.Ltmp1, $4  }
0x9e: {  	[hbm:s9], [sflag:s13] =	dma.local [spmem:s14], $0x1400  }
0x9f: {  	_ =	swait.ge [sflag:s11], $0x1400  }
0xa0: {  	[sflag:s11] =	ssyncset.done $0x0  }
0xa1: {  	[sflag:s11] =	ssyncadd.s32 $0xFFFFEC00  }
0xa2: {  	_ =	sfence.sel $0x180000  }
0xa3: {  	[bflag:$0x0] =	sbarrier.arrive $0xFFFF  }
0xa4: {  	_ =	strace $0x90000053  }
0xa5: {  	s0 =	stileid.u32;
	[bflag:$0x2] =	sbarrier.arrive $0xFFFF  }
0xa6: {  	p0 =	sne.s32 s0, $0x0;
	s0 =	rddreg [dreg:$0x3]  }
0xa7: {  	s0 =	sadd.s32 @!p0 $0x100000, s0  }
0xa8: {  	[sflag:s0] =	ssyncadd.tile.s32 @!p0 $0x1;
	_ =	shalt  }
.Lfunc_end2:
_tile_overlayer_lowered:
.L_overlay_start_2:
0xa9: {  	(tag) =	ssettag $0x2  }
0xaa: {  	s0 =	rddreg [dreg:$0x0];
	s2 =	stileid.u32  }
0xab: {  	s1 =	rddreg [dreg:$0x1];
	p0 =	sne.s32 s2, $0x0  }
0xac: {  	s3 =	rddreg [dreg:$0x2];
	[bflag:$0x3] =	sbarrier.arrive $0xFFFF;
	s2 =	simm.s32 @!p0 $0x1C09  }
0xad: {  	[timem:s3], [sflag:s2] =	dma.local @!p0 [hbm:s0], s1  }
0xae: {  	s0 =	simm.s32 @!p0 $0x9  }
0xaf: {  	_ =	swait.ge @!p0 [sflag:s0], s1  }
0xb0: {  	s1 =	ssub.s32 @!p0 $0x0, s1;
	[sflag:s0] =	ssyncset.done @!p0 $0x0  }
0xb1: {  	[sflag:s0] =	ssyncadd.s32 @!p0 s1  }
0xb2: {  	[bflag:$0x3] =	sbarrier.arrive $0xFFFF  }
0xb3: {  	_ =	shalt  }

</sc_bundles>
